<compile_context>
chip_gen: v7x
topology: tpu7x:2x2x1
jax: 0.10.2.dev20260603
libtpu: 0.0.44.dev20260713+nightly
codegen_flags: <defaults>
</compile_context>

<pallas_src>
import functools

import jax
import jax.numpy as jnp
from jax import lax
from jax.experimental import pallas as pl
from jax.experimental.pallas import tpu as pltpu
from jax.experimental.pallas import tpu_sc as plsc

_LANES = 128
_SUBL = 8
_TW = _LANES * _SUBL


def _table_rowmajor(table_t, num_cores):
    d, v = table_t.shape
    n_full = v // _LANES
    v_tail = v - n_full * _LANES
    bt_sz = 4
    bw = bt_sz * _LANES
    n_batch = n_full // bt_sz
    assert n_full % bt_sz == 0
    num_workers = num_cores * 16
    n_pairs = (pl.cdiv(n_batch, num_workers) + 1) // 2
    mesh = plsc.VectorSubcoreMesh(core_axis_name="c", subcore_axis_name="s")

    @functools.partial(
        pl.kernel,
        mesh=mesh,
        out_type=jax.ShapeDtypeStruct((v * d,), jnp.float32),
        compiler_params=pltpu.CompilerParams(needs_layout_passes=False),
        scratch_types=[
            pltpu.VMEM((d, bw), jnp.float32),
            pltpu.VMEM((d, bw), jnp.float32),
            pltpu.VMEM((bw * d,), jnp.float32),
            pltpu.VMEM((bw * d,), jnp.float32),
            pltpu.SemaphoreType.DMA,
            pltpu.SemaphoreType.DMA,
            pltpu.SemaphoreType.DMA,
            pltpu.SemaphoreType.DMA,
        ],
    )
    def tr(tbl_hbm, out_hbm, tb0, tb1, ob0, ob1, si0, si1, so0, so1):
        wid = lax.axis_index("s") * num_cores + lax.axis_index("c")

        iota = lax.iota(jnp.int32, 16)
        e_vec = lax.rem(iota, d)
        q_vec = lax.div(iota, d)

        def start_in(b, tb, si):
            pltpu.async_copy(tbl_hbm.at[:, pl.ds(b * bw, bw)], tb, si)

        def wait_in(tb, si):
            pltpu.make_async_copy(tbl_hbm.at[:, pl.ds(0, bw)], tb,
                                  si).wait()

        def wait_out(ob, so):
            pltpu.make_async_copy(ob, out_hbm.at[pl.ds(0, bw * d)],
                                  so).wait()

        def transpose_store(b, tb, ob, so):
            def q_body(q, carry):
                vals = [plsc.load_gather(tb, [e_vec, q_vec + 2 * (8 * q + k)])
                        for k in range(8)]
                for k in range(8):
                    ob[pl.ds(16 * (8 * q + k), 16)] = vals[k]
                return carry

            lax.fori_loop(0, (bw * d) // 128, q_body, 0)
            pltpu.async_copy(ob, out_hbm.at[pl.ds(b * bw * d, bw * d)], so)

        def slot(i, b, tb, ob, si, so):
            @pl.when(b < n_batch)
            def _():
                wait_in(tb, si)

                @pl.when(i >= 2)
                def _():
                    wait_out(ob, so)

                transpose_store(b, tb, ob, so)
                b_next = b + 2 * num_workers

                @pl.when(b_next < n_batch)
                def _():
                    start_in(b_next, tb, si)

        @pl.when(wid < n_batch)
        def _():
            start_in(wid, tb0, si0)

        @pl.when(wid + num_workers < n_batch)
        def _():
            start_in(wid + num_workers, tb1, si1)

        def body(p, carry):
            slot(2 * p, wid + 2 * p * num_workers, tb0, ob0, si0, so0)
            slot(2 * p + 1, wid + (2 * p + 1) * num_workers, tb1, ob1,
                 si1, so1)
            return carry

        lax.fori_loop(0, n_pairs, body, 0)

        @pl.when(wid < n_batch)
        def _():
            wait_out(ob0, so0)

        @pl.when(wid + num_workers < n_batch)
        def _():
            wait_out(ob1, so1)

        if v_tail:
            @pl.when(wid == 0)
            def _():
                for e in range(d):
                    pltpu.sync_copy(
                        tbl_hbm.at[e, pl.ds(n_full * _LANES, v_tail)],
                        tb0.at[e, pl.ds(0, v_tail)])

                def q_body(q, carry):
                    vals = [plsc.load_gather(
                        tb0, [e_vec, q_vec + 2 * (8 * q + k)])
                        for k in range(8)]
                    for k in range(8):
                        ob0[pl.ds(16 * (8 * q + k), 16)] = vals[k]
                    return carry

                lax.fori_loop(0, (v_tail * d) // 128, q_body, 0)
                pltpu.sync_copy(ob0.at[pl.ds(0, v_tail * d)],
                                out_hbm.at[pl.ds(n_full * _TW, v_tail * d)])

    return tr(table_t)


def _emb_lookup(table, xq, tiles_per_w, bt_tiles, num_cores):
    v, d = table.shape
    n_out = xq.shape[0] * d
    pairs_per_w = tiles_per_w // 2
    pw = 2 * _TW
    mesh = plsc.VectorSubcoreMesh(core_axis_name="c", subcore_axis_name="s")

    @functools.partial(
        pl.kernel,
        mesh=mesh,
        out_type=jax.ShapeDtypeStruct((n_out,), jnp.float32),
        compiler_params=pltpu.CompilerParams(
            use_tc_tiling_on_sc=False, needs_layout_passes=False),
        scratch_types=[
            pltpu.VMEM((pw,), jnp.int32),
            pltpu.VMEM((pw,), jnp.int32),
            pltpu.VMEM((pw, d), jnp.float32),
            pltpu.VMEM((pw, d), jnp.float32),
            pltpu.VMEM((pw * d,), jnp.float32),
            pltpu.VMEM((pw * d,), jnp.float32),
            pltpu.SemaphoreType.DMA,
            pltpu.SemaphoreType.DMA,
            pltpu.SemaphoreType.DMA,
            pltpu.SemaphoreType.DMA,
            pltpu.SemaphoreType.DMA,
            pltpu.SemaphoreType.DMA,
        ],
    )
    def emb(table_hbm, xq_hbm, out_hbm, xb0, xb1, rw0, rw1, ob0, ob1,
            si0, si1, sg0, sg1, so0, so1):
        wid = lax.axis_index("s") * num_cores + lax.axis_index("c")
        p0 = wid * pairs_per_w

        iota = lax.iota(jnp.int32, 16)
        e_vecs = [jnp.full((16,), e, jnp.int32) for e in range(d)]

        def start_idx(pair, xb, si):
            pltpu.async_copy(xq_hbm.at[pl.ds(pair * pw, pw)], xb, si)

        def wait_idx(xb, si):
            pltpu.make_async_copy(xq_hbm.at[pl.ds(0, pw)], xb, si).wait()

        def start_gather(xb, rw, sg):
            pltpu.async_copy(table_hbm.at[xb], rw, sg)

        def wait_gather(xb, rw, sg):
            pltpu.make_async_copy(table_hbm.at[xb], rw, sg).wait()

        def wait_out(ob, so):
            for _ in range(_SUBL):
                pltpu.make_async_copy(ob.at[pl.ds(0, 2 * _TW)],
                                      out_hbm.at[pl.ds(0, 2 * _TW)],
                                      so).wait()

        def transpose_and_store(pair, rw, ob, so):
            def q_body(q, carry):
                r_base = q * _LANES
                o_base = (lax.rem(q, _SUBL) * 2 * _TW
                          + lax.div(q, _SUBL) * _TW)
                for g in range(_LANES // 16):
                    rws = rw.at[pl.ds(r_base + 16 * g, 16), :]
                    vals = [plsc.load_gather(rws, [iota, e_vecs[e]])
                            for e in range(d)]
                    for e in range(d):
                        ob[pl.ds(o_base + e * _LANES + 16 * g, 16)] = vals[e]
                return carry

            lax.fori_loop(0, 2 * _SUBL, q_body, 0)

            tile = 2 * pair
            lt = tile // bt_tiles
            bt = tile - lt * bt_tiles
            for k in range(_SUBL):
                off = (((lt * _SUBL + k) * bt_tiles) + bt) * _TW
                pltpu.async_copy(ob.at[pl.ds(k * 2 * _TW, 2 * _TW)],
                                 out_hbm.at[pl.ds(off, 2 * _TW)], so)

        start_idx(p0, xb0, si0)
        wait_idx(xb0, si0)
        start_gather(xb0, rw0, sg0)
        start_idx(p0 + 1, xb1, si1)

        def body(p, carry):
            t_a = 2 * p
            t_b = 2 * p + 1

            wait_idx(xb1, si1)
            start_gather(xb1, rw1, sg1)

            @pl.when(p >= 1)
            def _():
                wait_out(ob1, so1)

            wait_gather(xb0, rw0, sg0)

            @pl.when(t_a + 2 < pairs_per_w)
            def _():
                start_idx(p0 + t_a + 2, xb0, si0)

            @pl.when(p >= 1)
            def _():
                wait_out(ob0, so0)

            transpose_and_store(p0 + t_a, rw0, ob0, so0)

            @pl.when(t_b + 2 < pairs_per_w)
            def _():
                wait_idx(xb0, si0)
                start_gather(xb0, rw0, sg0)

            wait_gather(xb1, rw1, sg1)

            @pl.when(t_b + 2 < pairs_per_w)
            def _():
                start_idx(p0 + t_b + 2, xb1, si1)

            transpose_and_store(p0 + t_b, rw1, ob1, so1)
            return carry

        lax.fori_loop(0, pairs_per_w // 2, body, 0)

        wait_out(ob0, so0)
        wait_out(ob1, so1)

    return emb(table, xq)


def kernel(x, table):
    b, l = x.shape
    v, d = table.shape
    assert l % _SUBL == 0 and b % _LANES == 0 and d == _SUBL
    lt_tiles = l // _SUBL
    bt_tiles = b // _LANES
    n_tiles = lt_tiles * bt_tiles

    info = plsc.get_sparse_core_info()
    num_workers = info.num_cores * info.num_subcores
    tiles_per_w = n_tiles // num_workers
    assert n_tiles % num_workers == 0 and tiles_per_w % 2 == 0

    xq = (x.T.reshape(lt_tiles, _SUBL, bt_tiles, _LANES)
          .transpose(0, 2, 1, 3).reshape(b * l))

    tbl_flat = _table_rowmajor(table.T, info.num_cores)
    tbl_rm = tbl_flat.reshape(tbl_flat.shape[0] // d, d)

    out_flat = _emb_lookup(tbl_rm, xq, tiles_per_w, bt_tiles,
                           info.num_cores)

    out = (out_flat.reshape(lt_tiles * _SUBL, bt_tiles, _SUBL, _LANES)
           .transpose(1, 3, 0, 2).reshape(b, l * d))
    return out

# --- scband reference (transcript-rebuilt; emitter-appended) ---
"""Pipeline reference for scband-language-model-45277545234516 (READ-ONLY COPY).

The authoritative reference and input builder live on the scoring server;
editing this copy changes nothing except your own understanding.
"""

import jax, jax.numpy as jnp
import numpy as np

VOCAB = 1000000
EMBED = 8
B = 16384
L = 200


def setup_inputs(seed: int = 0) -> dict:
    key = jax.random.key(seed)
    k1, k2 = jax.random.split(key)
    x = jax.random.randint(k1, (B, L), 0, VOCAB, dtype=jnp.int32)
    # Embedding table parameter (nn.Embedding weight), default normal init
    table = jax.random.normal(k2, (VOCAB, EMBED), dtype=jnp.float32)
    return {"x": x, "table": table}


def reference(x, table):
    # x = self.embedding(x)
    emb = jnp.take(table, x, axis=0)  # [B, L, EMBED]
    # x = self.flatten(x)  (nn.Flatten(start_dim=1))
    out = emb.reshape(emb.shape[0], -1)  # [B, L*EMBED]
    return out

if __name__ == "__main__":
    import jax
    _d = setup_inputs()
    print(jax.jit(kernel)(*tuple(_d.values())))

</pallas_src>

<mosaic_0001>
#map = affine_map<(d0, d1) -> (0, 0)>
#map1 = affine_map<(d0, d1) -> (0)>
module attributes {stable_mosaic.version = 14 : i64} {
  func.func @tr(%arg0: i32, %arg1: i32, %arg2: memref<8x1000000xf32, #tpu.memory_space<hbm>>, %arg3: memref<8000000xf32, #tpu.memory_space<hbm>>, %arg4: memref<8x512xf32, #tpu.memory_space<vmem>>, %arg5: memref<8x512xf32, #tpu.memory_space<vmem>>, %arg6: memref<4096xf32, #tpu.memory_space<vmem>>, %arg7: memref<4096xf32, #tpu.memory_space<vmem>>, %arg8: memref<!tpu.dma_semaphore, #tpu.memory_space<semaphore_mem>>, %arg9: memref<!tpu.dma_semaphore, #tpu.memory_space<semaphore_mem>>, %arg10: memref<!tpu.dma_semaphore, #tpu.memory_space<semaphore_mem>>, %arg11: memref<!tpu.dma_semaphore, #tpu.memory_space<semaphore_mem>>) attributes {dimension_semantics = [#tpu.dimension_semantics<core_parallel>, #tpu.dimension_semantics<subcore_parallel>], iteration_bounds = array<i64: 2, 16>, scalar_prefetch = 0 : i64, scratch_operands = 8 : i64, tpu.core_type = #tpu.core_type<sc_vector_subcore>, window_params = [{transform_indices = #map}, {transform_indices = #map1}]} {
    %mul3A = arith.constant 2 : i32
    %mul3A_0 = arith.muli %arg1, %mul3A : i32
    %add3A = arith.addi %mul3A_0, %arg0 : i32
    %iota3A = tpu.iota {dimensions = array<i32: 0>} : vector<16xi32>
    %rem3A = arith.constant 8 : i32
    %rem3A_1 = vector.broadcast %rem3A : i32 to vector<16xi32>
    %rem3A_2 = arith.remsi %iota3A, %rem3A_1 : vector<16xi32>
    %div3A = arith.constant 8 : i32
    %div3A_3 = vector.broadcast %div3A : i32 to vector<16xi32>
    %div3A_4 = arith.divsi %iota3A, %div3A_3 : vector<16xi32>
    %lt3A = arith.constant 1953 : i32
    %lt3A_5 = arith.cmpi slt, %add3A, %lt3A : i32
    %convert_element_type3A = arith.extui %lt3A_5 : i1 to i32
    %cond3A = arith.constant 0 : i32
    %cond3A_6 = arith.cmpi ne, %convert_element_type3A, %cond3A : i32
    scf.if %cond3A_6 {
      %mul3A_35 = arith.constant 512 : i32
      %mul3A_36 = arith.muli %add3A, %mul3A_35 : i32
      %dma_start3A = arith.constant 0 : i32
      %dma_start3A_37 = tpu.memref_slice %arg2[%dma_start3A, %mul3A_36] : memref<8x1000000xf32, #tpu.memory_space<hbm>> -> memref<8x512xf32, #tpu.memory_space<hbm>>
      %dma_start3A_38 = arith.constant 0 : i32
      %dma_start3A_39 = tpu.memref_slice %arg2[%dma_start3A_38, %mul3A_36] : memref<8x1000000xf32, #tpu.memory_space<hbm>> -> memref<8x512xf32, #tpu.memory_space<hbm>>
      tpu.enqueue_dma source(%dma_start3A_39 : memref<8x512xf32, #tpu.memory_space<hbm>>) target(%arg4 : memref<8x512xf32, #tpu.memory_space<vmem>>) target_semaphore(%arg8 : memref<!tpu.dma_semaphore, #tpu.memory_space<semaphore_mem>>)
    } else {
    }
    %add3A_7 = arith.constant 32 : i32
    %add3A_8 = arith.addi %add3A, %add3A_7 : i32
    %lt3A_9 = arith.constant 1953 : i32
    %lt3A_10 = arith.cmpi slt, %add3A_8, %lt3A_9 : i32
    %convert_element_type3A_11 = arith.extui %lt3A_10 : i1 to i32
    %cond3A_12 = arith.constant 0 : i32
    %cond3A_13 = arith.cmpi ne, %convert_element_type3A_11, %cond3A_12 : i32
    scf.if %cond3A_13 {
      %add3A_35 = arith.constant 32 : i32
      %add3A_36 = arith.addi %add3A, %add3A_35 : i32
      %mul3A_37 = arith.constant 512 : i32
      %mul3A_38 = arith.muli %add3A_36, %mul3A_37 : i32
      %dma_start3A = arith.constant 0 : i32
      %dma_start3A_39 = tpu.memref_slice %arg2[%dma_start3A, %mul3A_38] : memref<8x1000000xf32, #tpu.memory_space<hbm>> -> memref<8x512xf32, #tpu.memory_space<hbm>>
      %dma_start3A_40 = arith.constant 0 : i32
      %dma_start3A_41 = tpu.memref_slice %arg2[%dma_start3A_40, %mul3A_38] : memref<8x1000000xf32, #tpu.memory_space<hbm>> -> memref<8x512xf32, #tpu.memory_space<hbm>>
      tpu.enqueue_dma source(%dma_start3A_41 : memref<8x512xf32, #tpu.memory_space<hbm>>) target(%arg5 : memref<8x512xf32, #tpu.memory_space<vmem>>) target_semaphore(%arg9 : memref<!tpu.dma_semaphore, #tpu.memory_space<semaphore_mem>>)
    } else {
    }
    %scan3A = arith.constant 0 : i32
    %scan3A_14 = arith.constant 0 : i32
    %scan3A_15 = arith.constant 31 : i32
    %scan3A_16 = arith.addi %scan3A_14, %scan3A_15 : i32
    %scan3A_17 = arith.constant 1 : i32
    scf.for %scan3A_35 = %scan3A_14 to %scan3A_16 step %scan3A_17  : i32 {
      %mul3A_36 = arith.constant 2 : i32
      %mul3A_37 = arith.muli %mul3A_36, %scan3A_35 : i32
      %mul3A_38 = arith.constant 2 : i32
      %mul3A_39 = arith.muli %mul3A_38, %scan3A_35 : i32
      %mul3A_40 = arith.constant 32 : i32
      %mul3A_41 = arith.muli %mul3A_39, %mul3A_40 : i32
      %add3A_42 = arith.addi %add3A, %mul3A_41 : i32
      %lt3A_43 = arith.constant 1953 : i32
      %lt3A_44 = arith.cmpi slt, %add3A_42, %lt3A_43 : i32
      %convert_element_type3A_45 = arith.extui %lt3A_44 : i1 to i32
      %cond3A_46 = arith.constant 0 : i32
      %cond3A_47 = arith.cmpi ne, %convert_element_type3A_45, %cond3A_46 : i32
      scf.if %cond3A_47 {
        %dma_wait3A = arith.constant 0 : i32
        %dma_wait3A_64 = arith.constant 0 : i32
        %dma_wait3A_65 = tpu.memref_slice %arg2[%dma_wait3A, %dma_wait3A_64] : memref<8x1000000xf32, #tpu.memory_space<hbm>> -> memref<8x512xf32, #tpu.memory_space<hbm>>
        %dma_wait3A_66 = arith.constant 0 : i32
        %dma_wait3A_67 = arith.constant 0 : i32
        %dma_wait3A_68 = tpu.memref_slice %arg2[%dma_wait3A_66, %dma_wait3A_67] : memref<8x1000000xf32, #tpu.memory_space<hbm>> -> memref<8x512xf32, #tpu.memory_space<hbm>>
        tpu.wait_dma2 semaphore(%arg8 : memref<!tpu.dma_semaphore, #tpu.memory_space<semaphore_mem>>) src(%dma_wait3A_68 : memref<8x512xf32, #tpu.memory_space<hbm>>) dst(%arg4 : memref<8x512xf32, #tpu.memory_space<vmem>>)
        %ge3A = arith.constant 2 : i32
        %ge3A_69 = arith.cmpi sge, %mul3A_37, %ge3A : i32
        %convert_element_type3A_70 = arith.extui %ge3A_69 : i1 to i32
        %cond3A_71 = arith.constant 0 : i32
        %cond3A_72 = arith.cmpi ne, %convert_element_type3A_70, %cond3A_71 : i32
        scf.if %cond3A_72 {
          %dma_wait3A_91 = arith.constant 0 : i32
          %dma_wait3A_92 = tpu.memref_slice %arg3[%dma_wait3A_91] : memref<8000000xf32, #tpu.memory_space<hbm>> -> memref<4096xf32, #tpu.memory_space<hbm>>
          %dma_wait3A_93 = arith.constant 0 : i32
          %dma_wait3A_94 = tpu.memref_slice %arg3[%dma_wait3A_93] : memref<8000000xf32, #tpu.memory_space<hbm>> -> memref<4096xf32, #tpu.memory_space<hbm>>
          tpu.wait_dma2 semaphore(%arg10 : memref<!tpu.dma_semaphore, #tpu.memory_space<semaphore_mem>>) src(%arg6 : memref<4096xf32, #tpu.memory_space<vmem>>) dst(%dma_wait3A_94 : memref<4096xf32, #tpu.memory_space<hbm>>)
        } else {
        }
        %scan3A_73 = arith.constant 0 : i32
        %scan3A_74 = arith.constant 0 : i32
        %scan3A_75 = arith.constant 32 : i32
        %scan3A_76 = arith.addi %scan3A_74, %scan3A_75 : i32
        %scan3A_77 = arith.constant 1 : i32
        scf.for %scan3A_91 = %scan3A_74 to %scan3A_76 step %scan3A_77  : i32 {
          %mul3A_92 = arith.constant 8 : i32
          %mul3A_93 = arith.muli %mul3A_92, %scan3A_91 : i32
          %add3A_94 = arith.constant 0 : i32
          %add3A_95 = arith.addi %mul3A_93, %add3A_94 : i32
          %mul3A_96 = arith.constant 2 : i32
          %mul3A_97 = arith.muli %mul3A_96, %add3A_95 : i32
          %add3A_98 = vector.broadcast %mul3A_97 : i32 to vector<16xi32>
          %add3A_99 = arith.addi %div3A_4, %add3A_98 : vector<16xi32>
          %gather3A = tpu.vector_load_idx %arg4[%rem3A_2, %add3A_99] : memref<8x512xf32, #tpu.memory_space<vmem>>[vector<16xi32>, vector<16xi32>], vector<16xf32>,
          %mul3A_100 = arith.constant 8 : i32
          %mul3A_101 = arith.muli %mul3A_100, %scan3A_91 : i32
          %add3A_102 = arith.constant 1 : i32
          %add3A_103 = arith.addi %mul3A_101, %add3A_102 : i32
          %mul3A_104 = arith.constant 2 : i32
          %mul3A_105 = arith.muli %mul3A_104, %add3A_103 : i32
          %add3A_106 = vector.broadcast %mul3A_105 : i32 to vector<16xi32>
          %add3A_107 = arith.addi %div3A_4, %add3A_106 : vector<16xi32>
          %gather3A_108 = tpu.vector_load_idx %arg4[%rem3A_2, %add3A_107] : memref<8x512xf32, #tpu.memory_space<vmem>>[vector<16xi32>, vector<16xi32>], vector<16xf32>,
          %mul3A_109 = arith.constant 8 : i32
          %mul3A_110 = arith.muli %mul3A_109, %scan3A_91 : i32
          %add3A_111 = arith.constant 2 : i32
          %add3A_112 = arith.addi %mul3A_110, %add3A_111 : i32
          %mul3A_113 = arith.constant 2 : i32
          %mul3A_114 = arith.muli %mul3A_113, %add3A_112 : i32
          %add3A_115 = vector.broadcast %mul3A_114 : i32 to vector<16xi32>
          %add3A_116 = arith.addi %div3A_4, %add3A_115 : vector<16xi32>
          %gather3A_117 = tpu.vector_load_idx %arg4[%rem3A_2, %add3A_116] : memref<8x512xf32, #tpu.memory_space<vmem>>[vector<16xi32>, vector<16xi32>], vector<16xf32>,
          %mul3A_118 = arith.constant 8 : i32
          %mul3A_119 = arith.muli %mul3A_118, %scan3A_91 : i32
          %add3A_120 = arith.constant 3 : i32
          %add3A_121 = arith.addi %mul3A_119, %add3A_120 : i32
          %mul3A_122 = arith.constant 2 : i32
          %mul3A_123 = arith.muli %mul3A_122, %add3A_121 : i32
          %add3A_124 = vector.broadcast %mul3A_123 : i32 to vector<16xi32>
          %add3A_125 = arith.addi %div3A_4, %add3A_124 : vector<16xi32>
          %gather3A_126 = tpu.vector_load_idx %arg4[%rem3A_2, %add3A_125] : memref<8x512xf32, #tpu.memory_space<vmem>>[vector<16xi32>, vector<16xi32>], vector<16xf32>,
          %mul3A_127 = arith.constant 8 : i32
          %mul3A_128 = arith.muli %mul3A_127, %scan3A_91 : i32
          %add3A_129 = arith.constant 4 : i32
          %add3A_130 = arith.addi %mul3A_128, %add3A_129 : i32
          %mul3A_131 = arith.constant 2 : i32
          %mul3A_132 = arith.muli %mul3A_131, %add3A_130 : i32
          %add3A_133 = vector.broadcast %mul3A_132 : i32 to vector<16xi32>
          %add3A_134 = arith.addi %div3A_4, %add3A_133 : vector<16xi32>
          %gather3A_135 = tpu.vector_load_idx %arg4[%rem3A_2, %add3A_134] : memref<8x512xf32, #tpu.memory_space<vmem>>[vector<16xi32>, vector<16xi32>], vector<16xf32>,
          %mul3A_136 = arith.constant 8 : i32
          %mul3A_137 = arith.muli %mul3A_136, %scan3A_91 : i32
          %add3A_138 = arith.constant 5 : i32
          %add3A_139 = arith.addi %mul3A_137, %add3A_138 : i32
          %mul3A_140 = arith.constant 2 : i32
          %mul3A_141 = arith.muli %mul3A_140, %add3A_139 : i32
          %add3A_142 = vector.broadcast %mul3A_141 : i32 to vector<16xi32>
          %add3A_143 = arith.addi %div3A_4, %add3A_142 : vector<16xi32>
          %gather3A_144 = tpu.vector_load_idx %arg4[%rem3A_2, %add3A_143] : memref<8x512xf32, #tpu.memory_space<vmem>>[vector<16xi32>, vector<16xi32>], vector<16xf32>,
          %mul3A_145 = arith.constant 8 : i32
          %mul3A_146 = arith.muli %mul3A_145, %scan3A_91 : i32
          %add3A_147 = arith.constant 6 : i32
          %add3A_148 = arith.addi %mul3A_146, %add3A_147 : i32
          %mul3A_149 = arith.constant 2 : i32
          %mul3A_150 = arith.muli %mul3A_149, %add3A_148 : i32
          %add3A_151 = vector.broadcast %mul3A_150 : i32 to vector<16xi32>
          %add3A_152 = arith.addi %div3A_4, %add3A_151 : vector<16xi32>
          %gather3A_153 = tpu.vector_load_idx %arg4[%rem3A_2, %add3A_152] : memref<8x512xf32, #tpu.memory_space<vmem>>[vector<16xi32>, vector<16xi32>], vector<16xf32>,
          %mul3A_154 = arith.constant 8 : i32
          %mul3A_155 = arith.muli %mul3A_154, %scan3A_91 : i32
          %add3A_156 = arith.constant 7 : i32
          %add3A_157 = arith.addi %mul3A_155, %add3A_156 : i32
          %mul3A_158 = arith.constant 2 : i32
          %mul3A_159 = arith.muli %mul3A_158, %add3A_157 : i32
          %add3A_160 = vector.broadcast %mul3A_159 : i32 to vector<16xi32>
          %add3A_161 = arith.addi %div3A_4, %add3A_160 : vector<16xi32>
          %gather3A_162 = tpu.vector_load_idx %arg4[%rem3A_2, %add3A_161] : memref<8x512xf32, #tpu.memory_space<vmem>>[vector<16xi32>, vector<16xi32>], vector<16xf32>,
          %mul3A_163 = arith.constant 8 : i32
          %mul3A_164 = arith.muli %mul3A_163, %scan3A_91 : i32
          %add3A_165 = arith.constant 0 : i32
          %add3A_166 = arith.addi %mul3A_164, %add3A_165 : i32
          %mul3A_167 = arith.constant 16 : i32
          %mul3A_168 = arith.muli %mul3A_167, %add3A_166 : i32
          %swap3A = arith.index_cast %mul3A_168 : i32 to index
          %swap3A_169 = tpu.vector_load %arg6[%swap3A] {strides = array<i32>} : memref<4096xf32, #tpu.memory_space<vmem>>, vector<16xf32>,
          tpu.vector_store %arg6[%swap3A], %gather3A {strides = array<i32>} : memref<4096xf32, #tpu.memory_space<vmem>>, vector<16xf32>,
          %mul3A_170 = arith.constant 8 : i32
          %mul3A_171 = arith.muli %mul3A_170, %scan3A_91 : i32
          %add3A_172 = arith.constant 1 : i32
          %add3A_173 = arith.addi %mul3A_171, %add3A_172 : i32
          %mul3A_174 = arith.constant 16 : i32
          %mul3A_175 = arith.muli %mul3A_174, %add3A_173 : i32
          %swap3A_176 = arith.index_cast %mul3A_175 : i32 to index
          %swap3A_177 = tpu.vector_load %arg6[%swap3A_176] {strides = array<i32>} : memref<4096xf32, #tpu.memory_space<vmem>>, vector<16xf32>,
          tpu.vector_store %arg6[%swap3A_176], %gather3A_108 {strides = array<i32>} : memref<4096xf32, #tpu.memory_space<vmem>>, vector<16xf32>,
          %mul3A_178 = arith.constant 8 : i32
          %mul3A_179 = arith.muli %mul3A_178, %scan3A_91 : i32
          %add3A_180 = arith.constant 2 : i32
          %add3A_181 = arith.addi %mul3A_179, %add3A_180 : i32
          %mul3A_182 = arith.constant 16 : i32
          %mul3A_183 = arith.muli %mul3A_182, %add3A_181 : i32
          %swap3A_184 = arith.index_cast %mul3A_183 : i32 to index
          %swap3A_185 = tpu.vector_load %arg6[%swap3A_184] {strides = array<i32>} : memref<4096xf32, #tpu.memory_space<vmem>>, vector<16xf32>,
          tpu.vector_store %arg6[%swap3A_184], %gather3A_117 {strides = array<i32>} : memref<4096xf32, #tpu.memory_space<vmem>>, vector<16xf32>,
          %mul3A_186 = arith.constant 8 : i32
          %mul3A_187 = arith.muli %mul3A_186, %scan3A_91 : i32
          %add3A_188 = arith.constant 3 : i32
          %add3A_189 = arith.addi %mul3A_187, %add3A_188 : i32
          %mul3A_190 = arith.constant 16 : i32
          %mul3A_191 = arith.muli %mul3A_190, %add3A_189 : i32
          %swap3A_192 = arith.index_cast %mul3A_191 : i32 to index
          %swap3A_193 = tpu.vector_load %arg6[%swap3A_192] {strides = array<i32>} : memref<4096xf32, #tpu.memory_space<vmem>>, vector<16xf32>,
          tpu.vector_store %arg6[%swap3A_192], %gather3A_126 {strides = array<i32>} : memref<4096xf32, #tpu.memory_space<vmem>>, vector<16xf32>,
          %mul3A_194 = arith.constant 8 : i32
          %mul3A_195 = arith.muli %mul3A_194, %scan3A_91 : i32
          %add3A_196 = arith.constant 4 : i32
          %add3A_197 = arith.addi %mul3A_195, %add3A_196 : i32
          %mul3A_198 = arith.constant 16 : i32
          %mul3A_199 = arith.muli %mul3A_198, %add3A_197 : i32
          %swap3A_200 = arith.index_cast %mul3A_199 : i32 to index
          %swap3A_201 = tpu.vector_load %arg6[%swap3A_200] {strides = array<i32>} : memref<4096xf32, #tpu.memory_space<vmem>>, vector<16xf32>,
          tpu.vector_store %arg6[%swap3A_200], %gather3A_135 {strides = array<i32>} : memref<4096xf32, #tpu.memory_space<vmem>>, vector<16xf32>,
          %mul3A_202 = arith.constant 8 : i32
          %mul3A_203 = arith.muli %mul3A_202, %scan3A_91 : i32
          %add3A_204 = arith.constant 5 : i32
          %add3A_205 = arith.addi %mul3A_203, %add3A_204 : i32
          %mul3A_206 = arith.constant 16 : i32
          %mul3A_207 = arith.muli %mul3A_206, %add3A_205 : i32
          %swap3A_208 = arith.index_cast %mul3A_207 : i32 to index
          %swap3A_209 = tpu.vector_load %arg6[%swap3A_208] {strides = array<i32>} : memref<4096xf32, #tpu.memory_space<vmem>>, vector<16xf32>,
          tpu.vector_store %arg6[%swap3A_208], %gather3A_144 {strides = array<i32>} : memref<4096xf32, #tpu.memory_space<vmem>>, vector<16xf32>,
          %mul3A_210 = arith.constant 8 : i32
          %mul3A_211 = arith.muli %mul3A_210, %scan3A_91 : i32
          %add3A_212 = arith.constant 6 : i32
          %add3A_213 = arith.addi %mul3A_211, %add3A_212 : i32
          %mul3A_214 = arith.constant 16 : i32
          %mul3A_215 = arith.muli %mul3A_214, %add3A_213 : i32
          %swap3A_216 = arith.index_cast %mul3A_215 : i32 to index
          %swap3A_217 = tpu.vector_load %arg6[%swap3A_216] {strides = array<i32>} : memref<4096xf32, #tpu.memory_space<vmem>>, vector<16xf32>,
          tpu.vector_store %arg6[%swap3A_216], %gather3A_153 {strides = array<i32>} : memref<4096xf32, #tpu.memory_space<vmem>>, vector<16xf32>,
          %mul3A_218 = arith.constant 8 : i32
          %mul3A_219 = arith.muli %mul3A_218, %scan3A_91 : i32
          %add3A_220 = arith.constant 7 : i32
          %add3A_221 = arith.addi %mul3A_219, %add3A_220 : i32
          %mul3A_222 = arith.constant 16 : i32
          %mul3A_223 = arith.muli %mul3A_222, %add3A_221 : i32
          %swap3A_224 = arith.index_cast %mul3A_223 : i32 to index
          %swap3A_225 = tpu.vector_load %arg6[%swap3A_224] {strides = array<i32>} : memref<4096xf32, #tpu.memory_space<vmem>>, vector<16xf32>,
          tpu.vector_store %arg6[%swap3A_224], %gather3A_162 {strides = array<i32>} : memref<4096xf32, #tpu.memory_space<vmem>>, vector<16xf32>,
        }
        %scan3A_78 = arith.constant 32 : i32
        %mul3A_79 = arith.constant 512 : i32
        %mul3A_80 = arith.muli %add3A_42, %mul3A_79 : i32
        %mul3A_81 = arith.constant 8 : i32
        %mul3A_82 = arith.muli %mul3A_80, %mul3A_81 : i32
        %dma_start3A = tpu.memref_slice %arg3[%mul3A_82] : memref<8000000xf32, #tpu.memory_space<hbm>> -> memref<4096xf32, #tpu.memory_space<hbm>>
        %dma_start3A_83 = tpu.memref_slice %arg3[%mul3A_82] : memref<8000000xf32, #tpu.memory_space<hbm>> -> memref<4096xf32, #tpu.memory_space<hbm>>
        tpu.enqueue_dma source(%arg6 : memref<4096xf32, #tpu.memory_space<vmem>>) target(%dma_start3A_83 : memref<4096xf32, #tpu.memory_space<hbm>>) target_semaphore(%arg10 : memref<!tpu.dma_semaphore, #tpu.memory_space<semaphore_mem>>)
        %add3A_84 = arith.constant 64 : i32
        %add3A_85 = arith.addi %add3A_42, %add3A_84 : i32
        %lt3A_86 = arith.constant 1953 : i32
        %lt3A_87 = arith.cmpi slt, %add3A_85, %lt3A_86 : i32
        %convert_element_type3A_88 = arith.extui %lt3A_87 : i1 to i32
        %cond3A_89 = arith.constant 0 : i32
        %cond3A_90 = arith.cmpi ne, %convert_element_type3A_88, %cond3A_89 : i32
        scf.if %cond3A_90 {
          %mul3A_91 = arith.constant 512 : i32
          %mul3A_92 = arith.muli %add3A_85, %mul3A_91 : i32
          %dma_start3A_93 = arith.constant 0 : i32
          %dma_start3A_94 = tpu.memref_slice %arg2[%dma_start3A_93, %mul3A_92] : memref<8x1000000xf32, #tpu.memory_space<hbm>> -> memref<8x512xf32, #tpu.memory_space<hbm>>
          %dma_start3A_95 = arith.constant 0 : i32
          %dma_start3A_96 = tpu.memref_slice %arg2[%dma_start3A_95, %mul3A_92] : memref<8x1000000xf32, #tpu.memory_space<hbm>> -> memref<8x512xf32, #tpu.memory_space<hbm>>
          tpu.enqueue_dma source(%dma_start3A_96 : memref<8x512xf32, #tpu.memory_space<hbm>>) target(%arg4 : memref<8x512xf32, #tpu.memory_space<vmem>>) target_semaphore(%arg8 : memref<!tpu.dma_semaphore, #tpu.memory_space<semaphore_mem>>)
        } else {
        }
      } else {
      }
      %mul3A_48 = arith.constant 2 : i32
      %mul3A_49 = arith.muli %mul3A_48, %scan3A_35 : i32
      %add3A_50 = arith.constant 1 : i32
      %add3A_51 = arith.addi %mul3A_49, %add3A_50 : i32
      %mul3A_52 = arith.constant 2 : i32
      %mul3A_53 = arith.muli %mul3A_52, %scan3A_35 : i32
      %add3A_54 = arith.constant 1 : i32
      %add3A_55 = arith.addi %mul3A_53, %add3A_54 : i32
      %mul3A_56 = arith.constant 32 : i32
      %mul3A_57 = arith.muli %add3A_55, %mul3A_56 : i32
      %add3A_58 = arith.addi %add3A, %mul3A_57 : i32
      %lt3A_59 = arith.constant 1953 : i32
      %lt3A_60 = arith.cmpi slt, %add3A_58, %lt3A_59 : i32
      %convert_element_type3A_61 = arith.extui %lt3A_60 : i1 to i32
      %cond3A_62 = arith.constant 0 : i32
      %cond3A_63 = arith.cmpi ne, %convert_element_type3A_61, %cond3A_62 : i32
      scf.if %cond3A_63 {
        %dma_wait3A = arith.constant 0 : i32
        %dma_wait3A_64 = arith.constant 0 : i32
        %dma_wait3A_65 = tpu.memref_slice %arg2[%dma_wait3A, %dma_wait3A_64] : memref<8x1000000xf32, #tpu.memory_space<hbm>> -> memref<8x512xf32, #tpu.memory_space<hbm>>
        %dma_wait3A_66 = arith.constant 0 : i32
        %dma_wait3A_67 = arith.constant 0 : i32
        %dma_wait3A_68 = tpu.memref_slice %arg2[%dma_wait3A_66, %dma_wait3A_67] : memref<8x1000000xf32, #tpu.memory_space<hbm>> -> memref<8x512xf32, #tpu.memory_space<hbm>>
        tpu.wait_dma2 semaphore(%arg9 : memref<!tpu.dma_semaphore, #tpu.memory_space<semaphore_mem>>) src(%dma_wait3A_68 : memref<8x512xf32, #tpu.memory_space<hbm>>) dst(%arg5 : memref<8x512xf32, #tpu.memory_space<vmem>>)
        %ge3A = arith.constant 2 : i32
        %ge3A_69 = arith.cmpi sge, %add3A_51, %ge3A : i32
        %convert_element_type3A_70 = arith.extui %ge3A_69 : i1 to i32
        %cond3A_71 = arith.constant 0 : i32
        %cond3A_72 = arith.cmpi ne, %convert_element_type3A_70, %cond3A_71 : i32
        scf.if %cond3A_72 {
          %dma_wait3A_91 = arith.constant 0 : i32
          %dma_wait3A_92 = tpu.memref_slice %arg3[%dma_wait3A_91] : memref<8000000xf32, #tpu.memory_space<hbm>> -> memref<4096xf32, #tpu.memory_space<hbm>>
          %dma_wait3A_93 = arith.constant 0 : i32
          %dma_wait3A_94 = tpu.memref_slice %arg3[%dma_wait3A_93] : memref<8000000xf32, #tpu.memory_space<hbm>> -> memref<4096xf32, #tpu.memory_space<hbm>>
          tpu.wait_dma2 semaphore(%arg11 : memref<!tpu.dma_semaphore, #tpu.memory_space<semaphore_mem>>) src(%arg7 : memref<4096xf32, #tpu.memory_space<vmem>>) dst(%dma_wait3A_94 : memref<4096xf32, #tpu.memory_space<hbm>>)
        } else {
        }
        %scan3A_73 = arith.constant 0 : i32
        %scan3A_74 = arith.constant 0 : i32
        %scan3A_75 = arith.constant 32 : i32
        %scan3A_76 = arith.addi %scan3A_74, %scan3A_75 : i32
        %scan3A_77 = arith.constant 1 : i32
        scf.for %scan3A_91 = %scan3A_74 to %scan3A_76 step %scan3A_77  : i32 {
          %mul3A_92 = arith.constant 8 : i32
          %mul3A_93 = arith.muli %mul3A_92, %scan3A_91 : i32
          %add3A_94 = arith.constant 0 : i32
          %add3A_95 = arith.addi %mul3A_93, %add3A_94 : i32
          %mul3A_96 = arith.constant 2 : i32
          %mul3A_97 = arith.muli %mul3A_96, %add3A_95 : i32
          %add3A_98 = vector.broadcast %mul3A_97 : i32 to vector<16xi32>
          %add3A_99 = arith.addi %div3A_4, %add3A_98 : vector<16xi32>
          %gather3A = tpu.vector_load_idx %arg5[%rem3A_2, %add3A_99] : memref<8x512xf32, #tpu.memory_space<vmem>>[vector<16xi32>, vector<16xi32>], vector<16xf32>,
          %mul3A_100 = arith.constant 8 : i32
          %mul3A_101 = arith.muli %mul3A_100, %scan3A_91 : i32
          %add3A_102 = arith.constant 1 : i32
          %add3A_103 = arith.addi %mul3A_101, %add3A_102 : i32
          %mul3A_104 = arith.constant 2 : i32
          %mul3A_105 = arith.muli %mul3A_104, %add3A_103 : i32
          %add3A_106 = vector.broadcast %mul3A_105 : i32 to vector<16xi32>
          %add3A_107 = arith.addi %div3A_4, %add3A_106 : vector<16xi32>
          %gather3A_108 = tpu.vector_load_idx %arg5[%rem3A_2, %add3A_107] : memref<8x512xf32, #tpu.memory_space<vmem>>[vector<16xi32>, vector<16xi32>], vector<16xf32>,
          %mul3A_109 = arith.constant 8 : i32
          %mul3A_110 = arith.muli %mul3A_109, %scan3A_91 : i32
          %add3A_111 = arith.constant 2 : i32
          %add3A_112 = arith.addi %mul3A_110, %add3A_111 : i32
          %mul3A_113 = arith.constant 2 : i32
          %mul3A_114 = arith.muli %mul3A_113, %add3A_112 : i32
          %add3A_115 = vector.broadcast %mul3A_114 : i32 to vector<16xi32>
          %add3A_116 = arith.addi %div3A_4, %add3A_115 : vector<16xi32>
          %gather3A_117 = tpu.vector_load_idx %arg5[%rem3A_2, %add3A_116] : memref<8x512xf32, #tpu.memory_space<vmem>>[vector<16xi32>, vector<16xi32>], vector<16xf32>,
          %mul3A_118 = arith.constant 8 : i32
          %mul3A_119 = arith.muli %mul3A_118, %scan3A_91 : i32
          %add3A_120 = arith.constant 3 : i32
          %add3A_121 = arith.addi %mul3A_119, %add3A_120 : i32
          %mul3A_122 = arith.constant 2 : i32
          %mul3A_123 = arith.muli %mul3A_122, %add3A_121 : i32
          %add3A_124 = vector.broadcast %mul3A_123 : i32 to vector<16xi32>
          %add3A_125 = arith.addi %div3A_4, %add3A_124 : vector<16xi32>
          %gather3A_126 = tpu.vector_load_idx %arg5[%rem3A_2, %add3A_125] : memref<8x512xf32, #tpu.memory_space<vmem>>[vector<16xi32>, vector<16xi32>], vector<16xf32>,
          %mul3A_127 = arith.constant 8 : i32
          %mul3A_128 = arith.muli %mul3A_127, %scan3A_91 : i32
          %add3A_129 = arith.constant 4 : i32
          %add3A_130 = arith.addi %mul3A_128, %add3A_129 : i32
          %mul3A_131 = arith.constant 2 : i32
          %mul3A_132 = arith.muli %mul3A_131, %add3A_130 : i32
          %add3A_133 = vector.broadcast %mul3A_132 : i32 to vector<16xi32>
          %add3A_134 = arith.addi %div3A_4, %add3A_133 : vector<16xi32>
          %gather3A_135 = tpu.vector_load_idx %arg5[%rem3A_2, %add3A_134] : memref<8x512xf32, #tpu.memory_space<vmem>>[vector<16xi32>, vector<16xi32>], vector<16xf32>,
          %mul3A_136 = arith.constant 8 : i32
          %mul3A_137 = arith.muli %mul3A_136, %scan3A_91 : i32
          %add3A_138 = arith.constant 5 : i32
          %add3A_139 = arith.addi %mul3A_137, %add3A_138 : i32
          %mul3A_140 = arith.constant 2 : i32
          %mul3A_141 = arith.muli %mul3A_140, %add3A_139 : i32
          %add3A_142 = vector.broadcast %mul3A_141 : i32 to vector<16xi32>
          %add3A_143 = arith.addi %div3A_4, %add3A_142 : vector<16xi32>
          %gather3A_144 = tpu.vector_load_idx %arg5[%rem3A_2, %add3A_143] : memref<8x512xf32, #tpu.memory_space<vmem>>[vector<16xi32>, vector<16xi32>], vector<16xf32>,
          %mul3A_145 = arith.constant 8 : i32
          %mul3A_146 = arith.muli %mul3A_145, %scan3A_91 : i32
          %add3A_147 = arith.constant 6 : i32
          %add3A_148 = arith.addi %mul3A_146, %add3A_147 : i32
          %mul3A_149 = arith.constant 2 : i32
          %mul3A_150 = arith.muli %mul3A_149, %add3A_148 : i32
          %add3A_151 = vector.broadcast %mul3A_150 : i32 to vector<16xi32>
          %add3A_152 = arith.addi %div3A_4, %add3A_151 : vector<16xi32>
          %gather3A_153 = tpu.vector_load_idx %arg5[%rem3A_2, %add3A_152] : memref<8x512xf32, #tpu.memory_space<vmem>>[vector<16xi32>, vector<16xi32>], vector<16xf32>,
          %mul3A_154 = arith.constant 8 : i32
          %mul3A_155 = arith.muli %mul3A_154, %scan3A_91 : i32
          %add3A_156 = arith.constant 7 : i32
          %add3A_157 = arith.addi %mul3A_155, %add3A_156 : i32
          %mul3A_158 = arith.constant 2 : i32
          %mul3A_159 = arith.muli %mul3A_158, %add3A_157 : i32
          %add3A_160 = vector.broadcast %mul3A_159 : i32 to vector<16xi32>
          %add3A_161 = arith.addi %div3A_4, %add3A_160 : vector<16xi32>
          %gather3A_162 = tpu.vector_load_idx %arg5[%rem3A_2, %add3A_161] : memref<8x512xf32, #tpu.memory_space<vmem>>[vector<16xi32>, vector<16xi32>], vector<16xf32>,
          %mul3A_163 = arith.constant 8 : i32
          %mul3A_164 = arith.muli %mul3A_163, %scan3A_91 : i32
          %add3A_165 = arith.constant 0 : i32
          %add3A_166 = arith.addi %mul3A_164, %add3A_165 : i32
          %mul3A_167 = arith.constant 16 : i32
          %mul3A_168 = arith.muli %mul3A_167, %add3A_166 : i32
          %swap3A = arith.index_cast %mul3A_168 : i32 to index
          %swap3A_169 = tpu.vector_load %arg7[%swap3A] {strides = array<i32>} : memref<4096xf32, #tpu.memory_space<vmem>>, vector<16xf32>,
          tpu.vector_store %arg7[%swap3A], %gather3A {strides = array<i32>} : memref<4096xf32, #tpu.memory_space<vmem>>, vector<16xf32>,
          %mul3A_170 = arith.constant 8 : i32
          %mul3A_171 = arith.muli %mul3A_170, %scan3A_91 : i32
          %add3A_172 = arith.constant 1 : i32
          %add3A_173 = arith.addi %mul3A_171, %add3A_172 : i32
          %mul3A_174 = arith.constant 16 : i32
          %mul3A_175 = arith.muli %mul3A_174, %add3A_173 : i32
          %swap3A_176 = arith.index_cast %mul3A_175 : i32 to index
          %swap3A_177 = tpu.vector_load %arg7[%swap3A_176] {strides = array<i32>} : memref<4096xf32, #tpu.memory_space<vmem>>, vector<16xf32>,
          tpu.vector_store %arg7[%swap3A_176], %gather3A_108 {strides = array<i32>} : memref<4096xf32, #tpu.memory_space<vmem>>, vector<16xf32>,
          %mul3A_178 = arith.constant 8 : i32
          %mul3A_179 = arith.muli %mul3A_178, %scan3A_91 : i32
          %add3A_180 = arith.constant 2 : i32
          %add3A_181 = arith.addi %mul3A_179, %add3A_180 : i32
          %mul3A_182 = arith.constant 16 : i32
          %mul3A_183 = arith.muli %mul3A_182, %add3A_181 : i32
          %swap3A_184 = arith.index_cast %mul3A_183 : i32 to index
          %swap3A_185 = tpu.vector_load %arg7[%swap3A_184] {strides = array<i32>} : memref<4096xf32, #tpu.memory_space<vmem>>, vector<16xf32>,
          tpu.vector_store %arg7[%swap3A_184], %gather3A_117 {strides = array<i32>} : memref<4096xf32, #tpu.memory_space<vmem>>, vector<16xf32>,
          %mul3A_186 = arith.constant 8 : i32
          %mul3A_187 = arith.muli %mul3A_186, %scan3A_91 : i32
          %add3A_188 = arith.constant 3 : i32
          %add3A_189 = arith.addi %mul3A_187, %add3A_188 : i32
          %mul3A_190 = arith.constant 16 : i32
          %mul3A_191 = arith.muli %mul3A_190, %add3A_189 : i32
          %swap3A_192 = arith.index_cast %mul3A_191 : i32 to index
          %swap3A_193 = tpu.vector_load %arg7[%swap3A_192] {strides = array<i32>} : memref<4096xf32, #tpu.memory_space<vmem>>, vector<16xf32>,
          tpu.vector_store %arg7[%swap3A_192], %gather3A_126 {strides = array<i32>} : memref<4096xf32, #tpu.memory_space<vmem>>, vector<16xf32>,
          %mul3A_194 = arith.constant 8 : i32
          %mul3A_195 = arith.muli %mul3A_194, %scan3A_91 : i32
          %add3A_196 = arith.constant 4 : i32
          %add3A_197 = arith.addi %mul3A_195, %add3A_196 : i32
          %mul3A_198 = arith.constant 16 : i32
          %mul3A_199 = arith.muli %mul3A_198, %add3A_197 : i32
          %swap3A_200 = arith.index_cast %mul3A_199 : i32 to index
          %swap3A_201 = tpu.vector_load %arg7[%swap3A_200] {strides = array<i32>} : memref<4096xf32, #tpu.memory_space<vmem>>, vector<16xf32>,
          tpu.vector_store %arg7[%swap3A_200], %gather3A_135 {strides = array<i32>} : memref<4096xf32, #tpu.memory_space<vmem>>, vector<16xf32>,
          %mul3A_202 = arith.constant 8 : i32
          %mul3A_203 = arith.muli %mul3A_202, %scan3A_91 : i32
          %add3A_204 = arith.constant 5 : i32
          %add3A_205 = arith.addi %mul3A_203, %add3A_204 : i32
          %mul3A_206 = arith.constant 16 : i32
          %mul3A_207 = arith.muli %mul3A_206, %add3A_205 : i32
          %swap3A_208 = arith.index_cast %mul3A_207 : i32 to index
          %swap3A_209 = tpu.vector_load %arg7[%swap3A_208] {strides = array<i32>} : memref<4096xf32, #tpu.memory_space<vmem>>, vector<16xf32>,
          tpu.vector_store %arg7[%swap3A_208], %gather3A_144 {strides = array<i32>} : memref<4096xf32, #tpu.memory_space<vmem>>, vector<16xf32>,
          %mul3A_210 = arith.constant 8 : i32
          %mul3A_211 = arith.muli %mul3A_210, %scan3A_91 : i32
          %add3A_212 = arith.constant 6 : i32
          %add3A_213 = arith.addi %mul3A_211, %add3A_212 : i32
          %mul3A_214 = arith.constant 16 : i32
          %mul3A_215 = arith.muli %mul3A_214, %add3A_213 : i32
          %swap3A_216 = arith.index_cast %mul3A_215 : i32 to index
          %swap3A_217 = tpu.vector_load %arg7[%swap3A_216] {strides = array<i32>} : memref<4096xf32, #tpu.memory_space<vmem>>, vector<16xf32>,
          tpu.vector_store %arg7[%swap3A_216], %gather3A_153 {strides = array<i32>} : memref<4096xf32, #tpu.memory_space<vmem>>, vector<16xf32>,
          %mul3A_218 = arith.constant 8 : i32
          %mul3A_219 = arith.muli %mul3A_218, %scan3A_91 : i32
          %add3A_220 = arith.constant 7 : i32
          %add3A_221 = arith.addi %mul3A_219, %add3A_220 : i32
          %mul3A_222 = arith.constant 16 : i32
          %mul3A_223 = arith.muli %mul3A_222, %add3A_221 : i32
          %swap3A_224 = arith.index_cast %mul3A_223 : i32 to index
          %swap3A_225 = tpu.vector_load %arg7[%swap3A_224] {strides = array<i32>} : memref<4096xf32, #tpu.memory_space<vmem>>, vector<16xf32>,
          tpu.vector_store %arg7[%swap3A_224], %gather3A_162 {strides = array<i32>} : memref<4096xf32, #tpu.memory_space<vmem>>, vector<16xf32>,
        }
        %scan3A_78 = arith.constant 32 : i32
        %mul3A_79 = arith.constant 512 : i32
        %mul3A_80 = arith.muli %add3A_58, %mul3A_79 : i32
        %mul3A_81 = arith.constant 8 : i32
        %mul3A_82 = arith.muli %mul3A_80, %mul3A_81 : i32
        %dma_start3A = tpu.memref_slice %arg3[%mul3A_82] : memref<8000000xf32, #tpu.memory_space<hbm>> -> memref<4096xf32, #tpu.memory_space<hbm>>
        %dma_start3A_83 = tpu.memref_slice %arg3[%mul3A_82] : memref<8000000xf32, #tpu.memory_space<hbm>> -> memref<4096xf32, #tpu.memory_space<hbm>>
        tpu.enqueue_dma source(%arg7 : memref<4096xf32, #tpu.memory_space<vmem>>) target(%dma_start3A_83 : memref<4096xf32, #tpu.memory_space<hbm>>) target_semaphore(%arg11 : memref<!tpu.dma_semaphore, #tpu.memory_space<semaphore_mem>>)
        %add3A_84 = arith.constant 64 : i32
        %add3A_85 = arith.addi %add3A_58, %add3A_84 : i32
        %lt3A_86 = arith.constant 1953 : i32
        %lt3A_87 = arith.cmpi slt, %add3A_85, %lt3A_86 : i32
        %convert_element_type3A_88 = arith.extui %lt3A_87 : i1 to i32
        %cond3A_89 = arith.constant 0 : i32
        %cond3A_90 = arith.cmpi ne, %convert_element_type3A_88, %cond3A_89 : i32
        scf.if %cond3A_90 {
          %mul3A_91 = arith.constant 512 : i32
          %mul3A_92 = arith.muli %add3A_85, %mul3A_91 : i32
          %dma_start3A_93 = arith.constant 0 : i32
          %dma_start3A_94 = tpu.memref_slice %arg2[%dma_start3A_93, %mul3A_92] : memref<8x1000000xf32, #tpu.memory_space<hbm>> -> memref<8x512xf32, #tpu.memory_space<hbm>>
          %dma_start3A_95 = arith.constant 0 : i32
          %dma_start3A_96 = tpu.memref_slice %arg2[%dma_start3A_95, %mul3A_92] : memref<8x1000000xf32, #tpu.memory_space<hbm>> -> memref<8x512xf32, #tpu.memory_space<hbm>>
          tpu.enqueue_dma source(%dma_start3A_96 : memref<8x512xf32, #tpu.memory_space<hbm>>) target(%arg5 : memref<8x512xf32, #tpu.memory_space<vmem>>) target_semaphore(%arg9 : memref<!tpu.dma_semaphore, #tpu.memory_space<semaphore_mem>>)
        } else {
        }
      } else {
      }
    }
    %scan3A_18 = arith.constant 31 : i32
    %lt3A_19 = arith.constant 1953 : i32
    %lt3A_20 = arith.cmpi slt, %add3A, %lt3A_19 : i32
    %convert_element_type3A_21 = arith.extui %lt3A_20 : i1 to i32
    %cond3A_22 = arith.constant 0 : i32
    %cond3A_23 = arith.cmpi ne, %convert_element_type3A_21, %cond3A_22 : i32
    scf.if %cond3A_23 {
      %dma_wait3A = arith.constant 0 : i32
      %dma_wait3A_35 = tpu.memref_slice %arg3[%dma_wait3A] : memref<8000000xf32, #tpu.memory_space<hbm>> -> memref<4096xf32, #tpu.memory_space<hbm>>
      %dma_wait3A_36 = arith.constant 0 : i32
      %dma_wait3A_37 = tpu.memref_slice %arg3[%dma_wait3A_36] : memref<8000000xf32, #tpu.memory_space<hbm>> -> memref<4096xf32, #tpu.memory_space<hbm>>
      tpu.wait_dma2 semaphore(%arg10 : memref<!tpu.dma_semaphore, #tpu.memory_space<semaphore_mem>>) src(%arg6 : memref<4096xf32, #tpu.memory_space<vmem>>) dst(%dma_wait3A_37 : memref<4096xf32, #tpu.memory_space<hbm>>)
    } else {
    }
    %add3A_24 = arith.constant 32 : i32
    %add3A_25 = arith.addi %add3A, %add3A_24 : i32
    %lt3A_26 = arith.constant 1953 : i32
    %lt3A_27 = arith.cmpi slt, %add3A_25, %lt3A_26 : i32
    %convert_element_type3A_28 = arith.extui %lt3A_27 : i1 to i32
    %cond3A_29 = arith.constant 0 : i32
    %cond3A_30 = arith.cmpi ne, %convert_element_type3A_28, %cond3A_29 : i32
    scf.if %cond3A_30 {
      %dma_wait3A = arith.constant 0 : i32
      %dma_wait3A_35 = tpu.memref_slice %arg3[%dma_wait3A] : memref<8000000xf32, #tpu.memory_space<hbm>> -> memref<4096xf32, #tpu.memory_space<hbm>>
      %dma_wait3A_36 = arith.constant 0 : i32
      %dma_wait3A_37 = tpu.memref_slice %arg3[%dma_wait3A_36] : memref<8000000xf32, #tpu.memory_space<hbm>> -> memref<4096xf32, #tpu.memory_space<hbm>>
      tpu.wait_dma2 semaphore(%arg11 : memref<!tpu.dma_semaphore, #tpu.memory_space<semaphore_mem>>) src(%arg7 : memref<4096xf32, #tpu.memory_space<vmem>>) dst(%dma_wait3A_37 : memref<4096xf32, #tpu.memory_space<hbm>>)
    } else {
    }
    %eq3A = arith.constant 0 : i32
    %eq3A_31 = arith.cmpi eq, %add3A, %eq3A : i32
    %convert_element_type3A_32 = arith.extui %eq3A_31 : i1 to i32
    %cond3A_33 = arith.constant 0 : i32
    %cond3A_34 = arith.cmpi ne, %convert_element_type3A_32, %cond3A_33 : i32
    scf.if %cond3A_34 {
      %run_scoped3A = arith.constant 0 : i32
      %run_scoped3A_35 = arith.constant 0 : i32
      "tpu.region"() ({
        %run_scoped3A_56 = tpu.sem_alloc : memref<!tpu.dma_semaphore, #tpu.memory_space<semaphore_mem>>
        %dma_start3A = arith.constant 0 : i32
        %dma_start3A_57 = tpu.memref_slice %arg4[%run_scoped3A_35, %dma_start3A] : memref<8x512xf32, #tpu.memory_space<vmem>> -> memref<1x64xf32, #tpu.memory_space<vmem>>
        %dma_start3A_58 = tpu.memref_squeeze %dma_start3A_57 : memref<1x64xf32, #tpu.memory_space<vmem>> -> memref<64xf32, #tpu.memory_space<vmem>>
        %dma_start3A_59 = arith.constant 999936 : i32
        %dma_start3A_60 = tpu.memref_slice %arg2[%run_scoped3A, %dma_start3A_59] : memref<8x1000000xf32, #tpu.memory_space<hbm>> -> memref<1x64xf32, #tpu.memory_space<hbm>>
        %dma_start3A_61 = tpu.memref_squeeze %dma_start3A_60 : memref<1x64xf32, #tpu.memory_space<hbm>> -> memref<64xf32, #tpu.memory_space<hbm>>
        %dma_start3A_62 = arith.constant 0 : i32
        %dma_start3A_63 = tpu.memref_slice %arg4[%run_scoped3A_35, %dma_start3A_62] : memref<8x512xf32, #tpu.memory_space<vmem>> -> memref<1x64xf32, #tpu.memory_space<vmem>>
        %dma_start3A_64 = tpu.memref_squeeze %dma_start3A_63 : memref<1x64xf32, #tpu.memory_space<vmem>> -> memref<64xf32, #tpu.memory_space<vmem>>
        %dma_start3A_65 = arith.constant 999936 : i32
        %dma_start3A_66 = tpu.memref_slice %arg2[%run_scoped3A, %dma_start3A_65] : memref<8x1000000xf32, #tpu.memory_space<hbm>> -> memref<1x64xf32, #tpu.memory_space<hbm>>
        %dma_start3A_67 = tpu.memref_squeeze %dma_start3A_66 : memref<1x64xf32, #tpu.memory_space<hbm>> -> memref<64xf32, #tpu.memory_space<hbm>>
        tpu.enqueue_dma source(%dma_start3A_67 : memref<64xf32, #tpu.memory_space<hbm>>) target(%dma_start3A_64 : memref<64xf32, #tpu.memory_space<vmem>>) target_semaphore(%run_scoped3A_56 : memref<!tpu.dma_semaphore, #tpu.memory_space<semaphore_mem>>)
        %dma_wait3A = arith.constant 0 : i32
        %dma_wait3A_68 = tpu.memref_slice %arg4[%run_scoped3A_35, %dma_wait3A] : memref<8x512xf32, #tpu.memory_space<vmem>> -> memref<1x64xf32, #tpu.memory_space<vmem>>
        %dma_wait3A_69 = tpu.memref_squeeze %dma_wait3A_68 : memref<1x64xf32, #tpu.memory_space<vmem>> -> memref<64xf32, #tpu.memory_space<vmem>>
        %dma_wait3A_70 = arith.constant 999936 : i32
        %dma_wait3A_71 = tpu.memref_slice %arg2[%run_scoped3A, %dma_wait3A_70] : memref<8x1000000xf32, #tpu.memory_space<hbm>> -> memref<1x64xf32, #tpu.memory_space<hbm>>
        %dma_wait3A_72 = tpu.memref_squeeze %dma_wait3A_71 : memref<1x64xf32, #tpu.memory_space<hbm>> -> memref<64xf32, #tpu.memory_space<hbm>>
        %dma_wait3A_73 = arith.constant 0 : i32
        %dma_wait3A_74 = tpu.memref_slice %arg4[%run_scoped3A_35, %dma_wait3A_73] : memref<8x512xf32, #tpu.memory_space<vmem>> -> memref<1x64xf32, #tpu.memory_space<vmem>>
        %dma_wait3A_75 = tpu.memref_squeeze %dma_wait3A_74 : memref<1x64xf32, #tpu.memory_space<vmem>> -> memref<64xf32, #tpu.memory_space<vmem>>
        %dma_wait3A_76 = arith.constant 999936 : i32
        %dma_wait3A_77 = tpu.memref_slice %arg2[%run_scoped3A, %dma_wait3A_76] : memref<8x1000000xf32, #tpu.memory_space<hbm>> -> memref<1x64xf32, #tpu.memory_space<hbm>>
        %dma_wait3A_78 = tpu.memref_squeeze %dma_wait3A_77 : memref<1x64xf32, #tpu.memory_space<hbm>> -> memref<64xf32, #tpu.memory_space<hbm>>
        tpu.wait_dma2 semaphore(%run_scoped3A_56 : memref<!tpu.dma_semaphore, #tpu.memory_space<semaphore_mem>>) src(%dma_wait3A_78 : memref<64xf32, #tpu.memory_space<hbm>>) dst(%dma_wait3A_75 : memref<64xf32, #tpu.memory_space<vmem>>)
        tpu.yield
      }) : () -> ()
      %run_scoped3A_36 = arith.constant 1 : i32
      %run_scoped3A_37 = arith.constant 1 : i32
      "tpu.region"() ({
        %run_scoped3A_56 = tpu.sem_alloc : memref<!tpu.dma_semaphore, #tpu.memory_space<semaphore_mem>>
        %dma_start3A = arith.constant 0 : i32
        %dma_start3A_57 = tpu.memref_slice %arg4[%run_scoped3A_37, %dma_start3A] : memref<8x512xf32, #tpu.memory_space<vmem>> -> memref<1x64xf32, #tpu.memory_space<vmem>>
        %dma_start3A_58 = tpu.memref_squeeze %dma_start3A_57 : memref<1x64xf32, #tpu.memory_space<vmem>> -> memref<64xf32, #tpu.memory_space<vmem>>
        %dma_start3A_59 = arith.constant 999936 : i32
        %dma_start3A_60 = tpu.memref_slice %arg2[%run_scoped3A_36, %dma_start3A_59] : memref<8x1000000xf32, #tpu.memory_space<hbm>> -> memref<1x64xf32, #tpu.memory_space<hbm>>
        %dma_start3A_61 = tpu.memref_squeeze %dma_start3A_60 : memref<1x64xf32, #tpu.memory_space<hbm>> -> memref<64xf32, #tpu.memory_space<hbm>>
        %dma_start3A_62 = arith.constant 0 : i32
        %dma_start3A_63 = tpu.memref_slice %arg4[%run_scoped3A_37, %dma_start3A_62] : memref<8x512xf32, #tpu.memory_space<vmem>> -> memref<1x64xf32, #tpu.memory_space<vmem>>
        %dma_start3A_64 = tpu.memref_squeeze %dma_start3A_63 : memref<1x64xf32, #tpu.memory_space<vmem>> -> memref<64xf32, #tpu.memory_space<vmem>>
        %dma_start3A_65 = arith.constant 999936 : i32
        %dma_start3A_66 = tpu.memref_slice %arg2[%run_scoped3A_36, %dma_start3A_65] : memref<8x1000000xf32, #tpu.memory_space<hbm>> -> memref<1x64xf32, #tpu.memory_space<hbm>>
        %dma_start3A_67 = tpu.memref_squeeze %dma_start3A_66 : memref<1x64xf32, #tpu.memory_space<hbm>> -> memref<64xf32, #tpu.memory_space<hbm>>
        tpu.enqueue_dma source(%dma_start3A_67 : memref<64xf32, #tpu.memory_space<hbm>>) target(%dma_start3A_64 : memref<64xf32, #tpu.memory_space<vmem>>) target_semaphore(%run_scoped3A_56 : memref<!tpu.dma_semaphore, #tpu.memory_space<semaphore_mem>>)
        %dma_wait3A = arith.constant 0 : i32
        %dma_wait3A_68 = tpu.memref_slice %arg4[%run_scoped3A_37, %dma_wait3A] : memref<8x512xf32, #tpu.memory_space<vmem>> -> memref<1x64xf32, #tpu.memory_space<vmem>>
        %dma_wait3A_69 = tpu.memref_squeeze %dma_wait3A_68 : memref<1x64xf32, #tpu.memory_space<vmem>> -> memref<64xf32, #tpu.memory_space<vmem>>
        %dma_wait3A_70 = arith.constant 999936 : i32
        %dma_wait3A_71 = tpu.memref_slice %arg2[%run_scoped3A_36, %dma_wait3A_70] : memref<8x1000000xf32, #tpu.memory_space<hbm>> -> memref<1x64xf32, #tpu.memory_space<hbm>>
        %dma_wait3A_72 = tpu.memref_squeeze %dma_wait3A_71 : memref<1x64xf32, #tpu.memory_space<hbm>> -> memref<64xf32, #tpu.memory_space<hbm>>
        %dma_wait3A_73 = arith.constant 0 : i32
        %dma_wait3A_74 = tpu.memref_slice %arg4[%run_scoped3A_37, %dma_wait3A_73] : memref<8x512xf32, #tpu.memory_space<vmem>> -> memref<1x64xf32, #tpu.memory_space<vmem>>
        %dma_wait3A_75 = tpu.memref_squeeze %dma_wait3A_74 : memref<1x64xf32, #tpu.memory_space<vmem>> -> memref<64xf32, #tpu.memory_space<vmem>>
        %dma_wait3A_76 = arith.constant 999936 : i32
        %dma_wait3A_77 = tpu.memref_slice %arg2[%run_scoped3A_36, %dma_wait3A_76] : memref<8x1000000xf32, #tpu.memory_space<hbm>> -> memref<1x64xf32, #tpu.memory_space<hbm>>
        %dma_wait3A_78 = tpu.memref_squeeze %dma_wait3A_77 : memref<1x64xf32, #tpu.memory_space<hbm>> -> memref<64xf32, #tpu.memory_space<hbm>>
        tpu.wait_dma2 semaphore(%run_scoped3A_56 : memref<!tpu.dma_semaphore, #tpu.memory_space<semaphore_mem>>) src(%dma_wait3A_78 : memref<64xf32, #tpu.memory_space<hbm>>) dst(%dma_wait3A_75 : memref<64xf32, #tpu.memory_space<vmem>>)
        tpu.yield
      }) : () -> ()
      %run_scoped3A_38 = arith.constant 2 : i32
      %run_scoped3A_39 = arith.constant 2 : i32
      "tpu.region"() ({
        %run_scoped3A_56 = tpu.sem_alloc : memref<!tpu.dma_semaphore, #tpu.memory_space<semaphore_mem>>
        %dma_start3A = arith.constant 0 : i32
        %dma_start3A_57 = tpu.memref_slice %arg4[%run_scoped3A_39, %dma_start3A] : memref<8x512xf32, #tpu.memory_space<vmem>> -> memref<1x64xf32, #tpu.memory_space<vmem>>
        %dma_start3A_58 = tpu.memref_squeeze %dma_start3A_57 : memref<1x64xf32, #tpu.memory_space<vmem>> -> memref<64xf32, #tpu.memory_space<vmem>>
        %dma_start3A_59 = arith.constant 999936 : i32
        %dma_start3A_60 = tpu.memref_slice %arg2[%run_scoped3A_38, %dma_start3A_59] : memref<8x1000000xf32, #tpu.memory_space<hbm>> -> memref<1x64xf32, #tpu.memory_space<hbm>>
        %dma_start3A_61 = tpu.memref_squeeze %dma_start3A_60 : memref<1x64xf32, #tpu.memory_space<hbm>> -> memref<64xf32, #tpu.memory_space<hbm>>
        %dma_start3A_62 = arith.constant 0 : i32
        %dma_start3A_63 = tpu.memref_slice %arg4[%run_scoped3A_39, %dma_start3A_62] : memref<8x512xf32, #tpu.memory_space<vmem>> -> memref<1x64xf32, #tpu.memory_space<vmem>>
        %dma_start3A_64 = tpu.memref_squeeze %dma_start3A_63 : memref<1x64xf32, #tpu.memory_space<vmem>> -> memref<64xf32, #tpu.memory_space<vmem>>
        %dma_start3A_65 = arith.constant 999936 : i32
        %dma_start3A_66 = tpu.memref_slice %arg2[%run_scoped3A_38, %dma_start3A_65] : memref<8x1000000xf32, #tpu.memory_space<hbm>> -> memref<1x64xf32, #tpu.memory_space<hbm>>
        %dma_start3A_67 = tpu.memref_squeeze %dma_start3A_66 : memref<1x64xf32, #tpu.memory_space<hbm>> -> memref<64xf32, #tpu.memory_space<hbm>>
        tpu.enqueue_dma source(%dma_start3A_67 : memref<64xf32, #tpu.memory_space<hbm>>) target(%dma_start3A_64 : memref<64xf32, #tpu.memory_space<vmem>>) target_semaphore(%run_scoped3A_56 : memref<!tpu.dma_semaphore, #tpu.memory_space<semaphore_mem>>)
        %dma_wait3A = arith.constant 0 : i32
        %dma_wait3A_68 = tpu.memref_slice %arg4[%run_scoped3A_39, %dma_wait3A] : memref<8x512xf32, #tpu.memory_space<vmem>> -> memref<1x64xf32, #tpu.memory_space<vmem>>
        %dma_wait3A_69 = tpu.memref_squeeze %dma_wait3A_68 : memref<1x64xf32, #tpu.memory_space<vmem>> -> memref<64xf32, #tpu.memory_space<vmem>>
        %dma_wait3A_70 = arith.constant 999936 : i32
        %dma_wait3A_71 = tpu.memref_slice %arg2[%run_scoped3A_38, %dma_wait3A_70] : memref<8x1000000xf32, #tpu.memory_space<hbm>> -> memref<1x64xf32, #tpu.memory_space<hbm>>
        %dma_wait3A_72 = tpu.memref_squeeze %dma_wait3A_71 : memref<1x64xf32, #tpu.memory_space<hbm>> -> memref<64xf32, #tpu.memory_space<hbm>>
        %dma_wait3A_73 = arith.constant 0 : i32
        %dma_wait3A_74 = tpu.memref_slice %arg4[%run_scoped3A_39, %dma_wait3A_73] : memref<8x512xf32, #tpu.memory_space<vmem>> -> memref<1x64xf32, #tpu.memory_space<vmem>>
        %dma_wait3A_75 = tpu.memref_squeeze %dma_wait3A_74 : memref<1x64xf32, #tpu.memory_space<vmem>> -> memref<64xf32, #tpu.memory_space<vmem>>
        %dma_wait3A_76 = arith.constant 999936 : i32
        %dma_wait3A_77 = tpu.memref_slice %arg2[%run_scoped3A_38, %dma_wait3A_76] : memref<8x1000000xf32, #tpu.memory_space<hbm>> -> memref<1x64xf32, #tpu.memory_space<hbm>>
        %dma_wait3A_78 = tpu.memref_squeeze %dma_wait3A_77 : memref<1x64xf32, #tpu.memory_space<hbm>> -> memref<64xf32, #tpu.memory_space<hbm>>
        tpu.wait_dma2 semaphore(%run_scoped3A_56 : memref<!tpu.dma_semaphore, #tpu.memory_space<semaphore_mem>>) src(%dma_wait3A_78 : memref<64xf32, #tpu.memory_space<hbm>>) dst(%dma_wait3A_75 : memref<64xf32, #tpu.memory_space<vmem>>)
        tpu.yield
      }) : () -> ()
      %run_scoped3A_40 = arith.constant 3 : i32
      %run_scoped3A_41 = arith.constant 3 : i32
      "tpu.region"() ({
        %run_scoped3A_56 = tpu.sem_alloc : memref<!tpu.dma_semaphore, #tpu.memory_space<semaphore_mem>>
        %dma_start3A = arith.constant 0 : i32
        %dma_start3A_57 = tpu.memref_slice %arg4[%run_scoped3A_41, %dma_start3A] : memref<8x512xf32, #tpu.memory_space<vmem>> -> memref<1x64xf32, #tpu.memory_space<vmem>>
        %dma_start3A_58 = tpu.memref_squeeze %dma_start3A_57 : memref<1x64xf32, #tpu.memory_space<vmem>> -> memref<64xf32, #tpu.memory_space<vmem>>
        %dma_start3A_59 = arith.constant 999936 : i32
        %dma_start3A_60 = tpu.memref_slice %arg2[%run_scoped3A_40, %dma_start3A_59] : memref<8x1000000xf32, #tpu.memory_space<hbm>> -> memref<1x64xf32, #tpu.memory_space<hbm>>
        %dma_start3A_61 = tpu.memref_squeeze %dma_start3A_60 : memref<1x64xf32, #tpu.memory_space<hbm>> -> memref<64xf32, #tpu.memory_space<hbm>>
        %dma_start3A_62 = arith.constant 0 : i32
        %dma_start3A_63 = tpu.memref_slice %arg4[%run_scoped3A_41, %dma_start3A_62] : memref<8x512xf32, #tpu.memory_space<vmem>> -> memref<1x64xf32, #tpu.memory_space<vmem>>
        %dma_start3A_64 = tpu.memref_squeeze %dma_start3A_63 : memref<1x64xf32, #tpu.memory_space<vmem>> -> memref<64xf32, #tpu.memory_space<vmem>>
        %dma_start3A_65 = arith.constant 999936 : i32
        %dma_start3A_66 = tpu.memref_slice %arg2[%run_scoped3A_40, %dma_start3A_65] : memref<8x1000000xf32, #tpu.memory_space<hbm>> -> memref<1x64xf32, #tpu.memory_space<hbm>>
        %dma_start3A_67 = tpu.memref_squeeze %dma_start3A_66 : memref<1x64xf32, #tpu.memory_space<hbm>> -> memref<64xf32, #tpu.memory_space<hbm>>
        tpu.enqueue_dma source(%dma_start3A_67 : memref<64xf32, #tpu.memory_space<hbm>>) target(%dma_start3A_64 : memref<64xf32, #tpu.memory_space<vmem>>) target_semaphore(%run_scoped3A_56 : memref<!tpu.dma_semaphore, #tpu.memory_space<semaphore_mem>>)
        %dma_wait3A = arith.constant 0 : i32
        %dma_wait3A_68 = tpu.memref_slice %arg4[%run_scoped3A_41, %dma_wait3A] : memref<8x512xf32, #tpu.memory_space<vmem>> -> memref<1x64xf32, #tpu.memory_space<vmem>>
        %dma_wait3A_69 = tpu.memref_squeeze %dma_wait3A_68 : memref<1x64xf32, #tpu.memory_space<vmem>> -> memref<64xf32, #tpu.memory_space<vmem>>
        %dma_wait3A_70 = arith.constant 999936 : i32
        %dma_wait3A_71 = tpu.memref_slice %arg2[%run_scoped3A_40, %dma_wait3A_70] : memref<8x1000000xf32, #tpu.memory_space<hbm>> -> memref<1x64xf32, #tpu.memory_space<hbm>>
        %dma_wait3A_72 = tpu.memref_squeeze %dma_wait3A_71 : memref<1x64xf32, #tpu.memory_space<hbm>> -> memref<64xf32, #tpu.memory_space<hbm>>
        %dma_wait3A_73 = arith.constant 0 : i32
        %dma_wait3A_74 = tpu.memref_slice %arg4[%run_scoped3A_41, %dma_wait3A_73] : memref<8x512xf32, #tpu.memory_space<vmem>> -> memref<1x64xf32, #tpu.memory_space<vmem>>
        %dma_wait3A_75 = tpu.memref_squeeze %dma_wait3A_74 : memref<1x64xf32, #tpu.memory_space<vmem>> -> memref<64xf32, #tpu.memory_space<vmem>>
        %dma_wait3A_76 = arith.constant 999936 : i32
        %dma_wait3A_77 = tpu.memref_slice %arg2[%run_scoped3A_40, %dma_wait3A_76] : memref<8x1000000xf32, #tpu.memory_space<hbm>> -> memref<1x64xf32, #tpu.memory_space<hbm>>
        %dma_wait3A_78 = tpu.memref_squeeze %dma_wait3A_77 : memref<1x64xf32, #tpu.memory_space<hbm>> -> memref<64xf32, #tpu.memory_space<hbm>>
        tpu.wait_dma2 semaphore(%run_scoped3A_56 : memref<!tpu.dma_semaphore, #tpu.memory_space<semaphore_mem>>) src(%dma_wait3A_78 : memref<64xf32, #tpu.memory_space<hbm>>) dst(%dma_wait3A_75 : memref<64xf32, #tpu.memory_space<vmem>>)
        tpu.yield
      }) : () -> ()
      %run_scoped3A_42 = arith.constant 4 : i32
      %run_scoped3A_43 = arith.constant 4 : i32
      "tpu.region"() ({
        %run_scoped3A_56 = tpu.sem_alloc : memref<!tpu.dma_semaphore, #tpu.memory_space<semaphore_mem>>
        %dma_start3A = arith.constant 0 : i32
        %dma_start3A_57 = tpu.memref_slice %arg4[%run_scoped3A_43, %dma_start3A] : memref<8x512xf32, #tpu.memory_space<vmem>> -> memref<1x64xf32, #tpu.memory_space<vmem>>
        %dma_start3A_58 = tpu.memref_squeeze %dma_start3A_57 : memref<1x64xf32, #tpu.memory_space<vmem>> -> memref<64xf32, #tpu.memory_space<vmem>>
        %dma_start3A_59 = arith.constant 999936 : i32
        %dma_start3A_60 = tpu.memref_slice %arg2[%run_scoped3A_42, %dma_start3A_59] : memref<8x1000000xf32, #tpu.memory_space<hbm>> -> memref<1x64xf32, #tpu.memory_space<hbm>>
        %dma_start3A_61 = tpu.memref_squeeze %dma_start3A_60 : memref<1x64xf32, #tpu.memory_space<hbm>> -> memref<64xf32, #tpu.memory_space<hbm>>
        %dma_start3A_62 = arith.constant 0 : i32
        %dma_start3A_63 = tpu.memref_slice %arg4[%run_scoped3A_43, %dma_start3A_62] : memref<8x512xf32, #tpu.memory_space<vmem>> -> memref<1x64xf32, #tpu.memory_space<vmem>>
        %dma_start3A_64 = tpu.memref_squeeze %dma_start3A_63 : memref<1x64xf32, #tpu.memory_space<vmem>> -> memref<64xf32, #tpu.memory_space<vmem>>
        %dma_start3A_65 = arith.constant 999936 : i32
        %dma_start3A_66 = tpu.memref_slice %arg2[%run_scoped3A_42, %dma_start3A_65] : memref<8x1000000xf32, #tpu.memory_space<hbm>> -> memref<1x64xf32, #tpu.memory_space<hbm>>
        %dma_start3A_67 = tpu.memref_squeeze %dma_start3A_66 : memref<1x64xf32, #tpu.memory_space<hbm>> -> memref<64xf32, #tpu.memory_space<hbm>>
        tpu.enqueue_dma source(%dma_start3A_67 : memref<64xf32, #tpu.memory_space<hbm>>) target(%dma_start3A_64 : memref<64xf32, #tpu.memory_space<vmem>>) target_semaphore(%run_scoped3A_56 : memref<!tpu.dma_semaphore, #tpu.memory_space<semaphore_mem>>)
        %dma_wait3A = arith.constant 0 : i32
        %dma_wait3A_68 = tpu.memref_slice %arg4[%run_scoped3A_43, %dma_wait3A] : memref<8x512xf32, #tpu.memory_space<vmem>> -> memref<1x64xf32, #tpu.memory_space<vmem>>
        %dma_wait3A_69 = tpu.memref_squeeze %dma_wait3A_68 : memref<1x64xf32, #tpu.memory_space<vmem>> -> memref<64xf32, #tpu.memory_space<vmem>>
        %dma_wait3A_70 = arith.constant 999936 : i32
        %dma_wait3A_71 = tpu.memref_slice %arg2[%run_scoped3A_42, %dma_wait3A_70] : memref<8x1000000xf32, #tpu.memory_space<hbm>> -> memref<1x64xf32, #tpu.memory_space<hbm>>
        %dma_wait3A_72 = tpu.memref_squeeze %dma_wait3A_71 : memref<1x64xf32, #tpu.memory_space<hbm>> -> memref<64xf32, #tpu.memory_space<hbm>>
        %dma_wait3A_73 = arith.constant 0 : i32
        %dma_wait3A_74 = tpu.memref_slice %arg4[%run_scoped3A_43, %dma_wait3A_73] : memref<8x512xf32, #tpu.memory_space<vmem>> -> memref<1x64xf32, #tpu.memory_space<vmem>>
        %dma_wait3A_75 = tpu.memref_squeeze %dma_wait3A_74 : memref<1x64xf32, #tpu.memory_space<vmem>> -> memref<64xf32, #tpu.memory_space<vmem>>
        %dma_wait3A_76 = arith.constant 999936 : i32
        %dma_wait3A_77 = tpu.memref_slice %arg2[%run_scoped3A_42, %dma_wait3A_76] : memref<8x1000000xf32, #tpu.memory_space<hbm>> -> memref<1x64xf32, #tpu.memory_space<hbm>>
        %dma_wait3A_78 = tpu.memref_squeeze %dma_wait3A_77 : memref<1x64xf32, #tpu.memory_space<hbm>> -> memref<64xf32, #tpu.memory_space<hbm>>
        tpu.wait_dma2 semaphore(%run_scoped3A_56 : memref<!tpu.dma_semaphore, #tpu.memory_space<semaphore_mem>>) src(%dma_wait3A_78 : memref<64xf32, #tpu.memory_space<hbm>>) dst(%dma_wait3A_75 : memref<64xf32, #tpu.memory_space<vmem>>)
        tpu.yield
      }) : () -> ()
      %run_scoped3A_44 = arith.constant 5 : i32
      %run_scoped3A_45 = arith.constant 5 : i32
      "tpu.region"() ({
        %run_scoped3A_56 = tpu.sem_alloc : memref<!tpu.dma_semaphore, #tpu.memory_space<semaphore_mem>>
        %dma_start3A = arith.constant 0 : i32
        %dma_start3A_57 = tpu.memref_slice %arg4[%run_scoped3A_45, %dma_start3A] : memref<8x512xf32, #tpu.memory_space<vmem>> -> memref<1x64xf32, #tpu.memory_space<vmem>>
        %dma_start3A_58 = tpu.memref_squeeze %dma_start3A_57 : memref<1x64xf32, #tpu.memory_space<vmem>> -> memref<64xf32, #tpu.memory_space<vmem>>
        %dma_start3A_59 = arith.constant 999936 : i32
        %dma_start3A_60 = tpu.memref_slice %arg2[%run_scoped3A_44, %dma_start3A_59] : memref<8x1000000xf32, #tpu.memory_space<hbm>> -> memref<1x64xf32, #tpu.memory_space<hbm>>
        %dma_start3A_61 = tpu.memref_squeeze %dma_start3A_60 : memref<1x64xf32, #tpu.memory_space<hbm>> -> memref<64xf32, #tpu.memory_space<hbm>>
        %dma_start3A_62 = arith.constant 0 : i32
        %dma_start3A_63 = tpu.memref_slice %arg4[%run_scoped3A_45, %dma_start3A_62] : memref<8x512xf32, #tpu.memory_space<vmem>> -> memref<1x64xf32, #tpu.memory_space<vmem>>
        %dma_start3A_64 = tpu.memref_squeeze %dma_start3A_63 : memref<1x64xf32, #tpu.memory_space<vmem>> -> memref<64xf32, #tpu.memory_space<vmem>>
        %dma_start3A_65 = arith.constant 999936 : i32
        %dma_start3A_66 = tpu.memref_slice %arg2[%run_scoped3A_44, %dma_start3A_65] : memref<8x1000000xf32, #tpu.memory_space<hbm>> -> memref<1x64xf32, #tpu.memory_space<hbm>>
        %dma_start3A_67 = tpu.memref_squeeze %dma_start3A_66 : memref<1x64xf32, #tpu.memory_space<hbm>> -> memref<64xf32, #tpu.memory_space<hbm>>
        tpu.enqueue_dma source(%dma_start3A_67 : memref<64xf32, #tpu.memory_space<hbm>>) target(%dma_start3A_64 : memref<64xf32, #tpu.memory_space<vmem>>) target_semaphore(%run_scoped3A_56 : memref<!tpu.dma_semaphore, #tpu.memory_space<semaphore_mem>>)
        %dma_wait3A = arith.constant 0 : i32
        %dma_wait3A_68 = tpu.memref_slice %arg4[%run_scoped3A_45, %dma_wait3A] : memref<8x512xf32, #tpu.memory_space<vmem>> -> memref<1x64xf32, #tpu.memory_space<vmem>>
        %dma_wait3A_69 = tpu.memref_squeeze %dma_wait3A_68 : memref<1x64xf32, #tpu.memory_space<vmem>> -> memref<64xf32, #tpu.memory_space<vmem>>
        %dma_wait3A_70 = arith.constant 999936 : i32
        %dma_wait3A_71 = tpu.memref_slice %arg2[%run_scoped3A_44, %dma_wait3A_70] : memref<8x1000000xf32, #tpu.memory_space<hbm>> -> memref<1x64xf32, #tpu.memory_space<hbm>>
        %dma_wait3A_72 = tpu.memref_squeeze %dma_wait3A_71 : memref<1x64xf32, #tpu.memory_space<hbm>> -> memref<64xf32, #tpu.memory_space<hbm>>
        %dma_wait3A_73 = arith.constant 0 : i32
        %dma_wait3A_74 = tpu.memref_slice %arg4[%run_scoped3A_45, %dma_wait3A_73] : memref<8x512xf32, #tpu.memory_space<vmem>> -> memref<1x64xf32, #tpu.memory_space<vmem>>
        %dma_wait3A_75 = tpu.memref_squeeze %dma_wait3A_74 : memref<1x64xf32, #tpu.memory_space<vmem>> -> memref<64xf32, #tpu.memory_space<vmem>>
        %dma_wait3A_76 = arith.constant 999936 : i32
        %dma_wait3A_77 = tpu.memref_slice %arg2[%run_scoped3A_44, %dma_wait3A_76] : memref<8x1000000xf32, #tpu.memory_space<hbm>> -> memref<1x64xf32, #tpu.memory_space<hbm>>
        %dma_wait3A_78 = tpu.memref_squeeze %dma_wait3A_77 : memref<1x64xf32, #tpu.memory_space<hbm>> -> memref<64xf32, #tpu.memory_space<hbm>>
        tpu.wait_dma2 semaphore(%run_scoped3A_56 : memref<!tpu.dma_semaphore, #tpu.memory_space<semaphore_mem>>) src(%dma_wait3A_78 : memref<64xf32, #tpu.memory_space<hbm>>) dst(%dma_wait3A_75 : memref<64xf32, #tpu.memory_space<vmem>>)
        tpu.yield
      }) : () -> ()
      %run_scoped3A_46 = arith.constant 6 : i32
      %run_scoped3A_47 = arith.constant 6 : i32
      "tpu.region"() ({
        %run_scoped3A_56 = tpu.sem_alloc : memref<!tpu.dma_semaphore, #tpu.memory_space<semaphore_mem>>
        %dma_start3A = arith.constant 0 : i32
        %dma_start3A_57 = tpu.memref_slice %arg4[%run_scoped3A_47, %dma_start3A] : memref<8x512xf32, #tpu.memory_space<vmem>> -> memref<1x64xf32, #tpu.memory_space<vmem>>
        %dma_start3A_58 = tpu.memref_squeeze %dma_start3A_57 : memref<1x64xf32, #tpu.memory_space<vmem>> -> memref<64xf32, #tpu.memory_space<vmem>>
        %dma_start3A_59 = arith.constant 999936 : i32
        %dma_start3A_60 = tpu.memref_slice %arg2[%run_scoped3A_46, %dma_start3A_59] : memref<8x1000000xf32, #tpu.memory_space<hbm>> -> memref<1x64xf32, #tpu.memory_space<hbm>>
        %dma_start3A_61 = tpu.memref_squeeze %dma_start3A_60 : memref<1x64xf32, #tpu.memory_space<hbm>> -> memref<64xf32, #tpu.memory_space<hbm>>
        %dma_start3A_62 = arith.constant 0 : i32
        %dma_start3A_63 = tpu.memref_slice %arg4[%run_scoped3A_47, %dma_start3A_62] : memref<8x512xf32, #tpu.memory_space<vmem>> -> memref<1x64xf32, #tpu.memory_space<vmem>>
        %dma_start3A_64 = tpu.memref_squeeze %dma_start3A_63 : memref<1x64xf32, #tpu.memory_space<vmem>> -> memref<64xf32, #tpu.memory_space<vmem>>
        %dma_start3A_65 = arith.constant 999936 : i32
        %dma_start3A_66 = tpu.memref_slice %arg2[%run_scoped3A_46, %dma_start3A_65] : memref<8x1000000xf32, #tpu.memory_space<hbm>> -> memref<1x64xf32, #tpu.memory_space<hbm>>
        %dma_start3A_67 = tpu.memref_squeeze %dma_start3A_66 : memref<1x64xf32, #tpu.memory_space<hbm>> -> memref<64xf32, #tpu.memory_space<hbm>>
        tpu.enqueue_dma source(%dma_start3A_67 : memref<64xf32, #tpu.memory_space<hbm>>) target(%dma_start3A_64 : memref<64xf32, #tpu.memory_space<vmem>>) target_semaphore(%run_scoped3A_56 : memref<!tpu.dma_semaphore, #tpu.memory_space<semaphore_mem>>)
        %dma_wait3A = arith.constant 0 : i32
        %dma_wait3A_68 = tpu.memref_slice %arg4[%run_scoped3A_47, %dma_wait3A] : memref<8x512xf32, #tpu.memory_space<vmem>> -> memref<1x64xf32, #tpu.memory_space<vmem>>
        %dma_wait3A_69 = tpu.memref_squeeze %dma_wait3A_68 : memref<1x64xf32, #tpu.memory_space<vmem>> -> memref<64xf32, #tpu.memory_space<vmem>>
        %dma_wait3A_70 = arith.constant 999936 : i32
        %dma_wait3A_71 = tpu.memref_slice %arg2[%run_scoped3A_46, %dma_wait3A_70] : memref<8x1000000xf32, #tpu.memory_space<hbm>> -> memref<1x64xf32, #tpu.memory_space<hbm>>
        %dma_wait3A_72 = tpu.memref_squeeze %dma_wait3A_71 : memref<1x64xf32, #tpu.memory_space<hbm>> -> memref<64xf32, #tpu.memory_space<hbm>>
        %dma_wait3A_73 = arith.constant 0 : i32
        %dma_wait3A_74 = tpu.memref_slice %arg4[%run_scoped3A_47, %dma_wait3A_73] : memref<8x512xf32, #tpu.memory_space<vmem>> -> memref<1x64xf32, #tpu.memory_space<vmem>>
        %dma_wait3A_75 = tpu.memref_squeeze %dma_wait3A_74 : memref<1x64xf32, #tpu.memory_space<vmem>> -> memref<64xf32, #tpu.memory_space<vmem>>
        %dma_wait3A_76 = arith.constant 999936 : i32
        %dma_wait3A_77 = tpu.memref_slice %arg2[%run_scoped3A_46, %dma_wait3A_76] : memref<8x1000000xf32, #tpu.memory_space<hbm>> -> memref<1x64xf32, #tpu.memory_space<hbm>>
        %dma_wait3A_78 = tpu.memref_squeeze %dma_wait3A_77 : memref<1x64xf32, #tpu.memory_space<hbm>> -> memref<64xf32, #tpu.memory_space<hbm>>
        tpu.wait_dma2 semaphore(%run_scoped3A_56 : memref<!tpu.dma_semaphore, #tpu.memory_space<semaphore_mem>>) src(%dma_wait3A_78 : memref<64xf32, #tpu.memory_space<hbm>>) dst(%dma_wait3A_75 : memref<64xf32, #tpu.memory_space<vmem>>)
        tpu.yield
      }) : () -> ()
      %run_scoped3A_48 = arith.constant 7 : i32
      %run_scoped3A_49 = arith.constant 7 : i32
      "tpu.region"() ({
        %run_scoped3A_56 = tpu.sem_alloc : memref<!tpu.dma_semaphore, #tpu.memory_space<semaphore_mem>>
        %dma_start3A = arith.constant 0 : i32
        %dma_start3A_57 = tpu.memref_slice %arg4[%run_scoped3A_49, %dma_start3A] : memref<8x512xf32, #tpu.memory_space<vmem>> -> memref<1x64xf32, #tpu.memory_space<vmem>>
        %dma_start3A_58 = tpu.memref_squeeze %dma_start3A_57 : memref<1x64xf32, #tpu.memory_space<vmem>> -> memref<64xf32, #tpu.memory_space<vmem>>
        %dma_start3A_59 = arith.constant 999936 : i32
        %dma_start3A_60 = tpu.memref_slice %arg2[%run_scoped3A_48, %dma_start3A_59] : memref<8x1000000xf32, #tpu.memory_space<hbm>> -> memref<1x64xf32, #tpu.memory_space<hbm>>
        %dma_start3A_61 = tpu.memref_squeeze %dma_start3A_60 : memref<1x64xf32, #tpu.memory_space<hbm>> -> memref<64xf32, #tpu.memory_space<hbm>>
        %dma_start3A_62 = arith.constant 0 : i32
        %dma_start3A_63 = tpu.memref_slice %arg4[%run_scoped3A_49, %dma_start3A_62] : memref<8x512xf32, #tpu.memory_space<vmem>> -> memref<1x64xf32, #tpu.memory_space<vmem>>
        %dma_start3A_64 = tpu.memref_squeeze %dma_start3A_63 : memref<1x64xf32, #tpu.memory_space<vmem>> -> memref<64xf32, #tpu.memory_space<vmem>>
        %dma_start3A_65 = arith.constant 999936 : i32
        %dma_start3A_66 = tpu.memref_slice %arg2[%run_scoped3A_48, %dma_start3A_65] : memref<8x1000000xf32, #tpu.memory_space<hbm>> -> memref<1x64xf32, #tpu.memory_space<hbm>>
        %dma_start3A_67 = tpu.memref_squeeze %dma_start3A_66 : memref<1x64xf32, #tpu.memory_space<hbm>> -> memref<64xf32, #tpu.memory_space<hbm>>
        tpu.enqueue_dma source(%dma_start3A_67 : memref<64xf32, #tpu.memory_space<hbm>>) target(%dma_start3A_64 : memref<64xf32, #tpu.memory_space<vmem>>) target_semaphore(%run_scoped3A_56 : memref<!tpu.dma_semaphore, #tpu.memory_space<semaphore_mem>>)
        %dma_wait3A = arith.constant 0 : i32
        %dma_wait3A_68 = tpu.memref_slice %arg4[%run_scoped3A_49, %dma_wait3A] : memref<8x512xf32, #tpu.memory_space<vmem>> -> memref<1x64xf32, #tpu.memory_space<vmem>>
        %dma_wait3A_69 = tpu.memref_squeeze %dma_wait3A_68 : memref<1x64xf32, #tpu.memory_space<vmem>> -> memref<64xf32, #tpu.memory_space<vmem>>
        %dma_wait3A_70 = arith.constant 999936 : i32
        %dma_wait3A_71 = tpu.memref_slice %arg2[%run_scoped3A_48, %dma_wait3A_70] : memref<8x1000000xf32, #tpu.memory_space<hbm>> -> memref<1x64xf32, #tpu.memory_space<hbm>>
        %dma_wait3A_72 = tpu.memref_squeeze %dma_wait3A_71 : memref<1x64xf32, #tpu.memory_space<hbm>> -> memref<64xf32, #tpu.memory_space<hbm>>
        %dma_wait3A_73 = arith.constant 0 : i32
        %dma_wait3A_74 = tpu.memref_slice %arg4[%run_scoped3A_49, %dma_wait3A_73] : memref<8x512xf32, #tpu.memory_space<vmem>> -> memref<1x64xf32, #tpu.memory_space<vmem>>
        %dma_wait3A_75 = tpu.memref_squeeze %dma_wait3A_74 : memref<1x64xf32, #tpu.memory_space<vmem>> -> memref<64xf32, #tpu.memory_space<vmem>>
        %dma_wait3A_76 = arith.constant 999936 : i32
        %dma_wait3A_77 = tpu.memref_slice %arg2[%run_scoped3A_48, %dma_wait3A_76] : memref<8x1000000xf32, #tpu.memory_space<hbm>> -> memref<1x64xf32, #tpu.memory_space<hbm>>
        %dma_wait3A_78 = tpu.memref_squeeze %dma_wait3A_77 : memref<1x64xf32, #tpu.memory_space<hbm>> -> memref<64xf32, #tpu.memory_space<hbm>>
        tpu.wait_dma2 semaphore(%run_scoped3A_56 : memref<!tpu.dma_semaphore, #tpu.memory_space<semaphore_mem>>) src(%dma_wait3A_78 : memref<64xf32, #tpu.memory_space<hbm>>) dst(%dma_wait3A_75 : memref<64xf32, #tpu.memory_space<vmem>>)
        tpu.yield
      }) : () -> ()
      %scan3A_50 = arith.constant 0 : i32
      %scan3A_51 = arith.constant 0 : i32
      %scan3A_52 = arith.constant 4 : i32
      %scan3A_53 = arith.addi %scan3A_51, %scan3A_52 : i32
      %scan3A_54 = arith.constant 1 : i32
      scf.for %scan3A_56 = %scan3A_51 to %scan3A_53 step %scan3A_54  : i32 {
        %mul3A_57 = arith.constant 8 : i32
        %mul3A_58 = arith.muli %mul3A_57, %scan3A_56 : i32
        %add3A_59 = arith.constant 0 : i32
        %add3A_60 = arith.addi %mul3A_58, %add3A_59 : i32
        %mul3A_61 = arith.constant 2 : i32
        %mul3A_62 = arith.muli %mul3A_61, %add3A_60 : i32
        %add3A_63 = vector.broadcast %mul3A_62 : i32 to vector<16xi32>
        %add3A_64 = arith.addi %div3A_4, %add3A_63 : vector<16xi32>
        %gather3A = tpu.vector_load_idx %arg4[%rem3A_2, %add3A_64] : memref<8x512xf32, #tpu.memory_space<vmem>>[vector<16xi32>, vector<16xi32>], vector<16xf32>,
        %mul3A_65 = arith.constant 8 : i32
        %mul3A_66 = arith.muli %mul3A_65, %scan3A_56 : i32
        %add3A_67 = arith.constant 1 : i32
        %add3A_68 = arith.addi %mul3A_66, %add3A_67 : i32
        %mul3A_69 = arith.constant 2 : i32
        %mul3A_70 = arith.muli %mul3A_69, %add3A_68 : i32
        %add3A_71 = vector.broadcast %mul3A_70 : i32 to vector<16xi32>
        %add3A_72 = arith.addi %div3A_4, %add3A_71 : vector<16xi32>
        %gather3A_73 = tpu.vector_load_idx %arg4[%rem3A_2, %add3A_72] : memref<8x512xf32, #tpu.memory_space<vmem>>[vector<16xi32>, vector<16xi32>], vector<16xf32>,
        %mul3A_74 = arith.constant 8 : i32
        %mul3A_75 = arith.muli %mul3A_74, %scan3A_56 : i32
        %add3A_76 = arith.constant 2 : i32
        %add3A_77 = arith.addi %mul3A_75, %add3A_76 : i32
        %mul3A_78 = arith.constant 2 : i32
        %mul3A_79 = arith.muli %mul3A_78, %add3A_77 : i32
        %add3A_80 = vector.broadcast %mul3A_79 : i32 to vector<16xi32>
        %add3A_81 = arith.addi %div3A_4, %add3A_80 : vector<16xi32>
        %gather3A_82 = tpu.vector_load_idx %arg4[%rem3A_2, %add3A_81] : memref<8x512xf32, #tpu.memory_space<vmem>>[vector<16xi32>, vector<16xi32>], vector<16xf32>,
        %mul3A_83 = arith.constant 8 : i32
        %mul3A_84 = arith.muli %mul3A_83, %scan3A_56 : i32
        %add3A_85 = arith.constant 3 : i32
        %add3A_86 = arith.addi %mul3A_84, %add3A_85 : i32
        %mul3A_87 = arith.constant 2 : i32
        %mul3A_88 = arith.muli %mul3A_87, %add3A_86 : i32
        %add3A_89 = vector.broadcast %mul3A_88 : i32 to vector<16xi32>
        %add3A_90 = arith.addi %div3A_4, %add3A_89 : vector<16xi32>
        %gather3A_91 = tpu.vector_load_idx %arg4[%rem3A_2, %add3A_90] : memref<8x512xf32, #tpu.memory_space<vmem>>[vector<16xi32>, vector<16xi32>], vector<16xf32>,
        %mul3A_92 = arith.constant 8 : i32
        %mul3A_93 = arith.muli %mul3A_92, %scan3A_56 : i32
        %add3A_94 = arith.constant 4 : i32
        %add3A_95 = arith.addi %mul3A_93, %add3A_94 : i32
        %mul3A_96 = arith.constant 2 : i32
        %mul3A_97 = arith.muli %mul3A_96, %add3A_95 : i32
        %add3A_98 = vector.broadcast %mul3A_97 : i32 to vector<16xi32>
        %add3A_99 = arith.addi %div3A_4, %add3A_98 : vector<16xi32>
        %gather3A_100 = tpu.vector_load_idx %arg4[%rem3A_2, %add3A_99] : memref<8x512xf32, #tpu.memory_space<vmem>>[vector<16xi32>, vector<16xi32>], vector<16xf32>,
        %mul3A_101 = arith.constant 8 : i32
        %mul3A_102 = arith.muli %mul3A_101, %scan3A_56 : i32
        %add3A_103 = arith.constant 5 : i32
        %add3A_104 = arith.addi %mul3A_102, %add3A_103 : i32
        %mul3A_105 = arith.constant 2 : i32
        %mul3A_106 = arith.muli %mul3A_105, %add3A_104 : i32
        %add3A_107 = vector.broadcast %mul3A_106 : i32 to vector<16xi32>
        %add3A_108 = arith.addi %div3A_4, %add3A_107 : vector<16xi32>
        %gather3A_109 = tpu.vector_load_idx %arg4[%rem3A_2, %add3A_108] : memref<8x512xf32, #tpu.memory_space<vmem>>[vector<16xi32>, vector<16xi32>], vector<16xf32>,
        %mul3A_110 = arith.constant 8 : i32
        %mul3A_111 = arith.muli %mul3A_110, %scan3A_56 : i32
        %add3A_112 = arith.constant 6 : i32
        %add3A_113 = arith.addi %mul3A_111, %add3A_112 : i32
        %mul3A_114 = arith.constant 2 : i32
        %mul3A_115 = arith.muli %mul3A_114, %add3A_113 : i32
        %add3A_116 = vector.broadcast %mul3A_115 : i32 to vector<16xi32>
        %add3A_117 = arith.addi %div3A_4, %add3A_116 : vector<16xi32>
        %gather3A_118 = tpu.vector_load_idx %arg4[%rem3A_2, %add3A_117] : memref<8x512xf32, #tpu.memory_space<vmem>>[vector<16xi32>, vector<16xi32>], vector<16xf32>,
        %mul3A_119 = arith.constant 8 : i32
        %mul3A_120 = arith.muli %mul3A_119, %scan3A_56 : i32
        %add3A_121 = arith.constant 7 : i32
        %add3A_122 = arith.addi %mul3A_120, %add3A_121 : i32
        %mul3A_123 = arith.constant 2 : i32
        %mul3A_124 = arith.muli %mul3A_123, %add3A_122 : i32
        %add3A_125 = vector.broadcast %mul3A_124 : i32 to vector<16xi32>
        %add3A_126 = arith.addi %div3A_4, %add3A_125 : vector<16xi32>
        %gather3A_127 = tpu.vector_load_idx %arg4[%rem3A_2, %add3A_126] : memref<8x512xf32, #tpu.memory_space<vmem>>[vector<16xi32>, vector<16xi32>], vector<16xf32>,
        %mul3A_128 = arith.constant 8 : i32
        %mul3A_129 = arith.muli %mul3A_128, %scan3A_56 : i32
        %add3A_130 = arith.constant 0 : i32
        %add3A_131 = arith.addi %mul3A_129, %add3A_130 : i32
        %mul3A_132 = arith.constant 16 : i32
        %mul3A_133 = arith.muli %mul3A_132, %add3A_131 : i32
        %swap3A = arith.index_cast %mul3A_133 : i32 to index
        %swap3A_134 = tpu.vector_load %arg6[%swap3A] {strides = array<i32>} : memref<4096xf32, #tpu.memory_space<vmem>>, vector<16xf32>,
        tpu.vector_store %arg6[%swap3A], %gather3A {strides = array<i32>} : memref<4096xf32, #tpu.memory_space<vmem>>, vector<16xf32>,
        %mul3A_135 = arith.constant 8 : i32
        %mul3A_136 = arith.muli %mul3A_135, %scan3A_56 : i32
        %add3A_137 = arith.constant 1 : i32
        %add3A_138 = arith.addi %mul3A_136, %add3A_137 : i32
        %mul3A_139 = arith.constant 16 : i32
        %mul3A_140 = arith.muli %mul3A_139, %add3A_138 : i32
        %swap3A_141 = arith.index_cast %mul3A_140 : i32 to index
        %swap3A_142 = tpu.vector_load %arg6[%swap3A_141] {strides = array<i32>} : memref<4096xf32, #tpu.memory_space<vmem>>, vector<16xf32>,
        tpu.vector_store %arg6[%swap3A_141], %gather3A_73 {strides = array<i32>} : memref<4096xf32, #tpu.memory_space<vmem>>, vector<16xf32>,
        %mul3A_143 = arith.constant 8 : i32
        %mul3A_144 = arith.muli %mul3A_143, %scan3A_56 : i32
        %add3A_145 = arith.constant 2 : i32
        %add3A_146 = arith.addi %mul3A_144, %add3A_145 : i32
        %mul3A_147 = arith.constant 16 : i32
        %mul3A_148 = arith.muli %mul3A_147, %add3A_146 : i32
        %swap3A_149 = arith.index_cast %mul3A_148 : i32 to index
        %swap3A_150 = tpu.vector_load %arg6[%swap3A_149] {strides = array<i32>} : memref<4096xf32, #tpu.memory_space<vmem>>, vector<16xf32>,
        tpu.vector_store %arg6[%swap3A_149], %gather3A_82 {strides = array<i32>} : memref<4096xf32, #tpu.memory_space<vmem>>, vector<16xf32>,
        %mul3A_151 = arith.constant 8 : i32
        %mul3A_152 = arith.muli %mul3A_151, %scan3A_56 : i32
        %add3A_153 = arith.constant 3 : i32
        %add3A_154 = arith.addi %mul3A_152, %add3A_153 : i32
        %mul3A_155 = arith.constant 16 : i32
        %mul3A_156 = arith.muli %mul3A_155, %add3A_154 : i32
        %swap3A_157 = arith.index_cast %mul3A_156 : i32 to index
        %swap3A_158 = tpu.vector_load %arg6[%swap3A_157] {strides = array<i32>} : memref<4096xf32, #tpu.memory_space<vmem>>, vector<16xf32>,
        tpu.vector_store %arg6[%swap3A_157], %gather3A_91 {strides = array<i32>} : memref<4096xf32, #tpu.memory_space<vmem>>, vector<16xf32>,
        %mul3A_159 = arith.constant 8 : i32
        %mul3A_160 = arith.muli %mul3A_159, %scan3A_56 : i32
        %add3A_161 = arith.constant 4 : i32
        %add3A_162 = arith.addi %mul3A_160, %add3A_161 : i32
        %mul3A_163 = arith.constant 16 : i32
        %mul3A_164 = arith.muli %mul3A_163, %add3A_162 : i32
        %swap3A_165 = arith.index_cast %mul3A_164 : i32 to index
        %swap3A_166 = tpu.vector_load %arg6[%swap3A_165] {strides = array<i32>} : memref<4096xf32, #tpu.memory_space<vmem>>, vector<16xf32>,
        tpu.vector_store %arg6[%swap3A_165], %gather3A_100 {strides = array<i32>} : memref<4096xf32, #tpu.memory_space<vmem>>, vector<16xf32>,
        %mul3A_167 = arith.constant 8 : i32
        %mul3A_168 = arith.muli %mul3A_167, %scan3A_56 : i32
        %add3A_169 = arith.constant 5 : i32
        %add3A_170 = arith.addi %mul3A_168, %add3A_169 : i32
        %mul3A_171 = arith.constant 16 : i32
        %mul3A_172 = arith.muli %mul3A_171, %add3A_170 : i32
        %swap3A_173 = arith.index_cast %mul3A_172 : i32 to index
        %swap3A_174 = tpu.vector_load %arg6[%swap3A_173] {strides = array<i32>} : memref<4096xf32, #tpu.memory_space<vmem>>, vector<16xf32>,
        tpu.vector_store %arg6[%swap3A_173], %gather3A_109 {strides = array<i32>} : memref<4096xf32, #tpu.memory_space<vmem>>, vector<16xf32>,
        %mul3A_175 = arith.constant 8 : i32
        %mul3A_176 = arith.muli %mul3A_175, %scan3A_56 : i32
        %add3A_177 = arith.constant 6 : i32
        %add3A_178 = arith.addi %mul3A_176, %add3A_177 : i32
        %mul3A_179 = arith.constant 16 : i32
        %mul3A_180 = arith.muli %mul3A_179, %add3A_178 : i32
        %swap3A_181 = arith.index_cast %mul3A_180 : i32 to index
        %swap3A_182 = tpu.vector_load %arg6[%swap3A_181] {strides = array<i32>} : memref<4096xf32, #tpu.memory_space<vmem>>, vector<16xf32>,
        tpu.vector_store %arg6[%swap3A_181], %gather3A_118 {strides = array<i32>} : memref<4096xf32, #tpu.memory_space<vmem>>, vector<16xf32>,
        %mul3A_183 = arith.constant 8 : i32
        %mul3A_184 = arith.muli %mul3A_183, %scan3A_56 : i32
        %add3A_185 = arith.constant 7 : i32
        %add3A_186 = arith.addi %mul3A_184, %add3A_185 : i32
        %mul3A_187 = arith.constant 16 : i32
        %mul3A_188 = arith.muli %mul3A_187, %add3A_186 : i32
        %swap3A_189 = arith.index_cast %mul3A_188 : i32 to index
        %swap3A_190 = tpu.vector_load %arg6[%swap3A_189] {strides = array<i32>} : memref<4096xf32, #tpu.memory_space<vmem>>, vector<16xf32>,
        tpu.vector_store %arg6[%swap3A_189], %gather3A_127 {strides = array<i32>} : memref<4096xf32, #tpu.memory_space<vmem>>, vector<16xf32>,
      }
      %scan3A_55 = arith.constant 4 : i32
      "tpu.region"() ({
        %run_scoped3A_56 = tpu.sem_alloc : memref<!tpu.dma_semaphore, #tpu.memory_space<semaphore_mem>>
        %dma_start3A = arith.constant 0 : i32
        %dma_start3A_57 = tpu.memref_slice %arg6[%dma_start3A] : memref<4096xf32, #tpu.memory_space<vmem>> -> memref<512xf32, #tpu.memory_space<vmem>>
        %dma_start3A_58 = arith.constant 7999488 : i32
        %dma_start3A_59 = tpu.memref_slice %arg3[%dma_start3A_58] : memref<8000000xf32, #tpu.memory_space<hbm>> -> memref<512xf32, #tpu.memory_space<hbm>>
        %dma_start3A_60 = arith.constant 7999488 : i32
        %dma_start3A_61 = tpu.memref_slice %arg3[%dma_start3A_60] : memref<8000000xf32, #tpu.memory_space<hbm>> -> memref<512xf32, #tpu.memory_space<hbm>>
        %dma_start3A_62 = arith.constant 0 : i32
        %dma_start3A_63 = tpu.memref_slice %arg6[%dma_start3A_62] : memref<4096xf32, #tpu.memory_space<vmem>> -> memref<512xf32, #tpu.memory_space<vmem>>
        tpu.enqueue_dma source(%dma_start3A_63 : memref<512xf32, #tpu.memory_space<vmem>>) target(%dma_start3A_61 : memref<512xf32, #tpu.memory_space<hbm>>) target_semaphore(%run_scoped3A_56 : memref<!tpu.dma_semaphore, #tpu.memory_space<semaphore_mem>>)
        %dma_wait3A = arith.constant 0 : i32
        %dma_wait3A_64 = tpu.memref_slice %arg6[%dma_wait3A] : memref<4096xf32, #tpu.memory_space<vmem>> -> memref<512xf32, #tpu.memory_space<vmem>>
        %dma_wait3A_65 = arith.constant 7999488 : i32
        %dma_wait3A_66 = tpu.memref_slice %arg3[%dma_wait3A_65] : memref<8000000xf32, #tpu.memory_space<hbm>> -> memref<512xf32, #tpu.memory_space<hbm>>
        %dma_wait3A_67 = arith.constant 7999488 : i32
        %dma_wait3A_68 = tpu.memref_slice %arg3[%dma_wait3A_67] : memref<8000000xf32, #tpu.memory_space<hbm>> -> memref<512xf32, #tpu.memory_space<hbm>>
        %dma_wait3A_69 = arith.constant 0 : i32
        %dma_wait3A_70 = tpu.memref_slice %arg6[%dma_wait3A_69] : memref<4096xf32, #tpu.memory_space<vmem>> -> memref<512xf32, #tpu.memory_space<vmem>>
        tpu.wait_dma2 semaphore(%run_scoped3A_56 : memref<!tpu.dma_semaphore, #tpu.memory_space<semaphore_mem>>) src(%dma_wait3A_70 : memref<512xf32, #tpu.memory_space<vmem>>) dst(%dma_wait3A_68 : memref<512xf32, #tpu.memory_space<hbm>>)
        tpu.yield
      }) : () -> ()
    } else {
    }
    return
  }
}

#map = affine_map<(d0, d1) -> (0, 0)>
#map1 = affine_map<(d0, d1) -> (0)>
module attributes {stable_mosaic.version = 14 : i64} {
  func.func @emb(%arg0: i32, %arg1: i32, %arg2: memref<1000000x8xf32, #tpu.memory_space<hbm>>, %arg3: memref<3276800xi32, #tpu.memory_space<hbm>>, %arg4: memref<26214400xf32, #tpu.memory_space<hbm>>, %arg5: memref<2048xi32, #tpu.memory_space<vmem>>, %arg6: memref<2048xi32, #tpu.memory_space<vmem>>, %arg7: memref<2048x8xf32, #tpu.memory_space<vmem>>, %arg8: memref<2048x8xf32, #tpu.memory_space<vmem>>, %arg9: memref<16384xf32, #tpu.memory_space<vmem>>, %arg10: memref<16384xf32, #tpu.memory_space<vmem>>, %arg11: memref<!tpu.dma_semaphore, #tpu.memory_space<semaphore_mem>>, %arg12: memref<!tpu.dma_semaphore, #tpu.memory_space<semaphore_mem>>, %arg13: memref<!tpu.dma_semaphore, #tpu.memory_space<semaphore_mem>>, %arg14: memref<!tpu.dma_semaphore, #tpu.memory_space<semaphore_mem>>, %arg15: memref<!tpu.dma_semaphore, #tpu.memory_space<semaphore_mem>>, %arg16: memref<!tpu.dma_semaphore, #tpu.memory_space<semaphore_mem>>) attributes {dimension_semantics = [#tpu.dimension_semantics<core_parallel>, #tpu.dimension_semantics<subcore_parallel>], iteration_bounds = array<i64: 2, 16>, scalar_prefetch = 0 : i64, scratch_operands = 12 : i64, tpu.core_type = #tpu.core_type<sc_vector_subcore>, window_params = [{transform_indices = #map}, {transform_indices = #map1}, {transform_indices = #map1}]} {
    %mul3A = arith.constant 2 : i32
    %mul3A_0 = arith.muli %arg1, %mul3A : i32
    %add3A = arith.addi %mul3A_0, %arg0 : i32
    %mul3A_1 = arith.constant 50 : i32
    %mul3A_2 = arith.muli %add3A, %mul3A_1 : i32
    %iota3A = tpu.iota {dimensions = array<i32: 0>} : vector<16xi32>
    %broadcast_in_dim3A = arith.constant 0 : i32
    %broadcast_in_dim3A_3 = vector.broadcast %broadcast_in_dim3A : i32 to vector<16xi32>
    %broadcast_in_dim3A_4 = arith.constant 1 : i32
    %broadcast_in_dim3A_5 = vector.broadcast %broadcast_in_dim3A_4 : i32 to vector<16xi32>
    %broadcast_in_dim3A_6 = arith.constant 2 : i32
    %broadcast_in_dim3A_7 = vector.broadcast %broadcast_in_dim3A_6 : i32 to vector<16xi32>
    %broadcast_in_dim3A_8 = arith.constant 3 : i32
    %broadcast_in_dim3A_9 = vector.broadcast %broadcast_in_dim3A_8 : i32 to vector<16xi32>
    %broadcast_in_dim3A_10 = arith.constant 4 : i32
    %broadcast_in_dim3A_11 = vector.broadcast %broadcast_in_dim3A_10 : i32 to vector<16xi32>
    %broadcast_in_dim3A_12 = arith.constant 5 : i32
    %broadcast_in_dim3A_13 = vector.broadcast %broadcast_in_dim3A_12 : i32 to vector<16xi32>
    %broadcast_in_dim3A_14 = arith.constant 6 : i32
    %broadcast_in_dim3A_15 = vector.broadcast %broadcast_in_dim3A_14 : i32 to vector<16xi32>
    %broadcast_in_dim3A_16 = arith.constant 7 : i32
    %broadcast_in_dim3A_17 = vector.broadcast %broadcast_in_dim3A_16 : i32 to vector<16xi32>
    %mul3A_18 = arith.constant 2048 : i32
    %mul3A_19 = arith.muli %mul3A_2, %mul3A_18 : i32
    %dma_start3A = tpu.memref_slice %arg3[%mul3A_19] : memref<3276800xi32, #tpu.memory_space<hbm>> -> memref<2048xi32, #tpu.memory_space<hbm>>
    %dma_start3A_20 = tpu.memref_slice %arg3[%mul3A_19] : memref<3276800xi32, #tpu.memory_space<hbm>> -> memref<2048xi32, #tpu.memory_space<hbm>>
    tpu.enqueue_dma source(%dma_start3A_20 : memref<2048xi32, #tpu.memory_space<hbm>>) target(%arg5 : memref<2048xi32, #tpu.memory_space<vmem>>) target_semaphore(%arg11 : memref<!tpu.dma_semaphore, #tpu.memory_space<semaphore_mem>>)
    %dma_wait3A = arith.constant 0 : i32
    %dma_wait3A_21 = tpu.memref_slice %arg3[%dma_wait3A] : memref<3276800xi32, #tpu.memory_space<hbm>> -> memref<2048xi32, #tpu.memory_space<hbm>>
    %dma_wait3A_22 = arith.constant 0 : i32
    %dma_wait3A_23 = tpu.memref_slice %arg3[%dma_wait3A_22] : memref<3276800xi32, #tpu.memory_space<hbm>> -> memref<2048xi32, #tpu.memory_space<hbm>>
    tpu.wait_dma2 semaphore(%arg11 : memref<!tpu.dma_semaphore, #tpu.memory_space<semaphore_mem>>) src(%dma_wait3A_23 : memref<2048xi32, #tpu.memory_space<hbm>>) dst(%arg5 : memref<2048xi32, #tpu.memory_space<vmem>>)
    %dma_start3A_24 = arith.constant 0 : i32
    %dma_start3A_25 = arith.constant 0 : i32
    %dma_start3A_26 = tpu.memref_slice %arg2[%dma_start3A_24, %dma_start3A_25] : memref<1000000x8xf32, #tpu.memory_space<hbm>> -> memref<1000000x8xf32, #tpu.memory_space<hbm>>
    tpu.enqueue_indirect_dma source(%dma_start3A_26 : memref<1000000x8xf32, #tpu.memory_space<hbm>>) target(%arg7 : memref<2048x8xf32, #tpu.memory_space<vmem>>) offsets(%arg5 : memref<2048xi32, #tpu.memory_space<vmem>>) semaphore(%arg13 : memref<!tpu.dma_semaphore, #tpu.memory_space<semaphore_mem>>)
    %add3A_27 = arith.constant 1 : i32
    %add3A_28 = arith.addi %mul3A_2, %add3A_27 : i32
    %mul3A_29 = arith.constant 2048 : i32
    %mul3A_30 = arith.muli %add3A_28, %mul3A_29 : i32
    %dma_start3A_31 = tpu.memref_slice %arg3[%mul3A_30] : memref<3276800xi32, #tpu.memory_space<hbm>> -> memref<2048xi32, #tpu.memory_space<hbm>>
    %dma_start3A_32 = tpu.memref_slice %arg3[%mul3A_30] : memref<3276800xi32, #tpu.memory_space<hbm>> -> memref<2048xi32, #tpu.memory_space<hbm>>
    tpu.enqueue_dma source(%dma_start3A_32 : memref<2048xi32, #tpu.memory_space<hbm>>) target(%arg6 : memref<2048xi32, #tpu.memory_space<vmem>>) target_semaphore(%arg12 : memref<!tpu.dma_semaphore, #tpu.memory_space<semaphore_mem>>)
    %scan3A = arith.constant 0 : i32
    %scan3A_33 = arith.constant 0 : i32
    %scan3A_34 = arith.constant 25 : i32
    %scan3A_35 = arith.addi %scan3A_33, %scan3A_34 : i32
    %scan3A_36 = arith.constant 1 : i32
    scf.for %scan3A_166 = %scan3A_33 to %scan3A_35 step %scan3A_36  : i32 {
      %mul3A_167 = arith.constant 2 : i32
      %mul3A_168 = arith.muli %mul3A_167, %scan3A_166 : i32
      %mul3A_169 = arith.constant 2 : i32
      %mul3A_170 = arith.muli %mul3A_169, %scan3A_166 : i32
      %add3A_171 = arith.constant 1 : i32
      %add3A_172 = arith.addi %mul3A_170, %add3A_171 : i32
      %dma_wait3A_173 = arith.constant 0 : i32
      %dma_wait3A_174 = tpu.memref_slice %arg3[%dma_wait3A_173] : memref<3276800xi32, #tpu.memory_space<hbm>> -> memref<2048xi32, #tpu.memory_space<hbm>>
      %dma_wait3A_175 = arith.constant 0 : i32
      %dma_wait3A_176 = tpu.memref_slice %arg3[%dma_wait3A_175] : memref<3276800xi32, #tpu.memory_space<hbm>> -> memref<2048xi32, #tpu.memory_space<hbm>>
      tpu.wait_dma2 semaphore(%arg12 : memref<!tpu.dma_semaphore, #tpu.memory_space<semaphore_mem>>) src(%dma_wait3A_176 : memref<2048xi32, #tpu.memory_space<hbm>>) dst(%arg6 : memref<2048xi32, #tpu.memory_space<vmem>>)
      %dma_start3A_177 = arith.constant 0 : i32
      %dma_start3A_178 = arith.constant 0 : i32
      %dma_start3A_179 = tpu.memref_slice %arg2[%dma_start3A_177, %dma_start3A_178] : memref<1000000x8xf32, #tpu.memory_space<hbm>> -> memref<1000000x8xf32, #tpu.memory_space<hbm>>
      tpu.enqueue_indirect_dma source(%dma_start3A_179 : memref<1000000x8xf32, #tpu.memory_space<hbm>>) target(%arg8 : memref<2048x8xf32, #tpu.memory_space<vmem>>) offsets(%arg6 : memref<2048xi32, #tpu.memory_space<vmem>>) semaphore(%arg14 : memref<!tpu.dma_semaphore, #tpu.memory_space<semaphore_mem>>)
      %ge3A = arith.constant 1 : i32
      %ge3A_180 = arith.cmpi sge, %scan3A_166, %ge3A : i32
      %convert_element_type3A = arith.extui %ge3A_180 : i1 to i32
      %cond3A = arith.constant 0 : i32
      %cond3A_181 = arith.cmpi ne, %convert_element_type3A, %cond3A : i32
      scf.if %cond3A_181 {
        %dma_wait3A_517 = arith.constant 0 : i32
        %dma_wait3A_518 = tpu.memref_slice %arg10[%dma_wait3A_517] : memref<16384xf32, #tpu.memory_space<vmem>> -> memref<2048xf32, #tpu.memory_space<vmem>>
        %dma_wait3A_519 = arith.constant 0 : i32
        %dma_wait3A_520 = tpu.memref_slice %arg4[%dma_wait3A_519] : memref<26214400xf32, #tpu.memory_space<hbm>> -> memref<2048xf32, #tpu.memory_space<hbm>>
        %dma_wait3A_521 = arith.constant 0 : i32
        %dma_wait3A_522 = tpu.memref_slice %arg4[%dma_wait3A_521] : memref<26214400xf32, #tpu.memory_space<hbm>> -> memref<2048xf32, #tpu.memory_space<hbm>>
        %dma_wait3A_523 = arith.constant 0 : i32
        %dma_wait3A_524 = tpu.memref_slice %arg10[%dma_wait3A_523] : memref<16384xf32, #tpu.memory_space<vmem>> -> memref<2048xf32, #tpu.memory_space<vmem>>
        tpu.wait_dma2 semaphore(%arg16 : memref<!tpu.dma_semaphore, #tpu.memory_space<semaphore_mem>>) src(%dma_wait3A_524 : memref<2048xf32, #tpu.memory_space<vmem>>) dst(%dma_wait3A_522 : memref<2048xf32, #tpu.memory_space<hbm>>)
        %dma_wait3A_525 = arith.constant 0 : i32
        %dma_wait3A_526 = tpu.memref_slice %arg10[%dma_wait3A_525] : memref<16384xf32, #tpu.memory_space<vmem>> -> memref<2048xf32, #tpu.memory_space<vmem>>
        %dma_wait3A_527 = arith.constant 0 : i32
        %dma_wait3A_528 = tpu.memref_slice %arg4[%dma_wait3A_527] : memref<26214400xf32, #tpu.memory_space<hbm>> -> memref<2048xf32, #tpu.memory_space<hbm>>
        %dma_wait3A_529 = arith.constant 0 : i32
        %dma_wait3A_530 = tpu.memref_slice %arg4[%dma_wait3A_529] : memref<26214400xf32, #tpu.memory_space<hbm>> -> memref<2048xf32, #tpu.memory_space<hbm>>
        %dma_wait3A_531 = arith.constant 0 : i32
        %dma_wait3A_532 = tpu.memref_slice %arg10[%dma_wait3A_531] : memref<16384xf32, #tpu.memory_space<vmem>> -> memref<2048xf32, #tpu.memory_space<vmem>>
        tpu.wait_dma2 semaphore(%arg16 : memref<!tpu.dma_semaphore, #tpu.memory_space<semaphore_mem>>) src(%dma_wait3A_532 : memref<2048xf32, #tpu.memory_space<vmem>>) dst(%dma_wait3A_530 : memref<2048xf32, #tpu.memory_space<hbm>>)
        %dma_wait3A_533 = arith.constant 0 : i32
        %dma_wait3A_534 = tpu.memref_slice %arg10[%dma_wait3A_533] : memref<16384xf32, #tpu.memory_space<vmem>> -> memref<2048xf32, #tpu.memory_space<vmem>>
        %dma_wait3A_535 = arith.constant 0 : i32
        %dma_wait3A_536 = tpu.memref_slice %arg4[%dma_wait3A_535] : memref<26214400xf32, #tpu.memory_space<hbm>> -> memref<2048xf32, #tpu.memory_space<hbm>>
        %dma_wait3A_537 = arith.constant 0 : i32
        %dma_wait3A_538 = tpu.memref_slice %arg4[%dma_wait3A_537] : memref<26214400xf32, #tpu.memory_space<hbm>> -> memref<2048xf32, #tpu.memory_space<hbm>>
        %dma_wait3A_539 = arith.constant 0 : i32
        %dma_wait3A_540 = tpu.memref_slice %arg10[%dma_wait3A_539] : memref<16384xf32, #tpu.memory_space<vmem>> -> memref<2048xf32, #tpu.memory_space<vmem>>
        tpu.wait_dma2 semaphore(%arg16 : memref<!tpu.dma_semaphore, #tpu.memory_space<semaphore_mem>>) src(%dma_wait3A_540 : memref<2048xf32, #tpu.memory_space<vmem>>) dst(%dma_wait3A_538 : memref<2048xf32, #tpu.memory_space<hbm>>)
        %dma_wait3A_541 = arith.constant 0 : i32
        %dma_wait3A_542 = tpu.memref_slice %arg10[%dma_wait3A_541] : memref<16384xf32, #tpu.memory_space<vmem>> -> memref<2048xf32, #tpu.memory_space<vmem>>
        %dma_wait3A_543 = arith.constant 0 : i32
        %dma_wait3A_544 = tpu.memref_slice %arg4[%dma_wait3A_543] : memref<26214400xf32, #tpu.memory_space<hbm>> -> memref<2048xf32, #tpu.memory_space<hbm>>
        %dma_wait3A_545 = arith.constant 0 : i32
        %dma_wait3A_546 = tpu.memref_slice %arg4[%dma_wait3A_545] : memref<26214400xf32, #tpu.memory_space<hbm>> -> memref<2048xf32, #tpu.memory_space<hbm>>
        %dma_wait3A_547 = arith.constant 0 : i32
        %dma_wait3A_548 = tpu.memref_slice %arg10[%dma_wait3A_547] : memref<16384xf32, #tpu.memory_space<vmem>> -> memref<2048xf32, #tpu.memory_space<vmem>>
        tpu.wait_dma2 semaphore(%arg16 : memref<!tpu.dma_semaphore, #tpu.memory_space<semaphore_mem>>) src(%dma_wait3A_548 : memref<2048xf32, #tpu.memory_space<vmem>>) dst(%dma_wait3A_546 : memref<2048xf32, #tpu.memory_space<hbm>>)
        %dma_wait3A_549 = arith.constant 0 : i32
        %dma_wait3A_550 = tpu.memref_slice %arg10[%dma_wait3A_549] : memref<16384xf32, #tpu.memory_space<vmem>> -> memref<2048xf32, #tpu.memory_space<vmem>>
        %dma_wait3A_551 = arith.constant 0 : i32
        %dma_wait3A_552 = tpu.memref_slice %arg4[%dma_wait3A_551] : memref<26214400xf32, #tpu.memory_space<hbm>> -> memref<2048xf32, #tpu.memory_space<hbm>>
        %dma_wait3A_553 = arith.constant 0 : i32
        %dma_wait3A_554 = tpu.memref_slice %arg4[%dma_wait3A_553] : memref<26214400xf32, #tpu.memory_space<hbm>> -> memref<2048xf32, #tpu.memory_space<hbm>>
        %dma_wait3A_555 = arith.constant 0 : i32
        %dma_wait3A_556 = tpu.memref_slice %arg10[%dma_wait3A_555] : memref<16384xf32, #tpu.memory_space<vmem>> -> memref<2048xf32, #tpu.memory_space<vmem>>
        tpu.wait_dma2 semaphore(%arg16 : memref<!tpu.dma_semaphore, #tpu.memory_space<semaphore_mem>>) src(%dma_wait3A_556 : memref<2048xf32, #tpu.memory_space<vmem>>) dst(%dma_wait3A_554 : memref<2048xf32, #tpu.memory_space<hbm>>)
        %dma_wait3A_557 = arith.constant 0 : i32
        %dma_wait3A_558 = tpu.memref_slice %arg10[%dma_wait3A_557] : memref<16384xf32, #tpu.memory_space<vmem>> -> memref<2048xf32, #tpu.memory_space<vmem>>
        %dma_wait3A_559 = arith.constant 0 : i32
        %dma_wait3A_560 = tpu.memref_slice %arg4[%dma_wait3A_559] : memref<26214400xf32, #tpu.memory_space<hbm>> -> memref<2048xf32, #tpu.memory_space<hbm>>
        %dma_wait3A_561 = arith.constant 0 : i32
        %dma_wait3A_562 = tpu.memref_slice %arg4[%dma_wait3A_561] : memref<26214400xf32, #tpu.memory_space<hbm>> -> memref<2048xf32, #tpu.memory_space<hbm>>
        %dma_wait3A_563 = arith.constant 0 : i32
        %dma_wait3A_564 = tpu.memref_slice %arg10[%dma_wait3A_563] : memref<16384xf32, #tpu.memory_space<vmem>> -> memref<2048xf32, #tpu.memory_space<vmem>>
        tpu.wait_dma2 semaphore(%arg16 : memref<!tpu.dma_semaphore, #tpu.memory_space<semaphore_mem>>) src(%dma_wait3A_564 : memref<2048xf32, #tpu.memory_space<vmem>>) dst(%dma_wait3A_562 : memref<2048xf32, #tpu.memory_space<hbm>>)
        %dma_wait3A_565 = arith.constant 0 : i32
        %dma_wait3A_566 = tpu.memref_slice %arg10[%dma_wait3A_565] : memref<16384xf32, #tpu.memory_space<vmem>> -> memref<2048xf32, #tpu.memory_space<vmem>>
        %dma_wait3A_567 = arith.constant 0 : i32
        %dma_wait3A_568 = tpu.memref_slice %arg4[%dma_wait3A_567] : memref<26214400xf32, #tpu.memory_space<hbm>> -> memref<2048xf32, #tpu.memory_space<hbm>>
        %dma_wait3A_569 = arith.constant 0 : i32
        %dma_wait3A_570 = tpu.memref_slice %arg4[%dma_wait3A_569] : memref<26214400xf32, #tpu.memory_space<hbm>> -> memref<2048xf32, #tpu.memory_space<hbm>>
        %dma_wait3A_571 = arith.constant 0 : i32
        %dma_wait3A_572 = tpu.memref_slice %arg10[%dma_wait3A_571] : memref<16384xf32, #tpu.memory_space<vmem>> -> memref<2048xf32, #tpu.memory_space<vmem>>
        tpu.wait_dma2 semaphore(%arg16 : memref<!tpu.dma_semaphore, #tpu.memory_space<semaphore_mem>>) src(%dma_wait3A_572 : memref<2048xf32, #tpu.memory_space<vmem>>) dst(%dma_wait3A_570 : memref<2048xf32, #tpu.memory_space<hbm>>)
        %dma_wait3A_573 = arith.constant 0 : i32
        %dma_wait3A_574 = tpu.memref_slice %arg10[%dma_wait3A_573] : memref<16384xf32, #tpu.memory_space<vmem>> -> memref<2048xf32, #tpu.memory_space<vmem>>
        %dma_wait3A_575 = arith.constant 0 : i32
        %dma_wait3A_576 = tpu.memref_slice %arg4[%dma_wait3A_575] : memref<26214400xf32, #tpu.memory_space<hbm>> -> memref<2048xf32, #tpu.memory_space<hbm>>
        %dma_wait3A_577 = arith.constant 0 : i32
        %dma_wait3A_578 = tpu.memref_slice %arg4[%dma_wait3A_577] : memref<26214400xf32, #tpu.memory_space<hbm>> -> memref<2048xf32, #tpu.memory_space<hbm>>
        %dma_wait3A_579 = arith.constant 0 : i32
        %dma_wait3A_580 = tpu.memref_slice %arg10[%dma_wait3A_579] : memref<16384xf32, #tpu.memory_space<vmem>> -> memref<2048xf32, #tpu.memory_space<vmem>>
        tpu.wait_dma2 semaphore(%arg16 : memref<!tpu.dma_semaphore, #tpu.memory_space<semaphore_mem>>) src(%dma_wait3A_580 : memref<2048xf32, #tpu.memory_space<vmem>>) dst(%dma_wait3A_578 : memref<2048xf32, #tpu.memory_space<hbm>>)
      } else {
      }
      %dma_wait3A_182 = arith.constant 0 : i32
      %dma_wait3A_183 = arith.constant 0 : i32
      %dma_wait3A_184 = tpu.memref_slice %arg2[%dma_wait3A_182, %dma_wait3A_183] : memref<1000000x8xf32, #tpu.memory_space<hbm>> -> memref<1000000x8xf32, #tpu.memory_space<hbm>>
      tpu.wait_indirect_dma semaphore(%arg13 : memref<!tpu.dma_semaphore, #tpu.memory_space<semaphore_mem>>) src(%dma_wait3A_184 : memref<1000000x8xf32, #tpu.memory_space<hbm>>) dst(%arg7 : memref<2048x8xf32, #tpu.memory_space<vmem>>)
      %add3A_185 = arith.constant 2 : i32
      %add3A_186 = arith.addi %mul3A_168, %add3A_185 : i32
      %lt3A = arith.constant 50 : i32
      %lt3A_187 = arith.cmpi slt, %add3A_186, %lt3A : i32
      %convert_element_type3A_188 = arith.extui %lt3A_187 : i1 to i32
      %cond3A_189 = arith.constant 0 : i32
      %cond3A_190 = arith.cmpi ne, %convert_element_type3A_188, %cond3A_189 : i32
      scf.if %cond3A_190 {
        %add3A_517 = arith.addi %mul3A_2, %mul3A_168 : i32
        %add3A_518 = arith.constant 2 : i32
        %add3A_519 = arith.addi %add3A_517, %add3A_518 : i32
        %mul3A_520 = arith.constant 2048 : i32
        %mul3A_521 = arith.muli %add3A_519, %mul3A_520 : i32
        %dma_start3A_522 = tpu.memref_slice %arg3[%mul3A_521] : memref<3276800xi32, #tpu.memory_space<hbm>> -> memref<2048xi32, #tpu.memory_space<hbm>>
        %dma_start3A_523 = tpu.memref_slice %arg3[%mul3A_521] : memref<3276800xi32, #tpu.memory_space<hbm>> -> memref<2048xi32, #tpu.memory_space<hbm>>
        tpu.enqueue_dma source(%dma_start3A_523 : memref<2048xi32, #tpu.memory_space<hbm>>) target(%arg5 : memref<2048xi32, #tpu.memory_space<vmem>>) target_semaphore(%arg11 : memref<!tpu.dma_semaphore, #tpu.memory_space<semaphore_mem>>)
      } else {
      }
      %ge3A_191 = arith.constant 1 : i32
      %ge3A_192 = arith.cmpi sge, %scan3A_166, %ge3A_191 : i32
      %convert_element_type3A_193 = arith.extui %ge3A_192 : i1 to i32
      %cond3A_194 = arith.constant 0 : i32
      %cond3A_195 = arith.cmpi ne, %convert_element_type3A_193, %cond3A_194 : i32
      scf.if %cond3A_195 {
        %dma_wait3A_517 = arith.constant 0 : i32
        %dma_wait3A_518 = tpu.memref_slice %arg9[%dma_wait3A_517] : memref<16384xf32, #tpu.memory_space<vmem>> -> memref<2048xf32, #tpu.memory_space<vmem>>
        %dma_wait3A_519 = arith.constant 0 : i32
        %dma_wait3A_520 = tpu.memref_slice %arg4[%dma_wait3A_519] : memref<26214400xf32, #tpu.memory_space<hbm>> -> memref<2048xf32, #tpu.memory_space<hbm>>
        %dma_wait3A_521 = arith.constant 0 : i32
        %dma_wait3A_522 = tpu.memref_slice %arg4[%dma_wait3A_521] : memref<26214400xf32, #tpu.memory_space<hbm>> -> memref<2048xf32, #tpu.memory_space<hbm>>
        %dma_wait3A_523 = arith.constant 0 : i32
        %dma_wait3A_524 = tpu.memref_slice %arg9[%dma_wait3A_523] : memref<16384xf32, #tpu.memory_space<vmem>> -> memref<2048xf32, #tpu.memory_space<vmem>>
        tpu.wait_dma2 semaphore(%arg15 : memref<!tpu.dma_semaphore, #tpu.memory_space<semaphore_mem>>) src(%dma_wait3A_524 : memref<2048xf32, #tpu.memory_space<vmem>>) dst(%dma_wait3A_522 : memref<2048xf32, #tpu.memory_space<hbm>>)
        %dma_wait3A_525 = arith.constant 0 : i32
        %dma_wait3A_526 = tpu.memref_slice %arg9[%dma_wait3A_525] : memref<16384xf32, #tpu.memory_space<vmem>> -> memref<2048xf32, #tpu.memory_space<vmem>>
        %dma_wait3A_527 = arith.constant 0 : i32
        %dma_wait3A_528 = tpu.memref_slice %arg4[%dma_wait3A_527] : memref<26214400xf32, #tpu.memory_space<hbm>> -> memref<2048xf32, #tpu.memory_space<hbm>>
        %dma_wait3A_529 = arith.constant 0 : i32
        %dma_wait3A_530 = tpu.memref_slice %arg4[%dma_wait3A_529] : memref<26214400xf32, #tpu.memory_space<hbm>> -> memref<2048xf32, #tpu.memory_space<hbm>>
        %dma_wait3A_531 = arith.constant 0 : i32
        %dma_wait3A_532 = tpu.memref_slice %arg9[%dma_wait3A_531] : memref<16384xf32, #tpu.memory_space<vmem>> -> memref<2048xf32, #tpu.memory_space<vmem>>
        tpu.wait_dma2 semaphore(%arg15 : memref<!tpu.dma_semaphore, #tpu.memory_space<semaphore_mem>>) src(%dma_wait3A_532 : memref<2048xf32, #tpu.memory_space<vmem>>) dst(%dma_wait3A_530 : memref<2048xf32, #tpu.memory_space<hbm>>)
        %dma_wait3A_533 = arith.constant 0 : i32
        %dma_wait3A_534 = tpu.memref_slice %arg9[%dma_wait3A_533] : memref<16384xf32, #tpu.memory_space<vmem>> -> memref<2048xf32, #tpu.memory_space<vmem>>
        %dma_wait3A_535 = arith.constant 0 : i32
        %dma_wait3A_536 = tpu.memref_slice %arg4[%dma_wait3A_535] : memref<26214400xf32, #tpu.memory_space<hbm>> -> memref<2048xf32, #tpu.memory_space<hbm>>
        %dma_wait3A_537 = arith.constant 0 : i32
        %dma_wait3A_538 = tpu.memref_slice %arg4[%dma_wait3A_537] : memref<26214400xf32, #tpu.memory_space<hbm>> -> memref<2048xf32, #tpu.memory_space<hbm>>
        %dma_wait3A_539 = arith.constant 0 : i32
        %dma_wait3A_540 = tpu.memref_slice %arg9[%dma_wait3A_539] : memref<16384xf32, #tpu.memory_space<vmem>> -> memref<2048xf32, #tpu.memory_space<vmem>>
        tpu.wait_dma2 semaphore(%arg15 : memref<!tpu.dma_semaphore, #tpu.memory_space<semaphore_mem>>) src(%dma_wait3A_540 : memref<2048xf32, #tpu.memory_space<vmem>>) dst(%dma_wait3A_538 : memref<2048xf32, #tpu.memory_space<hbm>>)
        %dma_wait3A_541 = arith.constant 0 : i32
        %dma_wait3A_542 = tpu.memref_slice %arg9[%dma_wait3A_541] : memref<16384xf32, #tpu.memory_space<vmem>> -> memref<2048xf32, #tpu.memory_space<vmem>>
        %dma_wait3A_543 = arith.constant 0 : i32
        %dma_wait3A_544 = tpu.memref_slice %arg4[%dma_wait3A_543] : memref<26214400xf32, #tpu.memory_space<hbm>> -> memref<2048xf32, #tpu.memory_space<hbm>>
        %dma_wait3A_545 = arith.constant 0 : i32
        %dma_wait3A_546 = tpu.memref_slice %arg4[%dma_wait3A_545] : memref<26214400xf32, #tpu.memory_space<hbm>> -> memref<2048xf32, #tpu.memory_space<hbm>>
        %dma_wait3A_547 = arith.constant 0 : i32
        %dma_wait3A_548 = tpu.memref_slice %arg9[%dma_wait3A_547] : memref<16384xf32, #tpu.memory_space<vmem>> -> memref<2048xf32, #tpu.memory_space<vmem>>
        tpu.wait_dma2 semaphore(%arg15 : memref<!tpu.dma_semaphore, #tpu.memory_space<semaphore_mem>>) src(%dma_wait3A_548 : memref<2048xf32, #tpu.memory_space<vmem>>) dst(%dma_wait3A_546 : memref<2048xf32, #tpu.memory_space<hbm>>)
        %dma_wait3A_549 = arith.constant 0 : i32
        %dma_wait3A_550 = tpu.memref_slice %arg9[%dma_wait3A_549] : memref<16384xf32, #tpu.memory_space<vmem>> -> memref<2048xf32, #tpu.memory_space<vmem>>
        %dma_wait3A_551 = arith.constant 0 : i32
        %dma_wait3A_552 = tpu.memref_slice %arg4[%dma_wait3A_551] : memref<26214400xf32, #tpu.memory_space<hbm>> -> memref<2048xf32, #tpu.memory_space<hbm>>
        %dma_wait3A_553 = arith.constant 0 : i32
        %dma_wait3A_554 = tpu.memref_slice %arg4[%dma_wait3A_553] : memref<26214400xf32, #tpu.memory_space<hbm>> -> memref<2048xf32, #tpu.memory_space<hbm>>
        %dma_wait3A_555 = arith.constant 0 : i32
        %dma_wait3A_556 = tpu.memref_slice %arg9[%dma_wait3A_555] : memref<16384xf32, #tpu.memory_space<vmem>> -> memref<2048xf32, #tpu.memory_space<vmem>>
        tpu.wait_dma2 semaphore(%arg15 : memref<!tpu.dma_semaphore, #tpu.memory_space<semaphore_mem>>) src(%dma_wait3A_556 : memref<2048xf32, #tpu.memory_space<vmem>>) dst(%dma_wait3A_554 : memref<2048xf32, #tpu.memory_space<hbm>>)
        %dma_wait3A_557 = arith.constant 0 : i32
        %dma_wait3A_558 = tpu.memref_slice %arg9[%dma_wait3A_557] : memref<16384xf32, #tpu.memory_space<vmem>> -> memref<2048xf32, #tpu.memory_space<vmem>>
        %dma_wait3A_559 = arith.constant 0 : i32
        %dma_wait3A_560 = tpu.memref_slice %arg4[%dma_wait3A_559] : memref<26214400xf32, #tpu.memory_space<hbm>> -> memref<2048xf32, #tpu.memory_space<hbm>>
        %dma_wait3A_561 = arith.constant 0 : i32
        %dma_wait3A_562 = tpu.memref_slice %arg4[%dma_wait3A_561] : memref<26214400xf32, #tpu.memory_space<hbm>> -> memref<2048xf32, #tpu.memory_space<hbm>>
        %dma_wait3A_563 = arith.constant 0 : i32
        %dma_wait3A_564 = tpu.memref_slice %arg9[%dma_wait3A_563] : memref<16384xf32, #tpu.memory_space<vmem>> -> memref<2048xf32, #tpu.memory_space<vmem>>
        tpu.wait_dma2 semaphore(%arg15 : memref<!tpu.dma_semaphore, #tpu.memory_space<semaphore_mem>>) src(%dma_wait3A_564 : memref<2048xf32, #tpu.memory_space<vmem>>) dst(%dma_wait3A_562 : memref<2048xf32, #tpu.memory_space<hbm>>)
        %dma_wait3A_565 = arith.constant 0 : i32
        %dma_wait3A_566 = tpu.memref_slice %arg9[%dma_wait3A_565] : memref<16384xf32, #tpu.memory_space<vmem>> -> memref<2048xf32, #tpu.memory_space<vmem>>
        %dma_wait3A_567 = arith.constant 0 : i32
        %dma_wait3A_568 = tpu.memref_slice %arg4[%dma_wait3A_567] : memref<26214400xf32, #tpu.memory_space<hbm>> -> memref<2048xf32, #tpu.memory_space<hbm>>
        %dma_wait3A_569 = arith.constant 0 : i32
        %dma_wait3A_570 = tpu.memref_slice %arg4[%dma_wait3A_569] : memref<26214400xf32, #tpu.memory_space<hbm>> -> memref<2048xf32, #tpu.memory_space<hbm>>
        %dma_wait3A_571 = arith.constant 0 : i32
        %dma_wait3A_572 = tpu.memref_slice %arg9[%dma_wait3A_571] : memref<16384xf32, #tpu.memory_space<vmem>> -> memref<2048xf32, #tpu.memory_space<vmem>>
        tpu.wait_dma2 semaphore(%arg15 : memref<!tpu.dma_semaphore, #tpu.memory_space<semaphore_mem>>) src(%dma_wait3A_572 : memref<2048xf32, #tpu.memory_space<vmem>>) dst(%dma_wait3A_570 : memref<2048xf32, #tpu.memory_space<hbm>>)
        %dma_wait3A_573 = arith.constant 0 : i32
        %dma_wait3A_574 = tpu.memref_slice %arg9[%dma_wait3A_573] : memref<16384xf32, #tpu.memory_space<vmem>> -> memref<2048xf32, #tpu.memory_space<vmem>>
        %dma_wait3A_575 = arith.constant 0 : i32
        %dma_wait3A_576 = tpu.memref_slice %arg4[%dma_wait3A_575] : memref<26214400xf32, #tpu.memory_space<hbm>> -> memref<2048xf32, #tpu.memory_space<hbm>>
        %dma_wait3A_577 = arith.constant 0 : i32
        %dma_wait3A_578 = tpu.memref_slice %arg4[%dma_wait3A_577] : memref<26214400xf32, #tpu.memory_space<hbm>> -> memref<2048xf32, #tpu.memory_space<hbm>>
        %dma_wait3A_579 = arith.constant 0 : i32
        %dma_wait3A_580 = tpu.memref_slice %arg9[%dma_wait3A_579] : memref<16384xf32, #tpu.memory_space<vmem>> -> memref<2048xf32, #tpu.memory_space<vmem>>
        tpu.wait_dma2 semaphore(%arg15 : memref<!tpu.dma_semaphore, #tpu.memory_space<semaphore_mem>>) src(%dma_wait3A_580 : memref<2048xf32, #tpu.memory_space<vmem>>) dst(%dma_wait3A_578 : memref<2048xf32, #tpu.memory_space<hbm>>)
      } else {
      }
      %add3A_196 = arith.addi %mul3A_2, %mul3A_168 : i32
      %scan3A_197 = arith.constant 0 : i32
      %scan3A_198 = arith.constant 0 : i32
      %scan3A_199 = arith.constant 16 : i32
      %scan3A_200 = arith.addi %scan3A_198, %scan3A_199 : i32
      %scan3A_201 = arith.constant 1 : i32
      scf.for %scan3A_517 = %scan3A_198 to %scan3A_200 step %scan3A_201  : i32 {
        %mul3A_518 = arith.constant 128 : i32
        %mul3A_519 = arith.muli %scan3A_517, %mul3A_518 : i32
        %rem3A_520 = arith.constant 8 : i32
        %rem3A_521 = arith.remsi %scan3A_517, %rem3A_520 : i32
        %mul3A_522 = arith.constant 2 : i32
        %mul3A_523 = arith.muli %rem3A_521, %mul3A_522 : i32
        %mul3A_524 = arith.constant 1024 : i32
        %mul3A_525 = arith.muli %mul3A_523, %mul3A_524 : i32
        %div3A_526 = arith.constant 8 : i32
        %div3A_527 = arith.divsi %scan3A_517, %div3A_526 : i32
        %mul3A_528 = arith.constant 1024 : i32
        %mul3A_529 = arith.muli %div3A_527, %mul3A_528 : i32
        %add3A_530 = arith.addi %mul3A_525, %mul3A_529 : i32
        %add3A_531 = arith.constant 0 : i32
        %add3A_532 = arith.addi %mul3A_519, %add3A_531 : i32
        %gather3A = arith.constant 0 : i32
        %gather3A_533 = tpu.memref_slice %arg7[%add3A_532, %gather3A] : memref<2048x8xf32, #tpu.memory_space<vmem>> -> memref<16x8xf32, #tpu.memory_space<vmem>>
        %gather3A_534 = tpu.vector_load_idx %gather3A_533[%iota3A, %broadcast_in_dim3A_3] : memref<16x8xf32, #tpu.memory_space<vmem>>[vector<16xi32>, vector<16xi32>], vector<16xf32>,
        %gather3A_535 = arith.constant 0 : i32
        %gather3A_536 = tpu.memref_slice %arg7[%add3A_532, %gather3A_535] : memref<2048x8xf32, #tpu.memory_space<vmem>> -> memref<16x8xf32, #tpu.memory_space<vmem>>
        %gather3A_537 = tpu.vector_load_idx %gather3A_536[%iota3A, %broadcast_in_dim3A_5] : memref<16x8xf32, #tpu.memory_space<vmem>>[vector<16xi32>, vector<16xi32>], vector<16xf32>,
        %gather3A_538 = arith.constant 0 : i32
        %gather3A_539 = tpu.memref_slice %arg7[%add3A_532, %gather3A_538] : memref<2048x8xf32, #tpu.memory_space<vmem>> -> memref<16x8xf32, #tpu.memory_space<vmem>>
        %gather3A_540 = tpu.vector_load_idx %gather3A_539[%iota3A, %broadcast_in_dim3A_7] : memref<16x8xf32, #tpu.memory_space<vmem>>[vector<16xi32>, vector<16xi32>], vector<16xf32>,
        %gather3A_541 = arith.constant 0 : i32
        %gather3A_542 = tpu.memref_slice %arg7[%add3A_532, %gather3A_541] : memref<2048x8xf32, #tpu.memory_space<vmem>> -> memref<16x8xf32, #tpu.memory_space<vmem>>
        %gather3A_543 = tpu.vector_load_idx %gather3A_542[%iota3A, %broadcast_in_dim3A_9] : memref<16x8xf32, #tpu.memory_space<vmem>>[vector<16xi32>, vector<16xi32>], vector<16xf32>,
        %gather3A_544 = arith.constant 0 : i32
        %gather3A_545 = tpu.memref_slice %arg7[%add3A_532, %gather3A_544] : memref<2048x8xf32, #tpu.memory_space<vmem>> -> memref<16x8xf32, #tpu.memory_space<vmem>>
        %gather3A_546 = tpu.vector_load_idx %gather3A_545[%iota3A, %broadcast_in_dim3A_11] : memref<16x8xf32, #tpu.memory_space<vmem>>[vector<16xi32>, vector<16xi32>], vector<16xf32>,
        %gather3A_547 = arith.constant 0 : i32
        %gather3A_548 = tpu.memref_slice %arg7[%add3A_532, %gather3A_547] : memref<2048x8xf32, #tpu.memory_space<vmem>> -> memref<16x8xf32, #tpu.memory_space<vmem>>
        %gather3A_549 = tpu.vector_load_idx %gather3A_548[%iota3A, %broadcast_in_dim3A_13] : memref<16x8xf32, #tpu.memory_space<vmem>>[vector<16xi32>, vector<16xi32>], vector<16xf32>,
        %gather3A_550 = arith.constant 0 : i32
        %gather3A_551 = tpu.memref_slice %arg7[%add3A_532, %gather3A_550] : memref<2048x8xf32, #tpu.memory_space<vmem>> -> memref<16x8xf32, #tpu.memory_space<vmem>>
        %gather3A_552 = tpu.vector_load_idx %gather3A_551[%iota3A, %broadcast_in_dim3A_15] : memref<16x8xf32, #tpu.memory_space<vmem>>[vector<16xi32>, vector<16xi32>], vector<16xf32>,
        %gather3A_553 = arith.constant 0 : i32
        %gather3A_554 = tpu.memref_slice %arg7[%add3A_532, %gather3A_553] : memref<2048x8xf32, #tpu.memory_space<vmem>> -> memref<16x8xf32, #tpu.memory_space<vmem>>
        %gather3A_555 = tpu.vector_load_idx %gather3A_554[%iota3A, %broadcast_in_dim3A_17] : memref<16x8xf32, #tpu.memory_space<vmem>>[vector<16xi32>, vector<16xi32>], vector<16xf32>,
        %add3A_556 = arith.constant 0 : i32
        %add3A_557 = arith.addi %add3A_530, %add3A_556 : i32
        %add3A_558 = arith.constant 0 : i32
        %add3A_559 = arith.addi %add3A_557, %add3A_558 : i32
        %swap3A = arith.index_cast %add3A_559 : i32 to index
        %swap3A_560 = tpu.vector_load %arg9[%swap3A] {strides = array<i32>} : memref<16384xf32, #tpu.memory_space<vmem>>, vector<16xf32>,
        tpu.vector_store %arg9[%swap3A], %gather3A_534 {strides = array<i32>} : memref<16384xf32, #tpu.memory_space<vmem>>, vector<16xf32>,
        %add3A_561 = arith.constant 128 : i32
        %add3A_562 = arith.addi %add3A_530, %add3A_561 : i32
        %add3A_563 = arith.constant 0 : i32
        %add3A_564 = arith.addi %add3A_562, %add3A_563 : i32
        %swap3A_565 = arith.index_cast %add3A_564 : i32 to index
        %swap3A_566 = tpu.vector_load %arg9[%swap3A_565] {strides = array<i32>} : memref<16384xf32, #tpu.memory_space<vmem>>, vector<16xf32>,
        tpu.vector_store %arg9[%swap3A_565], %gather3A_537 {strides = array<i32>} : memref<16384xf32, #tpu.memory_space<vmem>>, vector<16xf32>,
        %add3A_567 = arith.constant 256 : i32
        %add3A_568 = arith.addi %add3A_530, %add3A_567 : i32
        %add3A_569 = arith.constant 0 : i32
        %add3A_570 = arith.addi %add3A_568, %add3A_569 : i32
        %swap3A_571 = arith.index_cast %add3A_570 : i32 to index
        %swap3A_572 = tpu.vector_load %arg9[%swap3A_571] {strides = array<i32>} : memref<16384xf32, #tpu.memory_space<vmem>>, vector<16xf32>,
        tpu.vector_store %arg9[%swap3A_571], %gather3A_540 {strides = array<i32>} : memref<16384xf32, #tpu.memory_space<vmem>>, vector<16xf32>,
        %add3A_573 = arith.constant 384 : i32
        %add3A_574 = arith.addi %add3A_530, %add3A_573 : i32
        %add3A_575 = arith.constant 0 : i32
        %add3A_576 = arith.addi %add3A_574, %add3A_575 : i32
        %swap3A_577 = arith.index_cast %add3A_576 : i32 to index
        %swap3A_578 = tpu.vector_load %arg9[%swap3A_577] {strides = array<i32>} : memref<16384xf32, #tpu.memory_space<vmem>>, vector<16xf32>,
        tpu.vector_store %arg9[%swap3A_577], %gather3A_543 {strides = array<i32>} : memref<16384xf32, #tpu.memory_space<vmem>>, vector<16xf32>,
        %add3A_579 = arith.constant 512 : i32
        %add3A_580 = arith.addi %add3A_530, %add3A_579 : i32
        %add3A_581 = arith.constant 0 : i32
        %add3A_582 = arith.addi %add3A_580, %add3A_581 : i32
        %swap3A_583 = arith.index_cast %add3A_582 : i32 to index
        %swap3A_584 = tpu.vector_load %arg9[%swap3A_583] {strides = array<i32>} : memref<16384xf32, #tpu.memory_space<vmem>>, vector<16xf32>,
        tpu.vector_store %arg9[%swap3A_583], %gather3A_546 {strides = array<i32>} : memref<16384xf32, #tpu.memory_space<vmem>>, vector<16xf32>,
        %add3A_585 = arith.constant 640 : i32
        %add3A_586 = arith.addi %add3A_530, %add3A_585 : i32
        %add3A_587 = arith.constant 0 : i32
        %add3A_588 = arith.addi %add3A_586, %add3A_587 : i32
        %swap3A_589 = arith.index_cast %add3A_588 : i32 to index
        %swap3A_590 = tpu.vector_load %arg9[%swap3A_589] {strides = array<i32>} : memref<16384xf32, #tpu.memory_space<vmem>>, vector<16xf32>,
        tpu.vector_store %arg9[%swap3A_589], %gather3A_549 {strides = array<i32>} : memref<16384xf32, #tpu.memory_space<vmem>>, vector<16xf32>,
        %add3A_591 = arith.constant 768 : i32
        %add3A_592 = arith.addi %add3A_530, %add3A_591 : i32
        %add3A_593 = arith.constant 0 : i32
        %add3A_594 = arith.addi %add3A_592, %add3A_593 : i32
        %swap3A_595 = arith.index_cast %add3A_594 : i32 to index
        %swap3A_596 = tpu.vector_load %arg9[%swap3A_595] {strides = array<i32>} : memref<16384xf32, #tpu.memory_space<vmem>>, vector<16xf32>,
        tpu.vector_store %arg9[%swap3A_595], %gather3A_552 {strides = array<i32>} : memref<16384xf32, #tpu.memory_space<vmem>>, vector<16xf32>,
        %add3A_597 = arith.constant 896 : i32
        %add3A_598 = arith.addi %add3A_530, %add3A_597 : i32
        %add3A_599 = arith.constant 0 : i32
        %add3A_600 = arith.addi %add3A_598, %add3A_599 : i32
        %swap3A_601 = arith.index_cast %add3A_600 : i32 to index
        %swap3A_602 = tpu.vector_load %arg9[%swap3A_601] {strides = array<i32>} : memref<16384xf32, #tpu.memory_space<vmem>>, vector<16xf32>,
        tpu.vector_store %arg9[%swap3A_601], %gather3A_555 {strides = array<i32>} : memref<16384xf32, #tpu.memory_space<vmem>>, vector<16xf32>,
        %add3A_603 = arith.constant 16 : i32
        %add3A_604 = arith.addi %mul3A_519, %add3A_603 : i32
        %gather3A_605 = arith.constant 0 : i32
        %gather3A_606 = tpu.memref_slice %arg7[%add3A_604, %gather3A_605] : memref<2048x8xf32, #tpu.memory_space<vmem>> -> memref<16x8xf32, #tpu.memory_space<vmem>>
        %gather3A_607 = tpu.vector_load_idx %gather3A_606[%iota3A, %broadcast_in_dim3A_3] : memref<16x8xf32, #tpu.memory_space<vmem>>[vector<16xi32>, vector<16xi32>], vector<16xf32>,
        %gather3A_608 = arith.constant 0 : i32
        %gather3A_609 = tpu.memref_slice %arg7[%add3A_604, %gather3A_608] : memref<2048x8xf32, #tpu.memory_space<vmem>> -> memref<16x8xf32, #tpu.memory_space<vmem>>
        %gather3A_610 = tpu.vector_load_idx %gather3A_609[%iota3A, %broadcast_in_dim3A_5] : memref<16x8xf32, #tpu.memory_space<vmem>>[vector<16xi32>, vector<16xi32>], vector<16xf32>,
        %gather3A_611 = arith.constant 0 : i32
        %gather3A_612 = tpu.memref_slice %arg7[%add3A_604, %gather3A_611] : memref<2048x8xf32, #tpu.memory_space<vmem>> -> memref<16x8xf32, #tpu.memory_space<vmem>>
        %gather3A_613 = tpu.vector_load_idx %gather3A_612[%iota3A, %broadcast_in_dim3A_7] : memref<16x8xf32, #tpu.memory_space<vmem>>[vector<16xi32>, vector<16xi32>], vector<16xf32>,
        %gather3A_614 = arith.constant 0 : i32
        %gather3A_615 = tpu.memref_slice %arg7[%add3A_604, %gather3A_614] : memref<2048x8xf32, #tpu.memory_space<vmem>> -> memref<16x8xf32, #tpu.memory_space<vmem>>
        %gather3A_616 = tpu.vector_load_idx %gather3A_615[%iota3A, %broadcast_in_dim3A_9] : memref<16x8xf32, #tpu.memory_space<vmem>>[vector<16xi32>, vector<16xi32>], vector<16xf32>,
        %gather3A_617 = arith.constant 0 : i32
        %gather3A_618 = tpu.memref_slice %arg7[%add3A_604, %gather3A_617] : memref<2048x8xf32, #tpu.memory_space<vmem>> -> memref<16x8xf32, #tpu.memory_space<vmem>>
        %gather3A_619 = tpu.vector_load_idx %gather3A_618[%iota3A, %broadcast_in_dim3A_11] : memref<16x8xf32, #tpu.memory_space<vmem>>[vector<16xi32>, vector<16xi32>], vector<16xf32>,
        %gather3A_620 = arith.constant 0 : i32
        %gather3A_621 = tpu.memref_slice %arg7[%add3A_604, %gather3A_620] : memref<2048x8xf32, #tpu.memory_space<vmem>> -> memref<16x8xf32, #tpu.memory_space<vmem>>
        %gather3A_622 = tpu.vector_load_idx %gather3A_621[%iota3A, %broadcast_in_dim3A_13] : memref<16x8xf32, #tpu.memory_space<vmem>>[vector<16xi32>, vector<16xi32>], vector<16xf32>,
        %gather3A_623 = arith.constant 0 : i32
        %gather3A_624 = tpu.memref_slice %arg7[%add3A_604, %gather3A_623] : memref<2048x8xf32, #tpu.memory_space<vmem>> -> memref<16x8xf32, #tpu.memory_space<vmem>>
        %gather3A_625 = tpu.vector_load_idx %gather3A_624[%iota3A, %broadcast_in_dim3A_15] : memref<16x8xf32, #tpu.memory_space<vmem>>[vector<16xi32>, vector<16xi32>], vector<16xf32>,
        %gather3A_626 = arith.constant 0 : i32
        %gather3A_627 = tpu.memref_slice %arg7[%add3A_604, %gather3A_626] : memref<2048x8xf32, #tpu.memory_space<vmem>> -> memref<16x8xf32, #tpu.memory_space<vmem>>
        %gather3A_628 = tpu.vector_load_idx %gather3A_627[%iota3A, %broadcast_in_dim3A_17] : memref<16x8xf32, #tpu.memory_space<vmem>>[vector<16xi32>, vector<16xi32>], vector<16xf32>,
        %add3A_629 = arith.constant 0 : i32
        %add3A_630 = arith.addi %add3A_530, %add3A_629 : i32
        %add3A_631 = arith.constant 16 : i32
        %add3A_632 = arith.addi %add3A_630, %add3A_631 : i32
        %swap3A_633 = arith.index_cast %add3A_632 : i32 to index
        %swap3A_634 = tpu.vector_load %arg9[%swap3A_633] {strides = array<i32>} : memref<16384xf32, #tpu.memory_space<vmem>>, vector<16xf32>,
        tpu.vector_store %arg9[%swap3A_633], %gather3A_607 {strides = array<i32>} : memref<16384xf32, #tpu.memory_space<vmem>>, vector<16xf32>,
        %add3A_635 = arith.constant 128 : i32
        %add3A_636 = arith.addi %add3A_530, %add3A_635 : i32
        %add3A_637 = arith.constant 16 : i32
        %add3A_638 = arith.addi %add3A_636, %add3A_637 : i32
        %swap3A_639 = arith.index_cast %add3A_638 : i32 to index
        %swap3A_640 = tpu.vector_load %arg9[%swap3A_639] {strides = array<i32>} : memref<16384xf32, #tpu.memory_space<vmem>>, vector<16xf32>,
        tpu.vector_store %arg9[%swap3A_639], %gather3A_610 {strides = array<i32>} : memref<16384xf32, #tpu.memory_space<vmem>>, vector<16xf32>,
        %add3A_641 = arith.constant 256 : i32
        %add3A_642 = arith.addi %add3A_530, %add3A_641 : i32
        %add3A_643 = arith.constant 16 : i32
        %add3A_644 = arith.addi %add3A_642, %add3A_643 : i32
        %swap3A_645 = arith.index_cast %add3A_644 : i32 to index
        %swap3A_646 = tpu.vector_load %arg9[%swap3A_645] {strides = array<i32>} : memref<16384xf32, #tpu.memory_space<vmem>>, vector<16xf32>,
        tpu.vector_store %arg9[%swap3A_645], %gather3A_613 {strides = array<i32>} : memref<16384xf32, #tpu.memory_space<vmem>>, vector<16xf32>,
        %add3A_647 = arith.constant 384 : i32
        %add3A_648 = arith.addi %add3A_530, %add3A_647 : i32
        %add3A_649 = arith.constant 16 : i32
        %add3A_650 = arith.addi %add3A_648, %add3A_649 : i32
        %swap3A_651 = arith.index_cast %add3A_650 : i32 to index
        %swap3A_652 = tpu.vector_load %arg9[%swap3A_651] {strides = array<i32>} : memref<16384xf32, #tpu.memory_space<vmem>>, vector<16xf32>,
        tpu.vector_store %arg9[%swap3A_651], %gather3A_616 {strides = array<i32>} : memref<16384xf32, #tpu.memory_space<vmem>>, vector<16xf32>,
        %add3A_653 = arith.constant 512 : i32
        %add3A_654 = arith.addi %add3A_530, %add3A_653 : i32
        %add3A_655 = arith.constant 16 : i32
        %add3A_656 = arith.addi %add3A_654, %add3A_655 : i32
        %swap3A_657 = arith.index_cast %add3A_656 : i32 to index
        %swap3A_658 = tpu.vector_load %arg9[%swap3A_657] {strides = array<i32>} : memref<16384xf32, #tpu.memory_space<vmem>>, vector<16xf32>,
        tpu.vector_store %arg9[%swap3A_657], %gather3A_619 {strides = array<i32>} : memref<16384xf32, #tpu.memory_space<vmem>>, vector<16xf32>,
        %add3A_659 = arith.constant 640 : i32
        %add3A_660 = arith.addi %add3A_530, %add3A_659 : i32
        %add3A_661 = arith.constant 16 : i32
        %add3A_662 = arith.addi %add3A_660, %add3A_661 : i32
        %swap3A_663 = arith.index_cast %add3A_662 : i32 to index
        %swap3A_664 = tpu.vector_load %arg9[%swap3A_663] {strides = array<i32>} : memref<16384xf32, #tpu.memory_space<vmem>>, vector<16xf32>,
        tpu.vector_store %arg9[%swap3A_663], %gather3A_622 {strides = array<i32>} : memref<16384xf32, #tpu.memory_space<vmem>>, vector<16xf32>,
        %add3A_665 = arith.constant 768 : i32
        %add3A_666 = arith.addi %add3A_530, %add3A_665 : i32
        %add3A_667 = arith.constant 16 : i32
        %add3A_668 = arith.addi %add3A_666, %add3A_667 : i32
        %swap3A_669 = arith.index_cast %add3A_668 : i32 to index
        %swap3A_670 = tpu.vector_load %arg9[%swap3A_669] {strides = array<i32>} : memref<16384xf32, #tpu.memory_space<vmem>>, vector<16xf32>,
        tpu.vector_store %arg9[%swap3A_669], %gather3A_625 {strides = array<i32>} : memref<16384xf32, #tpu.memory_space<vmem>>, vector<16xf32>,
        %add3A_671 = arith.constant 896 : i32
        %add3A_672 = arith.addi %add3A_530, %add3A_671 : i32
        %add3A_673 = arith.constant 16 : i32
        %add3A_674 = arith.addi %add3A_672, %add3A_673 : i32
        %swap3A_675 = arith.index_cast %add3A_674 : i32 to index
        %swap3A_676 = tpu.vector_load %arg9[%swap3A_675] {strides = array<i32>} : memref<16384xf32, #tpu.memory_space<vmem>>, vector<16xf32>,
        tpu.vector_store %arg9[%swap3A_675], %gather3A_628 {strides = array<i32>} : memref<16384xf32, #tpu.memory_space<vmem>>, vector<16xf32>,
        %add3A_677 = arith.constant 32 : i32
        %add3A_678 = arith.addi %mul3A_519, %add3A_677 : i32
        %gather3A_679 = arith.constant 0 : i32
        %gather3A_680 = tpu.memref_slice %arg7[%add3A_678, %gather3A_679] : memref<2048x8xf32, #tpu.memory_space<vmem>> -> memref<16x8xf32, #tpu.memory_space<vmem>>
        %gather3A_681 = tpu.vector_load_idx %gather3A_680[%iota3A, %broadcast_in_dim3A_3] : memref<16x8xf32, #tpu.memory_space<vmem>>[vector<16xi32>, vector<16xi32>], vector<16xf32>,
        %gather3A_682 = arith.constant 0 : i32
        %gather3A_683 = tpu.memref_slice %arg7[%add3A_678, %gather3A_682] : memref<2048x8xf32, #tpu.memory_space<vmem>> -> memref<16x8xf32, #tpu.memory_space<vmem>>
        %gather3A_684 = tpu.vector_load_idx %gather3A_683[%iota3A, %broadcast_in_dim3A_5] : memref<16x8xf32, #tpu.memory_space<vmem>>[vector<16xi32>, vector<16xi32>], vector<16xf32>,
        %gather3A_685 = arith.constant 0 : i32
        %gather3A_686 = tpu.memref_slice %arg7[%add3A_678, %gather3A_685] : memref<2048x8xf32, #tpu.memory_space<vmem>> -> memref<16x8xf32, #tpu.memory_space<vmem>>
        %gather3A_687 = tpu.vector_load_idx %gather3A_686[%iota3A, %broadcast_in_dim3A_7] : memref<16x8xf32, #tpu.memory_space<vmem>>[vector<16xi32>, vector<16xi32>], vector<16xf32>,
        %gather3A_688 = arith.constant 0 : i32
        %gather3A_689 = tpu.memref_slice %arg7[%add3A_678, %gather3A_688] : memref<2048x8xf32, #tpu.memory_space<vmem>> -> memref<16x8xf32, #tpu.memory_space<vmem>>
        %gather3A_690 = tpu.vector_load_idx %gather3A_689[%iota3A, %broadcast_in_dim3A_9] : memref<16x8xf32, #tpu.memory_space<vmem>>[vector<16xi32>, vector<16xi32>], vector<16xf32>,
        %gather3A_691 = arith.constant 0 : i32
        %gather3A_692 = tpu.memref_slice %arg7[%add3A_678, %gather3A_691] : memref<2048x8xf32, #tpu.memory_space<vmem>> -> memref<16x8xf32, #tpu.memory_space<vmem>>
        %gather3A_693 = tpu.vector_load_idx %gather3A_692[%iota3A, %broadcast_in_dim3A_11] : memref<16x8xf32, #tpu.memory_space<vmem>>[vector<16xi32>, vector<16xi32>], vector<16xf32>,
        %gather3A_694 = arith.constant 0 : i32
        %gather3A_695 = tpu.memref_slice %arg7[%add3A_678, %gather3A_694] : memref<2048x8xf32, #tpu.memory_space<vmem>> -> memref<16x8xf32, #tpu.memory_space<vmem>>
        %gather3A_696 = tpu.vector_load_idx %gather3A_695[%iota3A, %broadcast_in_dim3A_13] : memref<16x8xf32, #tpu.memory_space<vmem>>[vector<16xi32>, vector<16xi32>], vector<16xf32>,
        %gather3A_697 = arith.constant 0 : i32
        %gather3A_698 = tpu.memref_slice %arg7[%add3A_678, %gather3A_697] : memref<2048x8xf32, #tpu.memory_space<vmem>> -> memref<16x8xf32, #tpu.memory_space<vmem>>
        %gather3A_699 = tpu.vector_load_idx %gather3A_698[%iota3A, %broadcast_in_dim3A_15] : memref<16x8xf32, #tpu.memory_space<vmem>>[vector<16xi32>, vector<16xi32>], vector<16xf32>,
        %gather3A_700 = arith.constant 0 : i32
        %gather3A_701 = tpu.memref_slice %arg7[%add3A_678, %gather3A_700] : memref<2048x8xf32, #tpu.memory_space<vmem>> -> memref<16x8xf32, #tpu.memory_space<vmem>>
        %gather3A_702 = tpu.vector_load_idx %gather3A_701[%iota3A, %broadcast_in_dim3A_17] : memref<16x8xf32, #tpu.memory_space<vmem>>[vector<16xi32>, vector<16xi32>], vector<16xf32>,
        %add3A_703 = arith.constant 0 : i32
        %add3A_704 = arith.addi %add3A_530, %add3A_703 : i32
        %add3A_705 = arith.constant 32 : i32
        %add3A_706 = arith.addi %add3A_704, %add3A_705 : i32
        %swap3A_707 = arith.index_cast %add3A_706 : i32 to index
        %swap3A_708 = tpu.vector_load %arg9[%swap3A_707] {strides = array<i32>} : memref<16384xf32, #tpu.memory_space<vmem>>, vector<16xf32>,
        tpu.vector_store %arg9[%swap3A_707], %gather3A_681 {strides = array<i32>} : memref<16384xf32, #tpu.memory_space<vmem>>, vector<16xf32>,
        %add3A_709 = arith.constant 128 : i32
        %add3A_710 = arith.addi %add3A_530, %add3A_709 : i32
        %add3A_711 = arith.constant 32 : i32
        %add3A_712 = arith.addi %add3A_710, %add3A_711 : i32
        %swap3A_713 = arith.index_cast %add3A_712 : i32 to index
        %swap3A_714 = tpu.vector_load %arg9[%swap3A_713] {strides = array<i32>} : memref<16384xf32, #tpu.memory_space<vmem>>, vector<16xf32>,
        tpu.vector_store %arg9[%swap3A_713], %gather3A_684 {strides = array<i32>} : memref<16384xf32, #tpu.memory_space<vmem>>, vector<16xf32>,
        %add3A_715 = arith.constant 256 : i32
        %add3A_716 = arith.addi %add3A_530, %add3A_715 : i32
        %add3A_717 = arith.constant 32 : i32
        %add3A_718 = arith.addi %add3A_716, %add3A_717 : i32
        %swap3A_719 = arith.index_cast %add3A_718 : i32 to index
        %swap3A_720 = tpu.vector_load %arg9[%swap3A_719] {strides = array<i32>} : memref<16384xf32, #tpu.memory_space<vmem>>, vector<16xf32>,
        tpu.vector_store %arg9[%swap3A_719], %gather3A_687 {strides = array<i32>} : memref<16384xf32, #tpu.memory_space<vmem>>, vector<16xf32>,
        %add3A_721 = arith.constant 384 : i32
        %add3A_722 = arith.addi %add3A_530, %add3A_721 : i32
        %add3A_723 = arith.constant 32 : i32
        %add3A_724 = arith.addi %add3A_722, %add3A_723 : i32
        %swap3A_725 = arith.index_cast %add3A_724 : i32 to index
        %swap3A_726 = tpu.vector_load %arg9[%swap3A_725] {strides = array<i32>} : memref<16384xf32, #tpu.memory_space<vmem>>, vector<16xf32>,
        tpu.vector_store %arg9[%swap3A_725], %gather3A_690 {strides = array<i32>} : memref<16384xf32, #tpu.memory_space<vmem>>, vector<16xf32>,
        %add3A_727 = arith.constant 512 : i32
        %add3A_728 = arith.addi %add3A_530, %add3A_727 : i32
        %add3A_729 = arith.constant 32 : i32
        %add3A_730 = arith.addi %add3A_728, %add3A_729 : i32
        %swap3A_731 = arith.index_cast %add3A_730 : i32 to index
        %swap3A_732 = tpu.vector_load %arg9[%swap3A_731] {strides = array<i32>} : memref<16384xf32, #tpu.memory_space<vmem>>, vector<16xf32>,
        tpu.vector_store %arg9[%swap3A_731], %gather3A_693 {strides = array<i32>} : memref<16384xf32, #tpu.memory_space<vmem>>, vector<16xf32>,
        %add3A_733 = arith.constant 640 : i32
        %add3A_734 = arith.addi %add3A_530, %add3A_733 : i32
        %add3A_735 = arith.constant 32 : i32
        %add3A_736 = arith.addi %add3A_734, %add3A_735 : i32
        %swap3A_737 = arith.index_cast %add3A_736 : i32 to index
        %swap3A_738 = tpu.vector_load %arg9[%swap3A_737] {strides = array<i32>} : memref<16384xf32, #tpu.memory_space<vmem>>, vector<16xf32>,
        tpu.vector_store %arg9[%swap3A_737], %gather3A_696 {strides = array<i32>} : memref<16384xf32, #tpu.memory_space<vmem>>, vector<16xf32>,
        %add3A_739 = arith.constant 768 : i32
        %add3A_740 = arith.addi %add3A_530, %add3A_739 : i32
        %add3A_741 = arith.constant 32 : i32
        %add3A_742 = arith.addi %add3A_740, %add3A_741 : i32
        %swap3A_743 = arith.index_cast %add3A_742 : i32 to index
        %swap3A_744 = tpu.vector_load %arg9[%swap3A_743] {strides = array<i32>} : memref<16384xf32, #tpu.memory_space<vmem>>, vector<16xf32>,
        tpu.vector_store %arg9[%swap3A_743], %gather3A_699 {strides = array<i32>} : memref<16384xf32, #tpu.memory_space<vmem>>, vector<16xf32>,
        %add3A_745 = arith.constant 896 : i32
        %add3A_746 = arith.addi %add3A_530, %add3A_745 : i32
        %add3A_747 = arith.constant 32 : i32
        %add3A_748 = arith.addi %add3A_746, %add3A_747 : i32
        %swap3A_749 = arith.index_cast %add3A_748 : i32 to index
        %swap3A_750 = tpu.vector_load %arg9[%swap3A_749] {strides = array<i32>} : memref<16384xf32, #tpu.memory_space<vmem>>, vector<16xf32>,
        tpu.vector_store %arg9[%swap3A_749], %gather3A_702 {strides = array<i32>} : memref<16384xf32, #tpu.memory_space<vmem>>, vector<16xf32>,
        %add3A_751 = arith.constant 48 : i32
        %add3A_752 = arith.addi %mul3A_519, %add3A_751 : i32
        %gather3A_753 = arith.constant 0 : i32
        %gather3A_754 = tpu.memref_slice %arg7[%add3A_752, %gather3A_753] : memref<2048x8xf32, #tpu.memory_space<vmem>> -> memref<16x8xf32, #tpu.memory_space<vmem>>
        %gather3A_755 = tpu.vector_load_idx %gather3A_754[%iota3A, %broadcast_in_dim3A_3] : memref<16x8xf32, #tpu.memory_space<vmem>>[vector<16xi32>, vector<16xi32>], vector<16xf32>,
        %gather3A_756 = arith.constant 0 : i32
        %gather3A_757 = tpu.memref_slice %arg7[%add3A_752, %gather3A_756] : memref<2048x8xf32, #tpu.memory_space<vmem>> -> memref<16x8xf32, #tpu.memory_space<vmem>>
        %gather3A_758 = tpu.vector_load_idx %gather3A_757[%iota3A, %broadcast_in_dim3A_5] : memref<16x8xf32, #tpu.memory_space<vmem>>[vector<16xi32>, vector<16xi32>], vector<16xf32>,
        %gather3A_759 = arith.constant 0 : i32
        %gather3A_760 = tpu.memref_slice %arg7[%add3A_752, %gather3A_759] : memref<2048x8xf32, #tpu.memory_space<vmem>> -> memref<16x8xf32, #tpu.memory_space<vmem>>
        %gather3A_761 = tpu.vector_load_idx %gather3A_760[%iota3A, %broadcast_in_dim3A_7] : memref<16x8xf32, #tpu.memory_space<vmem>>[vector<16xi32>, vector<16xi32>], vector<16xf32>,
        %gather3A_762 = arith.constant 0 : i32
        %gather3A_763 = tpu.memref_slice %arg7[%add3A_752, %gather3A_762] : memref<2048x8xf32, #tpu.memory_space<vmem>> -> memref<16x8xf32, #tpu.memory_space<vmem>>
        %gather3A_764 = tpu.vector_load_idx %gather3A_763[%iota3A, %broadcast_in_dim3A_9] : memref<16x8xf32, #tpu.memory_space<vmem>>[vector<16xi32>, vector<16xi32>], vector<16xf32>,
        %gather3A_765 = arith.constant 0 : i32
        %gather3A_766 = tpu.memref_slice %arg7[%add3A_752, %gather3A_765] : memref<2048x8xf32, #tpu.memory_space<vmem>> -> memref<16x8xf32, #tpu.memory_space<vmem>>
        %gather3A_767 = tpu.vector_load_idx %gather3A_766[%iota3A, %broadcast_in_dim3A_11] : memref<16x8xf32, #tpu.memory_space<vmem>>[vector<16xi32>, vector<16xi32>], vector<16xf32>,
        %gather3A_768 = arith.constant 0 : i32
        %gather3A_769 = tpu.memref_slice %arg7[%add3A_752, %gather3A_768] : memref<2048x8xf32, #tpu.memory_space<vmem>> -> memref<16x8xf32, #tpu.memory_space<vmem>>
        %gather3A_770 = tpu.vector_load_idx %gather3A_769[%iota3A, %broadcast_in_dim3A_13] : memref<16x8xf32, #tpu.memory_space<vmem>>[vector<16xi32>, vector<16xi32>], vector<16xf32>,
        %gather3A_771 = arith.constant 0 : i32
        %gather3A_772 = tpu.memref_slice %arg7[%add3A_752, %gather3A_771] : memref<2048x8xf32, #tpu.memory_space<vmem>> -> memref<16x8xf32, #tpu.memory_space<vmem>>
        %gather3A_773 = tpu.vector_load_idx %gather3A_772[%iota3A, %broadcast_in_dim3A_15] : memref<16x8xf32, #tpu.memory_space<vmem>>[vector<16xi32>, vector<16xi32>], vector<16xf32>,
        %gather3A_774 = arith.constant 0 : i32
        %gather3A_775 = tpu.memref_slice %arg7[%add3A_752, %gather3A_774] : memref<2048x8xf32, #tpu.memory_space<vmem>> -> memref<16x8xf32, #tpu.memory_space<vmem>>
        %gather3A_776 = tpu.vector_load_idx %gather3A_775[%iota3A, %broadcast_in_dim3A_17] : memref<16x8xf32, #tpu.memory_space<vmem>>[vector<16xi32>, vector<16xi32>], vector<16xf32>,
        %add3A_777 = arith.constant 0 : i32
        %add3A_778 = arith.addi %add3A_530, %add3A_777 : i32
        %add3A_779 = arith.constant 48 : i32
        %add3A_780 = arith.addi %add3A_778, %add3A_779 : i32
        %swap3A_781 = arith.index_cast %add3A_780 : i32 to index
        %swap3A_782 = tpu.vector_load %arg9[%swap3A_781] {strides = array<i32>} : memref<16384xf32, #tpu.memory_space<vmem>>, vector<16xf32>,
        tpu.vector_store %arg9[%swap3A_781], %gather3A_755 {strides = array<i32>} : memref<16384xf32, #tpu.memory_space<vmem>>, vector<16xf32>,
        %add3A_783 = arith.constant 128 : i32
        %add3A_784 = arith.addi %add3A_530, %add3A_783 : i32
        %add3A_785 = arith.constant 48 : i32
        %add3A_786 = arith.addi %add3A_784, %add3A_785 : i32
        %swap3A_787 = arith.index_cast %add3A_786 : i32 to index
        %swap3A_788 = tpu.vector_load %arg9[%swap3A_787] {strides = array<i32>} : memref<16384xf32, #tpu.memory_space<vmem>>, vector<16xf32>,
        tpu.vector_store %arg9[%swap3A_787], %gather3A_758 {strides = array<i32>} : memref<16384xf32, #tpu.memory_space<vmem>>, vector<16xf32>,
        %add3A_789 = arith.constant 256 : i32
        %add3A_790 = arith.addi %add3A_530, %add3A_789 : i32
        %add3A_791 = arith.constant 48 : i32
        %add3A_792 = arith.addi %add3A_790, %add3A_791 : i32
        %swap3A_793 = arith.index_cast %add3A_792 : i32 to index
        %swap3A_794 = tpu.vector_load %arg9[%swap3A_793] {strides = array<i32>} : memref<16384xf32, #tpu.memory_space<vmem>>, vector<16xf32>,
        tpu.vector_store %arg9[%swap3A_793], %gather3A_761 {strides = array<i32>} : memref<16384xf32, #tpu.memory_space<vmem>>, vector<16xf32>,
        %add3A_795 = arith.constant 384 : i32
        %add3A_796 = arith.addi %add3A_530, %add3A_795 : i32
        %add3A_797 = arith.constant 48 : i32
        %add3A_798 = arith.addi %add3A_796, %add3A_797 : i32
        %swap3A_799 = arith.index_cast %add3A_798 : i32 to index
        %swap3A_800 = tpu.vector_load %arg9[%swap3A_799] {strides = array<i32>} : memref<16384xf32, #tpu.memory_space<vmem>>, vector<16xf32>,
        tpu.vector_store %arg9[%swap3A_799], %gather3A_764 {strides = array<i32>} : memref<16384xf32, #tpu.memory_space<vmem>>, vector<16xf32>,
        %add3A_801 = arith.constant 512 : i32
        %add3A_802 = arith.addi %add3A_530, %add3A_801 : i32
        %add3A_803 = arith.constant 48 : i32
        %add3A_804 = arith.addi %add3A_802, %add3A_803 : i32
        %swap3A_805 = arith.index_cast %add3A_804 : i32 to index
        %swap3A_806 = tpu.vector_load %arg9[%swap3A_805] {strides = array<i32>} : memref<16384xf32, #tpu.memory_space<vmem>>, vector<16xf32>,
        tpu.vector_store %arg9[%swap3A_805], %gather3A_767 {strides = array<i32>} : memref<16384xf32, #tpu.memory_space<vmem>>, vector<16xf32>,
        %add3A_807 = arith.constant 640 : i32
        %add3A_808 = arith.addi %add3A_530, %add3A_807 : i32
        %add3A_809 = arith.constant 48 : i32
        %add3A_810 = arith.addi %add3A_808, %add3A_809 : i32
        %swap3A_811 = arith.index_cast %add3A_810 : i32 to index
        %swap3A_812 = tpu.vector_load %arg9[%swap3A_811] {strides = array<i32>} : memref<16384xf32, #tpu.memory_space<vmem>>, vector<16xf32>,
        tpu.vector_store %arg9[%swap3A_811], %gather3A_770 {strides = array<i32>} : memref<16384xf32, #tpu.memory_space<vmem>>, vector<16xf32>,
        %add3A_813 = arith.constant 768 : i32
        %add3A_814 = arith.addi %add3A_530, %add3A_813 : i32
        %add3A_815 = arith.constant 48 : i32
        %add3A_816 = arith.addi %add3A_814, %add3A_815 : i32
        %swap3A_817 = arith.index_cast %add3A_816 : i32 to index
        %swap3A_818 = tpu.vector_load %arg9[%swap3A_817] {strides = array<i32>} : memref<16384xf32, #tpu.memory_space<vmem>>, vector<16xf32>,
        tpu.vector_store %arg9[%swap3A_817], %gather3A_773 {strides = array<i32>} : memref<16384xf32, #tpu.memory_space<vmem>>, vector<16xf32>,
        %add3A_819 = arith.constant 896 : i32
        %add3A_820 = arith.addi %add3A_530, %add3A_819 : i32
        %add3A_821 = arith.constant 48 : i32
        %add3A_822 = arith.addi %add3A_820, %add3A_821 : i32
        %swap3A_823 = arith.index_cast %add3A_822 : i32 to index
        %swap3A_824 = tpu.vector_load %arg9[%swap3A_823] {strides = array<i32>} : memref<16384xf32, #tpu.memory_space<vmem>>, vector<16xf32>,
        tpu.vector_store %arg9[%swap3A_823], %gather3A_776 {strides = array<i32>} : memref<16384xf32, #tpu.memory_space<vmem>>, vector<16xf32>,
        %add3A_825 = arith.constant 64 : i32
        %add3A_826 = arith.addi %mul3A_519, %add3A_825 : i32
        %gather3A_827 = arith.constant 0 : i32
        %gather3A_828 = tpu.memref_slice %arg7[%add3A_826, %gather3A_827] : memref<2048x8xf32, #tpu.memory_space<vmem>> -> memref<16x8xf32, #tpu.memory_space<vmem>>
        %gather3A_829 = tpu.vector_load_idx %gather3A_828[%iota3A, %broadcast_in_dim3A_3] : memref<16x8xf32, #tpu.memory_space<vmem>>[vector<16xi32>, vector<16xi32>], vector<16xf32>,
        %gather3A_830 = arith.constant 0 : i32
        %gather3A_831 = tpu.memref_slice %arg7[%add3A_826, %gather3A_830] : memref<2048x8xf32, #tpu.memory_space<vmem>> -> memref<16x8xf32, #tpu.memory_space<vmem>>
        %gather3A_832 = tpu.vector_load_idx %gather3A_831[%iota3A, %broadcast_in_dim3A_5] : memref<16x8xf32, #tpu.memory_space<vmem>>[vector<16xi32>, vector<16xi32>], vector<16xf32>,
        %gather3A_833 = arith.constant 0 : i32
        %gather3A_834 = tpu.memref_slice %arg7[%add3A_826, %gather3A_833] : memref<2048x8xf32, #tpu.memory_space<vmem>> -> memref<16x8xf32, #tpu.memory_space<vmem>>
        %gather3A_835 = tpu.vector_load_idx %gather3A_834[%iota3A, %broadcast_in_dim3A_7] : memref<16x8xf32, #tpu.memory_space<vmem>>[vector<16xi32>, vector<16xi32>], vector<16xf32>,
        %gather3A_836 = arith.constant 0 : i32
        %gather3A_837 = tpu.memref_slice %arg7[%add3A_826, %gather3A_836] : memref<2048x8xf32, #tpu.memory_space<vmem>> -> memref<16x8xf32, #tpu.memory_space<vmem>>
        %gather3A_838 = tpu.vector_load_idx %gather3A_837[%iota3A, %broadcast_in_dim3A_9] : memref<16x8xf32, #tpu.memory_space<vmem>>[vector<16xi32>, vector<16xi32>], vector<16xf32>,
        %gather3A_839 = arith.constant 0 : i32
        %gather3A_840 = tpu.memref_slice %arg7[%add3A_826, %gather3A_839] : memref<2048x8xf32, #tpu.memory_space<vmem>> -> memref<16x8xf32, #tpu.memory_space<vmem>>
        %gather3A_841 = tpu.vector_load_idx %gather3A_840[%iota3A, %broadcast_in_dim3A_11] : memref<16x8xf32, #tpu.memory_space<vmem>>[vector<16xi32>, vector<16xi32>], vector<16xf32>,
        %gather3A_842 = arith.constant 0 : i32
        %gather3A_843 = tpu.memref_slice %arg7[%add3A_826, %gather3A_842] : memref<2048x8xf32, #tpu.memory_space<vmem>> -> memref<16x8xf32, #tpu.memory_space<vmem>>
        %gather3A_844 = tpu.vector_load_idx %gather3A_843[%iota3A, %broadcast_in_dim3A_13] : memref<16x8xf32, #tpu.memory_space<vmem>>[vector<16xi32>, vector<16xi32>], vector<16xf32>,
        %gather3A_845 = arith.constant 0 : i32
        %gather3A_846 = tpu.memref_slice %arg7[%add3A_826, %gather3A_845] : memref<2048x8xf32, #tpu.memory_space<vmem>> -> memref<16x8xf32, #tpu.memory_space<vmem>>
        %gather3A_847 = tpu.vector_load_idx %gather3A_846[%iota3A, %broadcast_in_dim3A_15] : memref<16x8xf32, #tpu.memory_space<vmem>>[vector<16xi32>, vector<16xi32>], vector<16xf32>,
        %gather3A_848 = arith.constant 0 : i32
        %gather3A_849 = tpu.memref_slice %arg7[%add3A_826, %gather3A_848] : memref<2048x8xf32, #tpu.memory_space<vmem>> -> memref<16x8xf32, #tpu.memory_space<vmem>>
        %gather3A_850 = tpu.vector_load_idx %gather3A_849[%iota3A, %broadcast_in_dim3A_17] : memref<16x8xf32, #tpu.memory_space<vmem>>[vector<16xi32>, vector<16xi32>], vector<16xf32>,
        %add3A_851 = arith.constant 0 : i32
        %add3A_852 = arith.addi %add3A_530, %add3A_851 : i32
        %add3A_853 = arith.constant 64 : i32
        %add3A_854 = arith.addi %add3A_852, %add3A_853 : i32
        %swap3A_855 = arith.index_cast %add3A_854 : i32 to index
        %swap3A_856 = tpu.vector_load %arg9[%swap3A_855] {strides = array<i32>} : memref<16384xf32, #tpu.memory_space<vmem>>, vector<16xf32>,
        tpu.vector_store %arg9[%swap3A_855], %gather3A_829 {strides = array<i32>} : memref<16384xf32, #tpu.memory_space<vmem>>, vector<16xf32>,
        %add3A_857 = arith.constant 128 : i32
        %add3A_858 = arith.addi %add3A_530, %add3A_857 : i32
        %add3A_859 = arith.constant 64 : i32
        %add3A_860 = arith.addi %add3A_858, %add3A_859 : i32
        %swap3A_861 = arith.index_cast %add3A_860 : i32 to index
        %swap3A_862 = tpu.vector_load %arg9[%swap3A_861] {strides = array<i32>} : memref<16384xf32, #tpu.memory_space<vmem>>, vector<16xf32>,
        tpu.vector_store %arg9[%swap3A_861], %gather3A_832 {strides = array<i32>} : memref<16384xf32, #tpu.memory_space<vmem>>, vector<16xf32>,
        %add3A_863 = arith.constant 256 : i32
        %add3A_864 = arith.addi %add3A_530, %add3A_863 : i32
        %add3A_865 = arith.constant 64 : i32
        %add3A_866 = arith.addi %add3A_864, %add3A_865 : i32
        %swap3A_867 = arith.index_cast %add3A_866 : i32 to index
        %swap3A_868 = tpu.vector_load %arg9[%swap3A_867] {strides = array<i32>} : memref<16384xf32, #tpu.memory_space<vmem>>, vector<16xf32>,
        tpu.vector_store %arg9[%swap3A_867], %gather3A_835 {strides = array<i32>} : memref<16384xf32, #tpu.memory_space<vmem>>, vector<16xf32>,
        %add3A_869 = arith.constant 384 : i32
        %add3A_870 = arith.addi %add3A_530, %add3A_869 : i32
        %add3A_871 = arith.constant 64 : i32
        %add3A_872 = arith.addi %add3A_870, %add3A_871 : i32
        %swap3A_873 = arith.index_cast %add3A_872 : i32 to index
        %swap3A_874 = tpu.vector_load %arg9[%swap3A_873] {strides = array<i32>} : memref<16384xf32, #tpu.memory_space<vmem>>, vector<16xf32>,
        tpu.vector_store %arg9[%swap3A_873], %gather3A_838 {strides = array<i32>} : memref<16384xf32, #tpu.memory_space<vmem>>, vector<16xf32>,
        %add3A_875 = arith.constant 512 : i32
        %add3A_876 = arith.addi %add3A_530, %add3A_875 : i32
        %add3A_877 = arith.constant 64 : i32
        %add3A_878 = arith.addi %add3A_876, %add3A_877 : i32
        %swap3A_879 = arith.index_cast %add3A_878 : i32 to index
        %swap3A_880 = tpu.vector_load %arg9[%swap3A_879] {strides = array<i32>} : memref<16384xf32, #tpu.memory_space<vmem>>, vector<16xf32>,
        tpu.vector_store %arg9[%swap3A_879], %gather3A_841 {strides = array<i32>} : memref<16384xf32, #tpu.memory_space<vmem>>, vector<16xf32>,
        %add3A_881 = arith.constant 640 : i32
        %add3A_882 = arith.addi %add3A_530, %add3A_881 : i32
        %add3A_883 = arith.constant 64 : i32
        %add3A_884 = arith.addi %add3A_882, %add3A_883 : i32
        %swap3A_885 = arith.index_cast %add3A_884 : i32 to index
        %swap3A_886 = tpu.vector_load %arg9[%swap3A_885] {strides = array<i32>} : memref<16384xf32, #tpu.memory_space<vmem>>, vector<16xf32>,
        tpu.vector_store %arg9[%swap3A_885], %gather3A_844 {strides = array<i32>} : memref<16384xf32, #tpu.memory_space<vmem>>, vector<16xf32>,
        %add3A_887 = arith.constant 768 : i32
        %add3A_888 = arith.addi %add3A_530, %add3A_887 : i32
        %add3A_889 = arith.constant 64 : i32
        %add3A_890 = arith.addi %add3A_888, %add3A_889 : i32
        %swap3A_891 = arith.index_cast %add3A_890 : i32 to index
        %swap3A_892 = tpu.vector_load %arg9[%swap3A_891] {strides = array<i32>} : memref<16384xf32, #tpu.memory_space<vmem>>, vector<16xf32>,
        tpu.vector_store %arg9[%swap3A_891], %gather3A_847 {strides = array<i32>} : memref<16384xf32, #tpu.memory_space<vmem>>, vector<16xf32>,
        %add3A_893 = arith.constant 896 : i32
        %add3A_894 = arith.addi %add3A_530, %add3A_893 : i32
        %add3A_895 = arith.constant 64 : i32
        %add3A_896 = arith.addi %add3A_894, %add3A_895 : i32
        %swap3A_897 = arith.index_cast %add3A_896 : i32 to index
        %swap3A_898 = tpu.vector_load %arg9[%swap3A_897] {strides = array<i32>} : memref<16384xf32, #tpu.memory_space<vmem>>, vector<16xf32>,
        tpu.vector_store %arg9[%swap3A_897], %gather3A_850 {strides = array<i32>} : memref<16384xf32, #tpu.memory_space<vmem>>, vector<16xf32>,
        %add3A_899 = arith.constant 80 : i32
        %add3A_900 = arith.addi %mul3A_519, %add3A_899 : i32
        %gather3A_901 = arith.constant 0 : i32
        %gather3A_902 = tpu.memref_slice %arg7[%add3A_900, %gather3A_901] : memref<2048x8xf32, #tpu.memory_space<vmem>> -> memref<16x8xf32, #tpu.memory_space<vmem>>
        %gather3A_903 = tpu.vector_load_idx %gather3A_902[%iota3A, %broadcast_in_dim3A_3] : memref<16x8xf32, #tpu.memory_space<vmem>>[vector<16xi32>, vector<16xi32>], vector<16xf32>,
        %gather3A_904 = arith.constant 0 : i32
        %gather3A_905 = tpu.memref_slice %arg7[%add3A_900, %gather3A_904] : memref<2048x8xf32, #tpu.memory_space<vmem>> -> memref<16x8xf32, #tpu.memory_space<vmem>>
        %gather3A_906 = tpu.vector_load_idx %gather3A_905[%iota3A, %broadcast_in_dim3A_5] : memref<16x8xf32, #tpu.memory_space<vmem>>[vector<16xi32>, vector<16xi32>], vector<16xf32>,
        %gather3A_907 = arith.constant 0 : i32
        %gather3A_908 = tpu.memref_slice %arg7[%add3A_900, %gather3A_907] : memref<2048x8xf32, #tpu.memory_space<vmem>> -> memref<16x8xf32, #tpu.memory_space<vmem>>
        %gather3A_909 = tpu.vector_load_idx %gather3A_908[%iota3A, %broadcast_in_dim3A_7] : memref<16x8xf32, #tpu.memory_space<vmem>>[vector<16xi32>, vector<16xi32>], vector<16xf32>,
        %gather3A_910 = arith.constant 0 : i32
        %gather3A_911 = tpu.memref_slice %arg7[%add3A_900, %gather3A_910] : memref<2048x8xf32, #tpu.memory_space<vmem>> -> memref<16x8xf32, #tpu.memory_space<vmem>>
        %gather3A_912 = tpu.vector_load_idx %gather3A_911[%iota3A, %broadcast_in_dim3A_9] : memref<16x8xf32, #tpu.memory_space<vmem>>[vector<16xi32>, vector<16xi32>], vector<16xf32>,
        %gather3A_913 = arith.constant 0 : i32
        %gather3A_914 = tpu.memref_slice %arg7[%add3A_900, %gather3A_913] : memref<2048x8xf32, #tpu.memory_space<vmem>> -> memref<16x8xf32, #tpu.memory_space<vmem>>
        %gather3A_915 = tpu.vector_load_idx %gather3A_914[%iota3A, %broadcast_in_dim3A_11] : memref<16x8xf32, #tpu.memory_space<vmem>>[vector<16xi32>, vector<16xi32>], vector<16xf32>,
        %gather3A_916 = arith.constant 0 : i32
        %gather3A_917 = tpu.memref_slice %arg7[%add3A_900, %gather3A_916] : memref<2048x8xf32, #tpu.memory_space<vmem>> -> memref<16x8xf32, #tpu.memory_space<vmem>>
        %gather3A_918 = tpu.vector_load_idx %gather3A_917[%iota3A, %broadcast_in_dim3A_13] : memref<16x8xf32, #tpu.memory_space<vmem>>[vector<16xi32>, vector<16xi32>], vector<16xf32>,
        %gather3A_919 = arith.constant 0 : i32
        %gather3A_920 = tpu.memref_slice %arg7[%add3A_900, %gather3A_919] : memref<2048x8xf32, #tpu.memory_space<vmem>> -> memref<16x8xf32, #tpu.memory_space<vmem>>
        %gather3A_921 = tpu.vector_load_idx %gather3A_920[%iota3A, %broadcast_in_dim3A_15] : memref<16x8xf32, #tpu.memory_space<vmem>>[vector<16xi32>, vector<16xi32>], vector<16xf32>,
        %gather3A_922 = arith.constant 0 : i32
        %gather3A_923 = tpu.memref_slice %arg7[%add3A_900, %gather3A_922] : memref<2048x8xf32, #tpu.memory_space<vmem>> -> memref<16x8xf32, #tpu.memory_space<vmem>>
        %gather3A_924 = tpu.vector_load_idx %gather3A_923[%iota3A, %broadcast_in_dim3A_17] : memref<16x8xf32, #tpu.memory_space<vmem>>[vector<16xi32>, vector<16xi32>], vector<16xf32>,
        %add3A_925 = arith.constant 0 : i32
        %add3A_926 = arith.addi %add3A_530, %add3A_925 : i32
        %add3A_927 = arith.constant 80 : i32
        %add3A_928 = arith.addi %add3A_926, %add3A_927 : i32
        %swap3A_929 = arith.index_cast %add3A_928 : i32 to index
        %swap3A_930 = tpu.vector_load %arg9[%swap3A_929] {strides = array<i32>} : memref<16384xf32, #tpu.memory_space<vmem>>, vector<16xf32>,
        tpu.vector_store %arg9[%swap3A_929], %gather3A_903 {strides = array<i32>} : memref<16384xf32, #tpu.memory_space<vmem>>, vector<16xf32>,
        %add3A_931 = arith.constant 128 : i32
        %add3A_932 = arith.addi %add3A_530, %add3A_931 : i32
        %add3A_933 = arith.constant 80 : i32
        %add3A_934 = arith.addi %add3A_932, %add3A_933 : i32
        %swap3A_935 = arith.index_cast %add3A_934 : i32 to index
        %swap3A_936 = tpu.vector_load %arg9[%swap3A_935] {strides = array<i32>} : memref<16384xf32, #tpu.memory_space<vmem>>, vector<16xf32>,
        tpu.vector_store %arg9[%swap3A_935], %gather3A_906 {strides = array<i32>} : memref<16384xf32, #tpu.memory_space<vmem>>, vector<16xf32>,
        %add3A_937 = arith.constant 256 : i32
        %add3A_938 = arith.addi %add3A_530, %add3A_937 : i32
        %add3A_939 = arith.constant 80 : i32
        %add3A_940 = arith.addi %add3A_938, %add3A_939 : i32
        %swap3A_941 = arith.index_cast %add3A_940 : i32 to index
        %swap3A_942 = tpu.vector_load %arg9[%swap3A_941] {strides = array<i32>} : memref<16384xf32, #tpu.memory_space<vmem>>, vector<16xf32>,
        tpu.vector_store %arg9[%swap3A_941], %gather3A_909 {strides = array<i32>} : memref<16384xf32, #tpu.memory_space<vmem>>, vector<16xf32>,
        %add3A_943 = arith.constant 384 : i32
        %add3A_944 = arith.addi %add3A_530, %add3A_943 : i32
        %add3A_945 = arith.constant 80 : i32
        %add3A_946 = arith.addi %add3A_944, %add3A_945 : i32
        %swap3A_947 = arith.index_cast %add3A_946 : i32 to index
        %swap3A_948 = tpu.vector_load %arg9[%swap3A_947] {strides = array<i32>} : memref<16384xf32, #tpu.memory_space<vmem>>, vector<16xf32>,
        tpu.vector_store %arg9[%swap3A_947], %gather3A_912 {strides = array<i32>} : memref<16384xf32, #tpu.memory_space<vmem>>, vector<16xf32>,
        %add3A_949 = arith.constant 512 : i32
        %add3A_950 = arith.addi %add3A_530, %add3A_949 : i32
        %add3A_951 = arith.constant 80 : i32
        %add3A_952 = arith.addi %add3A_950, %add3A_951 : i32
        %swap3A_953 = arith.index_cast %add3A_952 : i32 to index
        %swap3A_954 = tpu.vector_load %arg9[%swap3A_953] {strides = array<i32>} : memref<16384xf32, #tpu.memory_space<vmem>>, vector<16xf32>,
        tpu.vector_store %arg9[%swap3A_953], %gather3A_915 {strides = array<i32>} : memref<16384xf32, #tpu.memory_space<vmem>>, vector<16xf32>,
        %add3A_955 = arith.constant 640 : i32
        %add3A_956 = arith.addi %add3A_530, %add3A_955 : i32
        %add3A_957 = arith.constant 80 : i32
        %add3A_958 = arith.addi %add3A_956, %add3A_957 : i32
        %swap3A_959 = arith.index_cast %add3A_958 : i32 to index
        %swap3A_960 = tpu.vector_load %arg9[%swap3A_959] {strides = array<i32>} : memref<16384xf32, #tpu.memory_space<vmem>>, vector<16xf32>,
        tpu.vector_store %arg9[%swap3A_959], %gather3A_918 {strides = array<i32>} : memref<16384xf32, #tpu.memory_space<vmem>>, vector<16xf32>,
        %add3A_961 = arith.constant 768 : i32
        %add3A_962 = arith.addi %add3A_530, %add3A_961 : i32
        %add3A_963 = arith.constant 80 : i32
        %add3A_964 = arith.addi %add3A_962, %add3A_963 : i32
        %swap3A_965 = arith.index_cast %add3A_964 : i32 to index
        %swap3A_966 = tpu.vector_load %arg9[%swap3A_965] {strides = array<i32>} : memref<16384xf32, #tpu.memory_space<vmem>>, vector<16xf32>,
        tpu.vector_store %arg9[%swap3A_965], %gather3A_921 {strides = array<i32>} : memref<16384xf32, #tpu.memory_space<vmem>>, vector<16xf32>,
        %add3A_967 = arith.constant 896 : i32
        %add3A_968 = arith.addi %add3A_530, %add3A_967 : i32
        %add3A_969 = arith.constant 80 : i32
        %add3A_970 = arith.addi %add3A_968, %add3A_969 : i32
        %swap3A_971 = arith.index_cast %add3A_970 : i32 to index
        %swap3A_972 = tpu.vector_load %arg9[%swap3A_971] {strides = array<i32>} : memref<16384xf32, #tpu.memory_space<vmem>>, vector<16xf32>,
        tpu.vector_store %arg9[%swap3A_971], %gather3A_924 {strides = array<i32>} : memref<16384xf32, #tpu.memory_space<vmem>>, vector<16xf32>,
        %add3A_973 = arith.constant 96 : i32
        %add3A_974 = arith.addi %mul3A_519, %add3A_973 : i32
        %gather3A_975 = arith.constant 0 : i32
        %gather3A_976 = tpu.memref_slice %arg7[%add3A_974, %gather3A_975] : memref<2048x8xf32, #tpu.memory_space<vmem>> -> memref<16x8xf32, #tpu.memory_space<vmem>>
        %gather3A_977 = tpu.vector_load_idx %gather3A_976[%iota3A, %broadcast_in_dim3A_3] : memref<16x8xf32, #tpu.memory_space<vmem>>[vector<16xi32>, vector<16xi32>], vector<16xf32>,
        %gather3A_978 = arith.constant 0 : i32
        %gather3A_979 = tpu.memref_slice %arg7[%add3A_974, %gather3A_978] : memref<2048x8xf32, #tpu.memory_space<vmem>> -> memref<16x8xf32, #tpu.memory_space<vmem>>
        %gather3A_980 = tpu.vector_load_idx %gather3A_979[%iota3A, %broadcast_in_dim3A_5] : memref<16x8xf32, #tpu.memory_space<vmem>>[vector<16xi32>, vector<16xi32>], vector<16xf32>,
        %gather3A_981 = arith.constant 0 : i32
        %gather3A_982 = tpu.memref_slice %arg7[%add3A_974, %gather3A_981] : memref<2048x8xf32, #tpu.memory_space<vmem>> -> memref<16x8xf32, #tpu.memory_space<vmem>>
        %gather3A_983 = tpu.vector_load_idx %gather3A_982[%iota3A, %broadcast_in_dim3A_7] : memref<16x8xf32, #tpu.memory_space<vmem>>[vector<16xi32>, vector<16xi32>], vector<16xf32>,
        %gather3A_984 = arith.constant 0 : i32
        %gather3A_985 = tpu.memref_slice %arg7[%add3A_974, %gather3A_984] : memref<2048x8xf32, #tpu.memory_space<vmem>> -> memref<16x8xf32, #tpu.memory_space<vmem>>
        %gather3A_986 = tpu.vector_load_idx %gather3A_985[%iota3A, %broadcast_in_dim3A_9] : memref<16x8xf32, #tpu.memory_space<vmem>>[vector<16xi32>, vector<16xi32>], vector<16xf32>,
        %gather3A_987 = arith.constant 0 : i32
        %gather3A_988 = tpu.memref_slice %arg7[%add3A_974, %gather3A_987] : memref<2048x8xf32, #tpu.memory_space<vmem>> -> memref<16x8xf32, #tpu.memory_space<vmem>>
        %gather3A_989 = tpu.vector_load_idx %gather3A_988[%iota3A, %broadcast_in_dim3A_11] : memref<16x8xf32, #tpu.memory_space<vmem>>[vector<16xi32>, vector<16xi32>], vector<16xf32>,
        %gather3A_990 = arith.constant 0 : i32
        %gather3A_991 = tpu.memref_slice %arg7[%add3A_974, %gather3A_990] : memref<2048x8xf32, #tpu.memory_space<vmem>> -> memref<16x8xf32, #tpu.memory_space<vmem>>
        %gather3A_992 = tpu.vector_load_idx %gather3A_991[%iota3A, %broadcast_in_dim3A_13] : memref<16x8xf32, #tpu.memory_space<vmem>>[vector<16xi32>, vector<16xi32>], vector<16xf32>,
        %gather3A_993 = arith.constant 0 : i32
        %gather3A_994 = tpu.memref_slice %arg7[%add3A_974, %gather3A_993] : memref<2048x8xf32, #tpu.memory_space<vmem>> -> memref<16x8xf32, #tpu.memory_space<vmem>>
        %gather3A_995 = tpu.vector_load_idx %gather3A_994[%iota3A, %broadcast_in_dim3A_15] : memref<16x8xf32, #tpu.memory_space<vmem>>[vector<16xi32>, vector<16xi32>], vector<16xf32>,
        %gather3A_996 = arith.constant 0 : i32
        %gather3A_997 = tpu.memref_slice %arg7[%add3A_974, %gather3A_996] : memref<2048x8xf32, #tpu.memory_space<vmem>> -> memref<16x8xf32, #tpu.memory_space<vmem>>
        %gather3A_998 = tpu.vector_load_idx %gather3A_997[%iota3A, %broadcast_in_dim3A_17] : memref<16x8xf32, #tpu.memory_space<vmem>>[vector<16xi32>, vector<16xi32>], vector<16xf32>,
        %add3A_999 = arith.constant 0 : i32
        %add3A_1000 = arith.addi %add3A_530, %add3A_999 : i32
        %add3A_1001 = arith.constant 96 : i32
        %add3A_1002 = arith.addi %add3A_1000, %add3A_1001 : i32
        %swap3A_1003 = arith.index_cast %add3A_1002 : i32 to index
        %swap3A_1004 = tpu.vector_load %arg9[%swap3A_1003] {strides = array<i32>} : memref<16384xf32, #tpu.memory_space<vmem>>, vector<16xf32>,
        tpu.vector_store %arg9[%swap3A_1003], %gather3A_977 {strides = array<i32>} : memref<16384xf32, #tpu.memory_space<vmem>>, vector<16xf32>,
        %add3A_1005 = arith.constant 128 : i32
        %add3A_1006 = arith.addi %add3A_530, %add3A_1005 : i32
        %add3A_1007 = arith.constant 96 : i32
        %add3A_1008 = arith.addi %add3A_1006, %add3A_1007 : i32
        %swap3A_1009 = arith.index_cast %add3A_1008 : i32 to index
        %swap3A_1010 = tpu.vector_load %arg9[%swap3A_1009] {strides = array<i32>} : memref<16384xf32, #tpu.memory_space<vmem>>, vector<16xf32>,
        tpu.vector_store %arg9[%swap3A_1009], %gather3A_980 {strides = array<i32>} : memref<16384xf32, #tpu.memory_space<vmem>>, vector<16xf32>,
        %add3A_1011 = arith.constant 256 : i32
        %add3A_1012 = arith.addi %add3A_530, %add3A_1011 : i32
        %add3A_1013 = arith.constant 96 : i32
        %add3A_1014 = arith.addi %add3A_1012, %add3A_1013 : i32
        %swap3A_1015 = arith.index_cast %add3A_1014 : i32 to index
        %swap3A_1016 = tpu.vector_load %arg9[%swap3A_1015] {strides = array<i32>} : memref<16384xf32, #tpu.memory_space<vmem>>, vector<16xf32>,
        tpu.vector_store %arg9[%swap3A_1015], %gather3A_983 {strides = array<i32>} : memref<16384xf32, #tpu.memory_space<vmem>>, vector<16xf32>,
        %add3A_1017 = arith.constant 384 : i32
        %add3A_1018 = arith.addi %add3A_530, %add3A_1017 : i32
        %add3A_1019 = arith.constant 96 : i32
        %add3A_1020 = arith.addi %add3A_1018, %add3A_1019 : i32
        %swap3A_1021 = arith.index_cast %add3A_1020 : i32 to index
        %swap3A_1022 = tpu.vector_load %arg9[%swap3A_1021] {strides = array<i32>} : memref<16384xf32, #tpu.memory_space<vmem>>, vector<16xf32>,
        tpu.vector_store %arg9[%swap3A_1021], %gather3A_986 {strides = array<i32>} : memref<16384xf32, #tpu.memory_space<vmem>>, vector<16xf32>,
        %add3A_1023 = arith.constant 512 : i32
        %add3A_1024 = arith.addi %add3A_530, %add3A_1023 : i32
        %add3A_1025 = arith.constant 96 : i32
        %add3A_1026 = arith.addi %add3A_1024, %add3A_1025 : i32
        %swap3A_1027 = arith.index_cast %add3A_1026 : i32 to index
        %swap3A_1028 = tpu.vector_load %arg9[%swap3A_1027] {strides = array<i32>} : memref<16384xf32, #tpu.memory_space<vmem>>, vector<16xf32>,
        tpu.vector_store %arg9[%swap3A_1027], %gather3A_989 {strides = array<i32>} : memref<16384xf32, #tpu.memory_space<vmem>>, vector<16xf32>,
        %add3A_1029 = arith.constant 640 : i32
        %add3A_1030 = arith.addi %add3A_530, %add3A_1029 : i32
        %add3A_1031 = arith.constant 96 : i32
        %add3A_1032 = arith.addi %add3A_1030, %add3A_1031 : i32
        %swap3A_1033 = arith.index_cast %add3A_1032 : i32 to index
        %swap3A_1034 = tpu.vector_load %arg9[%swap3A_1033] {strides = array<i32>} : memref<16384xf32, #tpu.memory_space<vmem>>, vector<16xf32>,
        tpu.vector_store %arg9[%swap3A_1033], %gather3A_992 {strides = array<i32>} : memref<16384xf32, #tpu.memory_space<vmem>>, vector<16xf32>,
        %add3A_1035 = arith.constant 768 : i32
        %add3A_1036 = arith.addi %add3A_530, %add3A_1035 : i32
        %add3A_1037 = arith.constant 96 : i32
        %add3A_1038 = arith.addi %add3A_1036, %add3A_1037 : i32
        %swap3A_1039 = arith.index_cast %add3A_1038 : i32 to index
        %swap3A_1040 = tpu.vector_load %arg9[%swap3A_1039] {strides = array<i32>} : memref<16384xf32, #tpu.memory_space<vmem>>, vector<16xf32>,
        tpu.vector_store %arg9[%swap3A_1039], %gather3A_995 {strides = array<i32>} : memref<16384xf32, #tpu.memory_space<vmem>>, vector<16xf32>,
        %add3A_1041 = arith.constant 896 : i32
        %add3A_1042 = arith.addi %add3A_530, %add3A_1041 : i32
        %add3A_1043 = arith.constant 96 : i32
        %add3A_1044 = arith.addi %add3A_1042, %add3A_1043 : i32
        %swap3A_1045 = arith.index_cast %add3A_1044 : i32 to index
        %swap3A_1046 = tpu.vector_load %arg9[%swap3A_1045] {strides = array<i32>} : memref<16384xf32, #tpu.memory_space<vmem>>, vector<16xf32>,
        tpu.vector_store %arg9[%swap3A_1045], %gather3A_998 {strides = array<i32>} : memref<16384xf32, #tpu.memory_space<vmem>>, vector<16xf32>,
        %add3A_1047 = arith.constant 112 : i32
        %add3A_1048 = arith.addi %mul3A_519, %add3A_1047 : i32
        %gather3A_1049 = arith.constant 0 : i32
        %gather3A_1050 = tpu.memref_slice %arg7[%add3A_1048, %gather3A_1049] : memref<2048x8xf32, #tpu.memory_space<vmem>> -> memref<16x8xf32, #tpu.memory_space<vmem>>
        %gather3A_1051 = tpu.vector_load_idx %gather3A_1050[%iota3A, %broadcast_in_dim3A_3] : memref<16x8xf32, #tpu.memory_space<vmem>>[vector<16xi32>, vector<16xi32>], vector<16xf32>,
        %gather3A_1052 = arith.constant 0 : i32
        %gather3A_1053 = tpu.memref_slice %arg7[%add3A_1048, %gather3A_1052] : memref<2048x8xf32, #tpu.memory_space<vmem>> -> memref<16x8xf32, #tpu.memory_space<vmem>>
        %gather3A_1054 = tpu.vector_load_idx %gather3A_1053[%iota3A, %broadcast_in_dim3A_5] : memref<16x8xf32, #tpu.memory_space<vmem>>[vector<16xi32>, vector<16xi32>], vector<16xf32>,
        %gather3A_1055 = arith.constant 0 : i32
        %gather3A_1056 = tpu.memref_slice %arg7[%add3A_1048, %gather3A_1055] : memref<2048x8xf32, #tpu.memory_space<vmem>> -> memref<16x8xf32, #tpu.memory_space<vmem>>
        %gather3A_1057 = tpu.vector_load_idx %gather3A_1056[%iota3A, %broadcast_in_dim3A_7] : memref<16x8xf32, #tpu.memory_space<vmem>>[vector<16xi32>, vector<16xi32>], vector<16xf32>,
        %gather3A_1058 = arith.constant 0 : i32
        %gather3A_1059 = tpu.memref_slice %arg7[%add3A_1048, %gather3A_1058] : memref<2048x8xf32, #tpu.memory_space<vmem>> -> memref<16x8xf32, #tpu.memory_space<vmem>>
        %gather3A_1060 = tpu.vector_load_idx %gather3A_1059[%iota3A, %broadcast_in_dim3A_9] : memref<16x8xf32, #tpu.memory_space<vmem>>[vector<16xi32>, vector<16xi32>], vector<16xf32>,
        %gather3A_1061 = arith.constant 0 : i32
        %gather3A_1062 = tpu.memref_slice %arg7[%add3A_1048, %gather3A_1061] : memref<2048x8xf32, #tpu.memory_space<vmem>> -> memref<16x8xf32, #tpu.memory_space<vmem>>
        %gather3A_1063 = tpu.vector_load_idx %gather3A_1062[%iota3A, %broadcast_in_dim3A_11] : memref<16x8xf32, #tpu.memory_space<vmem>>[vector<16xi32>, vector<16xi32>], vector<16xf32>,
        %gather3A_1064 = arith.constant 0 : i32
        %gather3A_1065 = tpu.memref_slice %arg7[%add3A_1048, %gather3A_1064] : memref<2048x8xf32, #tpu.memory_space<vmem>> -> memref<16x8xf32, #tpu.memory_space<vmem>>
        %gather3A_1066 = tpu.vector_load_idx %gather3A_1065[%iota3A, %broadcast_in_dim3A_13] : memref<16x8xf32, #tpu.memory_space<vmem>>[vector<16xi32>, vector<16xi32>], vector<16xf32>,
        %gather3A_1067 = arith.constant 0 : i32
        %gather3A_1068 = tpu.memref_slice %arg7[%add3A_1048, %gather3A_1067] : memref<2048x8xf32, #tpu.memory_space<vmem>> -> memref<16x8xf32, #tpu.memory_space<vmem>>
        %gather3A_1069 = tpu.vector_load_idx %gather3A_1068[%iota3A, %broadcast_in_dim3A_15] : memref<16x8xf32, #tpu.memory_space<vmem>>[vector<16xi32>, vector<16xi32>], vector<16xf32>,
        %gather3A_1070 = arith.constant 0 : i32
        %gather3A_1071 = tpu.memref_slice %arg7[%add3A_1048, %gather3A_1070] : memref<2048x8xf32, #tpu.memory_space<vmem>> -> memref<16x8xf32, #tpu.memory_space<vmem>>
        %gather3A_1072 = tpu.vector_load_idx %gather3A_1071[%iota3A, %broadcast_in_dim3A_17] : memref<16x8xf32, #tpu.memory_space<vmem>>[vector<16xi32>, vector<16xi32>], vector<16xf32>,
        %add3A_1073 = arith.constant 0 : i32
        %add3A_1074 = arith.addi %add3A_530, %add3A_1073 : i32
        %add3A_1075 = arith.constant 112 : i32
        %add3A_1076 = arith.addi %add3A_1074, %add3A_1075 : i32
        %swap3A_1077 = arith.index_cast %add3A_1076 : i32 to index
        %swap3A_1078 = tpu.vector_load %arg9[%swap3A_1077] {strides = array<i32>} : memref<16384xf32, #tpu.memory_space<vmem>>, vector<16xf32>,
        tpu.vector_store %arg9[%swap3A_1077], %gather3A_1051 {strides = array<i32>} : memref<16384xf32, #tpu.memory_space<vmem>>, vector<16xf32>,
        %add3A_1079 = arith.constant 128 : i32
        %add3A_1080 = arith.addi %add3A_530, %add3A_1079 : i32
        %add3A_1081 = arith.constant 112 : i32
        %add3A_1082 = arith.addi %add3A_1080, %add3A_1081 : i32
        %swap3A_1083 = arith.index_cast %add3A_1082 : i32 to index
        %swap3A_1084 = tpu.vector_load %arg9[%swap3A_1083] {strides = array<i32>} : memref<16384xf32, #tpu.memory_space<vmem>>, vector<16xf32>,
        tpu.vector_store %arg9[%swap3A_1083], %gather3A_1054 {strides = array<i32>} : memref<16384xf32, #tpu.memory_space<vmem>>, vector<16xf32>,
        %add3A_1085 = arith.constant 256 : i32
        %add3A_1086 = arith.addi %add3A_530, %add3A_1085 : i32
        %add3A_1087 = arith.constant 112 : i32
        %add3A_1088 = arith.addi %add3A_1086, %add3A_1087 : i32
        %swap3A_1089 = arith.index_cast %add3A_1088 : i32 to index
        %swap3A_1090 = tpu.vector_load %arg9[%swap3A_1089] {strides = array<i32>} : memref<16384xf32, #tpu.memory_space<vmem>>, vector<16xf32>,
        tpu.vector_store %arg9[%swap3A_1089], %gather3A_1057 {strides = array<i32>} : memref<16384xf32, #tpu.memory_space<vmem>>, vector<16xf32>,
        %add3A_1091 = arith.constant 384 : i32
        %add3A_1092 = arith.addi %add3A_530, %add3A_1091 : i32
        %add3A_1093 = arith.constant 112 : i32
        %add3A_1094 = arith.addi %add3A_1092, %add3A_1093 : i32
        %swap3A_1095 = arith.index_cast %add3A_1094 : i32 to index
        %swap3A_1096 = tpu.vector_load %arg9[%swap3A_1095] {strides = array<i32>} : memref<16384xf32, #tpu.memory_space<vmem>>, vector<16xf32>,
        tpu.vector_store %arg9[%swap3A_1095], %gather3A_1060 {strides = array<i32>} : memref<16384xf32, #tpu.memory_space<vmem>>, vector<16xf32>,
        %add3A_1097 = arith.constant 512 : i32
        %add3A_1098 = arith.addi %add3A_530, %add3A_1097 : i32
        %add3A_1099 = arith.constant 112 : i32
        %add3A_1100 = arith.addi %add3A_1098, %add3A_1099 : i32
        %swap3A_1101 = arith.index_cast %add3A_1100 : i32 to index
        %swap3A_1102 = tpu.vector_load %arg9[%swap3A_1101] {strides = array<i32>} : memref<16384xf32, #tpu.memory_space<vmem>>, vector<16xf32>,
        tpu.vector_store %arg9[%swap3A_1101], %gather3A_1063 {strides = array<i32>} : memref<16384xf32, #tpu.memory_space<vmem>>, vector<16xf32>,
        %add3A_1103 = arith.constant 640 : i32
        %add3A_1104 = arith.addi %add3A_530, %add3A_1103 : i32
        %add3A_1105 = arith.constant 112 : i32
        %add3A_1106 = arith.addi %add3A_1104, %add3A_1105 : i32
        %swap3A_1107 = arith.index_cast %add3A_1106 : i32 to index
        %swap3A_1108 = tpu.vector_load %arg9[%swap3A_1107] {strides = array<i32>} : memref<16384xf32, #tpu.memory_space<vmem>>, vector<16xf32>,
        tpu.vector_store %arg9[%swap3A_1107], %gather3A_1066 {strides = array<i32>} : memref<16384xf32, #tpu.memory_space<vmem>>, vector<16xf32>,
        %add3A_1109 = arith.constant 768 : i32
        %add3A_1110 = arith.addi %add3A_530, %add3A_1109 : i32
        %add3A_1111 = arith.constant 112 : i32
        %add3A_1112 = arith.addi %add3A_1110, %add3A_1111 : i32
        %swap3A_1113 = arith.index_cast %add3A_1112 : i32 to index
        %swap3A_1114 = tpu.vector_load %arg9[%swap3A_1113] {strides = array<i32>} : memref<16384xf32, #tpu.memory_space<vmem>>, vector<16xf32>,
        tpu.vector_store %arg9[%swap3A_1113], %gather3A_1069 {strides = array<i32>} : memref<16384xf32, #tpu.memory_space<vmem>>, vector<16xf32>,
        %add3A_1115 = arith.constant 896 : i32
        %add3A_1116 = arith.addi %add3A_530, %add3A_1115 : i32
        %add3A_1117 = arith.constant 112 : i32
        %add3A_1118 = arith.addi %add3A_1116, %add3A_1117 : i32
        %swap3A_1119 = arith.index_cast %add3A_1118 : i32 to index
        %swap3A_1120 = tpu.vector_load %arg9[%swap3A_1119] {strides = array<i32>} : memref<16384xf32, #tpu.memory_space<vmem>>, vector<16xf32>,
        tpu.vector_store %arg9[%swap3A_1119], %gather3A_1072 {strides = array<i32>} : memref<16384xf32, #tpu.memory_space<vmem>>, vector<16xf32>,
      }
      %scan3A_202 = arith.constant 16 : i32
      %mul3A_203 = arith.constant 2 : i32
      %mul3A_204 = arith.muli %mul3A_203, %add3A_196 : i32
      %jit3A = arith.constant 128 : i32
      %div3A = arith.divsi %mul3A_204, %jit3A : i32
      %sign3A = arith.constant 0 : i32
      %sign3A_205 = arith.cmpi sgt, %mul3A_204, %sign3A : i32
      %sign3A_206 = arith.extui %sign3A_205 : i1 to i32
      %sign3A_207 = arith.constant 0 : i32
      %sign3A_208 = arith.cmpi slt, %mul3A_204, %sign3A_207 : i32
      %sign3A_209 = arith.extui %sign3A_208 : i1 to i32
      %sign3A_210 = arith.subi %sign3A_206, %sign3A_209 : i32
      %sign3A_211 = arith.constant 0 : i32
      %sign3A_212 = arith.cmpi sgt, %jit3A, %sign3A_211 : i32
      %sign3A_213 = arith.extui %sign3A_212 : i1 to i32
      %sign3A_214 = arith.constant 0 : i32
      %sign3A_215 = arith.cmpi slt, %jit3A, %sign3A_214 : i32
      %sign3A_216 = arith.extui %sign3A_215 : i1 to i32
      %sign3A_217 = arith.subi %sign3A_213, %sign3A_216 : i32
      %ne3A = arith.cmpi ne, %sign3A_210, %sign3A_217 : i32
      %rem3A = arith.remsi %mul3A_204, %jit3A : i32
      %ne3A_218 = arith.constant 0 : i32
      %ne3A_219 = arith.cmpi ne, %rem3A, %ne3A_218 : i32
      %and3A = arith.andi %ne3A, %ne3A_219 : i1
      %sub3A = arith.constant 1 : i32
      %sub3A_220 = arith.subi %div3A, %sub3A : i32
      %select_n3A = arith.select %and3A, %sub3A_220, %div3A : i32
      %mul3A_221 = arith.constant 128 : i32
      %mul3A_222 = arith.muli %select_n3A, %mul3A_221 : i32
      %sub3A_223 = arith.subi %mul3A_204, %mul3A_222 : i32
      %mul3A_224 = arith.constant 8 : i32
      %mul3A_225 = arith.muli %select_n3A, %mul3A_224 : i32
      %add3A_226 = arith.constant 0 : i32
      %add3A_227 = arith.addi %mul3A_225, %add3A_226 : i32
      %mul3A_228 = arith.constant 128 : i32
      %mul3A_229 = arith.muli %add3A_227, %mul3A_228 : i32
      %add3A_230 = arith.addi %mul3A_229, %sub3A_223 : i32
      %mul3A_231 = arith.constant 1024 : i32
      %mul3A_232 = arith.muli %add3A_230, %mul3A_231 : i32
      %dma_start3A_233 = arith.constant 0 : i32
      %dma_start3A_234 = tpu.memref_slice %arg9[%dma_start3A_233] : memref<16384xf32, #tpu.memory_space<vmem>> -> memref<2048xf32, #tpu.memory_space<vmem>>
      %dma_start3A_235 = tpu.memref_slice %arg4[%mul3A_232] : memref<26214400xf32, #tpu.memory_space<hbm>> -> memref<2048xf32, #tpu.memory_space<hbm>>
      %dma_start3A_236 = tpu.memref_slice %arg4[%mul3A_232] : memref<26214400xf32, #tpu.memory_space<hbm>> -> memref<2048xf32, #tpu.memory_space<hbm>>
      %dma_start3A_237 = arith.constant 0 : i32
      %dma_start3A_238 = tpu.memref_slice %arg9[%dma_start3A_237] : memref<16384xf32, #tpu.memory_space<vmem>> -> memref<2048xf32, #tpu.memory_space<vmem>>
      tpu.enqueue_dma source(%dma_start3A_238 : memref<2048xf32, #tpu.memory_space<vmem>>) target(%dma_start3A_236 : memref<2048xf32, #tpu.memory_space<hbm>>) target_semaphore(%arg15 : memref<!tpu.dma_semaphore, #tpu.memory_space<semaphore_mem>>)
      %mul3A_239 = arith.constant 8 : i32
      %mul3A_240 = arith.muli %select_n3A, %mul3A_239 : i32
      %add3A_241 = arith.constant 1 : i32
      %add3A_242 = arith.addi %mul3A_240, %add3A_241 : i32
      %mul3A_243 = arith.constant 128 : i32
      %mul3A_244 = arith.muli %add3A_242, %mul3A_243 : i32
      %add3A_245 = arith.addi %mul3A_244, %sub3A_223 : i32
      %mul3A_246 = arith.constant 1024 : i32
      %mul3A_247 = arith.muli %add3A_245, %mul3A_246 : i32
      %dma_start3A_248 = arith.constant 2048 : i32
      %dma_start3A_249 = tpu.memref_slice %arg9[%dma_start3A_248] : memref<16384xf32, #tpu.memory_space<vmem>> -> memref<2048xf32, #tpu.memory_space<vmem>>
      %dma_start3A_250 = tpu.memref_slice %arg4[%mul3A_247] : memref<26214400xf32, #tpu.memory_space<hbm>> -> memref<2048xf32, #tpu.memory_space<hbm>>
      %dma_start3A_251 = tpu.memref_slice %arg4[%mul3A_247] : memref<26214400xf32, #tpu.memory_space<hbm>> -> memref<2048xf32, #tpu.memory_space<hbm>>
      %dma_start3A_252 = arith.constant 2048 : i32
      %dma_start3A_253 = tpu.memref_slice %arg9[%dma_start3A_252] : memref<16384xf32, #tpu.memory_space<vmem>> -> memref<2048xf32, #tpu.memory_space<vmem>>
      tpu.enqueue_dma source(%dma_start3A_253 : memref<2048xf32, #tpu.memory_space<vmem>>) target(%dma_start3A_251 : memref<2048xf32, #tpu.memory_space<hbm>>) target_semaphore(%arg15 : memref<!tpu.dma_semaphore, #tpu.memory_space<semaphore_mem>>)
      %mul3A_254 = arith.constant 8 : i32
      %mul3A_255 = arith.muli %select_n3A, %mul3A_254 : i32
      %add3A_256 = arith.constant 2 : i32
      %add3A_257 = arith.addi %mul3A_255, %add3A_256 : i32
      %mul3A_258 = arith.constant 128 : i32
      %mul3A_259 = arith.muli %add3A_257, %mul3A_258 : i32
      %add3A_260 = arith.addi %mul3A_259, %sub3A_223 : i32
      %mul3A_261 = arith.constant 1024 : i32
      %mul3A_262 = arith.muli %add3A_260, %mul3A_261 : i32
      %dma_start3A_263 = arith.constant 4096 : i32
      %dma_start3A_264 = tpu.memref_slice %arg9[%dma_start3A_263] : memref<16384xf32, #tpu.memory_space<vmem>> -> memref<2048xf32, #tpu.memory_space<vmem>>
      %dma_start3A_265 = tpu.memref_slice %arg4[%mul3A_262] : memref<26214400xf32, #tpu.memory_space<hbm>> -> memref<2048xf32, #tpu.memory_space<hbm>>
      %dma_start3A_266 = tpu.memref_slice %arg4[%mul3A_262] : memref<26214400xf32, #tpu.memory_space<hbm>> -> memref<2048xf32, #tpu.memory_space<hbm>>
      %dma_start3A_267 = arith.constant 4096 : i32
      %dma_start3A_268 = tpu.memref_slice %arg9[%dma_start3A_267] : memref<16384xf32, #tpu.memory_space<vmem>> -> memref<2048xf32, #tpu.memory_space<vmem>>
      tpu.enqueue_dma source(%dma_start3A_268 : memref<2048xf32, #tpu.memory_space<vmem>>) target(%dma_start3A_266 : memref<2048xf32, #tpu.memory_space<hbm>>) target_semaphore(%arg15 : memref<!tpu.dma_semaphore, #tpu.memory_space<semaphore_mem>>)
      %mul3A_269 = arith.constant 8 : i32
      %mul3A_270 = arith.muli %select_n3A, %mul3A_269 : i32
      %add3A_271 = arith.constant 3 : i32
      %add3A_272 = arith.addi %mul3A_270, %add3A_271 : i32
      %mul3A_273 = arith.constant 128 : i32
      %mul3A_274 = arith.muli %add3A_272, %mul3A_273 : i32
      %add3A_275 = arith.addi %mul3A_274, %sub3A_223 : i32
      %mul3A_276 = arith.constant 1024 : i32
      %mul3A_277 = arith.muli %add3A_275, %mul3A_276 : i32
      %dma_start3A_278 = arith.constant 6144 : i32
      %dma_start3A_279 = tpu.memref_slice %arg9[%dma_start3A_278] : memref<16384xf32, #tpu.memory_space<vmem>> -> memref<2048xf32, #tpu.memory_space<vmem>>
      %dma_start3A_280 = tpu.memref_slice %arg4[%mul3A_277] : memref<26214400xf32, #tpu.memory_space<hbm>> -> memref<2048xf32, #tpu.memory_space<hbm>>
      %dma_start3A_281 = tpu.memref_slice %arg4[%mul3A_277] : memref<26214400xf32, #tpu.memory_space<hbm>> -> memref<2048xf32, #tpu.memory_space<hbm>>
      %dma_start3A_282 = arith.constant 6144 : i32
      %dma_start3A_283 = tpu.memref_slice %arg9[%dma_start3A_282] : memref<16384xf32, #tpu.memory_space<vmem>> -> memref<2048xf32, #tpu.memory_space<vmem>>
      tpu.enqueue_dma source(%dma_start3A_283 : memref<2048xf32, #tpu.memory_space<vmem>>) target(%dma_start3A_281 : memref<2048xf32, #tpu.memory_space<hbm>>) target_semaphore(%arg15 : memref<!tpu.dma_semaphore, #tpu.memory_space<semaphore_mem>>)
      %mul3A_284 = arith.constant 8 : i32
      %mul3A_285 = arith.muli %select_n3A, %mul3A_284 : i32
      %add3A_286 = arith.constant 4 : i32
      %add3A_287 = arith.addi %mul3A_285, %add3A_286 : i32
      %mul3A_288 = arith.constant 128 : i32
      %mul3A_289 = arith.muli %add3A_287, %mul3A_288 : i32
      %add3A_290 = arith.addi %mul3A_289, %sub3A_223 : i32
      %mul3A_291 = arith.constant 1024 : i32
      %mul3A_292 = arith.muli %add3A_290, %mul3A_291 : i32
      %dma_start3A_293 = arith.constant 8192 : i32
      %dma_start3A_294 = tpu.memref_slice %arg9[%dma_start3A_293] : memref<16384xf32, #tpu.memory_space<vmem>> -> memref<2048xf32, #tpu.memory_space<vmem>>
      %dma_start3A_295 = tpu.memref_slice %arg4[%mul3A_292] : memref<26214400xf32, #tpu.memory_space<hbm>> -> memref<2048xf32, #tpu.memory_space<hbm>>
      %dma_start3A_296 = tpu.memref_slice %arg4[%mul3A_292] : memref<26214400xf32, #tpu.memory_space<hbm>> -> memref<2048xf32, #tpu.memory_space<hbm>>
      %dma_start3A_297 = arith.constant 8192 : i32
      %dma_start3A_298 = tpu.memref_slice %arg9[%dma_start3A_297] : memref<16384xf32, #tpu.memory_space<vmem>> -> memref<2048xf32, #tpu.memory_space<vmem>>
      tpu.enqueue_dma source(%dma_start3A_298 : memref<2048xf32, #tpu.memory_space<vmem>>) target(%dma_start3A_296 : memref<2048xf32, #tpu.memory_space<hbm>>) target_semaphore(%arg15 : memref<!tpu.dma_semaphore, #tpu.memory_space<semaphore_mem>>)
      %mul3A_299 = arith.constant 8 : i32
      %mul3A_300 = arith.muli %select_n3A, %mul3A_299 : i32
      %add3A_301 = arith.constant 5 : i32
      %add3A_302 = arith.addi %mul3A_300, %add3A_301 : i32
      %mul3A_303 = arith.constant 128 : i32
      %mul3A_304 = arith.muli %add3A_302, %mul3A_303 : i32
      %add3A_305 = arith.addi %mul3A_304, %sub3A_223 : i32
      %mul3A_306 = arith.constant 1024 : i32
      %mul3A_307 = arith.muli %add3A_305, %mul3A_306 : i32
      %dma_start3A_308 = arith.constant 10240 : i32
      %dma_start3A_309 = tpu.memref_slice %arg9[%dma_start3A_308] : memref<16384xf32, #tpu.memory_space<vmem>> -> memref<2048xf32, #tpu.memory_space<vmem>>
      %dma_start3A_310 = tpu.memref_slice %arg4[%mul3A_307] : memref<26214400xf32, #tpu.memory_space<hbm>> -> memref<2048xf32, #tpu.memory_space<hbm>>
      %dma_start3A_311 = tpu.memref_slice %arg4[%mul3A_307] : memref<26214400xf32, #tpu.memory_space<hbm>> -> memref<2048xf32, #tpu.memory_space<hbm>>
      %dma_start3A_312 = arith.constant 10240 : i32
      %dma_start3A_313 = tpu.memref_slice %arg9[%dma_start3A_312] : memref<16384xf32, #tpu.memory_space<vmem>> -> memref<2048xf32, #tpu.memory_space<vmem>>
      tpu.enqueue_dma source(%dma_start3A_313 : memref<2048xf32, #tpu.memory_space<vmem>>) target(%dma_start3A_311 : memref<2048xf32, #tpu.memory_space<hbm>>) target_semaphore(%arg15 : memref<!tpu.dma_semaphore, #tpu.memory_space<semaphore_mem>>)
      %mul3A_314 = arith.constant 8 : i32
      %mul3A_315 = arith.muli %select_n3A, %mul3A_314 : i32
      %add3A_316 = arith.constant 6 : i32
      %add3A_317 = arith.addi %mul3A_315, %add3A_316 : i32
      %mul3A_318 = arith.constant 128 : i32
      %mul3A_319 = arith.muli %add3A_317, %mul3A_318 : i32
      %add3A_320 = arith.addi %mul3A_319, %sub3A_223 : i32
      %mul3A_321 = arith.constant 1024 : i32
      %mul3A_322 = arith.muli %add3A_320, %mul3A_321 : i32
      %dma_start3A_323 = arith.constant 12288 : i32
      %dma_start3A_324 = tpu.memref_slice %arg9[%dma_start3A_323] : memref<16384xf32, #tpu.memory_space<vmem>> -> memref<2048xf32, #tpu.memory_space<vmem>>
      %dma_start3A_325 = tpu.memref_slice %arg4[%mul3A_322] : memref<26214400xf32, #tpu.memory_space<hbm>> -> memref<2048xf32, #tpu.memory_space<hbm>>
      %dma_start3A_326 = tpu.memref_slice %arg4[%mul3A_322] : memref<26214400xf32, #tpu.memory_space<hbm>> -> memref<2048xf32, #tpu.memory_space<hbm>>
      %dma_start3A_327 = arith.constant 12288 : i32
      %dma_start3A_328 = tpu.memref_slice %arg9[%dma_start3A_327] : memref<16384xf32, #tpu.memory_space<vmem>> -> memref<2048xf32, #tpu.memory_space<vmem>>
      tpu.enqueue_dma source(%dma_start3A_328 : memref<2048xf32, #tpu.memory_space<vmem>>) target(%dma_start3A_326 : memref<2048xf32, #tpu.memory_space<hbm>>) target_semaphore(%arg15 : memref<!tpu.dma_semaphore, #tpu.memory_space<semaphore_mem>>)
      %mul3A_329 = arith.constant 8 : i32
      %mul3A_330 = arith.muli %select_n3A, %mul3A_329 : i32
      %add3A_331 = arith.constant 7 : i32
      %add3A_332 = arith.addi %mul3A_330, %add3A_331 : i32
      %mul3A_333 = arith.constant 128 : i32
      %mul3A_334 = arith.muli %add3A_332, %mul3A_333 : i32
      %add3A_335 = arith.addi %mul3A_334, %sub3A_223 : i32
      %mul3A_336 = arith.constant 1024 : i32
      %mul3A_337 = arith.muli %add3A_335, %mul3A_336 : i32
      %dma_start3A_338 = arith.constant 14336 : i32
      %dma_start3A_339 = tpu.memref_slice %arg9[%dma_start3A_338] : memref<16384xf32, #tpu.memory_space<vmem>> -> memref<2048xf32, #tpu.memory_space<vmem>>
      %dma_start3A_340 = tpu.memref_slice %arg4[%mul3A_337] : memref<26214400xf32, #tpu.memory_space<hbm>> -> memref<2048xf32, #tpu.memory_space<hbm>>
      %dma_start3A_341 = tpu.memref_slice %arg4[%mul3A_337] : memref<26214400xf32, #tpu.memory_space<hbm>> -> memref<2048xf32, #tpu.memory_space<hbm>>
      %dma_start3A_342 = arith.constant 14336 : i32
      %dma_start3A_343 = tpu.memref_slice %arg9[%dma_start3A_342] : memref<16384xf32, #tpu.memory_space<vmem>> -> memref<2048xf32, #tpu.memory_space<vmem>>
      tpu.enqueue_dma source(%dma_start3A_343 : memref<2048xf32, #tpu.memory_space<vmem>>) target(%dma_start3A_341 : memref<2048xf32, #tpu.memory_space<hbm>>) target_semaphore(%arg15 : memref<!tpu.dma_semaphore, #tpu.memory_space<semaphore_mem>>)
      %add3A_344 = arith.constant 2 : i32
      %add3A_345 = arith.addi %add3A_172, %add3A_344 : i32
      %lt3A_346 = arith.constant 50 : i32
      %lt3A_347 = arith.cmpi slt, %add3A_345, %lt3A_346 : i32
      %convert_element_type3A_348 = arith.extui %lt3A_347 : i1 to i32
      %cond3A_349 = arith.constant 0 : i32
      %cond3A_350 = arith.cmpi ne, %convert_element_type3A_348, %cond3A_349 : i32
      scf.if %cond3A_350 {
        %dma_wait3A_517 = arith.constant 0 : i32
        %dma_wait3A_518 = tpu.memref_slice %arg3[%dma_wait3A_517] : memref<3276800xi32, #tpu.memory_space<hbm>> -> memref<2048xi32, #tpu.memory_space<hbm>>
        %dma_wait3A_519 = arith.constant 0 : i32
        %dma_wait3A_520 = tpu.memref_slice %arg3[%dma_wait3A_519] : memref<3276800xi32, #tpu.memory_space<hbm>> -> memref<2048xi32, #tpu.memory_space<hbm>>
        tpu.wait_dma2 semaphore(%arg11 : memref<!tpu.dma_semaphore, #tpu.memory_space<semaphore_mem>>) src(%dma_wait3A_520 : memref<2048xi32, #tpu.memory_space<hbm>>) dst(%arg5 : memref<2048xi32, #tpu.memory_space<vmem>>)
        %dma_start3A_521 = arith.constant 0 : i32
        %dma_start3A_522 = arith.constant 0 : i32
        %dma_start3A_523 = tpu.memref_slice %arg2[%dma_start3A_521, %dma_start3A_522] : memref<1000000x8xf32, #tpu.memory_space<hbm>> -> memref<1000000x8xf32, #tpu.memory_space<hbm>>
        tpu.enqueue_indirect_dma source(%dma_start3A_523 : memref<1000000x8xf32, #tpu.memory_space<hbm>>) target(%arg7 : memref<2048x8xf32, #tpu.memory_space<vmem>>) offsets(%arg5 : memref<2048xi32, #tpu.memory_space<vmem>>) semaphore(%arg13 : memref<!tpu.dma_semaphore, #tpu.memory_space<semaphore_mem>>)
      } else {
      }
      %dma_wait3A_351 = arith.constant 0 : i32
      %dma_wait3A_352 = arith.constant 0 : i32
      %dma_wait3A_353 = tpu.memref_slice %arg2[%dma_wait3A_351, %dma_wait3A_352] : memref<1000000x8xf32, #tpu.memory_space<hbm>> -> memref<1000000x8xf32, #tpu.memory_space<hbm>>
      tpu.wait_indirect_dma semaphore(%arg14 : memref<!tpu.dma_semaphore, #tpu.memory_space<semaphore_mem>>) src(%dma_wait3A_353 : memref<1000000x8xf32, #tpu.memory_space<hbm>>) dst(%arg8 : memref<2048x8xf32, #tpu.memory_space<vmem>>)
      %add3A_354 = arith.constant 2 : i32
      %add3A_355 = arith.addi %add3A_172, %add3A_354 : i32
      %lt3A_356 = arith.constant 50 : i32
      %lt3A_357 = arith.cmpi slt, %add3A_355, %lt3A_356 : i32
      %convert_element_type3A_358 = arith.extui %lt3A_357 : i1 to i32
      %cond3A_359 = arith.constant 0 : i32
      %cond3A_360 = arith.cmpi ne, %convert_element_type3A_358, %cond3A_359 : i32
      scf.if %cond3A_360 {
        %add3A_517 = arith.addi %mul3A_2, %add3A_172 : i32
        %add3A_518 = arith.constant 2 : i32
        %add3A_519 = arith.addi %add3A_517, %add3A_518 : i32
        %mul3A_520 = arith.constant 2048 : i32
        %mul3A_521 = arith.muli %add3A_519, %mul3A_520 : i32
        %dma_start3A_522 = tpu.memref_slice %arg3[%mul3A_521] : memref<3276800xi32, #tpu.memory_space<hbm>> -> memref<2048xi32, #tpu.memory_space<hbm>>
        %dma_start3A_523 = tpu.memref_slice %arg3[%mul3A_521] : memref<3276800xi32, #tpu.memory_space<hbm>> -> memref<2048xi32, #tpu.memory_space<hbm>>
        tpu.enqueue_dma source(%dma_start3A_523 : memref<2048xi32, #tpu.memory_space<hbm>>) target(%arg6 : memref<2048xi32, #tpu.memory_space<vmem>>) target_semaphore(%arg12 : memref<!tpu.dma_semaphore, #tpu.memory_space<semaphore_mem>>)
      } else {
      }
      %add3A_361 = arith.addi %mul3A_2, %add3A_172 : i32
      %scan3A_362 = arith.constant 0 : i32
      %scan3A_363 = arith.constant 0 : i32
      %scan3A_364 = arith.constant 16 : i32
      %scan3A_365 = arith.addi %scan3A_363, %scan3A_364 : i32
      %scan3A_366 = arith.constant 1 : i32
      scf.for %scan3A_517 = %scan3A_363 to %scan3A_365 step %scan3A_366  : i32 {
        %mul3A_518 = arith.constant 128 : i32
        %mul3A_519 = arith.muli %scan3A_517, %mul3A_518 : i32
        %rem3A_520 = arith.constant 8 : i32
        %rem3A_521 = arith.remsi %scan3A_517, %rem3A_520 : i32
        %mul3A_522 = arith.constant 2 : i32
        %mul3A_523 = arith.muli %rem3A_521, %mul3A_522 : i32
        %mul3A_524 = arith.constant 1024 : i32
        %mul3A_525 = arith.muli %mul3A_523, %mul3A_524 : i32
        %div3A_526 = arith.constant 8 : i32
        %div3A_527 = arith.divsi %scan3A_517, %div3A_526 : i32
        %mul3A_528 = arith.constant 1024 : i32
        %mul3A_529 = arith.muli %div3A_527, %mul3A_528 : i32
        %add3A_530 = arith.addi %mul3A_525, %mul3A_529 : i32
        %add3A_531 = arith.constant 0 : i32
        %add3A_532 = arith.addi %mul3A_519, %add3A_531 : i32
        %gather3A = arith.constant 0 : i32
        %gather3A_533 = tpu.memref_slice %arg8[%add3A_532, %gather3A] : memref<2048x8xf32, #tpu.memory_space<vmem>> -> memref<16x8xf32, #tpu.memory_space<vmem>>
        %gather3A_534 = tpu.vector_load_idx %gather3A_533[%iota3A, %broadcast_in_dim3A_3] : memref<16x8xf32, #tpu.memory_space<vmem>>[vector<16xi32>, vector<16xi32>], vector<16xf32>,
        %gather3A_535 = arith.constant 0 : i32
        %gather3A_536 = tpu.memref_slice %arg8[%add3A_532, %gather3A_535] : memref<2048x8xf32, #tpu.memory_space<vmem>> -> memref<16x8xf32, #tpu.memory_space<vmem>>
        %gather3A_537 = tpu.vector_load_idx %gather3A_536[%iota3A, %broadcast_in_dim3A_5] : memref<16x8xf32, #tpu.memory_space<vmem>>[vector<16xi32>, vector<16xi32>], vector<16xf32>,
        %gather3A_538 = arith.constant 0 : i32
        %gather3A_539 = tpu.memref_slice %arg8[%add3A_532, %gather3A_538] : memref<2048x8xf32, #tpu.memory_space<vmem>> -> memref<16x8xf32, #tpu.memory_space<vmem>>
        %gather3A_540 = tpu.vector_load_idx %gather3A_539[%iota3A, %broadcast_in_dim3A_7] : memref<16x8xf32, #tpu.memory_space<vmem>>[vector<16xi32>, vector<16xi32>], vector<16xf32>,
        %gather3A_541 = arith.constant 0 : i32
        %gather3A_542 = tpu.memref_slice %arg8[%add3A_532, %gather3A_541] : memref<2048x8xf32, #tpu.memory_space<vmem>> -> memref<16x8xf32, #tpu.memory_space<vmem>>
        %gather3A_543 = tpu.vector_load_idx %gather3A_542[%iota3A, %broadcast_in_dim3A_9] : memref<16x8xf32, #tpu.memory_space<vmem>>[vector<16xi32>, vector<16xi32>], vector<16xf32>,
        %gather3A_544 = arith.constant 0 : i32
        %gather3A_545 = tpu.memref_slice %arg8[%add3A_532, %gather3A_544] : memref<2048x8xf32, #tpu.memory_space<vmem>> -> memref<16x8xf32, #tpu.memory_space<vmem>>
        %gather3A_546 = tpu.vector_load_idx %gather3A_545[%iota3A, %broadcast_in_dim3A_11] : memref<16x8xf32, #tpu.memory_space<vmem>>[vector<16xi32>, vector<16xi32>], vector<16xf32>,
        %gather3A_547 = arith.constant 0 : i32
        %gather3A_548 = tpu.memref_slice %arg8[%add3A_532, %gather3A_547] : memref<2048x8xf32, #tpu.memory_space<vmem>> -> memref<16x8xf32, #tpu.memory_space<vmem>>
        %gather3A_549 = tpu.vector_load_idx %gather3A_548[%iota3A, %broadcast_in_dim3A_13] : memref<16x8xf32, #tpu.memory_space<vmem>>[vector<16xi32>, vector<16xi32>], vector<16xf32>,
        %gather3A_550 = arith.constant 0 : i32
        %gather3A_551 = tpu.memref_slice %arg8[%add3A_532, %gather3A_550] : memref<2048x8xf32, #tpu.memory_space<vmem>> -> memref<16x8xf32, #tpu.memory_space<vmem>>
        %gather3A_552 = tpu.vector_load_idx %gather3A_551[%iota3A, %broadcast_in_dim3A_15] : memref<16x8xf32, #tpu.memory_space<vmem>>[vector<16xi32>, vector<16xi32>], vector<16xf32>,
        %gather3A_553 = arith.constant 0 : i32
        %gather3A_554 = tpu.memref_slice %arg8[%add3A_532, %gather3A_553] : memref<2048x8xf32, #tpu.memory_space<vmem>> -> memref<16x8xf32, #tpu.memory_space<vmem>>
        %gather3A_555 = tpu.vector_load_idx %gather3A_554[%iota3A, %broadcast_in_dim3A_17] : memref<16x8xf32, #tpu.memory_space<vmem>>[vector<16xi32>, vector<16xi32>], vector<16xf32>,
        %add3A_556 = arith.constant 0 : i32
        %add3A_557 = arith.addi %add3A_530, %add3A_556 : i32
        %add3A_558 = arith.constant 0 : i32
        %add3A_559 = arith.addi %add3A_557, %add3A_558 : i32
        %swap3A = arith.index_cast %add3A_559 : i32 to index
        %swap3A_560 = tpu.vector_load %arg10[%swap3A] {strides = array<i32>} : memref<16384xf32, #tpu.memory_space<vmem>>, vector<16xf32>,
        tpu.vector_store %arg10[%swap3A], %gather3A_534 {strides = array<i32>} : memref<16384xf32, #tpu.memory_space<vmem>>, vector<16xf32>,
        %add3A_561 = arith.constant 128 : i32
        %add3A_562 = arith.addi %add3A_530, %add3A_561 : i32
        %add3A_563 = arith.constant 0 : i32
        %add3A_564 = arith.addi %add3A_562, %add3A_563 : i32
        %swap3A_565 = arith.index_cast %add3A_564 : i32 to index
        %swap3A_566 = tpu.vector_load %arg10[%swap3A_565] {strides = array<i32>} : memref<16384xf32, #tpu.memory_space<vmem>>, vector<16xf32>,
        tpu.vector_store %arg10[%swap3A_565], %gather3A_537 {strides = array<i32>} : memref<16384xf32, #tpu.memory_space<vmem>>, vector<16xf32>,
        %add3A_567 = arith.constant 256 : i32
        %add3A_568 = arith.addi %add3A_530, %add3A_567 : i32
        %add3A_569 = arith.constant 0 : i32
        %add3A_570 = arith.addi %add3A_568, %add3A_569 : i32
        %swap3A_571 = arith.index_cast %add3A_570 : i32 to index
        %swap3A_572 = tpu.vector_load %arg10[%swap3A_571] {strides = array<i32>} : memref<16384xf32, #tpu.memory_space<vmem>>, vector<16xf32>,
        tpu.vector_store %arg10[%swap3A_571], %gather3A_540 {strides = array<i32>} : memref<16384xf32, #tpu.memory_space<vmem>>, vector<16xf32>,
        %add3A_573 = arith.constant 384 : i32
        %add3A_574 = arith.addi %add3A_530, %add3A_573 : i32
        %add3A_575 = arith.constant 0 : i32
        %add3A_576 = arith.addi %add3A_574, %add3A_575 : i32
        %swap3A_577 = arith.index_cast %add3A_576 : i32 to index
        %swap3A_578 = tpu.vector_load %arg10[%swap3A_577] {strides = array<i32>} : memref<16384xf32, #tpu.memory_space<vmem>>, vector<16xf32>,
        tpu.vector_store %arg10[%swap3A_577], %gather3A_543 {strides = array<i32>} : memref<16384xf32, #tpu.memory_space<vmem>>, vector<16xf32>,
        %add3A_579 = arith.constant 512 : i32
        %add3A_580 = arith.addi %add3A_530, %add3A_579 : i32
        %add3A_581 = arith.constant 0 : i32
        %add3A_582 = arith.addi %add3A_580, %add3A_581 : i32
        %swap3A_583 = arith.index_cast %add3A_582 : i32 to index
        %swap3A_584 = tpu.vector_load %arg10[%swap3A_583] {strides = array<i32>} : memref<16384xf32, #tpu.memory_space<vmem>>, vector<16xf32>,
        tpu.vector_store %arg10[%swap3A_583], %gather3A_546 {strides = array<i32>} : memref<16384xf32, #tpu.memory_space<vmem>>, vector<16xf32>,
        %add3A_585 = arith.constant 640 : i32
        %add3A_586 = arith.addi %add3A_530, %add3A_585 : i32
        %add3A_587 = arith.constant 0 : i32
        %add3A_588 = arith.addi %add3A_586, %add3A_587 : i32
        %swap3A_589 = arith.index_cast %add3A_588 : i32 to index
        %swap3A_590 = tpu.vector_load %arg10[%swap3A_589] {strides = array<i32>} : memref<16384xf32, #tpu.memory_space<vmem>>, vector<16xf32>,
        tpu.vector_store %arg10[%swap3A_589], %gather3A_549 {strides = array<i32>} : memref<16384xf32, #tpu.memory_space<vmem>>, vector<16xf32>,
        %add3A_591 = arith.constant 768 : i32
        %add3A_592 = arith.addi %add3A_530, %add3A_591 : i32
        %add3A_593 = arith.constant 0 : i32
        %add3A_594 = arith.addi %add3A_592, %add3A_593 : i32
        %swap3A_595 = arith.index_cast %add3A_594 : i32 to index
        %swap3A_596 = tpu.vector_load %arg10[%swap3A_595] {strides = array<i32>} : memref<16384xf32, #tpu.memory_space<vmem>>, vector<16xf32>,
        tpu.vector_store %arg10[%swap3A_595], %gather3A_552 {strides = array<i32>} : memref<16384xf32, #tpu.memory_space<vmem>>, vector<16xf32>,
        %add3A_597 = arith.constant 896 : i32
        %add3A_598 = arith.addi %add3A_530, %add3A_597 : i32
        %add3A_599 = arith.constant 0 : i32
        %add3A_600 = arith.addi %add3A_598, %add3A_599 : i32
        %swap3A_601 = arith.index_cast %add3A_600 : i32 to index
        %swap3A_602 = tpu.vector_load %arg10[%swap3A_601] {strides = array<i32>} : memref<16384xf32, #tpu.memory_space<vmem>>, vector<16xf32>,
        tpu.vector_store %arg10[%swap3A_601], %gather3A_555 {strides = array<i32>} : memref<16384xf32, #tpu.memory_space<vmem>>, vector<16xf32>,
        %add3A_603 = arith.constant 16 : i32
        %add3A_604 = arith.addi %mul3A_519, %add3A_603 : i32
        %gather3A_605 = arith.constant 0 : i32
        %gather3A_606 = tpu.memref_slice %arg8[%add3A_604, %gather3A_605] : memref<2048x8xf32, #tpu.memory_space<vmem>> -> memref<16x8xf32, #tpu.memory_space<vmem>>
        %gather3A_607 = tpu.vector_load_idx %gather3A_606[%iota3A, %broadcast_in_dim3A_3] : memref<16x8xf32, #tpu.memory_space<vmem>>[vector<16xi32>, vector<16xi32>], vector<16xf32>,
        %gather3A_608 = arith.constant 0 : i32
        %gather3A_609 = tpu.memref_slice %arg8[%add3A_604, %gather3A_608] : memref<2048x8xf32, #tpu.memory_space<vmem>> -> memref<16x8xf32, #tpu.memory_space<vmem>>
        %gather3A_610 = tpu.vector_load_idx %gather3A_609[%iota3A, %broadcast_in_dim3A_5] : memref<16x8xf32, #tpu.memory_space<vmem>>[vector<16xi32>, vector<16xi32>], vector<16xf32>,
        %gather3A_611 = arith.constant 0 : i32
        %gather3A_612 = tpu.memref_slice %arg8[%add3A_604, %gather3A_611] : memref<2048x8xf32, #tpu.memory_space<vmem>> -> memref<16x8xf32, #tpu.memory_space<vmem>>
        %gather3A_613 = tpu.vector_load_idx %gather3A_612[%iota3A, %broadcast_in_dim3A_7] : memref<16x8xf32, #tpu.memory_space<vmem>>[vector<16xi32>, vector<16xi32>], vector<16xf32>,
        %gather3A_614 = arith.constant 0 : i32
        %gather3A_615 = tpu.memref_slice %arg8[%add3A_604, %gather3A_614] : memref<2048x8xf32, #tpu.memory_space<vmem>> -> memref<16x8xf32, #tpu.memory_space<vmem>>
        %gather3A_616 = tpu.vector_load_idx %gather3A_615[%iota3A, %broadcast_in_dim3A_9] : memref<16x8xf32, #tpu.memory_space<vmem>>[vector<16xi32>, vector<16xi32>], vector<16xf32>,
        %gather3A_617 = arith.constant 0 : i32
        %gather3A_618 = tpu.memref_slice %arg8[%add3A_604, %gather3A_617] : memref<2048x8xf32, #tpu.memory_space<vmem>> -> memref<16x8xf32, #tpu.memory_space<vmem>>
        %gather3A_619 = tpu.vector_load_idx %gather3A_618[%iota3A, %broadcast_in_dim3A_11] : memref<16x8xf32, #tpu.memory_space<vmem>>[vector<16xi32>, vector<16xi32>], vector<16xf32>,
        %gather3A_620 = arith.constant 0 : i32
        %gather3A_621 = tpu.memref_slice %arg8[%add3A_604, %gather3A_620] : memref<2048x8xf32, #tpu.memory_space<vmem>> -> memref<16x8xf32, #tpu.memory_space<vmem>>
        %gather3A_622 = tpu.vector_load_idx %gather3A_621[%iota3A, %broadcast_in_dim3A_13] : memref<16x8xf32, #tpu.memory_space<vmem>>[vector<16xi32>, vector<16xi32>], vector<16xf32>,
        %gather3A_623 = arith.constant 0 : i32
        %gather3A_624 = tpu.memref_slice %arg8[%add3A_604, %gather3A_623] : memref<2048x8xf32, #tpu.memory_space<vmem>> -> memref<16x8xf32, #tpu.memory_space<vmem>>
        %gather3A_625 = tpu.vector_load_idx %gather3A_624[%iota3A, %broadcast_in_dim3A_15] : memref<16x8xf32, #tpu.memory_space<vmem>>[vector<16xi32>, vector<16xi32>], vector<16xf32>,
        %gather3A_626 = arith.constant 0 : i32
        %gather3A_627 = tpu.memref_slice %arg8[%add3A_604, %gather3A_626] : memref<2048x8xf32, #tpu.memory_space<vmem>> -> memref<16x8xf32, #tpu.memory_space<vmem>>
        %gather3A_628 = tpu.vector_load_idx %gather3A_627[%iota3A, %broadcast_in_dim3A_17] : memref<16x8xf32, #tpu.memory_space<vmem>>[vector<16xi32>, vector<16xi32>], vector<16xf32>,
        %add3A_629 = arith.constant 0 : i32
        %add3A_630 = arith.addi %add3A_530, %add3A_629 : i32
        %add3A_631 = arith.constant 16 : i32
        %add3A_632 = arith.addi %add3A_630, %add3A_631 : i32
        %swap3A_633 = arith.index_cast %add3A_632 : i32 to index
        %swap3A_634 = tpu.vector_load %arg10[%swap3A_633] {strides = array<i32>} : memref<16384xf32, #tpu.memory_space<vmem>>, vector<16xf32>,
        tpu.vector_store %arg10[%swap3A_633], %gather3A_607 {strides = array<i32>} : memref<16384xf32, #tpu.memory_space<vmem>>, vector<16xf32>,
        %add3A_635 = arith.constant 128 : i32
        %add3A_636 = arith.addi %add3A_530, %add3A_635 : i32
        %add3A_637 = arith.constant 16 : i32
        %add3A_638 = arith.addi %add3A_636, %add3A_637 : i32
        %swap3A_639 = arith.index_cast %add3A_638 : i32 to index
        %swap3A_640 = tpu.vector_load %arg10[%swap3A_639] {strides = array<i32>} : memref<16384xf32, #tpu.memory_space<vmem>>, vector<16xf32>,
        tpu.vector_store %arg10[%swap3A_639], %gather3A_610 {strides = array<i32>} : memref<16384xf32, #tpu.memory_space<vmem>>, vector<16xf32>,
        %add3A_641 = arith.constant 256 : i32
        %add3A_642 = arith.addi %add3A_530, %add3A_641 : i32
        %add3A_643 = arith.constant 16 : i32
        %add3A_644 = arith.addi %add3A_642, %add3A_643 : i32
        %swap3A_645 = arith.index_cast %add3A_644 : i32 to index
        %swap3A_646 = tpu.vector_load %arg10[%swap3A_645] {strides = array<i32>} : memref<16384xf32, #tpu.memory_space<vmem>>, vector<16xf32>,
        tpu.vector_store %arg10[%swap3A_645], %gather3A_613 {strides = array<i32>} : memref<16384xf32, #tpu.memory_space<vmem>>, vector<16xf32>,
        %add3A_647 = arith.constant 384 : i32
        %add3A_648 = arith.addi %add3A_530, %add3A_647 : i32
        %add3A_649 = arith.constant 16 : i32
        %add3A_650 = arith.addi %add3A_648, %add3A_649 : i32
        %swap3A_651 = arith.index_cast %add3A_650 : i32 to index
        %swap3A_652 = tpu.vector_load %arg10[%swap3A_651] {strides = array<i32>} : memref<16384xf32, #tpu.memory_space<vmem>>, vector<16xf32>,
        tpu.vector_store %arg10[%swap3A_651], %gather3A_616 {strides = array<i32>} : memref<16384xf32, #tpu.memory_space<vmem>>, vector<16xf32>,
        %add3A_653 = arith.constant 512 : i32
        %add3A_654 = arith.addi %add3A_530, %add3A_653 : i32
        %add3A_655 = arith.constant 16 : i32
        %add3A_656 = arith.addi %add3A_654, %add3A_655 : i32
        %swap3A_657 = arith.index_cast %add3A_656 : i32 to index
        %swap3A_658 = tpu.vector_load %arg10[%swap3A_657] {strides = array<i32>} : memref<16384xf32, #tpu.memory_space<vmem>>, vector<16xf32>,
        tpu.vector_store %arg10[%swap3A_657], %gather3A_619 {strides = array<i32>} : memref<16384xf32, #tpu.memory_space<vmem>>, vector<16xf32>,
        %add3A_659 = arith.constant 640 : i32
        %add3A_660 = arith.addi %add3A_530, %add3A_659 : i32
        %add3A_661 = arith.constant 16 : i32
        %add3A_662 = arith.addi %add3A_660, %add3A_661 : i32
        %swap3A_663 = arith.index_cast %add3A_662 : i32 to index
        %swap3A_664 = tpu.vector_load %arg10[%swap3A_663] {strides = array<i32>} : memref<16384xf32, #tpu.memory_space<vmem>>, vector<16xf32>,
        tpu.vector_store %arg10[%swap3A_663], %gather3A_622 {strides = array<i32>} : memref<16384xf32, #tpu.memory_space<vmem>>, vector<16xf32>,
        %add3A_665 = arith.constant 768 : i32
        %add3A_666 = arith.addi %add3A_530, %add3A_665 : i32
        %add3A_667 = arith.constant 16 : i32
        %add3A_668 = arith.addi %add3A_666, %add3A_667 : i32
        %swap3A_669 = arith.index_cast %add3A_668 : i32 to index
        %swap3A_670 = tpu.vector_load %arg10[%swap3A_669] {strides = array<i32>} : memref<16384xf32, #tpu.memory_space<vmem>>, vector<16xf32>,
        tpu.vector_store %arg10[%swap3A_669], %gather3A_625 {strides = array<i32>} : memref<16384xf32, #tpu.memory_space<vmem>>, vector<16xf32>,
        %add3A_671 = arith.constant 896 : i32
        %add3A_672 = arith.addi %add3A_530, %add3A_671 : i32
        %add3A_673 = arith.constant 16 : i32
        %add3A_674 = arith.addi %add3A_672, %add3A_673 : i32
        %swap3A_675 = arith.index_cast %add3A_674 : i32 to index
        %swap3A_676 = tpu.vector_load %arg10[%swap3A_675] {strides = array<i32>} : memref<16384xf32, #tpu.memory_space<vmem>>, vector<16xf32>,
        tpu.vector_store %arg10[%swap3A_675], %gather3A_628 {strides = array<i32>} : memref<16384xf32, #tpu.memory_space<vmem>>, vector<16xf32>,
        %add3A_677 = arith.constant 32 : i32
        %add3A_678 = arith.addi %mul3A_519, %add3A_677 : i32
        %gather3A_679 = arith.constant 0 : i32
        %gather3A_680 = tpu.memref_slice %arg8[%add3A_678, %gather3A_679] : memref<2048x8xf32, #tpu.memory_space<vmem>> -> memref<16x8xf32, #tpu.memory_space<vmem>>
        %gather3A_681 = tpu.vector_load_idx %gather3A_680[%iota3A, %broadcast_in_dim3A_3] : memref<16x8xf32, #tpu.memory_space<vmem>>[vector<16xi32>, vector<16xi32>], vector<16xf32>,
        %gather3A_682 = arith.constant 0 : i32
        %gather3A_683 = tpu.memref_slice %arg8[%add3A_678, %gather3A_682] : memref<2048x8xf32, #tpu.memory_space<vmem>> -> memref<16x8xf32, #tpu.memory_space<vmem>>
        %gather3A_684 = tpu.vector_load_idx %gather3A_683[%iota3A, %broadcast_in_dim3A_5] : memref<16x8xf32, #tpu.memory_space<vmem>>[vector<16xi32>, vector<16xi32>], vector<16xf32>,
        %gather3A_685 = arith.constant 0 : i32
        %gather3A_686 = tpu.memref_slice %arg8[%add3A_678, %gather3A_685] : memref<2048x8xf32, #tpu.memory_space<vmem>> -> memref<16x8xf32, #tpu.memory_space<vmem>>
        %gather3A_687 = tpu.vector_load_idx %gather3A_686[%iota3A, %broadcast_in_dim3A_7] : memref<16x8xf32, #tpu.memory_space<vmem>>[vector<16xi32>, vector<16xi32>], vector<16xf32>,
        %gather3A_688 = arith.constant 0 : i32
        %gather3A_689 = tpu.memref_slice %arg8[%add3A_678, %gather3A_688] : memref<2048x8xf32, #tpu.memory_space<vmem>> -> memref<16x8xf32, #tpu.memory_space<vmem>>
        %gather3A_690 = tpu.vector_load_idx %gather3A_689[%iota3A, %broadcast_in_dim3A_9] : memref<16x8xf32, #tpu.memory_space<vmem>>[vector<16xi32>, vector<16xi32>], vector<16xf32>,
        %gather3A_691 = arith.constant 0 : i32
        %gather3A_692 = tpu.memref_slice %arg8[%add3A_678, %gather3A_691] : memref<2048x8xf32, #tpu.memory_space<vmem>> -> memref<16x8xf32, #tpu.memory_space<vmem>>
        %gather3A_693 = tpu.vector_load_idx %gather3A_692[%iota3A, %broadcast_in_dim3A_11] : memref<16x8xf32, #tpu.memory_space<vmem>>[vector<16xi32>, vector<16xi32>], vector<16xf32>,
        %gather3A_694 = arith.constant 0 : i32
        %gather3A_695 = tpu.memref_slice %arg8[%add3A_678, %gather3A_694] : memref<2048x8xf32, #tpu.memory_space<vmem>> -> memref<16x8xf32, #tpu.memory_space<vmem>>
        %gather3A_696 = tpu.vector_load_idx %gather3A_695[%iota3A, %broadcast_in_dim3A_13] : memref<16x8xf32, #tpu.memory_space<vmem>>[vector<16xi32>, vector<16xi32>], vector<16xf32>,
        %gather3A_697 = arith.constant 0 : i32
        %gather3A_698 = tpu.memref_slice %arg8[%add3A_678, %gather3A_697] : memref<2048x8xf32, #tpu.memory_space<vmem>> -> memref<16x8xf32, #tpu.memory_space<vmem>>
        %gather3A_699 = tpu.vector_load_idx %gather3A_698[%iota3A, %broadcast_in_dim3A_15] : memref<16x8xf32, #tpu.memory_space<vmem>>[vector<16xi32>, vector<16xi32>], vector<16xf32>,
        %gather3A_700 = arith.constant 0 : i32
        %gather3A_701 = tpu.memref_slice %arg8[%add3A_678, %gather3A_700] : memref<2048x8xf32, #tpu.memory_space<vmem>> -> memref<16x8xf32, #tpu.memory_space<vmem>>
        %gather3A_702 = tpu.vector_load_idx %gather3A_701[%iota3A, %broadcast_in_dim3A_17] : memref<16x8xf32, #tpu.memory_space<vmem>>[vector<16xi32>, vector<16xi32>], vector<16xf32>,
        %add3A_703 = arith.constant 0 : i32
        %add3A_704 = arith.addi %add3A_530, %add3A_703 : i32
        %add3A_705 = arith.constant 32 : i32
        %add3A_706 = arith.addi %add3A_704, %add3A_705 : i32
        %swap3A_707 = arith.index_cast %add3A_706 : i32 to index
        %swap3A_708 = tpu.vector_load %arg10[%swap3A_707] {strides = array<i32>} : memref<16384xf32, #tpu.memory_space<vmem>>, vector<16xf32>,
        tpu.vector_store %arg10[%swap3A_707], %gather3A_681 {strides = array<i32>} : memref<16384xf32, #tpu.memory_space<vmem>>, vector<16xf32>,
        %add3A_709 = arith.constant 128 : i32
        %add3A_710 = arith.addi %add3A_530, %add3A_709 : i32
        %add3A_711 = arith.constant 32 : i32
        %add3A_712 = arith.addi %add3A_710, %add3A_711 : i32
        %swap3A_713 = arith.index_cast %add3A_712 : i32 to index
        %swap3A_714 = tpu.vector_load %arg10[%swap3A_713] {strides = array<i32>} : memref<16384xf32, #tpu.memory_space<vmem>>, vector<16xf32>,
        tpu.vector_store %arg10[%swap3A_713], %gather3A_684 {strides = array<i32>} : memref<16384xf32, #tpu.memory_space<vmem>>, vector<16xf32>,
        %add3A_715 = arith.constant 256 : i32
        %add3A_716 = arith.addi %add3A_530, %add3A_715 : i32
        %add3A_717 = arith.constant 32 : i32
        %add3A_718 = arith.addi %add3A_716, %add3A_717 : i32
        %swap3A_719 = arith.index_cast %add3A_718 : i32 to index
        %swap3A_720 = tpu.vector_load %arg10[%swap3A_719] {strides = array<i32>} : memref<16384xf32, #tpu.memory_space<vmem>>, vector<16xf32>,
        tpu.vector_store %arg10[%swap3A_719], %gather3A_687 {strides = array<i32>} : memref<16384xf32, #tpu.memory_space<vmem>>, vector<16xf32>,
        %add3A_721 = arith.constant 384 : i32
        %add3A_722 = arith.addi %add3A_530, %add3A_721 : i32
        %add3A_723 = arith.constant 32 : i32
        %add3A_724 = arith.addi %add3A_722, %add3A_723 : i32
        %swap3A_725 = arith.index_cast %add3A_724 : i32 to index
        %swap3A_726 = tpu.vector_load %arg10[%swap3A_725] {strides = array<i32>} : memref<16384xf32, #tpu.memory_space<vmem>>, vector<16xf32>,
        tpu.vector_store %arg10[%swap3A_725], %gather3A_690 {strides = array<i32>} : memref<16384xf32, #tpu.memory_space<vmem>>, vector<16xf32>,
        %add3A_727 = arith.constant 512 : i32
        %add3A_728 = arith.addi %add3A_530, %add3A_727 : i32
        %add3A_729 = arith.constant 32 : i32
        %add3A_730 = arith.addi %add3A_728, %add3A_729 : i32
        %swap3A_731 = arith.index_cast %add3A_730 : i32 to index
        %swap3A_732 = tpu.vector_load %arg10[%swap3A_731] {strides = array<i32>} : memref<16384xf32, #tpu.memory_space<vmem>>, vector<16xf32>,
        tpu.vector_store %arg10[%swap3A_731], %gather3A_693 {strides = array<i32>} : memref<16384xf32, #tpu.memory_space<vmem>>, vector<16xf32>,
        %add3A_733 = arith.constant 640 : i32
        %add3A_734 = arith.addi %add3A_530, %add3A_733 : i32
        %add3A_735 = arith.constant 32 : i32
        %add3A_736 = arith.addi %add3A_734, %add3A_735 : i32
        %swap3A_737 = arith.index_cast %add3A_736 : i32 to index
        %swap3A_738 = tpu.vector_load %arg10[%swap3A_737] {strides = array<i32>} : memref<16384xf32, #tpu.memory_space<vmem>>, vector<16xf32>,
        tpu.vector_store %arg10[%swap3A_737], %gather3A_696 {strides = array<i32>} : memref<16384xf32, #tpu.memory_space<vmem>>, vector<16xf32>,
        %add3A_739 = arith.constant 768 : i32
        %add3A_740 = arith.addi %add3A_530, %add3A_739 : i32
        %add3A_741 = arith.constant 32 : i32
        %add3A_742 = arith.addi %add3A_740, %add3A_741 : i32
        %swap3A_743 = arith.index_cast %add3A_742 : i32 to index
        %swap3A_744 = tpu.vector_load %arg10[%swap3A_743] {strides = array<i32>} : memref<16384xf32, #tpu.memory_space<vmem>>, vector<16xf32>,
        tpu.vector_store %arg10[%swap3A_743], %gather3A_699 {strides = array<i32>} : memref<16384xf32, #tpu.memory_space<vmem>>, vector<16xf32>,
        %add3A_745 = arith.constant 896 : i32
        %add3A_746 = arith.addi %add3A_530, %add3A_745 : i32
        %add3A_747 = arith.constant 32 : i32
        %add3A_748 = arith.addi %add3A_746, %add3A_747 : i32
        %swap3A_749 = arith.index_cast %add3A_748 : i32 to index
        %swap3A_750 = tpu.vector_load %arg10[%swap3A_749] {strides = array<i32>} : memref<16384xf32, #tpu.memory_space<vmem>>, vector<16xf32>,
        tpu.vector_store %arg10[%swap3A_749], %gather3A_702 {strides = array<i32>} : memref<16384xf32, #tpu.memory_space<vmem>>, vector<16xf32>,
        %add3A_751 = arith.constant 48 : i32
        %add3A_752 = arith.addi %mul3A_519, %add3A_751 : i32
        %gather3A_753 = arith.constant 0 : i32
        %gather3A_754 = tpu.memref_slice %arg8[%add3A_752, %gather3A_753] : memref<2048x8xf32, #tpu.memory_space<vmem>> -> memref<16x8xf32, #tpu.memory_space<vmem>>
        %gather3A_755 = tpu.vector_load_idx %gather3A_754[%iota3A, %broadcast_in_dim3A_3] : memref<16x8xf32, #tpu.memory_space<vmem>>[vector<16xi32>, vector<16xi32>], vector<16xf32>,
        %gather3A_756 = arith.constant 0 : i32
        %gather3A_757 = tpu.memref_slice %arg8[%add3A_752, %gather3A_756] : memref<2048x8xf32, #tpu.memory_space<vmem>> -> memref<16x8xf32, #tpu.memory_space<vmem>>
        %gather3A_758 = tpu.vector_load_idx %gather3A_757[%iota3A, %broadcast_in_dim3A_5] : memref<16x8xf32, #tpu.memory_space<vmem>>[vector<16xi32>, vector<16xi32>], vector<16xf32>,
        %gather3A_759 = arith.constant 0 : i32
        %gather3A_760 = tpu.memref_slice %arg8[%add3A_752, %gather3A_759] : memref<2048x8xf32, #tpu.memory_space<vmem>> -> memref<16x8xf32, #tpu.memory_space<vmem>>
        %gather3A_761 = tpu.vector_load_idx %gather3A_760[%iota3A, %broadcast_in_dim3A_7] : memref<16x8xf32, #tpu.memory_space<vmem>>[vector<16xi32>, vector<16xi32>], vector<16xf32>,
        %gather3A_762 = arith.constant 0 : i32
        %gather3A_763 = tpu.memref_slice %arg8[%add3A_752, %gather3A_762] : memref<2048x8xf32, #tpu.memory_space<vmem>> -> memref<16x8xf32, #tpu.memory_space<vmem>>
        %gather3A_764 = tpu.vector_load_idx %gather3A_763[%iota3A, %broadcast_in_dim3A_9] : memref<16x8xf32, #tpu.memory_space<vmem>>[vector<16xi32>, vector<16xi32>], vector<16xf32>,
        %gather3A_765 = arith.constant 0 : i32
        %gather3A_766 = tpu.memref_slice %arg8[%add3A_752, %gather3A_765] : memref<2048x8xf32, #tpu.memory_space<vmem>> -> memref<16x8xf32, #tpu.memory_space<vmem>>
        %gather3A_767 = tpu.vector_load_idx %gather3A_766[%iota3A, %broadcast_in_dim3A_11] : memref<16x8xf32, #tpu.memory_space<vmem>>[vector<16xi32>, vector<16xi32>], vector<16xf32>,
        %gather3A_768 = arith.constant 0 : i32
        %gather3A_769 = tpu.memref_slice %arg8[%add3A_752, %gather3A_768] : memref<2048x8xf32, #tpu.memory_space<vmem>> -> memref<16x8xf32, #tpu.memory_space<vmem>>
        %gather3A_770 = tpu.vector_load_idx %gather3A_769[%iota3A, %broadcast_in_dim3A_13] : memref<16x8xf32, #tpu.memory_space<vmem>>[vector<16xi32>, vector<16xi32>], vector<16xf32>,
        %gather3A_771 = arith.constant 0 : i32
        %gather3A_772 = tpu.memref_slice %arg8[%add3A_752, %gather3A_771] : memref<2048x8xf32, #tpu.memory_space<vmem>> -> memref<16x8xf32, #tpu.memory_space<vmem>>
        %gather3A_773 = tpu.vector_load_idx %gather3A_772[%iota3A, %broadcast_in_dim3A_15] : memref<16x8xf32, #tpu.memory_space<vmem>>[vector<16xi32>, vector<16xi32>], vector<16xf32>,
        %gather3A_774 = arith.constant 0 : i32
        %gather3A_775 = tpu.memref_slice %arg8[%add3A_752, %gather3A_774] : memref<2048x8xf32, #tpu.memory_space<vmem>> -> memref<16x8xf32, #tpu.memory_space<vmem>>
        %gather3A_776 = tpu.vector_load_idx %gather3A_775[%iota3A, %broadcast_in_dim3A_17] : memref<16x8xf32, #tpu.memory_space<vmem>>[vector<16xi32>, vector<16xi32>], vector<16xf32>,
        %add3A_777 = arith.constant 0 : i32
        %add3A_778 = arith.addi %add3A_530, %add3A_777 : i32
        %add3A_779 = arith.constant 48 : i32
        %add3A_780 = arith.addi %add3A_778, %add3A_779 : i32
        %swap3A_781 = arith.index_cast %add3A_780 : i32 to index
        %swap3A_782 = tpu.vector_load %arg10[%swap3A_781] {strides = array<i32>} : memref<16384xf32, #tpu.memory_space<vmem>>, vector<16xf32>,
        tpu.vector_store %arg10[%swap3A_781], %gather3A_755 {strides = array<i32>} : memref<16384xf32, #tpu.memory_space<vmem>>, vector<16xf32>,
        %add3A_783 = arith.constant 128 : i32
        %add3A_784 = arith.addi %add3A_530, %add3A_783 : i32
        %add3A_785 = arith.constant 48 : i32
        %add3A_786 = arith.addi %add3A_784, %add3A_785 : i32
        %swap3A_787 = arith.index_cast %add3A_786 : i32 to index
        %swap3A_788 = tpu.vector_load %arg10[%swap3A_787] {strides = array<i32>} : memref<16384xf32, #tpu.memory_space<vmem>>, vector<16xf32>,
        tpu.vector_store %arg10[%swap3A_787], %gather3A_758 {strides = array<i32>} : memref<16384xf32, #tpu.memory_space<vmem>>, vector<16xf32>,
        %add3A_789 = arith.constant 256 : i32
        %add3A_790 = arith.addi %add3A_530, %add3A_789 : i32
        %add3A_791 = arith.constant 48 : i32
        %add3A_792 = arith.addi %add3A_790, %add3A_791 : i32
        %swap3A_793 = arith.index_cast %add3A_792 : i32 to index
        %swap3A_794 = tpu.vector_load %arg10[%swap3A_793] {strides = array<i32>} : memref<16384xf32, #tpu.memory_space<vmem>>, vector<16xf32>,
        tpu.vector_store %arg10[%swap3A_793], %gather3A_761 {strides = array<i32>} : memref<16384xf32, #tpu.memory_space<vmem>>, vector<16xf32>,
        %add3A_795 = arith.constant 384 : i32
        %add3A_796 = arith.addi %add3A_530, %add3A_795 : i32
        %add3A_797 = arith.constant 48 : i32
        %add3A_798 = arith.addi %add3A_796, %add3A_797 : i32
        %swap3A_799 = arith.index_cast %add3A_798 : i32 to index
        %swap3A_800 = tpu.vector_load %arg10[%swap3A_799] {strides = array<i32>} : memref<16384xf32, #tpu.memory_space<vmem>>, vector<16xf32>,
        tpu.vector_store %arg10[%swap3A_799], %gather3A_764 {strides = array<i32>} : memref<16384xf32, #tpu.memory_space<vmem>>, vector<16xf32>,
        %add3A_801 = arith.constant 512 : i32
        %add3A_802 = arith.addi %add3A_530, %add3A_801 : i32
        %add3A_803 = arith.constant 48 : i32
        %add3A_804 = arith.addi %add3A_802, %add3A_803 : i32
        %swap3A_805 = arith.index_cast %add3A_804 : i32 to index
        %swap3A_806 = tpu.vector_load %arg10[%swap3A_805] {strides = array<i32>} : memref<16384xf32, #tpu.memory_space<vmem>>, vector<16xf32>,
        tpu.vector_store %arg10[%swap3A_805], %gather3A_767 {strides = array<i32>} : memref<16384xf32, #tpu.memory_space<vmem>>, vector<16xf32>,
        %add3A_807 = arith.constant 640 : i32
        %add3A_808 = arith.addi %add3A_530, %add3A_807 : i32
        %add3A_809 = arith.constant 48 : i32
        %add3A_810 = arith.addi %add3A_808, %add3A_809 : i32
        %swap3A_811 = arith.index_cast %add3A_810 : i32 to index
        %swap3A_812 = tpu.vector_load %arg10[%swap3A_811] {strides = array<i32>} : memref<16384xf32, #tpu.memory_space<vmem>>, vector<16xf32>,
        tpu.vector_store %arg10[%swap3A_811], %gather3A_770 {strides = array<i32>} : memref<16384xf32, #tpu.memory_space<vmem>>, vector<16xf32>,
        %add3A_813 = arith.constant 768 : i32
        %add3A_814 = arith.addi %add3A_530, %add3A_813 : i32
        %add3A_815 = arith.constant 48 : i32
        %add3A_816 = arith.addi %add3A_814, %add3A_815 : i32
        %swap3A_817 = arith.index_cast %add3A_816 : i32 to index
        %swap3A_818 = tpu.vector_load %arg10[%swap3A_817] {strides = array<i32>} : memref<16384xf32, #tpu.memory_space<vmem>>, vector<16xf32>,
        tpu.vector_store %arg10[%swap3A_817], %gather3A_773 {strides = array<i32>} : memref<16384xf32, #tpu.memory_space<vmem>>, vector<16xf32>,
        %add3A_819 = arith.constant 896 : i32
        %add3A_820 = arith.addi %add3A_530, %add3A_819 : i32
        %add3A_821 = arith.constant 48 : i32
        %add3A_822 = arith.addi %add3A_820, %add3A_821 : i32
        %swap3A_823 = arith.index_cast %add3A_822 : i32 to index
        %swap3A_824 = tpu.vector_load %arg10[%swap3A_823] {strides = array<i32>} : memref<16384xf32, #tpu.memory_space<vmem>>, vector<16xf32>,
        tpu.vector_store %arg10[%swap3A_823], %gather3A_776 {strides = array<i32>} : memref<16384xf32, #tpu.memory_space<vmem>>, vector<16xf32>,
        %add3A_825 = arith.constant 64 : i32
        %add3A_826 = arith.addi %mul3A_519, %add3A_825 : i32
        %gather3A_827 = arith.constant 0 : i32
        %gather3A_828 = tpu.memref_slice %arg8[%add3A_826, %gather3A_827] : memref<2048x8xf32, #tpu.memory_space<vmem>> -> memref<16x8xf32, #tpu.memory_space<vmem>>
        %gather3A_829 = tpu.vector_load_idx %gather3A_828[%iota3A, %broadcast_in_dim3A_3] : memref<16x8xf32, #tpu.memory_space<vmem>>[vector<16xi32>, vector<16xi32>], vector<16xf32>,
        %gather3A_830 = arith.constant 0 : i32
        %gather3A_831 = tpu.memref_slice %arg8[%add3A_826, %gather3A_830] : memref<2048x8xf32, #tpu.memory_space<vmem>> -> memref<16x8xf32, #tpu.memory_space<vmem>>
        %gather3A_832 = tpu.vector_load_idx %gather3A_831[%iota3A, %broadcast_in_dim3A_5] : memref<16x8xf32, #tpu.memory_space<vmem>>[vector<16xi32>, vector<16xi32>], vector<16xf32>,
        %gather3A_833 = arith.constant 0 : i32
        %gather3A_834 = tpu.memref_slice %arg8[%add3A_826, %gather3A_833] : memref<2048x8xf32, #tpu.memory_space<vmem>> -> memref<16x8xf32, #tpu.memory_space<vmem>>
        %gather3A_835 = tpu.vector_load_idx %gather3A_834[%iota3A, %broadcast_in_dim3A_7] : memref<16x8xf32, #tpu.memory_space<vmem>>[vector<16xi32>, vector<16xi32>], vector<16xf32>,
        %gather3A_836 = arith.constant 0 : i32
        %gather3A_837 = tpu.memref_slice %arg8[%add3A_826, %gather3A_836] : memref<2048x8xf32, #tpu.memory_space<vmem>> -> memref<16x8xf32, #tpu.memory_space<vmem>>
        %gather3A_838 = tpu.vector_load_idx %gather3A_837[%iota3A, %broadcast_in_dim3A_9] : memref<16x8xf32, #tpu.memory_space<vmem>>[vector<16xi32>, vector<16xi32>], vector<16xf32>,
        %gather3A_839 = arith.constant 0 : i32
        %gather3A_840 = tpu.memref_slice %arg8[%add3A_826, %gather3A_839] : memref<2048x8xf32, #tpu.memory_space<vmem>> -> memref<16x8xf32, #tpu.memory_space<vmem>>
        %gather3A_841 = tpu.vector_load_idx %gather3A_840[%iota3A, %broadcast_in_dim3A_11] : memref<16x8xf32, #tpu.memory_space<vmem>>[vector<16xi32>, vector<16xi32>], vector<16xf32>,
        %gather3A_842 = arith.constant 0 : i32
        %gather3A_843 = tpu.memref_slice %arg8[%add3A_826, %gather3A_842] : memref<2048x8xf32, #tpu.memory_space<vmem>> -> memref<16x8xf32, #tpu.memory_space<vmem>>
        %gather3A_844 = tpu.vector_load_idx %gather3A_843[%iota3A, %broadcast_in_dim3A_13] : memref<16x8xf32, #tpu.memory_space<vmem>>[vector<16xi32>, vector<16xi32>], vector<16xf32>,
        %gather3A_845 = arith.constant 0 : i32
        %gather3A_846 = tpu.memref_slice %arg8[%add3A_826, %gather3A_845] : memref<2048x8xf32, #tpu.memory_space<vmem>> -> memref<16x8xf32, #tpu.memory_space<vmem>>
        %gather3A_847 = tpu.vector_load_idx %gather3A_846[%iota3A, %broadcast_in_dim3A_15] : memref<16x8xf32, #tpu.memory_space<vmem>>[vector<16xi32>, vector<16xi32>], vector<16xf32>,
        %gather3A_848 = arith.constant 0 : i32
        %gather3A_849 = tpu.memref_slice %arg8[%add3A_826, %gather3A_848] : memref<2048x8xf32, #tpu.memory_space<vmem>> -> memref<16x8xf32, #tpu.memory_space<vmem>>
        %gather3A_850 = tpu.vector_load_idx %gather3A_849[%iota3A, %broadcast_in_dim3A_17] : memref<16x8xf32, #tpu.memory_space<vmem>>[vector<16xi32>, vector<16xi32>], vector<16xf32>,
        %add3A_851 = arith.constant 0 : i32
        %add3A_852 = arith.addi %add3A_530, %add3A_851 : i32
        %add3A_853 = arith.constant 64 : i32
        %add3A_854 = arith.addi %add3A_852, %add3A_853 : i32
        %swap3A_855 = arith.index_cast %add3A_854 : i32 to index
        %swap3A_856 = tpu.vector_load %arg10[%swap3A_855] {strides = array<i32>} : memref<16384xf32, #tpu.memory_space<vmem>>, vector<16xf32>,
        tpu.vector_store %arg10[%swap3A_855], %gather3A_829 {strides = array<i32>} : memref<16384xf32, #tpu.memory_space<vmem>>, vector<16xf32>,
        %add3A_857 = arith.constant 128 : i32
        %add3A_858 = arith.addi %add3A_530, %add3A_857 : i32
        %add3A_859 = arith.constant 64 : i32
        %add3A_860 = arith.addi %add3A_858, %add3A_859 : i32
        %swap3A_861 = arith.index_cast %add3A_860 : i32 to index
        %swap3A_862 = tpu.vector_load %arg10[%swap3A_861] {strides = array<i32>} : memref<16384xf32, #tpu.memory_space<vmem>>, vector<16xf32>,
        tpu.vector_store %arg10[%swap3A_861], %gather3A_832 {strides = array<i32>} : memref<16384xf32, #tpu.memory_space<vmem>>, vector<16xf32>,
        %add3A_863 = arith.constant 256 : i32
        %add3A_864 = arith.addi %add3A_530, %add3A_863 : i32
        %add3A_865 = arith.constant 64 : i32
        %add3A_866 = arith.addi %add3A_864, %add3A_865 : i32
        %swap3A_867 = arith.index_cast %add3A_866 : i32 to index
        %swap3A_868 = tpu.vector_load %arg10[%swap3A_867] {strides = array<i32>} : memref<16384xf32, #tpu.memory_space<vmem>>, vector<16xf32>,
        tpu.vector_store %arg10[%swap3A_867], %gather3A_835 {strides = array<i32>} : memref<16384xf32, #tpu.memory_space<vmem>>, vector<16xf32>,
        %add3A_869 = arith.constant 384 : i32
        %add3A_870 = arith.addi %add3A_530, %add3A_869 : i32
        %add3A_871 = arith.constant 64 : i32
        %add3A_872 = arith.addi %add3A_870, %add3A_871 : i32
        %swap3A_873 = arith.index_cast %add3A_872 : i32 to index
        %swap3A_874 = tpu.vector_load %arg10[%swap3A_873] {strides = array<i32>} : memref<16384xf32, #tpu.memory_space<vmem>>, vector<16xf32>,
        tpu.vector_store %arg10[%swap3A_873], %gather3A_838 {strides = array<i32>} : memref<16384xf32, #tpu.memory_space<vmem>>, vector<16xf32>,
        %add3A_875 = arith.constant 512 : i32
        %add3A_876 = arith.addi %add3A_530, %add3A_875 : i32
        %add3A_877 = arith.constant 64 : i32
        %add3A_878 = arith.addi %add3A_876, %add3A_877 : i32
        %swap3A_879 = arith.index_cast %add3A_878 : i32 to index
        %swap3A_880 = tpu.vector_load %arg10[%swap3A_879] {strides = array<i32>} : memref<16384xf32, #tpu.memory_space<vmem>>, vector<16xf32>,
        tpu.vector_store %arg10[%swap3A_879], %gather3A_841 {strides = array<i32>} : memref<16384xf32, #tpu.memory_space<vmem>>, vector<16xf32>,
        %add3A_881 = arith.constant 640 : i32
        %add3A_882 = arith.addi %add3A_530, %add3A_881 : i32
        %add3A_883 = arith.constant 64 : i32
        %add3A_884 = arith.addi %add3A_882, %add3A_883 : i32
        %swap3A_885 = arith.index_cast %add3A_884 : i32 to index
        %swap3A_886 = tpu.vector_load %arg10[%swap3A_885] {strides = array<i32>} : memref<16384xf32, #tpu.memory_space<vmem>>, vector<16xf32>,
        tpu.vector_store %arg10[%swap3A_885], %gather3A_844 {strides = array<i32>} : memref<16384xf32, #tpu.memory_space<vmem>>, vector<16xf32>,
        %add3A_887 = arith.constant 768 : i32
        %add3A_888 = arith.addi %add3A_530, %add3A_887 : i32
        %add3A_889 = arith.constant 64 : i32
        %add3A_890 = arith.addi %add3A_888, %add3A_889 : i32
        %swap3A_891 = arith.index_cast %add3A_890 : i32 to index
        %swap3A_892 = tpu.vector_load %arg10[%swap3A_891] {strides = array<i32>} : memref<16384xf32, #tpu.memory_space<vmem>>, vector<16xf32>,
        tpu.vector_store %arg10[%swap3A_891], %gather3A_847 {strides = array<i32>} : memref<16384xf32, #tpu.memory_space<vmem>>, vector<16xf32>,
        %add3A_893 = arith.constant 896 : i32
        %add3A_894 = arith.addi %add3A_530, %add3A_893 : i32
        %add3A_895 = arith.constant 64 : i32
        %add3A_896 = arith.addi %add3A_894, %add3A_895 : i32
        %swap3A_897 = arith.index_cast %add3A_896 : i32 to index
        %swap3A_898 = tpu.vector_load %arg10[%swap3A_897] {strides = array<i32>} : memref<16384xf32, #tpu.memory_space<vmem>>, vector<16xf32>,
        tpu.vector_store %arg10[%swap3A_897], %gather3A_850 {strides = array<i32>} : memref<16384xf32, #tpu.memory_space<vmem>>, vector<16xf32>,
        %add3A_899 = arith.constant 80 : i32
        %add3A_900 = arith.addi %mul3A_519, %add3A_899 : i32
        %gather3A_901 = arith.constant 0 : i32
        %gather3A_902 = tpu.memref_slice %arg8[%add3A_900, %gather3A_901] : memref<2048x8xf32, #tpu.memory_space<vmem>> -> memref<16x8xf32, #tpu.memory_space<vmem>>
        %gather3A_903 = tpu.vector_load_idx %gather3A_902[%iota3A, %broadcast_in_dim3A_3] : memref<16x8xf32, #tpu.memory_space<vmem>>[vector<16xi32>, vector<16xi32>], vector<16xf32>,
        %gather3A_904 = arith.constant 0 : i32
        %gather3A_905 = tpu.memref_slice %arg8[%add3A_900, %gather3A_904] : memref<2048x8xf32, #tpu.memory_space<vmem>> -> memref<16x8xf32, #tpu.memory_space<vmem>>
        %gather3A_906 = tpu.vector_load_idx %gather3A_905[%iota3A, %broadcast_in_dim3A_5] : memref<16x8xf32, #tpu.memory_space<vmem>>[vector<16xi32>, vector<16xi32>], vector<16xf32>,
        %gather3A_907 = arith.constant 0 : i32
        %gather3A_908 = tpu.memref_slice %arg8[%add3A_900, %gather3A_907] : memref<2048x8xf32, #tpu.memory_space<vmem>> -> memref<16x8xf32, #tpu.memory_space<vmem>>
        %gather3A_909 = tpu.vector_load_idx %gather3A_908[%iota3A, %broadcast_in_dim3A_7] : memref<16x8xf32, #tpu.memory_space<vmem>>[vector<16xi32>, vector<16xi32>], vector<16xf32>,
        %gather3A_910 = arith.constant 0 : i32
        %gather3A_911 = tpu.memref_slice %arg8[%add3A_900, %gather3A_910] : memref<2048x8xf32, #tpu.memory_space<vmem>> -> memref<16x8xf32, #tpu.memory_space<vmem>>
        %gather3A_912 = tpu.vector_load_idx %gather3A_911[%iota3A, %broadcast_in_dim3A_9] : memref<16x8xf32, #tpu.memory_space<vmem>>[vector<16xi32>, vector<16xi32>], vector<16xf32>,
        %gather3A_913 = arith.constant 0 : i32
        %gather3A_914 = tpu.memref_slice %arg8[%add3A_900, %gather3A_913] : memref<2048x8xf32, #tpu.memory_space<vmem>> -> memref<16x8xf32, #tpu.memory_space<vmem>>
        %gather3A_915 = tpu.vector_load_idx %gather3A_914[%iota3A, %broadcast_in_dim3A_11] : memref<16x8xf32, #tpu.memory_space<vmem>>[vector<16xi32>, vector<16xi32>], vector<16xf32>,
        %gather3A_916 = arith.constant 0 : i32
        %gather3A_917 = tpu.memref_slice %arg8[%add3A_900, %gather3A_916] : memref<2048x8xf32, #tpu.memory_space<vmem>> -> memref<16x8xf32, #tpu.memory_space<vmem>>
        %gather3A_918 = tpu.vector_load_idx %gather3A_917[%iota3A, %broadcast_in_dim3A_13] : memref<16x8xf32, #tpu.memory_space<vmem>>[vector<16xi32>, vector<16xi32>], vector<16xf32>,
        %gather3A_919 = arith.constant 0 : i32
        %gather3A_920 = tpu.memref_slice %arg8[%add3A_900, %gather3A_919] : memref<2048x8xf32, #tpu.memory_space<vmem>> -> memref<16x8xf32, #tpu.memory_space<vmem>>
        %gather3A_921 = tpu.vector_load_idx %gather3A_920[%iota3A, %broadcast_in_dim3A_15] : memref<16x8xf32, #tpu.memory_space<vmem>>[vector<16xi32>, vector<16xi32>], vector<16xf32>,
        %gather3A_922 = arith.constant 0 : i32
        %gather3A_923 = tpu.memref_slice %arg8[%add3A_900, %gather3A_922] : memref<2048x8xf32, #tpu.memory_space<vmem>> -> memref<16x8xf32, #tpu.memory_space<vmem>>
        %gather3A_924 = tpu.vector_load_idx %gather3A_923[%iota3A, %broadcast_in_dim3A_17] : memref<16x8xf32, #tpu.memory_space<vmem>>[vector<16xi32>, vector<16xi32>], vector<16xf32>,
        %add3A_925 = arith.constant 0 : i32
        %add3A_926 = arith.addi %add3A_530, %add3A_925 : i32
        %add3A_927 = arith.constant 80 : i32
        %add3A_928 = arith.addi %add3A_926, %add3A_927 : i32
        %swap3A_929 = arith.index_cast %add3A_928 : i32 to index
        %swap3A_930 = tpu.vector_load %arg10[%swap3A_929] {strides = array<i32>} : memref<16384xf32, #tpu.memory_space<vmem>>, vector<16xf32>,
        tpu.vector_store %arg10[%swap3A_929], %gather3A_903 {strides = array<i32>} : memref<16384xf32, #tpu.memory_space<vmem>>, vector<16xf32>,
        %add3A_931 = arith.constant 128 : i32
        %add3A_932 = arith.addi %add3A_530, %add3A_931 : i32
        %add3A_933 = arith.constant 80 : i32
        %add3A_934 = arith.addi %add3A_932, %add3A_933 : i32
        %swap3A_935 = arith.index_cast %add3A_934 : i32 to index
        %swap3A_936 = tpu.vector_load %arg10[%swap3A_935] {strides = array<i32>} : memref<16384xf32, #tpu.memory_space<vmem>>, vector<16xf32>,
        tpu.vector_store %arg10[%swap3A_935], %gather3A_906 {strides = array<i32>} : memref<16384xf32, #tpu.memory_space<vmem>>, vector<16xf32>,
        %add3A_937 = arith.constant 256 : i32
        %add3A_938 = arith.addi %add3A_530, %add3A_937 : i32
        %add3A_939 = arith.constant 80 : i32
        %add3A_940 = arith.addi %add3A_938, %add3A_939 : i32
        %swap3A_941 = arith.index_cast %add3A_940 : i32 to index
        %swap3A_942 = tpu.vector_load %arg10[%swap3A_941] {strides = array<i32>} : memref<16384xf32, #tpu.memory_space<vmem>>, vector<16xf32>,
        tpu.vector_store %arg10[%swap3A_941], %gather3A_909 {strides = array<i32>} : memref<16384xf32, #tpu.memory_space<vmem>>, vector<16xf32>,
        %add3A_943 = arith.constant 384 : i32
        %add3A_944 = arith.addi %add3A_530, %add3A_943 : i32
        %add3A_945 = arith.constant 80 : i32
        %add3A_946 = arith.addi %add3A_944, %add3A_945 : i32
        %swap3A_947 = arith.index_cast %add3A_946 : i32 to index
        %swap3A_948 = tpu.vector_load %arg10[%swap3A_947] {strides = array<i32>} : memref<16384xf32, #tpu.memory_space<vmem>>, vector<16xf32>,
        tpu.vector_store %arg10[%swap3A_947], %gather3A_912 {strides = array<i32>} : memref<16384xf32, #tpu.memory_space<vmem>>, vector<16xf32>,
        %add3A_949 = arith.constant 512 : i32
        %add3A_950 = arith.addi %add3A_530, %add3A_949 : i32
        %add3A_951 = arith.constant 80 : i32
        %add3A_952 = arith.addi %add3A_950, %add3A_951 : i32
        %swap3A_953 = arith.index_cast %add3A_952 : i32 to index
        %swap3A_954 = tpu.vector_load %arg10[%swap3A_953] {strides = array<i32>} : memref<16384xf32, #tpu.memory_space<vmem>>, vector<16xf32>,
        tpu.vector_store %arg10[%swap3A_953], %gather3A_915 {strides = array<i32>} : memref<16384xf32, #tpu.memory_space<vmem>>, vector<16xf32>,
        %add3A_955 = arith.constant 640 : i32
        %add3A_956 = arith.addi %add3A_530, %add3A_955 : i32
        %add3A_957 = arith.constant 80 : i32
        %add3A_958 = arith.addi %add3A_956, %add3A_957 : i32
        %swap3A_959 = arith.index_cast %add3A_958 : i32 to index
        %swap3A_960 = tpu.vector_load %arg10[%swap3A_959] {strides = array<i32>} : memref<16384xf32, #tpu.memory_space<vmem>>, vector<16xf32>,
        tpu.vector_store %arg10[%swap3A_959], %gather3A_918 {strides = array<i32>} : memref<16384xf32, #tpu.memory_space<vmem>>, vector<16xf32>,
        %add3A_961 = arith.constant 768 : i32
        %add3A_962 = arith.addi %add3A_530, %add3A_961 : i32
        %add3A_963 = arith.constant 80 : i32
        %add3A_964 = arith.addi %add3A_962, %add3A_963 : i32
        %swap3A_965 = arith.index_cast %add3A_964 : i32 to index
        %swap3A_966 = tpu.vector_load %arg10[%swap3A_965] {strides = array<i32>} : memref<16384xf32, #tpu.memory_space<vmem>>, vector<16xf32>,
        tpu.vector_store %arg10[%swap3A_965], %gather3A_921 {strides = array<i32>} : memref<16384xf32, #tpu.memory_space<vmem>>, vector<16xf32>,
        %add3A_967 = arith.constant 896 : i32
        %add3A_968 = arith.addi %add3A_530, %add3A_967 : i32
        %add3A_969 = arith.constant 80 : i32
        %add3A_970 = arith.addi %add3A_968, %add3A_969 : i32
        %swap3A_971 = arith.index_cast %add3A_970 : i32 to index
        %swap3A_972 = tpu.vector_load %arg10[%swap3A_971] {strides = array<i32>} : memref<16384xf32, #tpu.memory_space<vmem>>, vector<16xf32>,
        tpu.vector_store %arg10[%swap3A_971], %gather3A_924 {strides = array<i32>} : memref<16384xf32, #tpu.memory_space<vmem>>, vector<16xf32>,
        %add3A_973 = arith.constant 96 : i32
        %add3A_974 = arith.addi %mul3A_519, %add3A_973 : i32
        %gather3A_975 = arith.constant 0 : i32
        %gather3A_976 = tpu.memref_slice %arg8[%add3A_974, %gather3A_975] : memref<2048x8xf32, #tpu.memory_space<vmem>> -> memref<16x8xf32, #tpu.memory_space<vmem>>
        %gather3A_977 = tpu.vector_load_idx %gather3A_976[%iota3A, %broadcast_in_dim3A_3] : memref<16x8xf32, #tpu.memory_space<vmem>>[vector<16xi32>, vector<16xi32>], vector<16xf32>,
        %gather3A_978 = arith.constant 0 : i32
        %gather3A_979 = tpu.memref_slice %arg8[%add3A_974, %gather3A_978] : memref<2048x8xf32, #tpu.memory_space<vmem>> -> memref<16x8xf32, #tpu.memory_space<vmem>>
        %gather3A_980 = tpu.vector_load_idx %gather3A_979[%iota3A, %broadcast_in_dim3A_5] : memref<16x8xf32, #tpu.memory_space<vmem>>[vector<16xi32>, vector<16xi32>], vector<16xf32>,
        %gather3A_981 = arith.constant 0 : i32
        %gather3A_982 = tpu.memref_slice %arg8[%add3A_974, %gather3A_981] : memref<2048x8xf32, #tpu.memory_space<vmem>> -> memref<16x8xf32, #tpu.memory_space<vmem>>
        %gather3A_983 = tpu.vector_load_idx %gather3A_982[%iota3A, %broadcast_in_dim3A_7] : memref<16x8xf32, #tpu.memory_space<vmem>>[vector<16xi32>, vector<16xi32>], vector<16xf32>,
        %gather3A_984 = arith.constant 0 : i32
        %gather3A_985 = tpu.memref_slice %arg8[%add3A_974, %gather3A_984] : memref<2048x8xf32, #tpu.memory_space<vmem>> -> memref<16x8xf32, #tpu.memory_space<vmem>>
        %gather3A_986 = tpu.vector_load_idx %gather3A_985[%iota3A, %broadcast_in_dim3A_9] : memref<16x8xf32, #tpu.memory_space<vmem>>[vector<16xi32>, vector<16xi32>], vector<16xf32>,
        %gather3A_987 = arith.constant 0 : i32
        %gather3A_988 = tpu.memref_slice %arg8[%add3A_974, %gather3A_987] : memref<2048x8xf32, #tpu.memory_space<vmem>> -> memref<16x8xf32, #tpu.memory_space<vmem>>
        %gather3A_989 = tpu.vector_load_idx %gather3A_988[%iota3A, %broadcast_in_dim3A_11] : memref<16x8xf32, #tpu.memory_space<vmem>>[vector<16xi32>, vector<16xi32>], vector<16xf32>,
        %gather3A_990 = arith.constant 0 : i32
        %gather3A_991 = tpu.memref_slice %arg8[%add3A_974, %gather3A_990] : memref<2048x8xf32, #tpu.memory_space<vmem>> -> memref<16x8xf32, #tpu.memory_space<vmem>>
        %gather3A_992 = tpu.vector_load_idx %gather3A_991[%iota3A, %broadcast_in_dim3A_13] : memref<16x8xf32, #tpu.memory_space<vmem>>[vector<16xi32>, vector<16xi32>], vector<16xf32>,
        %gather3A_993 = arith.constant 0 : i32
        %gather3A_994 = tpu.memref_slice %arg8[%add3A_974, %gather3A_993] : memref<2048x8xf32, #tpu.memory_space<vmem>> -> memref<16x8xf32, #tpu.memory_space<vmem>>
        %gather3A_995 = tpu.vector_load_idx %gather3A_994[%iota3A, %broadcast_in_dim3A_15] : memref<16x8xf32, #tpu.memory_space<vmem>>[vector<16xi32>, vector<16xi32>], vector<16xf32>,
        %gather3A_996 = arith.constant 0 : i32
        %gather3A_997 = tpu.memref_slice %arg8[%add3A_974, %gather3A_996] : memref<2048x8xf32, #tpu.memory_space<vmem>> -> memref<16x8xf32, #tpu.memory_space<vmem>>
        %gather3A_998 = tpu.vector_load_idx %gather3A_997[%iota3A, %broadcast_in_dim3A_17] : memref<16x8xf32, #tpu.memory_space<vmem>>[vector<16xi32>, vector<16xi32>], vector<16xf32>,
        %add3A_999 = arith.constant 0 : i32
        %add3A_1000 = arith.addi %add3A_530, %add3A_999 : i32
        %add3A_1001 = arith.constant 96 : i32
        %add3A_1002 = arith.addi %add3A_1000, %add3A_1001 : i32
        %swap3A_1003 = arith.index_cast %add3A_1002 : i32 to index
        %swap3A_1004 = tpu.vector_load %arg10[%swap3A_1003] {strides = array<i32>} : memref<16384xf32, #tpu.memory_space<vmem>>, vector<16xf32>,
        tpu.vector_store %arg10[%swap3A_1003], %gather3A_977 {strides = array<i32>} : memref<16384xf32, #tpu.memory_space<vmem>>, vector<16xf32>,
        %add3A_1005 = arith.constant 128 : i32
        %add3A_1006 = arith.addi %add3A_530, %add3A_1005 : i32
        %add3A_1007 = arith.constant 96 : i32
        %add3A_1008 = arith.addi %add3A_1006, %add3A_1007 : i32
        %swap3A_1009 = arith.index_cast %add3A_1008 : i32 to index
        %swap3A_1010 = tpu.vector_load %arg10[%swap3A_1009] {strides = array<i32>} : memref<16384xf32, #tpu.memory_space<vmem>>, vector<16xf32>,
        tpu.vector_store %arg10[%swap3A_1009], %gather3A_980 {strides = array<i32>} : memref<16384xf32, #tpu.memory_space<vmem>>, vector<16xf32>,
        %add3A_1011 = arith.constant 256 : i32
        %add3A_1012 = arith.addi %add3A_530, %add3A_1011 : i32
        %add3A_1013 = arith.constant 96 : i32
        %add3A_1014 = arith.addi %add3A_1012, %add3A_1013 : i32
        %swap3A_1015 = arith.index_cast %add3A_1014 : i32 to index
        %swap3A_1016 = tpu.vector_load %arg10[%swap3A_1015] {strides = array<i32>} : memref<16384xf32, #tpu.memory_space<vmem>>, vector<16xf32>,
        tpu.vector_store %arg10[%swap3A_1015], %gather3A_983 {strides = array<i32>} : memref<16384xf32, #tpu.memory_space<vmem>>, vector<16xf32>,
        %add3A_1017 = arith.constant 384 : i32
        %add3A_1018 = arith.addi %add3A_530, %add3A_1017 : i32
        %add3A_1019 = arith.constant 96 : i32
        %add3A_1020 = arith.addi %add3A_1018, %add3A_1019 : i32
        %swap3A_1021 = arith.index_cast %add3A_1020 : i32 to index
        %swap3A_1022 = tpu.vector_load %arg10[%swap3A_1021] {strides = array<i32>} : memref<16384xf32, #tpu.memory_space<vmem>>, vector<16xf32>,
        tpu.vector_store %arg10[%swap3A_1021], %gather3A_986 {strides = array<i32>} : memref<16384xf32, #tpu.memory_space<vmem>>, vector<16xf32>,
        %add3A_1023 = arith.constant 512 : i32
        %add3A_1024 = arith.addi %add3A_530, %add3A_1023 : i32
        %add3A_1025 = arith.constant 96 : i32
        %add3A_1026 = arith.addi %add3A_1024, %add3A_1025 : i32
        %swap3A_1027 = arith.index_cast %add3A_1026 : i32 to index
        %swap3A_1028 = tpu.vector_load %arg10[%swap3A_1027] {strides = array<i32>} : memref<16384xf32, #tpu.memory_space<vmem>>, vector<16xf32>,
        tpu.vector_store %arg10[%swap3A_1027], %gather3A_989 {strides = array<i32>} : memref<16384xf32, #tpu.memory_space<vmem>>, vector<16xf32>,
        %add3A_1029 = arith.constant 640 : i32
        %add3A_1030 = arith.addi %add3A_530, %add3A_1029 : i32
        %add3A_1031 = arith.constant 96 : i32
        %add3A_1032 = arith.addi %add3A_1030, %add3A_1031 : i32
        %swap3A_1033 = arith.index_cast %add3A_1032 : i32 to index
        %swap3A_1034 = tpu.vector_load %arg10[%swap3A_1033] {strides = array<i32>} : memref<16384xf32, #tpu.memory_space<vmem>>, vector<16xf32>,
        tpu.vector_store %arg10[%swap3A_1033], %gather3A_992 {strides = array<i32>} : memref<16384xf32, #tpu.memory_space<vmem>>, vector<16xf32>,
        %add3A_1035 = arith.constant 768 : i32
        %add3A_1036 = arith.addi %add3A_530, %add3A_1035 : i32
        %add3A_1037 = arith.constant 96 : i32
        %add3A_1038 = arith.addi %add3A_1036, %add3A_1037 : i32
        %swap3A_1039 = arith.index_cast %add3A_1038 : i32 to index
        %swap3A_1040 = tpu.vector_load %arg10[%swap3A_1039] {strides = array<i32>} : memref<16384xf32, #tpu.memory_space<vmem>>, vector<16xf32>,
        tpu.vector_store %arg10[%swap3A_1039], %gather3A_995 {strides = array<i32>} : memref<16384xf32, #tpu.memory_space<vmem>>, vector<16xf32>,
        %add3A_1041 = arith.constant 896 : i32
        %add3A_1042 = arith.addi %add3A_530, %add3A_1041 : i32
        %add3A_1043 = arith.constant 96 : i32
        %add3A_1044 = arith.addi %add3A_1042, %add3A_1043 : i32
        %swap3A_1045 = arith.index_cast %add3A_1044 : i32 to index
        %swap3A_1046 = tpu.vector_load %arg10[%swap3A_1045] {strides = array<i32>} : memref<16384xf32, #tpu.memory_space<vmem>>, vector<16xf32>,
        tpu.vector_store %arg10[%swap3A_1045], %gather3A_998 {strides = array<i32>} : memref<16384xf32, #tpu.memory_space<vmem>>, vector<16xf32>,
        %add3A_1047 = arith.constant 112 : i32
        %add3A_1048 = arith.addi %mul3A_519, %add3A_1047 : i32
        %gather3A_1049 = arith.constant 0 : i32
        %gather3A_1050 = tpu.memref_slice %arg8[%add3A_1048, %gather3A_1049] : memref<2048x8xf32, #tpu.memory_space<vmem>> -> memref<16x8xf32, #tpu.memory_space<vmem>>
        %gather3A_1051 = tpu.vector_load_idx %gather3A_1050[%iota3A, %broadcast_in_dim3A_3] : memref<16x8xf32, #tpu.memory_space<vmem>>[vector<16xi32>, vector<16xi32>], vector<16xf32>,
        %gather3A_1052 = arith.constant 0 : i32
        %gather3A_1053 = tpu.memref_slice %arg8[%add3A_1048, %gather3A_1052] : memref<2048x8xf32, #tpu.memory_space<vmem>> -> memref<16x8xf32, #tpu.memory_space<vmem>>
        %gather3A_1054 = tpu.vector_load_idx %gather3A_1053[%iota3A, %broadcast_in_dim3A_5] : memref<16x8xf32, #tpu.memory_space<vmem>>[vector<16xi32>, vector<16xi32>], vector<16xf32>,
        %gather3A_1055 = arith.constant 0 : i32
        %gather3A_1056 = tpu.memref_slice %arg8[%add3A_1048, %gather3A_1055] : memref<2048x8xf32, #tpu.memory_space<vmem>> -> memref<16x8xf32, #tpu.memory_space<vmem>>
        %gather3A_1057 = tpu.vector_load_idx %gather3A_1056[%iota3A, %broadcast_in_dim3A_7] : memref<16x8xf32, #tpu.memory_space<vmem>>[vector<16xi32>, vector<16xi32>], vector<16xf32>,
        %gather3A_1058 = arith.constant 0 : i32
        %gather3A_1059 = tpu.memref_slice %arg8[%add3A_1048, %gather3A_1058] : memref<2048x8xf32, #tpu.memory_space<vmem>> -> memref<16x8xf32, #tpu.memory_space<vmem>>
        %gather3A_1060 = tpu.vector_load_idx %gather3A_1059[%iota3A, %broadcast_in_dim3A_9] : memref<16x8xf32, #tpu.memory_space<vmem>>[vector<16xi32>, vector<16xi32>], vector<16xf32>,
        %gather3A_1061 = arith.constant 0 : i32
        %gather3A_1062 = tpu.memref_slice %arg8[%add3A_1048, %gather3A_1061] : memref<2048x8xf32, #tpu.memory_space<vmem>> -> memref<16x8xf32, #tpu.memory_space<vmem>>
        %gather3A_1063 = tpu.vector_load_idx %gather3A_1062[%iota3A, %broadcast_in_dim3A_11] : memref<16x8xf32, #tpu.memory_space<vmem>>[vector<16xi32>, vector<16xi32>], vector<16xf32>,
        %gather3A_1064 = arith.constant 0 : i32
        %gather3A_1065 = tpu.memref_slice %arg8[%add3A_1048, %gather3A_1064] : memref<2048x8xf32, #tpu.memory_space<vmem>> -> memref<16x8xf32, #tpu.memory_space<vmem>>
        %gather3A_1066 = tpu.vector_load_idx %gather3A_1065[%iota3A, %broadcast_in_dim3A_13] : memref<16x8xf32, #tpu.memory_space<vmem>>[vector<16xi32>, vector<16xi32>], vector<16xf32>,
        %gather3A_1067 = arith.constant 0 : i32
        %gather3A_1068 = tpu.memref_slice %arg8[%add3A_1048, %gather3A_1067] : memref<2048x8xf32, #tpu.memory_space<vmem>> -> memref<16x8xf32, #tpu.memory_space<vmem>>
        %gather3A_1069 = tpu.vector_load_idx %gather3A_1068[%iota3A, %broadcast_in_dim3A_15] : memref<16x8xf32, #tpu.memory_space<vmem>>[vector<16xi32>, vector<16xi32>], vector<16xf32>,
        %gather3A_1070 = arith.constant 0 : i32
        %gather3A_1071 = tpu.memref_slice %arg8[%add3A_1048, %gather3A_1070] : memref<2048x8xf32, #tpu.memory_space<vmem>> -> memref<16x8xf32, #tpu.memory_space<vmem>>
        %gather3A_1072 = tpu.vector_load_idx %gather3A_1071[%iota3A, %broadcast_in_dim3A_17] : memref<16x8xf32, #tpu.memory_space<vmem>>[vector<16xi32>, vector<16xi32>], vector<16xf32>,
        %add3A_1073 = arith.constant 0 : i32
        %add3A_1074 = arith.addi %add3A_530, %add3A_1073 : i32
        %add3A_1075 = arith.constant 112 : i32
        %add3A_1076 = arith.addi %add3A_1074, %add3A_1075 : i32
        %swap3A_1077 = arith.index_cast %add3A_1076 : i32 to index
        %swap3A_1078 = tpu.vector_load %arg10[%swap3A_1077] {strides = array<i32>} : memref<16384xf32, #tpu.memory_space<vmem>>, vector<16xf32>,
        tpu.vector_store %arg10[%swap3A_1077], %gather3A_1051 {strides = array<i32>} : memref<16384xf32, #tpu.memory_space<vmem>>, vector<16xf32>,
        %add3A_1079 = arith.constant 128 : i32
        %add3A_1080 = arith.addi %add3A_530, %add3A_1079 : i32
        %add3A_1081 = arith.constant 112 : i32
        %add3A_1082 = arith.addi %add3A_1080, %add3A_1081 : i32
        %swap3A_1083 = arith.index_cast %add3A_1082 : i32 to index
        %swap3A_1084 = tpu.vector_load %arg10[%swap3A_1083] {strides = array<i32>} : memref<16384xf32, #tpu.memory_space<vmem>>, vector<16xf32>,
        tpu.vector_store %arg10[%swap3A_1083], %gather3A_1054 {strides = array<i32>} : memref<16384xf32, #tpu.memory_space<vmem>>, vector<16xf32>,
        %add3A_1085 = arith.constant 256 : i32
        %add3A_1086 = arith.addi %add3A_530, %add3A_1085 : i32
        %add3A_1087 = arith.constant 112 : i32
        %add3A_1088 = arith.addi %add3A_1086, %add3A_1087 : i32
        %swap3A_1089 = arith.index_cast %add3A_1088 : i32 to index
        %swap3A_1090 = tpu.vector_load %arg10[%swap3A_1089] {strides = array<i32>} : memref<16384xf32, #tpu.memory_space<vmem>>, vector<16xf32>,
        tpu.vector_store %arg10[%swap3A_1089], %gather3A_1057 {strides = array<i32>} : memref<16384xf32, #tpu.memory_space<vmem>>, vector<16xf32>,
        %add3A_1091 = arith.constant 384 : i32
        %add3A_1092 = arith.addi %add3A_530, %add3A_1091 : i32
        %add3A_1093 = arith.constant 112 : i32
        %add3A_1094 = arith.addi %add3A_1092, %add3A_1093 : i32
        %swap3A_1095 = arith.index_cast %add3A_1094 : i32 to index
        %swap3A_1096 = tpu.vector_load %arg10[%swap3A_1095] {strides = array<i32>} : memref<16384xf32, #tpu.memory_space<vmem>>, vector<16xf32>,
        tpu.vector_store %arg10[%swap3A_1095], %gather3A_1060 {strides = array<i32>} : memref<16384xf32, #tpu.memory_space<vmem>>, vector<16xf32>,
        %add3A_1097 = arith.constant 512 : i32
        %add3A_1098 = arith.addi %add3A_530, %add3A_1097 : i32
        %add3A_1099 = arith.constant 112 : i32
        %add3A_1100 = arith.addi %add3A_1098, %add3A_1099 : i32
        %swap3A_1101 = arith.index_cast %add3A_1100 : i32 to index
        %swap3A_1102 = tpu.vector_load %arg10[%swap3A_1101] {strides = array<i32>} : memref<16384xf32, #tpu.memory_space<vmem>>, vector<16xf32>,
        tpu.vector_store %arg10[%swap3A_1101], %gather3A_1063 {strides = array<i32>} : memref<16384xf32, #tpu.memory_space<vmem>>, vector<16xf32>,
        %add3A_1103 = arith.constant 640 : i32
        %add3A_1104 = arith.addi %add3A_530, %add3A_1103 : i32
        %add3A_1105 = arith.constant 112 : i32
        %add3A_1106 = arith.addi %add3A_1104, %add3A_1105 : i32
        %swap3A_1107 = arith.index_cast %add3A_1106 : i32 to index
        %swap3A_1108 = tpu.vector_load %arg10[%swap3A_1107] {strides = array<i32>} : memref<16384xf32, #tpu.memory_space<vmem>>, vector<16xf32>,
        tpu.vector_store %arg10[%swap3A_1107], %gather3A_1066 {strides = array<i32>} : memref<16384xf32, #tpu.memory_space<vmem>>, vector<16xf32>,
        %add3A_1109 = arith.constant 768 : i32
        %add3A_1110 = arith.addi %add3A_530, %add3A_1109 : i32
        %add3A_1111 = arith.constant 112 : i32
        %add3A_1112 = arith.addi %add3A_1110, %add3A_1111 : i32
        %swap3A_1113 = arith.index_cast %add3A_1112 : i32 to index
        %swap3A_1114 = tpu.vector_load %arg10[%swap3A_1113] {strides = array<i32>} : memref<16384xf32, #tpu.memory_space<vmem>>, vector<16xf32>,
        tpu.vector_store %arg10[%swap3A_1113], %gather3A_1069 {strides = array<i32>} : memref<16384xf32, #tpu.memory_space<vmem>>, vector<16xf32>,
        %add3A_1115 = arith.constant 896 : i32
        %add3A_1116 = arith.addi %add3A_530, %add3A_1115 : i32
        %add3A_1117 = arith.constant 112 : i32
        %add3A_1118 = arith.addi %add3A_1116, %add3A_1117 : i32
        %swap3A_1119 = arith.index_cast %add3A_1118 : i32 to index
        %swap3A_1120 = tpu.vector_load %arg10[%swap3A_1119] {strides = array<i32>} : memref<16384xf32, #tpu.memory_space<vmem>>, vector<16xf32>,
        tpu.vector_store %arg10[%swap3A_1119], %gather3A_1072 {strides = array<i32>} : memref<16384xf32, #tpu.memory_space<vmem>>, vector<16xf32>,
      }
      %scan3A_367 = arith.constant 16 : i32
      %mul3A_368 = arith.constant 2 : i32
      %mul3A_369 = arith.muli %mul3A_368, %add3A_361 : i32
      %jit3A_370 = arith.constant 128 : i32
      %div3A_371 = arith.divsi %mul3A_369, %jit3A_370 : i32
      %sign3A_372 = arith.constant 0 : i32
      %sign3A_373 = arith.cmpi sgt, %mul3A_369, %sign3A_372 : i32
      %sign3A_374 = arith.extui %sign3A_373 : i1 to i32
      %sign3A_375 = arith.constant 0 : i32
      %sign3A_376 = arith.cmpi slt, %mul3A_369, %sign3A_375 : i32
      %sign3A_377 = arith.extui %sign3A_376 : i1 to i32
      %sign3A_378 = arith.subi %sign3A_374, %sign3A_377 : i32
      %sign3A_379 = arith.constant 0 : i32
      %sign3A_380 = arith.cmpi sgt, %jit3A_370, %sign3A_379 : i32
      %sign3A_381 = arith.extui %sign3A_380 : i1 to i32
      %sign3A_382 = arith.constant 0 : i32
      %sign3A_383 = arith.cmpi slt, %jit3A_370, %sign3A_382 : i32
      %sign3A_384 = arith.extui %sign3A_383 : i1 to i32
      %sign3A_385 = arith.subi %sign3A_381, %sign3A_384 : i32
      %ne3A_386 = arith.cmpi ne, %sign3A_378, %sign3A_385 : i32
      %rem3A_387 = arith.remsi %mul3A_369, %jit3A_370 : i32
      %ne3A_388 = arith.constant 0 : i32
      %ne3A_389 = arith.cmpi ne, %rem3A_387, %ne3A_388 : i32
      %and3A_390 = arith.andi %ne3A_386, %ne3A_389 : i1
      %sub3A_391 = arith.constant 1 : i32
      %sub3A_392 = arith.subi %div3A_371, %sub3A_391 : i32
      %select_n3A_393 = arith.select %and3A_390, %sub3A_392, %div3A_371 : i32
      %mul3A_394 = arith.constant 128 : i32
      %mul3A_395 = arith.muli %select_n3A_393, %mul3A_394 : i32
      %sub3A_396 = arith.subi %mul3A_369, %mul3A_395 : i32
      %mul3A_397 = arith.constant 8 : i32
      %mul3A_398 = arith.muli %select_n3A_393, %mul3A_397 : i32
      %add3A_399 = arith.constant 0 : i32
      %add3A_400 = arith.addi %mul3A_398, %add3A_399 : i32
      %mul3A_401 = arith.constant 128 : i32
      %mul3A_402 = arith.muli %add3A_400, %mul3A_401 : i32
      %add3A_403 = arith.addi %mul3A_402, %sub3A_396 : i32
      %mul3A_404 = arith.constant 1024 : i32
      %mul3A_405 = arith.muli %add3A_403, %mul3A_404 : i32
      %dma_start3A_406 = arith.constant 0 : i32
      %dma_start3A_407 = tpu.memref_slice %arg10[%dma_start3A_406] : memref<16384xf32, #tpu.memory_space<vmem>> -> memref<2048xf32, #tpu.memory_space<vmem>>
      %dma_start3A_408 = tpu.memref_slice %arg4[%mul3A_405] : memref<26214400xf32, #tpu.memory_space<hbm>> -> memref<2048xf32, #tpu.memory_space<hbm>>
      %dma_start3A_409 = tpu.memref_slice %arg4[%mul3A_405] : memref<26214400xf32, #tpu.memory_space<hbm>> -> memref<2048xf32, #tpu.memory_space<hbm>>
      %dma_start3A_410 = arith.constant 0 : i32
      %dma_start3A_411 = tpu.memref_slice %arg10[%dma_start3A_410] : memref<16384xf32, #tpu.memory_space<vmem>> -> memref<2048xf32, #tpu.memory_space<vmem>>
      tpu.enqueue_dma source(%dma_start3A_411 : memref<2048xf32, #tpu.memory_space<vmem>>) target(%dma_start3A_409 : memref<2048xf32, #tpu.memory_space<hbm>>) target_semaphore(%arg16 : memref<!tpu.dma_semaphore, #tpu.memory_space<semaphore_mem>>)
      %mul3A_412 = arith.constant 8 : i32
      %mul3A_413 = arith.muli %select_n3A_393, %mul3A_412 : i32
      %add3A_414 = arith.constant 1 : i32
      %add3A_415 = arith.addi %mul3A_413, %add3A_414 : i32
      %mul3A_416 = arith.constant 128 : i32
      %mul3A_417 = arith.muli %add3A_415, %mul3A_416 : i32
      %add3A_418 = arith.addi %mul3A_417, %sub3A_396 : i32
      %mul3A_419 = arith.constant 1024 : i32
      %mul3A_420 = arith.muli %add3A_418, %mul3A_419 : i32
      %dma_start3A_421 = arith.constant 2048 : i32
      %dma_start3A_422 = tpu.memref_slice %arg10[%dma_start3A_421] : memref<16384xf32, #tpu.memory_space<vmem>> -> memref<2048xf32, #tpu.memory_space<vmem>>
      %dma_start3A_423 = tpu.memref_slice %arg4[%mul3A_420] : memref<26214400xf32, #tpu.memory_space<hbm>> -> memref<2048xf32, #tpu.memory_space<hbm>>
      %dma_start3A_424 = tpu.memref_slice %arg4[%mul3A_420] : memref<26214400xf32, #tpu.memory_space<hbm>> -> memref<2048xf32, #tpu.memory_space<hbm>>
      %dma_start3A_425 = arith.constant 2048 : i32
      %dma_start3A_426 = tpu.memref_slice %arg10[%dma_start3A_425] : memref<16384xf32, #tpu.memory_space<vmem>> -> memref<2048xf32, #tpu.memory_space<vmem>>
      tpu.enqueue_dma source(%dma_start3A_426 : memref<2048xf32, #tpu.memory_space<vmem>>) target(%dma_start3A_424 : memref<2048xf32, #tpu.memory_space<hbm>>) target_semaphore(%arg16 : memref<!tpu.dma_semaphore, #tpu.memory_space<semaphore_mem>>)
      %mul3A_427 = arith.constant 8 : i32
      %mul3A_428 = arith.muli %select_n3A_393, %mul3A_427 : i32
      %add3A_429 = arith.constant 2 : i32
      %add3A_430 = arith.addi %mul3A_428, %add3A_429 : i32
      %mul3A_431 = arith.constant 128 : i32
      %mul3A_432 = arith.muli %add3A_430, %mul3A_431 : i32
      %add3A_433 = arith.addi %mul3A_432, %sub3A_396 : i32
      %mul3A_434 = arith.constant 1024 : i32
      %mul3A_435 = arith.muli %add3A_433, %mul3A_434 : i32
      %dma_start3A_436 = arith.constant 4096 : i32
      %dma_start3A_437 = tpu.memref_slice %arg10[%dma_start3A_436] : memref<16384xf32, #tpu.memory_space<vmem>> -> memref<2048xf32, #tpu.memory_space<vmem>>
      %dma_start3A_438 = tpu.memref_slice %arg4[%mul3A_435] : memref<26214400xf32, #tpu.memory_space<hbm>> -> memref<2048xf32, #tpu.memory_space<hbm>>
      %dma_start3A_439 = tpu.memref_slice %arg4[%mul3A_435] : memref<26214400xf32, #tpu.memory_space<hbm>> -> memref<2048xf32, #tpu.memory_space<hbm>>
      %dma_start3A_440 = arith.constant 4096 : i32
      %dma_start3A_441 = tpu.memref_slice %arg10[%dma_start3A_440] : memref<16384xf32, #tpu.memory_space<vmem>> -> memref<2048xf32, #tpu.memory_space<vmem>>
      tpu.enqueue_dma source(%dma_start3A_441 : memref<2048xf32, #tpu.memory_space<vmem>>) target(%dma_start3A_439 : memref<2048xf32, #tpu.memory_space<hbm>>) target_semaphore(%arg16 : memref<!tpu.dma_semaphore, #tpu.memory_space<semaphore_mem>>)
      %mul3A_442 = arith.constant 8 : i32
      %mul3A_443 = arith.muli %select_n3A_393, %mul3A_442 : i32
      %add3A_444 = arith.constant 3 : i32
      %add3A_445 = arith.addi %mul3A_443, %add3A_444 : i32
      %mul3A_446 = arith.constant 128 : i32
      %mul3A_447 = arith.muli %add3A_445, %mul3A_446 : i32
      %add3A_448 = arith.addi %mul3A_447, %sub3A_396 : i32
      %mul3A_449 = arith.constant 1024 : i32
      %mul3A_450 = arith.muli %add3A_448, %mul3A_449 : i32
      %dma_start3A_451 = arith.constant 6144 : i32
      %dma_start3A_452 = tpu.memref_slice %arg10[%dma_start3A_451] : memref<16384xf32, #tpu.memory_space<vmem>> -> memref<2048xf32, #tpu.memory_space<vmem>>
      %dma_start3A_453 = tpu.memref_slice %arg4[%mul3A_450] : memref<26214400xf32, #tpu.memory_space<hbm>> -> memref<2048xf32, #tpu.memory_space<hbm>>
      %dma_start3A_454 = tpu.memref_slice %arg4[%mul3A_450] : memref<26214400xf32, #tpu.memory_space<hbm>> -> memref<2048xf32, #tpu.memory_space<hbm>>
      %dma_start3A_455 = arith.constant 6144 : i32
      %dma_start3A_456 = tpu.memref_slice %arg10[%dma_start3A_455] : memref<16384xf32, #tpu.memory_space<vmem>> -> memref<2048xf32, #tpu.memory_space<vmem>>
      tpu.enqueue_dma source(%dma_start3A_456 : memref<2048xf32, #tpu.memory_space<vmem>>) target(%dma_start3A_454 : memref<2048xf32, #tpu.memory_space<hbm>>) target_semaphore(%arg16 : memref<!tpu.dma_semaphore, #tpu.memory_space<semaphore_mem>>)
      %mul3A_457 = arith.constant 8 : i32
      %mul3A_458 = arith.muli %select_n3A_393, %mul3A_457 : i32
      %add3A_459 = arith.constant 4 : i32
      %add3A_460 = arith.addi %mul3A_458, %add3A_459 : i32
      %mul3A_461 = arith.constant 128 : i32
      %mul3A_462 = arith.muli %add3A_460, %mul3A_461 : i32
      %add3A_463 = arith.addi %mul3A_462, %sub3A_396 : i32
      %mul3A_464 = arith.constant 1024 : i32
      %mul3A_465 = arith.muli %add3A_463, %mul3A_464 : i32
      %dma_start3A_466 = arith.constant 8192 : i32
      %dma_start3A_467 = tpu.memref_slice %arg10[%dma_start3A_466] : memref<16384xf32, #tpu.memory_space<vmem>> -> memref<2048xf32, #tpu.memory_space<vmem>>
      %dma_start3A_468 = tpu.memref_slice %arg4[%mul3A_465] : memref<26214400xf32, #tpu.memory_space<hbm>> -> memref<2048xf32, #tpu.memory_space<hbm>>
      %dma_start3A_469 = tpu.memref_slice %arg4[%mul3A_465] : memref<26214400xf32, #tpu.memory_space<hbm>> -> memref<2048xf32, #tpu.memory_space<hbm>>
      %dma_start3A_470 = arith.constant 8192 : i32
      %dma_start3A_471 = tpu.memref_slice %arg10[%dma_start3A_470] : memref<16384xf32, #tpu.memory_space<vmem>> -> memref<2048xf32, #tpu.memory_space<vmem>>
      tpu.enqueue_dma source(%dma_start3A_471 : memref<2048xf32, #tpu.memory_space<vmem>>) target(%dma_start3A_469 : memref<2048xf32, #tpu.memory_space<hbm>>) target_semaphore(%arg16 : memref<!tpu.dma_semaphore, #tpu.memory_space<semaphore_mem>>)
      %mul3A_472 = arith.constant 8 : i32
      %mul3A_473 = arith.muli %select_n3A_393, %mul3A_472 : i32
      %add3A_474 = arith.constant 5 : i32
      %add3A_475 = arith.addi %mul3A_473, %add3A_474 : i32
      %mul3A_476 = arith.constant 128 : i32
      %mul3A_477 = arith.muli %add3A_475, %mul3A_476 : i32
      %add3A_478 = arith.addi %mul3A_477, %sub3A_396 : i32
      %mul3A_479 = arith.constant 1024 : i32
      %mul3A_480 = arith.muli %add3A_478, %mul3A_479 : i32
      %dma_start3A_481 = arith.constant 10240 : i32
      %dma_start3A_482 = tpu.memref_slice %arg10[%dma_start3A_481] : memref<16384xf32, #tpu.memory_space<vmem>> -> memref<2048xf32, #tpu.memory_space<vmem>>
      %dma_start3A_483 = tpu.memref_slice %arg4[%mul3A_480] : memref<26214400xf32, #tpu.memory_space<hbm>> -> memref<2048xf32, #tpu.memory_space<hbm>>
      %dma_start3A_484 = tpu.memref_slice %arg4[%mul3A_480] : memref<26214400xf32, #tpu.memory_space<hbm>> -> memref<2048xf32, #tpu.memory_space<hbm>>
      %dma_start3A_485 = arith.constant 10240 : i32
      %dma_start3A_486 = tpu.memref_slice %arg10[%dma_start3A_485] : memref<16384xf32, #tpu.memory_space<vmem>> -> memref<2048xf32, #tpu.memory_space<vmem>>
      tpu.enqueue_dma source(%dma_start3A_486 : memref<2048xf32, #tpu.memory_space<vmem>>) target(%dma_start3A_484 : memref<2048xf32, #tpu.memory_space<hbm>>) target_semaphore(%arg16 : memref<!tpu.dma_semaphore, #tpu.memory_space<semaphore_mem>>)
      %mul3A_487 = arith.constant 8 : i32
      %mul3A_488 = arith.muli %select_n3A_393, %mul3A_487 : i32
      %add3A_489 = arith.constant 6 : i32
      %add3A_490 = arith.addi %mul3A_488, %add3A_489 : i32
      %mul3A_491 = arith.constant 128 : i32
      %mul3A_492 = arith.muli %add3A_490, %mul3A_491 : i32
      %add3A_493 = arith.addi %mul3A_492, %sub3A_396 : i32
      %mul3A_494 = arith.constant 1024 : i32
      %mul3A_495 = arith.muli %add3A_493, %mul3A_494 : i32
      %dma_start3A_496 = arith.constant 12288 : i32
      %dma_start3A_497 = tpu.memref_slice %arg10[%dma_start3A_496] : memref<16384xf32, #tpu.memory_space<vmem>> -> memref<2048xf32, #tpu.memory_space<vmem>>
      %dma_start3A_498 = tpu.memref_slice %arg4[%mul3A_495] : memref<26214400xf32, #tpu.memory_space<hbm>> -> memref<2048xf32, #tpu.memory_space<hbm>>
      %dma_start3A_499 = tpu.memref_slice %arg4[%mul3A_495] : memref<26214400xf32, #tpu.memory_space<hbm>> -> memref<2048xf32, #tpu.memory_space<hbm>>
      %dma_start3A_500 = arith.constant 12288 : i32
      %dma_start3A_501 = tpu.memref_slice %arg10[%dma_start3A_500] : memref<16384xf32, #tpu.memory_space<vmem>> -> memref<2048xf32, #tpu.memory_space<vmem>>
      tpu.enqueue_dma source(%dma_start3A_501 : memref<2048xf32, #tpu.memory_space<vmem>>) target(%dma_start3A_499 : memref<2048xf32, #tpu.memory_space<hbm>>) target_semaphore(%arg16 : memref<!tpu.dma_semaphore, #tpu.memory_space<semaphore_mem>>)
      %mul3A_502 = arith.constant 8 : i32
      %mul3A_503 = arith.muli %select_n3A_393, %mul3A_502 : i32
      %add3A_504 = arith.constant 7 : i32
      %add3A_505 = arith.addi %mul3A_503, %add3A_504 : i32
      %mul3A_506 = arith.constant 128 : i32
      %mul3A_507 = arith.muli %add3A_505, %mul3A_506 : i32
      %add3A_508 = arith.addi %mul3A_507, %sub3A_396 : i32
      %mul3A_509 = arith.constant 1024 : i32
      %mul3A_510 = arith.muli %add3A_508, %mul3A_509 : i32
      %dma_start3A_511 = arith.constant 14336 : i32
      %dma_start3A_512 = tpu.memref_slice %arg10[%dma_start3A_511] : memref<16384xf32, #tpu.memory_space<vmem>> -> memref<2048xf32, #tpu.memory_space<vmem>>
      %dma_start3A_513 = tpu.memref_slice %arg4[%mul3A_510] : memref<26214400xf32, #tpu.memory_space<hbm>> -> memref<2048xf32, #tpu.memory_space<hbm>>
      %dma_start3A_514 = tpu.memref_slice %arg4[%mul3A_510] : memref<26214400xf32, #tpu.memory_space<hbm>> -> memref<2048xf32, #tpu.memory_space<hbm>>
      %dma_start3A_515 = arith.constant 14336 : i32
      %dma_start3A_516 = tpu.memref_slice %arg10[%dma_start3A_515] : memref<16384xf32, #tpu.memory_space<vmem>> -> memref<2048xf32, #tpu.memory_space<vmem>>
      tpu.enqueue_dma source(%dma_start3A_516 : memref<2048xf32, #tpu.memory_space<vmem>>) target(%dma_start3A_514 : memref<2048xf32, #tpu.memory_space<hbm>>) target_semaphore(%arg16 : memref<!tpu.dma_semaphore, #tpu.memory_space<semaphore_mem>>)
    }
    %scan3A_37 = arith.constant 25 : i32
    %dma_wait3A_38 = arith.constant 0 : i32
    %dma_wait3A_39 = tpu.memref_slice %arg9[%dma_wait3A_38] : memref<16384xf32, #tpu.memory_space<vmem>> -> memref<2048xf32, #tpu.memory_space<vmem>>
    %dma_wait3A_40 = arith.constant 0 : i32
    %dma_wait3A_41 = tpu.memref_slice %arg4[%dma_wait3A_40] : memref<26214400xf32, #tpu.memory_space<hbm>> -> memref<2048xf32, #tpu.memory_space<hbm>>
    %dma_wait3A_42 = arith.constant 0 : i32
    %dma_wait3A_43 = tpu.memref_slice %arg4[%dma_wait3A_42] : memref<26214400xf32, #tpu.memory_space<hbm>> -> memref<2048xf32, #tpu.memory_space<hbm>>
    %dma_wait3A_44 = arith.constant 0 : i32
    %dma_wait3A_45 = tpu.memref_slice %arg9[%dma_wait3A_44] : memref<16384xf32, #tpu.memory_space<vmem>> -> memref<2048xf32, #tpu.memory_space<vmem>>
    tpu.wait_dma2 semaphore(%arg15 : memref<!tpu.dma_semaphore, #tpu.memory_space<semaphore_mem>>) src(%dma_wait3A_45 : memref<2048xf32, #tpu.memory_space<vmem>>) dst(%dma_wait3A_43 : memref<2048xf32, #tpu.memory_space<hbm>>)
    %dma_wait3A_46 = arith.constant 0 : i32
    %dma_wait3A_47 = tpu.memref_slice %arg9[%dma_wait3A_46] : memref<16384xf32, #tpu.memory_space<vmem>> -> memref<2048xf32, #tpu.memory_space<vmem>>
    %dma_wait3A_48 = arith.constant 0 : i32
    %dma_wait3A_49 = tpu.memref_slice %arg4[%dma_wait3A_48] : memref<26214400xf32, #tpu.memory_space<hbm>> -> memref<2048xf32, #tpu.memory_space<hbm>>
    %dma_wait3A_50 = arith.constant 0 : i32
    %dma_wait3A_51 = tpu.memref_slice %arg4[%dma_wait3A_50] : memref<26214400xf32, #tpu.memory_space<hbm>> -> memref<2048xf32, #tpu.memory_space<hbm>>
    %dma_wait3A_52 = arith.constant 0 : i32
    %dma_wait3A_53 = tpu.memref_slice %arg9[%dma_wait3A_52] : memref<16384xf32, #tpu.memory_space<vmem>> -> memref<2048xf32, #tpu.memory_space<vmem>>
    tpu.wait_dma2 semaphore(%arg15 : memref<!tpu.dma_semaphore, #tpu.memory_space<semaphore_mem>>) src(%dma_wait3A_53 : memref<2048xf32, #tpu.memory_space<vmem>>) dst(%dma_wait3A_51 : memref<2048xf32, #tpu.memory_space<hbm>>)
    %dma_wait3A_54 = arith.constant 0 : i32
    %dma_wait3A_55 = tpu.memref_slice %arg9[%dma_wait3A_54] : memref<16384xf32, #tpu.memory_space<vmem>> -> memref<2048xf32, #tpu.memory_space<vmem>>
    %dma_wait3A_56 = arith.constant 0 : i32
    %dma_wait3A_57 = tpu.memref_slice %arg4[%dma_wait3A_56] : memref<26214400xf32, #tpu.memory_space<hbm>> -> memref<2048xf32, #tpu.memory_space<hbm>>
    %dma_wait3A_58 = arith.constant 0 : i32
    %dma_wait3A_59 = tpu.memref_slice %arg4[%dma_wait3A_58] : memref<26214400xf32, #tpu.memory_space<hbm>> -> memref<2048xf32, #tpu.memory_space<hbm>>
    %dma_wait3A_60 = arith.constant 0 : i32
    %dma_wait3A_61 = tpu.memref_slice %arg9[%dma_wait3A_60] : memref<16384xf32, #tpu.memory_space<vmem>> -> memref<2048xf32, #tpu.memory_space<vmem>>
    tpu.wait_dma2 semaphore(%arg15 : memref<!tpu.dma_semaphore, #tpu.memory_space<semaphore_mem>>) src(%dma_wait3A_61 : memref<2048xf32, #tpu.memory_space<vmem>>) dst(%dma_wait3A_59 : memref<2048xf32, #tpu.memory_space<hbm>>)
    %dma_wait3A_62 = arith.constant 0 : i32
    %dma_wait3A_63 = tpu.memref_slice %arg9[%dma_wait3A_62] : memref<16384xf32, #tpu.memory_space<vmem>> -> memref<2048xf32, #tpu.memory_space<vmem>>
    %dma_wait3A_64 = arith.constant 0 : i32
    %dma_wait3A_65 = tpu.memref_slice %arg4[%dma_wait3A_64] : memref<26214400xf32, #tpu.memory_space<hbm>> -> memref<2048xf32, #tpu.memory_space<hbm>>
    %dma_wait3A_66 = arith.constant 0 : i32
    %dma_wait3A_67 = tpu.memref_slice %arg4[%dma_wait3A_66] : memref<26214400xf32, #tpu.memory_space<hbm>> -> memref<2048xf32, #tpu.memory_space<hbm>>
    %dma_wait3A_68 = arith.constant 0 : i32
    %dma_wait3A_69 = tpu.memref_slice %arg9[%dma_wait3A_68] : memref<16384xf32, #tpu.memory_space<vmem>> -> memref<2048xf32, #tpu.memory_space<vmem>>
    tpu.wait_dma2 semaphore(%arg15 : memref<!tpu.dma_semaphore, #tpu.memory_space<semaphore_mem>>) src(%dma_wait3A_69 : memref<2048xf32, #tpu.memory_space<vmem>>) dst(%dma_wait3A_67 : memref<2048xf32, #tpu.memory_space<hbm>>)
    %dma_wait3A_70 = arith.constant 0 : i32
    %dma_wait3A_71 = tpu.memref_slice %arg9[%dma_wait3A_70] : memref<16384xf32, #tpu.memory_space<vmem>> -> memref<2048xf32, #tpu.memory_space<vmem>>
    %dma_wait3A_72 = arith.constant 0 : i32
    %dma_wait3A_73 = tpu.memref_slice %arg4[%dma_wait3A_72] : memref<26214400xf32, #tpu.memory_space<hbm>> -> memref<2048xf32, #tpu.memory_space<hbm>>
    %dma_wait3A_74 = arith.constant 0 : i32
    %dma_wait3A_75 = tpu.memref_slice %arg4[%dma_wait3A_74] : memref<26214400xf32, #tpu.memory_space<hbm>> -> memref<2048xf32, #tpu.memory_space<hbm>>
    %dma_wait3A_76 = arith.constant 0 : i32
    %dma_wait3A_77 = tpu.memref_slice %arg9[%dma_wait3A_76] : memref<16384xf32, #tpu.memory_space<vmem>> -> memref<2048xf32, #tpu.memory_space<vmem>>
    tpu.wait_dma2 semaphore(%arg15 : memref<!tpu.dma_semaphore, #tpu.memory_space<semaphore_mem>>) src(%dma_wait3A_77 : memref<2048xf32, #tpu.memory_space<vmem>>) dst(%dma_wait3A_75 : memref<2048xf32, #tpu.memory_space<hbm>>)
    %dma_wait3A_78 = arith.constant 0 : i32
    %dma_wait3A_79 = tpu.memref_slice %arg9[%dma_wait3A_78] : memref<16384xf32, #tpu.memory_space<vmem>> -> memref<2048xf32, #tpu.memory_space<vmem>>
    %dma_wait3A_80 = arith.constant 0 : i32
    %dma_wait3A_81 = tpu.memref_slice %arg4[%dma_wait3A_80] : memref<26214400xf32, #tpu.memory_space<hbm>> -> memref<2048xf32, #tpu.memory_space<hbm>>
    %dma_wait3A_82 = arith.constant 0 : i32
    %dma_wait3A_83 = tpu.memref_slice %arg4[%dma_wait3A_82] : memref<26214400xf32, #tpu.memory_space<hbm>> -> memref<2048xf32, #tpu.memory_space<hbm>>
    %dma_wait3A_84 = arith.constant 0 : i32
    %dma_wait3A_85 = tpu.memref_slice %arg9[%dma_wait3A_84] : memref<16384xf32, #tpu.memory_space<vmem>> -> memref<2048xf32, #tpu.memory_space<vmem>>
    tpu.wait_dma2 semaphore(%arg15 : memref<!tpu.dma_semaphore, #tpu.memory_space<semaphore_mem>>) src(%dma_wait3A_85 : memref<2048xf32, #tpu.memory_space<vmem>>) dst(%dma_wait3A_83 : memref<2048xf32, #tpu.memory_space<hbm>>)
    %dma_wait3A_86 = arith.constant 0 : i32
    %dma_wait3A_87 = tpu.memref_slice %arg9[%dma_wait3A_86] : memref<16384xf32, #tpu.memory_space<vmem>> -> memref<2048xf32, #tpu.memory_space<vmem>>
    %dma_wait3A_88 = arith.constant 0 : i32
    %dma_wait3A_89 = tpu.memref_slice %arg4[%dma_wait3A_88] : memref<26214400xf32, #tpu.memory_space<hbm>> -> memref<2048xf32, #tpu.memory_space<hbm>>
    %dma_wait3A_90 = arith.constant 0 : i32
    %dma_wait3A_91 = tpu.memref_slice %arg4[%dma_wait3A_90] : memref<26214400xf32, #tpu.memory_space<hbm>> -> memref<2048xf32, #tpu.memory_space<hbm>>
    %dma_wait3A_92 = arith.constant 0 : i32
    %dma_wait3A_93 = tpu.memref_slice %arg9[%dma_wait3A_92] : memref<16384xf32, #tpu.memory_space<vmem>> -> memref<2048xf32, #tpu.memory_space<vmem>>
    tpu.wait_dma2 semaphore(%arg15 : memref<!tpu.dma_semaphore, #tpu.memory_space<semaphore_mem>>) src(%dma_wait3A_93 : memref<2048xf32, #tpu.memory_space<vmem>>) dst(%dma_wait3A_91 : memref<2048xf32, #tpu.memory_space<hbm>>)
    %dma_wait3A_94 = arith.constant 0 : i32
    %dma_wait3A_95 = tpu.memref_slice %arg9[%dma_wait3A_94] : memref<16384xf32, #tpu.memory_space<vmem>> -> memref<2048xf32, #tpu.memory_space<vmem>>
    %dma_wait3A_96 = arith.constant 0 : i32
    %dma_wait3A_97 = tpu.memref_slice %arg4[%dma_wait3A_96] : memref<26214400xf32, #tpu.memory_space<hbm>> -> memref<2048xf32, #tpu.memory_space<hbm>>
    %dma_wait3A_98 = arith.constant 0 : i32
    %dma_wait3A_99 = tpu.memref_slice %arg4[%dma_wait3A_98] : memref<26214400xf32, #tpu.memory_space<hbm>> -> memref<2048xf32, #tpu.memory_space<hbm>>
    %dma_wait3A_100 = arith.constant 0 : i32
    %dma_wait3A_101 = tpu.memref_slice %arg9[%dma_wait3A_100] : memref<16384xf32, #tpu.memory_space<vmem>> -> memref<2048xf32, #tpu.memory_space<vmem>>
    tpu.wait_dma2 semaphore(%arg15 : memref<!tpu.dma_semaphore, #tpu.memory_space<semaphore_mem>>) src(%dma_wait3A_101 : memref<2048xf32, #tpu.memory_space<vmem>>) dst(%dma_wait3A_99 : memref<2048xf32, #tpu.memory_space<hbm>>)
    %dma_wait3A_102 = arith.constant 0 : i32
    %dma_wait3A_103 = tpu.memref_slice %arg10[%dma_wait3A_102] : memref<16384xf32, #tpu.memory_space<vmem>> -> memref<2048xf32, #tpu.memory_space<vmem>>
    %dma_wait3A_104 = arith.constant 0 : i32
    %dma_wait3A_105 = tpu.memref_slice %arg4[%dma_wait3A_104] : memref<26214400xf32, #tpu.memory_space<hbm>> -> memref<2048xf32, #tpu.memory_space<hbm>>
    %dma_wait3A_106 = arith.constant 0 : i32
    %dma_wait3A_107 = tpu.memref_slice %arg4[%dma_wait3A_106] : memref<26214400xf32, #tpu.memory_space<hbm>> -> memref<2048xf32, #tpu.memory_space<hbm>>
    %dma_wait3A_108 = arith.constant 0 : i32
    %dma_wait3A_109 = tpu.memref_slice %arg10[%dma_wait3A_108] : memref<16384xf32, #tpu.memory_space<vmem>> -> memref<2048xf32, #tpu.memory_space<vmem>>
    tpu.wait_dma2 semaphore(%arg16 : memref<!tpu.dma_semaphore, #tpu.memory_space<semaphore_mem>>) src(%dma_wait3A_109 : memref<2048xf32, #tpu.memory_space<vmem>>) dst(%dma_wait3A_107 : memref<2048xf32, #tpu.memory_space<hbm>>)
    %dma_wait3A_110 = arith.constant 0 : i32
    %dma_wait3A_111 = tpu.memref_slice %arg10[%dma_wait3A_110] : memref<16384xf32, #tpu.memory_space<vmem>> -> memref<2048xf32, #tpu.memory_space<vmem>>
    %dma_wait3A_112 = arith.constant 0 : i32
    %dma_wait3A_113 = tpu.memref_slice %arg4[%dma_wait3A_112] : memref<26214400xf32, #tpu.memory_space<hbm>> -> memref<2048xf32, #tpu.memory_space<hbm>>
    %dma_wait3A_114 = arith.constant 0 : i32
    %dma_wait3A_115 = tpu.memref_slice %arg4[%dma_wait3A_114] : memref<26214400xf32, #tpu.memory_space<hbm>> -> memref<2048xf32, #tpu.memory_space<hbm>>
    %dma_wait3A_116 = arith.constant 0 : i32
    %dma_wait3A_117 = tpu.memref_slice %arg10[%dma_wait3A_116] : memref<16384xf32, #tpu.memory_space<vmem>> -> memref<2048xf32, #tpu.memory_space<vmem>>
    tpu.wait_dma2 semaphore(%arg16 : memref<!tpu.dma_semaphore, #tpu.memory_space<semaphore_mem>>) src(%dma_wait3A_117 : memref<2048xf32, #tpu.memory_space<vmem>>) dst(%dma_wait3A_115 : memref<2048xf32, #tpu.memory_space<hbm>>)
    %dma_wait3A_118 = arith.constant 0 : i32
    %dma_wait3A_119 = tpu.memref_slice %arg10[%dma_wait3A_118] : memref<16384xf32, #tpu.memory_space<vmem>> -> memref<2048xf32, #tpu.memory_space<vmem>>
    %dma_wait3A_120 = arith.constant 0 : i32
    %dma_wait3A_121 = tpu.memref_slice %arg4[%dma_wait3A_120] : memref<26214400xf32, #tpu.memory_space<hbm>> -> memref<2048xf32, #tpu.memory_space<hbm>>
    %dma_wait3A_122 = arith.constant 0 : i32
    %dma_wait3A_123 = tpu.memref_slice %arg4[%dma_wait3A_122] : memref<26214400xf32, #tpu.memory_space<hbm>> -> memref<2048xf32, #tpu.memory_space<hbm>>
    %dma_wait3A_124 = arith.constant 0 : i32
    %dma_wait3A_125 = tpu.memref_slice %arg10[%dma_wait3A_124] : memref<16384xf32, #tpu.memory_space<vmem>> -> memref<2048xf32, #tpu.memory_space<vmem>>
    tpu.wait_dma2 semaphore(%arg16 : memref<!tpu.dma_semaphore, #tpu.memory_space<semaphore_mem>>) src(%dma_wait3A_125 : memref<2048xf32, #tpu.memory_space<vmem>>) dst(%dma_wait3A_123 : memref<2048xf32, #tpu.memory_space<hbm>>)
    %dma_wait3A_126 = arith.constant 0 : i32
    %dma_wait3A_127 = tpu.memref_slice %arg10[%dma_wait3A_126] : memref<16384xf32, #tpu.memory_space<vmem>> -> memref<2048xf32, #tpu.memory_space<vmem>>
    %dma_wait3A_128 = arith.constant 0 : i32
    %dma_wait3A_129 = tpu.memref_slice %arg4[%dma_wait3A_128] : memref<26214400xf32, #tpu.memory_space<hbm>> -> memref<2048xf32, #tpu.memory_space<hbm>>
    %dma_wait3A_130 = arith.constant 0 : i32
    %dma_wait3A_131 = tpu.memref_slice %arg4[%dma_wait3A_130] : memref<26214400xf32, #tpu.memory_space<hbm>> -> memref<2048xf32, #tpu.memory_space<hbm>>
    %dma_wait3A_132 = arith.constant 0 : i32
    %dma_wait3A_133 = tpu.memref_slice %arg10[%dma_wait3A_132] : memref<16384xf32, #tpu.memory_space<vmem>> -> memref<2048xf32, #tpu.memory_space<vmem>>
    tpu.wait_dma2 semaphore(%arg16 : memref<!tpu.dma_semaphore, #tpu.memory_space<semaphore_mem>>) src(%dma_wait3A_133 : memref<2048xf32, #tpu.memory_space<vmem>>) dst(%dma_wait3A_131 : memref<2048xf32, #tpu.memory_space<hbm>>)
    %dma_wait3A_134 = arith.constant 0 : i32
    %dma_wait3A_135 = tpu.memref_slice %arg10[%dma_wait3A_134] : memref<16384xf32, #tpu.memory_space<vmem>> -> memref<2048xf32, #tpu.memory_space<vmem>>
    %dma_wait3A_136 = arith.constant 0 : i32
    %dma_wait3A_137 = tpu.memref_slice %arg4[%dma_wait3A_136] : memref<26214400xf32, #tpu.memory_space<hbm>> -> memref<2048xf32, #tpu.memory_space<hbm>>
    %dma_wait3A_138 = arith.constant 0 : i32
    %dma_wait3A_139 = tpu.memref_slice %arg4[%dma_wait3A_138] : memref<26214400xf32, #tpu.memory_space<hbm>> -> memref<2048xf32, #tpu.memory_space<hbm>>
    %dma_wait3A_140 = arith.constant 0 : i32
    %dma_wait3A_141 = tpu.memref_slice %arg10[%dma_wait3A_140] : memref<16384xf32, #tpu.memory_space<vmem>> -> memref<2048xf32, #tpu.memory_space<vmem>>
    tpu.wait_dma2 semaphore(%arg16 : memref<!tpu.dma_semaphore, #tpu.memory_space<semaphore_mem>>) src(%dma_wait3A_141 : memref<2048xf32, #tpu.memory_space<vmem>>) dst(%dma_wait3A_139 : memref<2048xf32, #tpu.memory_space<hbm>>)
    %dma_wait3A_142 = arith.constant 0 : i32
    %dma_wait3A_143 = tpu.memref_slice %arg10[%dma_wait3A_142] : memref<16384xf32, #tpu.memory_space<vmem>> -> memref<2048xf32, #tpu.memory_space<vmem>>
    %dma_wait3A_144 = arith.constant 0 : i32
    %dma_wait3A_145 = tpu.memref_slice %arg4[%dma_wait3A_144] : memref<26214400xf32, #tpu.memory_space<hbm>> -> memref<2048xf32, #tpu.memory_space<hbm>>
    %dma_wait3A_146 = arith.constant 0 : i32
    %dma_wait3A_147 = tpu.memref_slice %arg4[%dma_wait3A_146] : memref<26214400xf32, #tpu.memory_space<hbm>> -> memref<2048xf32, #tpu.memory_space<hbm>>
    %dma_wait3A_148 = arith.constant 0 : i32
    %dma_wait3A_149 = tpu.memref_slice %arg10[%dma_wait3A_148] : memref<16384xf32, #tpu.memory_space<vmem>> -> memref<2048xf32, #tpu.memory_space<vmem>>
    tpu.wait_dma2 semaphore(%arg16 : memref<!tpu.dma_semaphore, #tpu.memory_space<semaphore_mem>>) src(%dma_wait3A_149 : memref<2048xf32, #tpu.memory_space<vmem>>) dst(%dma_wait3A_147 : memref<2048xf32, #tpu.memory_space<hbm>>)
    %dma_wait3A_150 = arith.constant 0 : i32
    %dma_wait3A_151 = tpu.memref_slice %arg10[%dma_wait3A_150] : memref<16384xf32, #tpu.memory_space<vmem>> -> memref<2048xf32, #tpu.memory_space<vmem>>
    %dma_wait3A_152 = arith.constant 0 : i32
    %dma_wait3A_153 = tpu.memref_slice %arg4[%dma_wait3A_152] : memref<26214400xf32, #tpu.memory_space<hbm>> -> memref<2048xf32, #tpu.memory_space<hbm>>
    %dma_wait3A_154 = arith.constant 0 : i32
    %dma_wait3A_155 = tpu.memref_slice %arg4[%dma_wait3A_154] : memref<26214400xf32, #tpu.memory_space<hbm>> -> memref<2048xf32, #tpu.memory_space<hbm>>
    %dma_wait3A_156 = arith.constant 0 : i32
    %dma_wait3A_157 = tpu.memref_slice %arg10[%dma_wait3A_156] : memref<16384xf32, #tpu.memory_space<vmem>> -> memref<2048xf32, #tpu.memory_space<vmem>>
    tpu.wait_dma2 semaphore(%arg16 : memref<!tpu.dma_semaphore, #tpu.memory_space<semaphore_mem>>) src(%dma_wait3A_157 : memref<2048xf32, #tpu.memory_space<vmem>>) dst(%dma_wait3A_155 : memref<2048xf32, #tpu.memory_space<hbm>>)
    %dma_wait3A_158 = arith.constant 0 : i32
    %dma_wait3A_159 = tpu.memref_slice %arg10[%dma_wait3A_158] : memref<16384xf32, #tpu.memory_space<vmem>> -> memref<2048xf32, #tpu.memory_space<vmem>>
    %dma_wait3A_160 = arith.constant 0 : i32
    %dma_wait3A_161 = tpu.memref_slice %arg4[%dma_wait3A_160] : memref<26214400xf32, #tpu.memory_space<hbm>> -> memref<2048xf32, #tpu.memory_space<hbm>>
    %dma_wait3A_162 = arith.constant 0 : i32
    %dma_wait3A_163 = tpu.memref_slice %arg4[%dma_wait3A_162] : memref<26214400xf32, #tpu.memory_space<hbm>> -> memref<2048xf32, #tpu.memory_space<hbm>>
    %dma_wait3A_164 = arith.constant 0 : i32
    %dma_wait3A_165 = tpu.memref_slice %arg10[%dma_wait3A_164] : memref<16384xf32, #tpu.memory_space<vmem>> -> memref<2048xf32, #tpu.memory_space<vmem>>
    tpu.wait_dma2 semaphore(%arg16 : memref<!tpu.dma_semaphore, #tpu.memory_space<semaphore_mem>>) src(%dma_wait3A_165 : memref<2048xf32, #tpu.memory_space<vmem>>) dst(%dma_wait3A_163 : memref<2048xf32, #tpu.memory_space<hbm>>)
    return
  }
}

</mosaic_0001>

<sc_bundles>
// kernel: kernel.4.cloned.1.call-start
scs
__scs_entry_jumppad:
0x0: {  	(pc) =	sbr.rel $0x88, $3  }
0x1: {  	(tag) =	ssettag $0x0;
	lr =	simm.s32 $0x1  }
0x2: {  	[smem:$0x3F9F] =	sst lr;
	_ =	strace $0xD0000000  }
0x3: {  	_ = 	snop  }
0x4: {  	_ = 	snop  }
0x5: {  	_ = 	snop  }
0x6: {  	_ = 	snop  }
0x7: {  	_ = 	snop  }
__scs_overlays_trampoline_lowered:
0x8: {  	[smem:$0x3FAE] =	sst s0  }
0x9: {  	[smem:$0x3FAF] =	sst s1  }
0xa: {  	[smem:$0x3FB0] =	sst s2  }
0xb: {  	[smem:$0x3FB1] =	sst s3  }
0xc: {  	[smem:$0x3FB2] =	sst s4  }
0xd: {  	[smem:$0x3FB3] =	sst s5  }
0xe: {  	[smem:$0x3FB4] =	sst s6  }
0xf: {  	[smem:$0x3FB5] =	sst s7  }
0x10: {  	[smem:$0x3FB6] =	sst s8  }
0x11: {  	[smem:$0x3FB7] =	sst s9;
	s0 =	simm.s32 @!p0 $0x0  }
0x12: {  	s1 =	sld [smem:$0x3F9D];
	s0 =	simm.s32 @p0 $0x1  }
0x13: {  	[smem:$0x3FB8] =	sst s0;
	s0 =	simm.s32 @!p1 $0x0  }
0x14: {  	s2 =	sld [smem:$0x3F9C];
	s0 =	simm.s32 @p1 $0x1  }
0x15: {  	[smem:$0x3FB9] =	sst s0;
	s0 =	simm.s32 @!p2 $0x0  }
0x16: {  	s3 =	sld [smem:$0x3FDB];
	s0 =	simm.s32 @p2 $0x1  }
0x17: {  	s4 =	simm.s32 $0x1BF5;
	[smem:$0x3FBB] =	sst s0  }
0x18: {  	s0 =	sld [smem:$0x3F9E];
	_ =	swait.ge [sflag:s4], $0x0  }
0x19: {  	s7 =	sld [smem:$0x3F9F]  }
0x1a: {  	s8 =	sadd.s32 $0xFFFFE003, lr  }
0x1b: {  	s9 =	sadd.s32 $0xFFFFFEF7, lr;
	s5 =	simm.s32 $0xFFFFFFFF;
	p2 =	slt.u32 s8, $0xFFFFF086  }
0x1c: {  	p1 =	slt.u32 s9, $0xF7A;
	s5 =	simm.s32 @!p2 $0x0  }
0x1d: {  	s5 =	simm.s32 @p1 $0x1;
	p0 =	seq.s32 s7, s2  }
0x1e: {  	s7 =	smul.u32 @!p0 $0xF7A, s2;
	p2 =	seq.s32 @!p0 s5, $0x0  }
0x1f: {  	s9 =	smul.u32 $0xF7A, s1;
	s8 =	simm.s32 @!p0 $0x1BF5;
	p2 =	por !p2, p0  }
0x20: {  	[sflag:s8] =	ssyncset.s32 @!p0 $0xFFFFF086;
	s6 =	sadd.s32 @!p0 s3, s7;
	s7 =	simm.s32 @!p0 $0x108  }
0x21: {  	s3 =	sadd.s32 s3, s9;
	s6 =	sadd.s32 @!p0 $0x88, s6;
	s7 =	simm.s32 @p2 $0x1082  }
0x22: {  	[simem:s7], [sflag:s8] =	dma.local @!p0 [hbm:s6], $0xF7A  }
0x23: {  	s9 =	sor.u32 $0xD0000000, s2;
	s6 =	simm.s32 $0x108;
	_ =	swait.ge @!p0 [sflag:s8], $0x0  }
0x24: {  	s3 =	sadd.s32 $0x88, s3;
	s6 =	simm.s32 @!p1 $0x1082;
	[sflag:s4] =	ssyncset.s32 $0xFFFFF086  }
0x25: {  	[simem:s6], [sflag:s4] =	dma.local [hbm:s3], $0xF7A  }
0x26: {  	[smem:$0x3F9F] =	sst s1;
	(tag) =	ssettag s2;
	_ =	strace s9  }
0x27: {  	s1 =	sld [smem:$0x3FAF]  }
0x28: {  	s2 =	sld [smem:$0x3FB0]  }
0x29: {  	s4 =	sld [smem:$0x3FB2]  }
0x2a: {  	p0 =	seq.s32 s5, $0x0;
	s5 =	sld [smem:$0x3FB3]  }
0x2b: {  	s6 =	sld [smem:$0x3FB4]  }
0x2c: {  	s7 =	sld [smem:$0x3FB5]  }
0x2d: {  	s3 =	simm.s32 $0x108;
	s8 =	sld [smem:$0x3FB6]  }
0x2e: {  	s3 =	simm.s32 @!p0 $0x1082;
	s9 =	sld [smem:$0x3FB7]  }
0x2f: {  	lr =	sadd.s32 s0, s3;
	s0 =	sld [smem:$0x3FAE]  }
0x30: {  	s3 =	sld [smem:$0x3FB1]  }
0x31: {  	[smem:$0x3FBA] =	sst s10  }
0x32: {  	s10 =	sld [smem:$0x3FB8];
	_ =	sdelay $0x3  }
0x33: {  	p0 =	seq.s32 s10, $0x1;
	s10 =	sld [smem:$0x3FBA];
	_ =	sdelay $0x3  }
0x34: {  	[smem:$0x3FBA] =	sst s10  }
0x35: {  	s10 =	sld [smem:$0x3FB9];
	_ =	sdelay $0x3  }
0x36: {  	p1 =	seq.s32 s10, $0x1;
	s10 =	sld [smem:$0x3FBA];
	_ =	sdelay $0x3  }
0x37: {  	[smem:$0x3FBA] =	sst s10  }
0x38: {  	s10 =	sld [smem:$0x3FBB]  }
0x39: {  	_ = 	snop;
	(pc) =	sbr.ind lr, $3  }
0x3a: {  	_ = 	snop  }
0x3b: {  	_ = 	snop  }
0x3c: {  	p2 =	seq.s32 s10, $0x1;
	s10 =	sld [smem:$0x3FBA]  }
0x3d: {  	_ =	shalt  }
0x3e: {  	_ =	shalt  }
0x3f: {  	_ =	shalt  }
0x40: {  	_ =	shalt  }
0x41: {  	_ =	shalt  }
0x42: {  	_ =	shalt  }
0x43: {  	_ =	shalt  }
0x44: {  	_ =	shalt  }
0x45: {  	_ =	shalt  }
0x46: {  	_ =	shalt  }
0x47: {  	_ =	shalt  }
0x48: {  	_ =	shalt  }
0x49: {  	_ =	shalt  }
0x4a: {  	_ =	shalt  }
0x4b: {  	_ =	shalt  }
0x4c: {  	_ =	shalt  }
0x4d: {  	_ =	shalt  }
0x4e: {  	_ =	shalt  }
0x4f: {  	_ =	shalt  }
0x50: {  	_ =	shalt  }
0x51: {  	_ =	shalt  }
0x52: {  	_ =	shalt  }
0x53: {  	_ =	shalt  }
0x54: {  	_ =	shalt  }
0x55: {  	_ =	shalt  }
0x56: {  	_ =	shalt  }
0x57: {  	_ =	shalt  }
0x58: {  	_ =	shalt  }
0x59: {  	_ =	shalt  }
0x5a: {  	_ =	shalt  }
0x5b: {  	_ =	shalt  }
0x5c: {  	_ =	shalt  }
0x5d: {  	_ =	shalt  }
0x5e: {  	_ =	shalt  }
0x5f: {  	_ =	shalt  }
0x60: {  	_ =	shalt  }
0x61: {  	_ =	shalt  }
0x62: {  	_ =	shalt  }
0x63: {  	_ =	shalt  }
0x64: {  	_ =	shalt  }
0x65: {  	_ =	shalt  }
0x66: {  	_ =	shalt  }
0x67: {  	_ =	shalt  }
0x68: {  	_ =	shalt  }
0x69: {  	_ =	shalt  }
0x6a: {  	_ =	shalt  }
0x6b: {  	_ =	shalt  }
0x6c: {  	_ =	shalt  }
0x6d: {  	_ =	shalt  }
0x6e: {  	_ =	shalt  }
0x6f: {  	_ =	shalt  }
0x70: {  	_ =	shalt  }
0x71: {  	_ =	shalt  }
0x72: {  	_ =	shalt  }
0x73: {  	_ =	shalt  }
0x74: {  	_ =	shalt  }
0x75: {  	_ =	shalt  }
0x76: {  	_ =	shalt  }
0x77: {  	_ =	shalt  }
0x78: {  	_ =	shalt  }
0x79: {  	_ =	shalt  }
0x7a: {  	_ =	shalt  }
0x7b: {  	_ =	shalt  }
0x7c: {  	_ =	shalt  }
0x7d: {  	_ =	shalt  }
0x7e: {  	_ =	shalt  }
0x7f: {  	_ =	shalt  }
0x80: {  	_ =	shalt  }
0x81: {  	_ =	shalt  }
0x82: {  	_ =	shalt  }
0x83: {  	_ =	shalt  }
0x84: {  	_ =	shalt  }
0x85: {  	_ =	shalt  }
0x86: {  	_ =	shalt  }
0x87: {  	_ =	shalt  }
.Lfunc_end0:
.L_simem_size_0:
called_computation_lowered:
.L_overlay_start_0:
0x88: {  	s2 =	sld [smem:$0x3FD9]  }
0x89: {  	s3 =	sld [smem:$0x3FFE];
	_ =	sdelay $0x1  }
0x8a: {  	s1 =	srdreg.scid  }
0x8b: {  	s0 =	sand.u32 $0x1, s1  }
0x8c: {  	s17 =	sshll.u32 s0, $0xA;
	s2 =	sadd.s32 s3, s2  }
0x8d: {  	s2 =	sadd.s32 s2, s17  }
0x8e: {  	[smem:$0x3FC6] =	sst s2  }
0x8f: {  	_ = 	snop  }
0x90: {  	s2 =	sld [smem:$0x3FC8];
	(tm) =	ssettm $0x1  }
0x91: {  	s18 =	sld [smem:$0x3FFB];
	_ =	sdelay $0x3  }
0x92: {  	_ =	strace s18  }
0x93: {  	s3 =	sld [smem:$0x3FFC];
	_ =	sdelay $0x3  }
0x94: {  	_ =	strace s3  }
0x95: {  	s3 =	sld [smem:$0x3FFD];
	_ =	sdelay $0x3  }
0x96: {  	_ =	strace s3  }
0x97: {  	_ =	strace $0x8FFFFFFF  }
0x98: {  	s19 =	sld [smem:$0x3FDB];
	_ =	sdelay $0x1  }
0x99: {  	s4 =	simm.s32 $_scs_section_size  }
0x9a: {  	s5 =	simm.s32 $_size__tile_overlayer_lowered;
	s6 =	simm.s32 $_tile_overlayer_lowered  }
0x9b: {  	s22 =	simm.s32 $0x1BFF;
	s21 =	sshll.u32 s6, $0x1;
	s3 =	sadd.s32 s4, s19  }
0x9c: {  	s7 =	simm.s32 $0x0;
	s20 =	sshll.u32 s5, $0x1;
	s5 =	sadd.s32 s21, s3  }
0x9d: {  	[timem:s7], [sflag:s22] =	dma.local [hbm:s5], s20  }
0x9e: {  	_ =	swait.ge [sflag:s22], s20  }
0x9f: {  	s4 =	ssub.s32 $0x0, s20;
	[sflag:s22] =	ssyncset.done $0x0  }
0xa0: {  	[sflag:s22] =	ssyncadd.s32 s4;
	_ =	sdelay $0x1  }
0xa1: {  	s23 =	simm.s32 $0x1B8B  }
0xa2: {  	_ =	swait.ge [sflag:s23], $0x1  }
0xa3: {  	[sflag:s23] =	ssyncset.done $0x0  }
0xa4: {  	s25 =	simm.s32 $0x1B8E;
	s24 =	sld [smem:$0x3FFE];
	[sflag:s23] =	ssyncadd.s32 $0xFFFFFFFF  }
0xa5: {  	s26 =	simm.s32 $execute0_lowered;
	[smem:$0x3FD2] =	sst s25  }
0xa6: {  	s5 =	sshll.u32 s26, $0x1;
	_ =	strace $0x80000046;
	[dreg:$0x1] =	wrdreg $0xFFFFFFFF  }
0xa7: {  	s28 =	simm.s32 $_size_execute0_lowered;
	s3 =	sadd.s32 s3, s5;
	[dreg:$0x0] =	wrdreg $0x0  }
0xa8: {  	s5 =	sshll.u32 s28, $0x1;
	[dreg:$0x2] =	wrdreg s3  }
0xa9: {  	[dreg:$0x3] =	wrdreg s5  }
0xaa: {  	[dreg:$0x4] =	wrdreg $0xC0  }
0xab: {  	_ =	task [dreg:s7], $0x5FFFF  }
0xac: {  	[dreg:$0x1] =	wrdreg $0xFFFFFFFF  }
0xad: {  	[dreg:$0x0] =	wrdreg $0x60  }
0xae: {  	[dreg:$0x2] =	wrdreg s2  }
0xaf: {  	[dreg:$0x3] =	wrdreg s24  }
0xb0: {  	[dreg:$0x4] =	wrdreg $0x9  }
0xb1: {  	_ =	task.clear_ibuf [dreg:s7], $0x5FFFF;
	_ =	strace $0x90000046  }
0xb2: {  	s29 =	simm.s32 $0x9;
	_ =	strace $0x80000048  }
0xb3: {  	_ =	swait.ge [sflag:s29], $0x1  }
0xb4: {  	[sflag:s29] =	ssyncadd.s32 $0xFFFFFFFF  }
0xb5: {  	_ =	strace $0x90000048  }
0xb6: {  	_ =	sfence  }
0xb7: {  	s30 =	sld [smem:$0x0];
	_ =	sdelay $0x2  }
0xb8: {  	s31 =	sshll.u32 s1, $0xD;
	s1 =	sshrl.u32 s1, $0x2  }
0xb9: {  	s3 =	sand.u32 $0x4000, s31;
	s1 =	sadd.s32 s1, s30  }
0xba: {  	s0 =	sor.u32 s3, s0;
	s1 =	sshll.u32 s1, $0x11  }
0xbb: {  	s0 =	sor.u32 s1, s0  }
0xbc: {  	s0 =	sadd.s32 $0x8F2B, s0  }
0xbd: {  	[sflag:s0] =	ssyncadd.remote.s32 $0x1  }
0xbe: {  	_ =	sfence.sel $0xFFFF  }
0xbf: {  	[dreg:$0x0] =	wrdreg $0xFFFFFFFF;
	(pc) =	sbr.abs _section_cstart, $3  }
0xc0: {  	[dreg:$0x1] =	wrdreg $0xFFFFFFFF  }
0xc1: {  	_ =	task.clear_ibuf [dreg:s7], $0x2FFFF;
	_ =	strace $0x9FFFFFFF  }
0xc2: {  	(tm) =	ssettm $0x7FFFFFFF  }
0xc3: {  	_ =	shalt  }
tec
execute0_lowered:
.L_overlay_start_1:
0x0: {  	(tag) =	ssettag $0x1  }
0x1: {  	s0 =	rddreg [dreg:$0x0]  }
0x2: {  	s1 =	rddreg [dreg:$0x1];
	v0 =	vimm.s32 $0x381;
	vm0 =	vcmask $0x300;
	s3 =	srdreg.scid  }
0x3: {  	s4 =	stileid.u32;
	vm14 =	vcmask $0x704;
	s2 =	simm.s32 $0x0;
	s18 =	simm.s32 $0x1000;
	v0 =	vsel vm0, $0x0, v0  }
0x4: {  	vm15 =	vcmask $0xB08;
	s19 =	simm.s32 $0x1;
	s20 =	simm.s32 $0x2000;
	s21 =	simm.s32 $0x2;
	v0 =	vsel vm14, $0x80, v0  }
0x5: {  	vm4 =	vcmask $0xF0C;
	s22 =	simm.s32 $0x3000;
	s28 =	simm.s32 $0x5;
	s30 =	simm.s32 $0x0;
	v0 =	vsel vm15, $0x100, v0  }
0x6: {  	vm5 =	vcmask $0x1310;
	s3 =	sand.u32 $0x1, s3;
	[smem:$0x7FF] =	sst s2;
	s8 =	sadd.s32 $0xF4200, s0;
	v0 =	vsel vm4, $0x180, v0  }
0x7: {  	vm6 =	vcmask $0x1714;
	s23 =	sadd.s32 $0xF4210, s0;
	_ =	strace $0x80000047;
	[dreg:$0x3] =	wrdreg s8;
	v0 =	vsel vm5, $0x200, v0  }
0x8: {  	vm7 =	vcmask $0x1B18;
	s4 =	sshll.u32 s4, $0x1;
	s24 =	sadd.s32 $0xF4220, s0;
	[dreg:$0x4] =	wrdreg s23;
	v0 =	vsel vm6, $0x280, v0  }
0x9: {  	vm8 =	vcmask $0x1F1C;
	s25 =	sadd.s32 $0xF4230, s0;
	s26 =	sadd.s32 $0xF4240, s0;
	[dreg:$0x5] =	wrdreg s24;
	v0 =	vsel vm7, $0x300, v0  }
0xa: {  	vm9 =	vcmask $0x2320;
	s29 =	sadd.s32 $0xF4250, s0;
	s14 =	sadd.s32 $0xF4260, s0;
	[dreg:$0x6] =	wrdreg s25;
	v0 =	vsel vm8, $0x380, v0  }
0xb: {  	vm10 =	vcmask $0x2724;
	s15 =	sadd.s32 $0xF4270, s0;
	s31 =	sadd.s32 $0xF4A00, s1;
	[dreg:$0x7] =	wrdreg s26;
	v0 =	vsel vm9, $0x1, v0  }
0xc: {  	vm11 =	vcmask $0x2B28;
	s5 =	ssub.s32 $0x2, s3;
	s3 =	sor.u32 s3, s4;
	[dreg:$0x8] =	wrdreg s29;
	v0 =	vsel vm10, $0x81, v0  }
.Ltmp0:
0xd: {  	vm12 =	vcmask $0x2F2C;
	s4 =	sadd.s32 $0x800, s1;
	[dreg:$0x9] =	wrdreg s31;
	v0 =	vsel vm11, $0x101, v0;
	(pc) =	sbr.rel .LBB2_1-.Ltmp0, $4  }
0xe: {  	vm13 =	vcmask $0x3330;
	s23 =	simm.s32 $0x3;
	s24 =	simm.s32 $0x4;
	s25 =	simm.s32 $0x80;
	v0 =	vsel vm12, $0x181, v0  }
0xf: {  	v1 =	vlaneseq.u32;
	vm14 =	vcmask $0x3734;
	s26 =	simm.s32 $0x400;
	s6 =	sshrl.u32 s5, $0x1;
	s7 =	sshll.u32 s3, $0x9;
	v0 =	vsel vm13, $0x201, v0  }
0x10: {  	v2 =	vand.u32 $0x7, v1;
	p0 =	sne.s32 s3, $0x0;
	vm15 =	vcmask $0x3B38;
	s16 =	ssub.s32 s5, s6;
	s5 =	sadd.s32 s0, s7;
	v3 =	vsel vm14, $0x281, v0  }
0x11: {  	s7 =	sadd.s32 $0x8000, s0;
	s6 =	sadd.s32 $0x4000, s5;
	s17 =	smax.u32 s16, $0x1;
	v0 =	vshrl.u32 v1, $0x3;
	v1 =	vmul.u32 $0x80, v2;
	v2 =	vsel vm15, $0x301, v3  }
.LBB2_9:
0x12: {  	_ =	swait.ge [sflag:s23], $0x1000  }
.Ltmp1:
0x13: {  	[sflag:s23] =	ssyncset.done $0x0;
	(pc) =	sbr.rel @!p0 .LBB2_10-.Ltmp1, $4  }
0x14: {  	[sflag:s23] =	ssyncadd.s32 $0xFFFFF000  }
0x15: {  	_ =	swait.ge [sflag:s24], $0x1000  }
0x16: {  	[sflag:s24] =	ssyncset.done $0x0  }
0x17: {  	[sflag:s24] =	ssyncadd.s32 $0xFFFFF000  }
.LBB2_13:
0x18: {  	s30 =	sadd.s32 $0x1, s30  }
0x19: {  	p1 =	sne.s32 s30, s17  }
.Ltmp2:
0x1a: {  	_ = 	snop;
	(pc) =	sbr.rel @!p1 .LBB2_14-.Ltmp2, $1  }
0x1b: {  	_ =	sdelay $0x3  }
.LBB2_1:
.Ltmp3:
0x1c: {  	(pc) =	sbr.rel .LBB2_2-.Ltmp3, $4  }
0x1d: {  	_ = 	snop  }
0x1e: {  	[tilespmem:s2], [sflag:$0x1] =	stream.linear.gather [hbm4b:s5+s2], $0x1000, $0x38;
	[tilespmem:$0x4000] =	vst v63  }
0x1f: {  	s31 =	simm.s32 $0x0  }
0x20: {  	[tilespmem:s18], [sflag:$0x2] =	stream.linear.gather [hbm4b:s6+s2], $0x1000, $0x38;
	[tilespmem:$0x4000] =	vst v63  }
.LBB2_8:
0x21: {  	s31 =	sadd.s32 $0x1, s31  }
0x22: {  	p1 =	sne.s32 s31, $0x1F  }
.Ltmp4:
0x23: {  	_ = 	snop;
	(pc) =	sbr.rel @!p1 .LBB2_9-.Ltmp4, $1  }
0x24: {  	_ =	sdelay $0x3  }
.LBB2_2:
0x25: {  	s0 =	simm.s32 $0xE  }
0x26: {  	s1 =	simm.s32 $0x0;
	s16 =	simm.s32 $0x2;
	s13 =	simm.s32 $0x4;
	v3 =	vmov s0;
	v4 =	vor.u32 s0, v0  }
0x27: {  	s29 =	simm.s32 $0x6;
	s8 =	simm.s32 $0x8;
	v5 =	vor.u32 s1, v0;
	v6 =	vor.u32 s16, v0;
	v7 =	vor.u32 s13, v0  }
0x28: {  	s9 =	simm.s32 $0xA;
	s10 =	simm.s32 $0xC;
	v8 =	vor.u32 s29, v0;
	v9 =	vor.u32 s8, v0;
	v10 =	vmov s1  }
0x29: {  	v11 =	vor.u32 s9, v0;
	v12 =	vor.u32 s10, v0;
	v13 =	vmov s16  }
0x2a: {  	v14 =	vmov s13;
	v15 =	vmov s29;
	v16 =	vmov s8  }
0x2b: {  	v17 =	vmov s9;
	v18 =	vmov s10;
	v4 =	vand.u32 $0x7F, v4  }
0x2c: {  	v3 =	vshll.u32 v3, $0x3;
	v5 =	vand.u32 $0x71, v5;
	v6 =	vand.u32 $0x73, v6  }
0x2d: {  	v7 =	vand.u32 $0x75, v7;
	v8 =	vand.u32 $0x77, v8;
	v9 =	vand.u32 $0x79, v9  }
0x2e: {  	v11 =	vand.u32 $0x7B, v11;
	v12 =	vand.u32 $0x7D, v12;
	v10 =	vshll.u32 v10, $0x3  }
0x2f: {  	v13 =	vshll.u32 v13, $0x3;
	v14 =	vshll.u32 v14, $0x3;
	v15 =	vshll.u32 v15, $0x3  }
0x30: {  	v16 =	vshll.u32 v16, $0x3;
	v18 =	vshll.u32 v18, $0x3;
	v3 =	vand.u32 $0xC00, v3  }
0x31: {  	_ =	swait.ge [sflag:s19], $0x1000;
	v17 =	vshll.u32 v17, $0x3;
	v18 =	vand.u32 $0xC00, v18;
	v3 =	vor.u32 v4, v3  }
0x32: {  	p1 =	seq.s32 s31, $0x0;
	[sflag:s19] =	ssyncset.done $0x0;
	v4 =	vand.u32 $0xC00, v10;
	v10 =	vor.u32 v12, v18;
	v3 =	vor.u32 v1, v3  }
0x33: {  	s0 =	simm.s32 @!p1 $0x3;
	[sflag:s19] =	ssyncadd.s32 $0xFFFFF000;
	v4 =	vor.u32 v5, v4;
	v5 =	vand.u32 $0xC00, v13;
	v10 =	vor.u32 v1, v10  }
0x34: {  	_ =	swait.ge @!p1 [sflag:s0], $0x1000;
	v4 =	vor.u32 v1, v4;
	v5 =	vor.u32 v6, v5;
	v6 =	vand.u32 $0xC00, v14  }
0x35: {  	[sflag:s0] =	ssyncset.done @!p1 $0x0;
	v5 =	vor.u32 v1, v5;
	v6 =	vor.u32 v7, v6;
	v7 =	vand.u32 $0xC00, v15  }
0x36: {  	[sflag:s0] =	ssyncadd.s32 @!p1 $0xFFFFF000;
	v6 =	vor.u32 v1, v6;
	v7 =	vor.u32 v8, v7;
	v8 =	vand.u32 $0xC00, v16  }
0x37: {  	v7 =	vor.u32 v1, v7;
	v8 =	vor.u32 v9, v8;
	v9 =	vand.u32 $0xC00, v17;
	v3 =	vld.idx.msk [tilespmem:v3+s2+$0x0], $0xffff  }
0x38: {  	s12 =	simm.s32 $0x18;
	s11 =	simm.s32 $0x1C;
	v12 =	vor.u32 v1, v8;
	v8 =	vor.u32 v11, v9;
	v11 =	vld.idx.msk [tilespmem:v10+s2+$0x0], $0xffff  }
0x39: {  	s8 =	simm.s32 $0x10;
	s16 =	simm.s32 $0x16;
	v25 =	vor.u32 s12, v0;
	v27 =	vor.u32 s11, v0;
	v21 =	vld.idx.msk [tilespmem:v4+s2+$0x0], $0xffff;
	v10 =	vor.u32 v1, v8  }
0x3a: {  	s1 =	simm.s32 $0x1E;
	s10 =	simm.s32 $0x14;
	s13 =	simm.s32 $0x1A;
	v19 =	vmov s12;
	v20 =	vor.u32 s8, v0;
	v24 =	vor.u32 s16, v0;
	v5 =	vld.idx.msk [tilespmem:v5+s2+$0x0], $0xffff  }
0x3b: {  	v26 =	vor.u32 s13, v0;
	v18 =	vmov s10;
	v13 =	vmov s1;
	v23 =	vld.idx.msk [tilespmem:v6+s2+$0x0], $0xffff  }
0x3c: {  	v14 =	vmov s8;
	v28 =	vshll.u32 v13, $0x3;
	v13 =	vand.u32 $0x71, v20;
	v8 =	vld.idx.msk [tilespmem:v7+s2+$0x0], $0xffff  }
0x3d: {  	s9 =	simm.s32 $0x12;
	s0 =	simm.s32 $0x2040;
	v20 =	vmov s11;
	v15 =	vmov s16;
	v16 =	vmov s13;
	v9 =	vld.idx.msk [tilespmem:v12+s2+$0x0], $0xffff  }
0x3e: {  	v22 =	vor.u32 s9, v0;
	v17 =	vmov s9;
	v4 =	vor.u32 s1, v0;
	v10 =	vld.idx.msk [tilespmem:v10+s2+$0x0], $0xffff;
	[tilespmem:s0+$0x20] =	vst v11  }
0x3f: {  	v4 =	vand.u32 $0x7F, v4;
	v6 =	vor.u32 s10, v0;
	v7 =	vand.u32 $0x77, v24;
	[tilespmem:s0+$0xFFFFFFC0] =	vst v21  }
0x40: {  	s29 =	sshll.u32 s31, $0x6;
	v12 =	vand.u32 $0x75, v6;
	v6 =	vand.u32 $0x79, v25;
	v11 =	vand.u32 $0x73, v22;
	[tilespmem:s0+$0xFFFFFFD0] =	vst v5  }
0x41: {  	s16 =	sor.u32 s3, s29;
	s1 =	simm.s32 $0x2E;
	v21 =	vand.u32 $0x7D, v27;
	v22 =	vand.u32 $0xC00, v28;
	v5 =	vand.u32 $0x7B, v26;
	[tilespmem:s0+$0xFFFFFFE0] =	vst v23  }
.LBB2_3:
0x42: {  	p2 =	sne.s32 s1, $0x1FE;
	v14 =	vshll.u32 v14, $0x3;
	v17 =	vshll.u32 v17, $0x3;
	v18 =	vshll.u32 v18, $0x3;
	[tilespmem:s0+$0xFFFFFFF0] =	vst v8  }
0x43: {  	v8 =	vshll.u32 v15, $0x3;
	v15 =	vshll.u32 v19, $0x3;
	v19 =	vshll.u32 v20, $0x3;
	[tilespmem:s0+$0x0] =	vst v9  }
0x44: {  	v4 =	vor.u32 v4, v22;
	v9 =	vshll.u32 v16, $0x3;
	v16 =	vand.u32 $0xC00, v19;
	[tilespmem:s0+$0x10] =	vst v10  }
0x45: {  	v4 =	vor.u32 v1, v4;
	v10 =	vand.u32 $0xC00, v14;
	v14 =	vor.u32 v21, v16;
	[tilespmem:s0+$0x30] =	vst v3  }
0x46: {  	v3 =	vor.u32 v13, v10;
	v10 =	vand.u32 $0xC00, v17;
	v13 =	vor.u32 v1, v14  }
0x47: {  	v14 =	vor.u32 v1, v3;
	v3 =	vor.u32 v11, v10;
	v10 =	vand.u32 $0xC00, v18  }
0x48: {  	v8 =	vand.u32 $0xC00, v8;
	v11 =	vor.u32 v1, v3;
	v3 =	vor.u32 v12, v10  }
0x49: {  	v10 =	vor.u32 v1, v3;
	v3 =	vor.u32 v7, v8;
	v7 =	vand.u32 $0xC00, v15  }
0x4a: {  	v8 =	vor.u32 v1, v3;
	v6 =	vor.u32 v6, v7;
	v7 =	vand.u32 $0xC00, v9;
	v3 =	vld.idx.msk [tilespmem:v4+s2+$0x0], $0xffff  }
0x4b: {  	v6 =	vor.u32 v1, v6;
	v4 =	vor.u32 v5, v7;
	v5 =	vld.idx.msk [tilespmem:v13+s2+$0x0], $0xffff  }
0x4c: {  	s8 =	sadd.s32 $0xFFFFFFF2, s1;
	s9 =	sadd.s32 $0xFFFFFFF4, s1;
	v9 =	vor.u32 s1, v0;
	v7 =	vmov s1;
	v13 =	vor.u32 v1, v4;
	v12 =	vld.idx.msk [tilespmem:v14+s2+$0x0], $0xffff  }
0x4d: {  	s10 =	sadd.s32 $0xFFFFFFF6, s1;
	s11 =	sadd.s32 $0xFFFFFFF8, s1;
	s29 =	sadd.s32 $0xFFFFFFFA, s1;
	v20 =	vor.u32 s8, v0;
	v21 =	vor.u32 s9, v0;
	v4 =	vand.u32 $0x7F, v9;
	v22 =	vld.idx.msk [tilespmem:v11+s2+$0x0], $0xffff  }
0x4e: {  	s12 =	sadd.s32 $0xFFFFFFFC, s1;
	s13 =	sadd.s32 $0xFFFFFFFE, s1;
	v23 =	vor.u32 s10, v0;
	v24 =	vor.u32 s11, v0;
	v25 =	vor.u32 s29, v0;
	v26 =	vld.idx.msk [tilespmem:v10+s2+$0x0], $0xffff  }
0x4f: {  	v27 =	vor.u32 s12, v0;
	v28 =	vor.u32 s13, v0;
	v14 =	vmov s8;
	v8 =	vld.idx.msk [tilespmem:v8+s2+$0x0], $0xffff  }
.Ltmp5:
0x50: {  	v17 =	vmov s9;
	s0 =	sadd.s32 $0x80, s0;
	v18 =	vmov s10;
	v15 =	vmov s11;
	v9 =	vld.idx.msk [tilespmem:v6+s2+$0x0], $0xffff;
	(pc) =	sbr.rel @p2 .LBB2_3-.Ltmp5, $4  }
0x51: {  	v19 =	vmov s29;
	v16 =	vmov s12;
	v29 =	vshll.u32 v7, $0x3;
	v10 =	vld.idx.msk [tilespmem:v13+s2+$0x0], $0xffff;
	[tilespmem:s0+$0x20] =	vst v5  }
0x52: {  	v11 =	vand.u32 $0x73, v21;
	v13 =	vand.u32 $0x71, v20;
	v20 =	vmov s13;
	[tilespmem:s0+$0xFFFFFFC0] =	vst v12  }
0x53: {  	v7 =	vand.u32 $0x77, v24;
	v6 =	vand.u32 $0x79, v25;
	v12 =	vand.u32 $0x75, v23;
	[tilespmem:s0+$0xFFFFFFD0] =	vst v22  }
0x54: {  	s1 =	sadd.s32 $0x10, s1;
	v21 =	vand.u32 $0x7D, v28;
	v5 =	vand.u32 $0x7B, v27;
	v22 =	vand.u32 $0xC00, v29;
	[tilespmem:s0+$0xFFFFFFE0] =	vst v26  }
0x55: {  	v14 =	vshll.u32 v14, $0x3;
	v17 =	vshll.u32 v17, $0x3;
	v18 =	vshll.u32 v18, $0x3  }
0x56: {  	v15 =	vshll.u32 v15, $0x3;
	v19 =	vshll.u32 v19, $0x3;
	v20 =	vshll.u32 v20, $0x3  }
0x57: {  	v16 =	vshll.u32 v16, $0x3;
	v4 =	vor.u32 v4, v22;
	v20 =	vand.u32 $0xC00, v20  }
0x58: {  	v14 =	vand.u32 $0xC00, v14;
	v4 =	vor.u32 v1, v4;
	v20 =	vor.u32 v21, v20  }
0x59: {  	[tilespmem:s0+$0xFFFFFFF0] =	vst v8;
	v55 =	vand.u32 $0xC00, v17;
	v54 =	vor.u32 v13, v14;
	v56 =	vor.u32 v1, v20  }
0x5a: {  	[tilespmem:s0+$0x0] =	vst v9;
	v58 =	vand.u32 $0xC00, v18;
	v57 =	vor.u32 v11, v55;
	v8 =	vor.u32 v1, v54  }
0x5b: {  	[tilespmem:s0+$0x30] =	vst v3;
	v60 =	vand.u32 $0xC00, v15;
	v59 =	vor.u32 v12, v58;
	v9 =	vor.u32 v1, v57  }
0x5c: {  	[tilespmem:s0+$0x10] =	vst v10;
	v61 =	vand.u32 $0xC00, v19;
	v7 =	vor.u32 v7, v60;
	v3 =	vor.u32 v1, v59  }
0x5d: {  	v62 =	vand.u32 $0xC00, v16;
	v6 =	vor.u32 v6, v61;
	v7 =	vor.u32 v1, v7;
	v4 =	vld.idx.msk [tilespmem:v4+s2+$0x0], $0xffff  }
0x5e: {  	v5 =	vor.u32 v5, v62;
	v6 =	vor.u32 v1, v6;
	v63 =	vld.idx.msk [tilespmem:v56+s2+$0x0], $0xffff  }
0x5f: {  	v5 =	vor.u32 v1, v5;
	v8 =	vld.idx.msk [tilespmem:v8+s2+$0x0], $0xffff  }
0x60: {  	v9 =	vld.idx.msk [tilespmem:v9+s2+$0x0], $0xffff  }
0x61: {  	v3 =	vld.idx.msk [tilespmem:v3+s2+$0x0], $0xffff  }
0x62: {  	v7 =	vld.idx.msk [tilespmem:v7+s2+$0x0], $0xffff  }
0x63: {  	s13 =	sadd.s32 $0x80, s0;
	v6 =	vld.idx.msk [tilespmem:v6+s2+$0x0], $0xffff  }
0x64: {  	v5 =	vld.idx.msk [tilespmem:v5+s2+$0x0], $0xffff;
	[tilespmem:s13+$0x30] =	vst v4  }
0x65: {  	[tilespmem:s13+$0x20] =	vst v63  }
0x66: {  	[tilespmem:s13+$0xFFFFFFC0] =	vst v8  }
0x67: {  	[tilespmem:s13+$0xFFFFFFD0] =	vst v9  }
0x68: {  	[tilespmem:s13+$0xFFFFFFE0] =	vst v3  }
0x69: {  	[tilespmem:s13+$0xFFFFFFF0] =	vst v7  }
0x6a: {  	s1 =	sshll.u32 s16, $0x9;
	[tilespmem:s13+$0x0] =	vst v6  }
0x6b: {  	p2 =	sgt.u32 s16, $0x760;
	s29 =	sadd.s32 s4, s1;
	[tilespmem:s13+$0x10] =	vst v5  }
0x6c: {  	[hbm4b:s29+s2] =	stream.linear.scatter [tilespmem:s20], [sflag:$0x3], $0x1000, $0x38;
	[tilespmem:$0x4000] =	vst v63  }
0x6d: {  	s0 =	sadd.s32 @!p2 s1, s7;
	s1 =	simm.s32 @!p2 $0x0  }
0x6e: {  	[tilespmem:s1], [sflag:$0x1] =	stream.linear.gather @!p2 [hbm4b:s0+s1], $0x1000, $0x38;
	[tilespmem:$0x4000] =	vst v63  }
0x6f: {  	s0 =	sor.u32 $0x20, s16  }
0x70: {  	p2 =	sgt.u32 s0, $0x7A0  }
.Ltmp6:
0x71: {  	_ = 	snop;
	(pc) =	sbr.rel @p2 .LBB2_8-.Ltmp6, $1  }
0x72: {  	_ =	sdelay $0x3  }
0x73: {  	s1 =	simm.s32 $0xE  }
0x74: {  	s8 =	simm.s32 $0x0;
	s9 =	simm.s32 $0x2;
	s29 =	simm.s32 $0x4;
	v3 =	vmov s1;
	v4 =	vor.u32 s1, v0  }
0x75: {  	s10 =	simm.s32 $0x6;
	s11 =	simm.s32 $0x8;
	v5 =	vor.u32 s8, v0;
	v6 =	vor.u32 s9, v0;
	v7 =	vor.u32 s29, v0  }
0x76: {  	s12 =	simm.s32 $0xA;
	s13 =	simm.s32 $0xC;
	v8 =	vor.u32 s10, v0;
	v9 =	vor.u32 s11, v0;
	v10 =	vmov s8  }
0x77: {  	v11 =	vor.u32 s12, v0;
	v12 =	vor.u32 s13, v0;
	v13 =	vmov s9  }
0x78: {  	v14 =	vmov s29;
	v15 =	vmov s10;
	v16 =	vmov s11  }
0x79: {  	v17 =	vmov s12;
	v18 =	vmov s13;
	v4 =	vand.u32 $0x7F, v4  }
0x7a: {  	v3 =	vshll.u32 v3, $0x3;
	v5 =	vand.u32 $0x71, v5;
	v6 =	vand.u32 $0x73, v6  }
0x7b: {  	v7 =	vand.u32 $0x75, v7;
	v8 =	vand.u32 $0x77, v8;
	v9 =	vand.u32 $0x79, v9  }
0x7c: {  	v11 =	vand.u32 $0x7B, v11;
	v12 =	vand.u32 $0x7D, v12;
	v10 =	vshll.u32 v10, $0x3  }
0x7d: {  	v13 =	vshll.u32 v13, $0x3;
	v14 =	vshll.u32 v14, $0x3;
	v15 =	vshll.u32 v15, $0x3  }
0x7e: {  	v16 =	vshll.u32 v16, $0x3;
	v18 =	vshll.u32 v18, $0x3;
	v3 =	vand.u32 $0xC00, v3  }
0x7f: {  	_ =	swait.ge [sflag:s21], $0x1000;
	v17 =	vshll.u32 v17, $0x3;
	v18 =	vand.u32 $0xC00, v18;
	v3 =	vor.u32 v4, v3  }
0x80: {  	[sflag:s21] =	ssyncset.done $0x0;
	v4 =	vand.u32 $0xC00, v10;
	v10 =	vor.u32 v12, v18;
	v3 =	vor.u32 v1, v3  }
0x81: {  	s1 =	simm.s32 @!p1 $0x4;
	[sflag:s21] =	ssyncadd.s32 $0xFFFFF000;
	v4 =	vor.u32 v5, v4;
	v5 =	vand.u32 $0xC00, v13;
	v10 =	vor.u32 v1, v10  }
0x82: {  	_ =	swait.ge @!p1 [sflag:s1], $0x1000;
	v4 =	vor.u32 v1, v4;
	v5 =	vor.u32 v6, v5;
	v6 =	vand.u32 $0xC00, v14  }
0x83: {  	[sflag:s1] =	ssyncset.done @!p1 $0x0;
	v5 =	vor.u32 v1, v5;
	v6 =	vor.u32 v7, v6;
	v7 =	vand.u32 $0xC00, v15  }
0x84: {  	[sflag:s1] =	ssyncadd.s32 @!p1 $0xFFFFF000;
	v6 =	vor.u32 v1, v6;
	v7 =	vor.u32 v8, v7;
	v8 =	vand.u32 $0xC00, v16  }
0x85: {  	v7 =	vor.u32 v1, v7;
	v8 =	vor.u32 v9, v8;
	v9 =	vand.u32 $0xC00, v17;
	v3 =	vld.idx.msk [tilespmem:v3+s18+$0x0], $0xffff  }
0x86: {  	s16 =	simm.s32 $0x10;
	s9 =	simm.s32 $0x12;
	v12 =	vor.u32 v1, v8;
	v8 =	vor.u32 v11, v9;
	v10 =	vld.idx.msk [tilespmem:v10+s18+$0x0], $0xffff  }
0x87: {  	v20 =	vor.u32 s16, v0;
	s11 =	simm.s32 $0x16;
	s12 =	simm.s32 $0x18;
	s29 =	simm.s32 $0x1C;
	v22 =	vor.u32 s9, v0;
	v21 =	vld.idx.msk [tilespmem:v4+s18+$0x0], $0xffff;
	v11 =	vor.u32 v1, v8  }
0x88: {  	s13 =	simm.s32 $0x1E;
	s10 =	simm.s32 $0x14;
	v24 =	vor.u32 s11, v0;
	v25 =	vor.u32 s12, v0;
	v27 =	vor.u32 s29, v0;
	v5 =	vld.idx.msk [tilespmem:v5+s18+$0x0], $0xffff  }
0x89: {  	v19 =	vmov s12;
	v18 =	vmov s10;
	v13 =	vmov s13;
	v23 =	vld.idx.msk [tilespmem:v6+s18+$0x0], $0xffff  }
0x8a: {  	v14 =	vmov s16;
	v28 =	vshll.u32 v13, $0x3;
	v13 =	vand.u32 $0x71, v20;
	v8 =	vld.idx.msk [tilespmem:v7+s18+$0x0], $0xffff  }
0x8b: {  	s16 =	simm.s32 $0x3040;
	v20 =	vmov s29;
	v15 =	vmov s11;
	v4 =	vor.u32 s13, v0;
	s13 =	simm.s32 $0x1A;
	v9 =	vld.idx.msk [tilespmem:v12+s18+$0x0], $0xffff  }
0x8c: {  	v17 =	vmov s9;
	v4 =	vand.u32 $0x7F, v4;
	v26 =	vor.u32 s13, v0;
	v11 =	vld.idx.msk [tilespmem:v11+s18+$0x0], $0xffff;
	[tilespmem:s16+$0x20] =	vst v10  }
0x8d: {  	v16 =	vmov s13;
	v6 =	vor.u32 s10, v0;
	v7 =	vand.u32 $0x77, v24;
	[tilespmem:s16+$0xFFFFFFC0] =	vst v21  }
0x8e: {  	v12 =	vand.u32 $0x73, v22;
	v22 =	vand.u32 $0xC00, v28;
	v10 =	vand.u32 $0x75, v6;
	[tilespmem:s16+$0xFFFFFFD0] =	vst v5  }
0x8f: {  	s1 =	simm.s32 $0x2E;
	v6 =	vand.u32 $0x79, v25;
	v21 =	vand.u32 $0x7D, v27;
	v5 =	vand.u32 $0x7B, v26;
	[tilespmem:s16+$0xFFFFFFE0] =	vst v23  }
.LBB2_6:
0x90: {  	p1 =	sne.s32 s1, $0x1FE;
	v14 =	vshll.u32 v14, $0x3;
	v17 =	vshll.u32 v17, $0x3;
	v18 =	vshll.u32 v18, $0x3;
	[tilespmem:s16+$0xFFFFFFF0] =	vst v8  }
0x91: {  	v8 =	vshll.u32 v15, $0x3;
	v15 =	vshll.u32 v19, $0x3;
	v19 =	vshll.u32 v20, $0x3;
	[tilespmem:s16+$0x0] =	vst v9  }
0x92: {  	v4 =	vor.u32 v4, v22;
	v9 =	vshll.u32 v16, $0x3;
	v16 =	vand.u32 $0xC00, v19;
	[tilespmem:s16+$0x10] =	vst v11  }
0x93: {  	v4 =	vor.u32 v1, v4;
	v11 =	vand.u32 $0xC00, v14;
	v14 =	vor.u32 v21, v16;
	[tilespmem:s16+$0x30] =	vst v3  }
0x94: {  	v3 =	vor.u32 v13, v11;
	v11 =	vand.u32 $0xC00, v17;
	v13 =	vor.u32 v1, v14  }
0x95: {  	v14 =	vor.u32 v1, v3;
	v3 =	vor.u32 v12, v11;
	v11 =	vand.u32 $0xC00, v18  }
0x96: {  	v8 =	vand.u32 $0xC00, v8;
	v12 =	vor.u32 v1, v3;
	v3 =	vor.u32 v10, v11  }
0x97: {  	v10 =	vor.u32 v1, v3;
	v3 =	vor.u32 v7, v8;
	v7 =	vand.u32 $0xC00, v15  }
0x98: {  	v8 =	vor.u32 v1, v3;
	v6 =	vor.u32 v6, v7;
	v7 =	vand.u32 $0xC00, v9;
	v3 =	vld.idx.msk [tilespmem:v4+s18+$0x0], $0xffff  }
0x99: {  	v6 =	vor.u32 v1, v6;
	v4 =	vor.u32 v5, v7;
	v5 =	vld.idx.msk [tilespmem:v13+s18+$0x0], $0xffff  }
0x9a: {  	s8 =	sadd.s32 $0xFFFFFFF2, s1;
	s9 =	sadd.s32 $0xFFFFFFF4, s1;
	v9 =	vor.u32 s1, v0;
	v7 =	vmov s1;
	v11 =	vor.u32 v1, v4;
	v21 =	vld.idx.msk [tilespmem:v14+s18+$0x0], $0xffff  }
0x9b: {  	s10 =	sadd.s32 $0xFFFFFFF6, s1;
	s11 =	sadd.s32 $0xFFFFFFF8, s1;
	s12 =	sadd.s32 $0xFFFFFFFA, s1;
	v20 =	vor.u32 s9, v0;
	v13 =	vor.u32 s8, v0;
	v4 =	vand.u32 $0x7F, v9;
	v22 =	vld.idx.msk [tilespmem:v12+s18+$0x0], $0xffff  }
0x9c: {  	s13 =	sadd.s32 $0xFFFFFFFC, s1;
	s29 =	sadd.s32 $0xFFFFFFFE, s1;
	v23 =	vor.u32 s10, v0;
	v24 =	vor.u32 s11, v0;
	v25 =	vor.u32 s12, v0;
	v26 =	vld.idx.msk [tilespmem:v10+s18+$0x0], $0xffff  }
0x9d: {  	v27 =	vor.u32 s13, v0;
	v28 =	vor.u32 s29, v0;
	v14 =	vmov s8;
	v8 =	vld.idx.msk [tilespmem:v8+s18+$0x0], $0xffff  }
.Ltmp7:
0x9e: {  	v17 =	vmov s9;
	s16 =	sadd.s32 $0x80, s16;
	v18 =	vmov s10;
	v15 =	vmov s11;
	v9 =	vld.idx.msk [tilespmem:v6+s18+$0x0], $0xffff;
	(pc) =	sbr.rel @p1 .LBB2_6-.Ltmp7, $4  }
0x9f: {  	v19 =	vmov s12;
	v16 =	vmov s13;
	v29 =	vshll.u32 v7, $0x3;
	v11 =	vld.idx.msk [tilespmem:v11+s18+$0x0], $0xffff;
	[tilespmem:s16+$0x20] =	vst v5  }
0xa0: {  	v13 =	vand.u32 $0x71, v13;
	v12 =	vand.u32 $0x73, v20;
	v20 =	vmov s29;
	[tilespmem:s16+$0xFFFFFFC0] =	vst v21  }
0xa1: {  	v7 =	vand.u32 $0x77, v24;
	v10 =	vand.u32 $0x75, v23;
	v6 =	vand.u32 $0x79, v25;
	[tilespmem:s16+$0xFFFFFFD0] =	vst v22  }
0xa2: {  	s1 =	sadd.s32 $0x10, s1;
	v5 =	vand.u32 $0x7B, v27;
	v21 =	vand.u32 $0x7D, v28;
	v22 =	vand.u32 $0xC00, v29;
	[tilespmem:s16+$0xFFFFFFE0] =	vst v26  }
0xa3: {  	v14 =	vshll.u32 v14, $0x3;
	v17 =	vshll.u32 v17, $0x3;
	v18 =	vshll.u32 v18, $0x3  }
0xa4: {  	v15 =	vshll.u32 v15, $0x3;
	v19 =	vshll.u32 v19, $0x3;
	v20 =	vshll.u32 v20, $0x3  }
0xa5: {  	v16 =	vshll.u32 v16, $0x3;
	v4 =	vor.u32 v4, v22;
	v20 =	vand.u32 $0xC00, v20  }
0xa6: {  	v14 =	vand.u32 $0xC00, v14;
	v4 =	vor.u32 v1, v4;
	v20 =	vor.u32 v21, v20  }
0xa7: {  	[tilespmem:s16+$0xFFFFFFF0] =	vst v8;
	v56 =	vand.u32 $0xC00, v17;
	v55 =	vor.u32 v13, v14;
	v57 =	vor.u32 v1, v20  }
0xa8: {  	[tilespmem:s16+$0x0] =	vst v9;
	v59 =	vand.u32 $0xC00, v18;
	v58 =	vor.u32 v12, v56;
	v8 =	vor.u32 v1, v55  }
0xa9: {  	[tilespmem:s16+$0x30] =	vst v3;
	v60 =	vand.u32 $0xC00, v15;
	v10 =	vor.u32 v10, v59;
	v9 =	vor.u32 v1, v58  }
0xaa: {  	[tilespmem:s16+$0x10] =	vst v11;
	v61 =	vand.u32 $0xC00, v19;
	v7 =	vor.u32 v7, v60;
	v3 =	vor.u32 v1, v10  }
0xab: {  	v62 =	vand.u32 $0xC00, v16;
	v6 =	vor.u32 v6, v61;
	v7 =	vor.u32 v1, v7;
	v4 =	vld.idx.msk [tilespmem:v4+s18+$0x0], $0xffff  }
0xac: {  	v5 =	vor.u32 v5, v62;
	v6 =	vor.u32 v1, v6;
	v63 =	vld.idx.msk [tilespmem:v57+s18+$0x0], $0xffff  }
0xad: {  	v5 =	vor.u32 v1, v5;
	v8 =	vld.idx.msk [tilespmem:v8+s18+$0x0], $0xffff  }
0xae: {  	v9 =	vld.idx.msk [tilespmem:v9+s18+$0x0], $0xffff  }
0xaf: {  	v3 =	vld.idx.msk [tilespmem:v3+s18+$0x0], $0xffff  }
0xb0: {  	v7 =	vld.idx.msk [tilespmem:v7+s18+$0x0], $0xffff  }
0xb1: {  	s1 =	sadd.s32 $0x80, s16;
	v6 =	vld.idx.msk [tilespmem:v6+s18+$0x0], $0xffff  }
0xb2: {  	v5 =	vld.idx.msk [tilespmem:v5+s18+$0x0], $0xffff;
	[tilespmem:s1+$0x30] =	vst v4  }
0xb3: {  	[tilespmem:s1+$0x20] =	vst v63  }
0xb4: {  	[tilespmem:s1+$0xFFFFFFC0] =	vst v8  }
0xb5: {  	[tilespmem:s1+$0xFFFFFFD0] =	vst v9  }
0xb6: {  	[tilespmem:s1+$0xFFFFFFE0] =	vst v3  }
0xb7: {  	[tilespmem:s1+$0xFFFFFFF0] =	vst v7  }
.Ltmp8:
0xb8: {  	s8 =	sshll.u32 s0, $0x9;
	[tilespmem:s1+$0x0] =	vst v6;
	(pc) =	sbr.rel .LBB2_8-.Ltmp8, $4  }
0xb9: {  	p1 =	sgt.u32 s0, $0x760;
	s29 =	sadd.s32 s4, s8;
	[tilespmem:s1+$0x10] =	vst v5  }
0xba: {  	[hbm4b:s29+s2] =	stream.linear.scatter [tilespmem:s22], [sflag:$0x4], $0x1000, $0x38;
	[tilespmem:$0x4000] =	vst v63  }
0xbb: {  	s0 =	sadd.s32 @!p1 s8, s7;
	s8 =	simm.s32 @!p1 $0x1000;
	s1 =	simm.s32 @!p1 $0x0  }
0xbc: {  	[tilespmem:s8], [sflag:$0x2] =	stream.linear.gather @!p1 [hbm4b:s0+s1], $0x1000, $0x38;
	[tilespmem:$0x4000] =	vst v63  }
.LBB2_10:
0xbd: {  	s0 =	rddreg [dreg:$0x3]  }
0xbe: {  	[tilespmem:s2], [sflag:$0x5] =	stream.strided.gather [hbm4b:s0+s25], $0x0, s26, s25, $0x38;
	[tilespmem:$0x4000] =	vst v63  }
0xbf: {  	_ = 	snop  }
0xc0: {  	[tilespmem:s2], [sflag:$0x5] =	stream.linear.gather [hbm4b:s0+s2], $0x40, $0x38;
	[tilespmem:$0x4000] =	vst v63  }
0xc1: {  	_ =	swait.ge [sflag:s28], $0x40  }
0xc2: {  	[sflag:s28] =	ssyncset.done $0x0  }
0xc3: {  	s1 =	rddreg [dreg:$0x4];
	[sflag:s28] =	ssyncadd.s32 $0xFFFFFFC0  }
0xc4: {  	[tilespmem:s25], [sflag:$0x5] =	stream.strided.gather [hbm4b:s1+s25], $0x0, s26, s25, $0x38;
	[tilespmem:$0x4000] =	vst v63  }
0xc5: {  	_ = 	snop  }
0xc6: {  	[tilespmem:s25], [sflag:$0x5] =	stream.linear.gather [hbm4b:s1+s2], $0x40, $0x38;
	[tilespmem:$0x4000] =	vst v63  }
0xc7: {  	_ =	swait.ge [sflag:s28], $0x40  }
0xc8: {  	[sflag:s28] =	ssyncset.done $0x0  }
0xc9: {  	s1 =	simm.s32 $0x100;
	s8 =	rddreg [dreg:$0x5];
	[sflag:s28] =	ssyncadd.s32 $0xFFFFFFC0  }
0xca: {  	[tilespmem:s1], [sflag:$0x5] =	stream.strided.gather [hbm4b:s8+s25], $0x0, s26, s25, $0x38;
	[tilespmem:$0x4000] =	vst v63  }
0xcb: {  	_ = 	snop  }
0xcc: {  	[tilespmem:s1], [sflag:$0x5] =	stream.linear.gather [hbm4b:s8+s2], $0x40, $0x38;
	[tilespmem:$0x4000] =	vst v63  }
0xcd: {  	_ =	swait.ge [sflag:s28], $0x40  }
0xce: {  	[sflag:s28] =	ssyncset.done $0x0  }
0xcf: {  	s10 =	simm.s32 $0x180;
	s9 =	rddreg [dreg:$0x6];
	[sflag:s28] =	ssyncadd.s32 $0xFFFFFFC0  }
0xd0: {  	[tilespmem:s10], [sflag:$0x5] =	stream.strided.gather [hbm4b:s9+s25], $0x0, s26, s25, $0x38;
	[tilespmem:$0x4000] =	vst v63  }
0xd1: {  	_ = 	snop  }
0xd2: {  	[tilespmem:s10], [sflag:$0x5] =	stream.linear.gather [hbm4b:s9+s2], $0x40, $0x38;
	[tilespmem:$0x4000] =	vst v63  }
0xd3: {  	_ =	swait.ge [sflag:s28], $0x40  }
0xd4: {  	[sflag:s28] =	ssyncset.done $0x0  }
0xd5: {  	s12 =	simm.s32 $0x200;
	s11 =	rddreg [dreg:$0x7];
	[sflag:s28] =	ssyncadd.s32 $0xFFFFFFC0  }
0xd6: {  	[tilespmem:s12], [sflag:$0x5] =	stream.strided.gather [hbm4b:s11+s25], $0x0, s26, s25, $0x38;
	[tilespmem:$0x4000] =	vst v63  }
0xd7: {  	_ = 	snop  }
0xd8: {  	[tilespmem:s12], [sflag:$0x5] =	stream.linear.gather [hbm4b:s11+s2], $0x40, $0x38;
	[tilespmem:$0x4000] =	vst v63  }
0xd9: {  	_ =	swait.ge [sflag:s28], $0x40  }
0xda: {  	[sflag:s28] =	ssyncset.done $0x0  }
0xdb: {  	s16 =	simm.s32 $0x280;
	s13 =	rddreg [dreg:$0x8];
	[sflag:s28] =	ssyncadd.s32 $0xFFFFFFC0  }
0xdc: {  	[tilespmem:s16], [sflag:$0x5] =	stream.strided.gather [hbm4b:s13+s25], $0x0, s26, s25, $0x38;
	[tilespmem:$0x4000] =	vst v63  }
0xdd: {  	_ = 	snop  }
0xde: {  	[tilespmem:s16], [sflag:$0x5] =	stream.linear.gather [hbm4b:s13+s2], $0x40, $0x38;
	[tilespmem:$0x4000] =	vst v63  }
0xdf: {  	_ =	swait.ge [sflag:s28], $0x40  }
0xe0: {  	[sflag:s28] =	ssyncset.done $0x0  }
0xe1: {  	s29 =	simm.s32 $0x300;
	[sflag:s28] =	ssyncadd.s32 $0xFFFFFFC0  }
0xe2: {  	[tilespmem:s29], [sflag:$0x5] =	stream.strided.gather [hbm4b:s14+s25], $0x0, s26, s25, $0x38;
	[tilespmem:$0x4000] =	vst v63  }
0xe3: {  	_ = 	snop  }
0xe4: {  	[tilespmem:s29], [sflag:$0x5] =	stream.linear.gather [hbm4b:s14+s2], $0x40, $0x38;
	[tilespmem:$0x4000] =	vst v63  }
0xe5: {  	_ =	swait.ge [sflag:s28], $0x40  }
0xe6: {  	[sflag:s28] =	ssyncset.done $0x0  }
0xe7: {  	s1 =	simm.s32 $0x380;
	s8 =	simm.s32 $0xE;
	[sflag:s28] =	ssyncadd.s32 $0xFFFFFFC0  }
0xe8: {  	[tilespmem:s1], [sflag:$0x5] =	stream.strided.gather [hbm4b:s15+s25], $0x0, s26, s25, $0x38;
	[tilespmem:$0x4000] =	vst v63  }
0xe9: {  	v3 =	vor.u32 s8, v2;
	s9 =	simm.s32 $0xC;
	s10 =	simm.s32 $0x0  }
0xea: {  	v4 =	vor.u32 s9, v2;
	[tilespmem:s1], [sflag:$0x5] =	stream.linear.gather [hbm4b:s15+s2], $0x40, $0x38;
	[tilespmem:$0x4000] =	vst v63  }
0xeb: {  	v5 =	vor.u32 s10, v2;
	s11 =	simm.s32 $0x2;
	_ =	swait.ge [sflag:s28], $0x40  }
0xec: {  	s12 =	simm.s32 $0x4;
	v6 =	vor.u32 s11, v2;
	[sflag:s28] =	ssyncset.done $0x0  }
0xed: {  	v7 =	vor.u32 s12, v2;
	s13 =	simm.s32 $0x6;
	[sflag:s28] =	ssyncadd.s32 $0xFFFFFFC0  }
0xee: {  	s16 =	simm.s32 $0x8;
	v8 =	vor.u32 s13, v2;
	v3 =	vld.idx.msk [tilespmem:v3+s2+$0x0], $0xffff  }
0xef: {  	v9 =	vor.u32 s16, v2;
	s29 =	simm.s32 $0xA;
	v10 =	vld.idx.msk [tilespmem:v4+s2+$0x0], $0xffff  }
0xf0: {  	v5 =	vld.idx.msk [tilespmem:v5+s2+$0x0], $0xffff;
	v4 =	vor.u32 s29, v2  }
0xf1: {  	v11 =	vld.idx.msk [tilespmem:v6+s2+$0x0], $0xffff  }
0xf2: {  	v12 =	vld.idx.msk [tilespmem:v7+s2+$0x0], $0xffff  }
0xf3: {  	v7 =	vld.idx.msk [tilespmem:v8+s2+$0x0], $0xffff  }
0xf4: {  	s0 =	simm.s32 $0x2040;
	v6 =	vld.idx.msk [tilespmem:v9+s2+$0x0], $0xffff  }
0xf5: {  	v4 =	vld.idx.msk [tilespmem:v4+s2+$0x0], $0xffff;
	[tilespmem:s0+$0x20] =	vst v10  }
0xf6: {  	[tilespmem:s0+$0xFFFFFFC0] =	vst v5  }
0xf7: {  	s1 =	simm.s32 $0x1E;
	[tilespmem:s0+$0xFFFFFFD0] =	vst v11  }
0xf8: {  	s31 =	simm.s32 $0x1C;
	s16 =	simm.s32 $0x2E;
	v5 =	vor.u32 s1, v2;
	[tilespmem:s0+$0xFFFFFFE0] =	vst v12  }
.LBB2_11:
0xf9: {  	p1 =	sne.s32 s16, $0x3E;
	s8 =	sadd.s32 $0xFFFFFFF2, s1;
	v8 =	vor.u32 s31, v2;
	[tilespmem:s0+$0xFFFFFFF0] =	vst v7  }
0xfa: {  	v7 =	vor.u32 s8, v2;
	s8 =	sadd.s32 $0xFFFFFFF4, s1;
	[tilespmem:s0+$0x0] =	vst v6  }
0xfb: {  	v6 =	vor.u32 s8, v2;
	s8 =	sadd.s32 $0xFFFFFFF6, s1;
	[tilespmem:s0+$0x10] =	vst v4  }
0xfc: {  	v4 =	vor.u32 s8, v2;
	s8 =	sadd.s32 $0xFFFFFFF8, s1;
	[tilespmem:s0+$0x30] =	vst v3  }
0xfd: {  	v9 =	vor.u32 s8, v2;
	s8 =	sadd.s32 $0xFFFFFFFA, s1;
	v3 =	vld.idx.msk [tilespmem:v5+s2+$0x0], $0xffff  }
0xfe: {  	v5 =	vor.u32 s8, v2;
	s8 =	sadd.s32 $0xFFFFFFFC, s1;
	v8 =	vld.idx.msk [tilespmem:v8+s2+$0x0], $0xffff;
	s1 =	smov.u32 s16  }
0xff: {  	v10 =	vld.idx.msk [tilespmem:v7+s2+$0x0], $0xffff;
	v11 =	vor.u32 s8, v2  }
0x100: {  	v12 =	vld.idx.msk [tilespmem:v6+s2+$0x0], $0xffff  }
0x101: {  	v13 =	vld.idx.msk [tilespmem:v4+s2+$0x0], $0xffff  }
0x102: {  	v7 =	vld.idx.msk [tilespmem:v9+s2+$0x0], $0xffff  }
.Ltmp9:
0x103: {  	s0 =	sadd.s32 $0x80, s0;
	v6 =	vld.idx.msk [tilespmem:v5+s2+$0x0], $0xffff;
	(pc) =	sbr.rel @p1 .LBB2_11-.Ltmp9, $4  }
0x104: {  	v4 =	vld.idx.msk [tilespmem:v11+s2+$0x0], $0xffff;
	[tilespmem:s0+$0x20] =	vst v8  }
0x105: {  	[tilespmem:s0+$0xFFFFFFC0] =	vst v10  }
0x106: {  	[tilespmem:s0+$0xFFFFFFD0] =	vst v12  }
0x107: {  	s16 =	sadd.s32 $0x10, s16;
	s31 =	sadd.s32 $0xFFFFFFFE, s1;
	v5 =	vor.u32 s1, v2;
	[tilespmem:s0+$0xFFFFFFE0] =	vst v13  }
0x108: {  	s8 =	sadd.s32 $0xFFFFFFF2, s1;
	v8 =	vor.u32 s31, v2;
	[tilespmem:s0+$0xFFFFFFF0] =	vst v7  }
0x109: {  	s10 =	sadd.s32 $0xFFFFFFF4, s1;
	[tilespmem:s0+$0x0] =	vst v6;
	v61 =	vor.u32 s8, v2  }
0x10a: {  	s11 =	sadd.s32 $0xFFFFFFF6, s1;
	[tilespmem:s0+$0x30] =	vst v3;
	v62 =	vor.u32 s10, v2  }
0x10b: {  	s12 =	sadd.s32 $0xFFFFFFF8, s1;
	[tilespmem:s0+$0x10] =	vst v4;
	v63 =	vor.u32 s11, v2  }
0x10c: {  	s13 =	sadd.s32 $0xFFFFFFFA, s1;
	v3 =	vor.u32 s12, v2;
	v5 =	vld.idx.msk [tilespmem:v5+s2+$0x0], $0xffff  }
0x10d: {  	s16 =	sadd.s32 $0xFFFFFFFC, s1;
	v9 =	vor.u32 s13, v2;
	v8 =	vld.idx.msk [tilespmem:v8+s2+$0x0], $0xffff  }
0x10e: {  	v10 =	vor.u32 s16, v2;
	v7 =	vld.idx.msk [tilespmem:v61+s2+$0x0], $0xffff  }
0x10f: {  	v6 =	vld.idx.msk [tilespmem:v62+s2+$0x0], $0xffff  }
0x110: {  	v4 =	vld.idx.msk [tilespmem:v63+s2+$0x0], $0xffff  }
0x111: {  	v3 =	vld.idx.msk [tilespmem:v3+s2+$0x0], $0xffff  }
0x112: {  	s29 =	sadd.s32 $0x80, s0;
	v9 =	vld.idx.msk [tilespmem:v9+s2+$0x0], $0xffff  }
0x113: {  	v10 =	vld.idx.msk [tilespmem:v10+s2+$0x0], $0xffff;
	[tilespmem:s29+$0x30] =	vst v5  }
0x114: {  	[tilespmem:s29+$0x20] =	vst v8  }
0x115: {  	[tilespmem:s29+$0xFFFFFFC0] =	vst v7  }
0x116: {  	[tilespmem:s29+$0xFFFFFFD0] =	vst v6  }
0x117: {  	[tilespmem:s29+$0xFFFFFFE0] =	vst v4  }
0x118: {  	[tilespmem:s29+$0xFFFFFFF0] =	vst v3  }
0x119: {  	[tilespmem:s29+$0x0] =	vst v9  }
.Ltmp10:
0x11a: {  	s31 =	rddreg [dreg:$0x9];
	[tilespmem:s29+$0x10] =	vst v10;
	(pc) =	sbr.rel .LBB2_13-.Ltmp10, $4  }
0x11b: {  	[hbm4b:s31+s2] =	stream.linear.scatter [tilespmem:s20], [sflag:$0x5], $0x200, $0x38;
	[tilespmem:$0x4000] =	vst v63  }
0x11c: {  	_ =	swait.ge [sflag:s28], $0x200  }
0x11d: {  	[sflag:s28] =	ssyncset.done $0x0  }
0x11e: {  	[sflag:s28] =	ssyncadd.s32 $0xFFFFFE00  }
.LBB2_14:
0x11f: {  	_ =	sfence.sel $0x180000  }
0x120: {  	[bflag:$0x0] =	sbarrier.arrive $0xFFFF  }
0x121: {  	_ =	strace $0x90000047  }
0x122: {  	s0 =	stileid.u32;
	[bflag:$0x2] =	sbarrier.arrive $0xFFFF  }
0x123: {  	p0 =	sne.s32 s0, $0x0;
	s0 =	rddreg [dreg:$0x2]  }
0x124: {  	s0 =	sadd.s32 @!p0 $0x100000, s0  }
0x125: {  	[sflag:s0] =	ssyncadd.tile.s32 @!p0 $0x1;
	_ =	shalt  }
.Lfunc_end2:
_tile_overlayer_lowered:
.L_overlay_start_2:
0x126: {  	(tag) =	ssettag $0x2  }
0x127: {  	s0 =	rddreg [dreg:$0x0];
	s2 =	stileid.u32  }
0x128: {  	s1 =	rddreg [dreg:$0x1];
	p0 =	sne.s32 s2, $0x0  }
0x129: {  	s3 =	rddreg [dreg:$0x2];
	[bflag:$0x3] =	sbarrier.arrive $0xFFFF;
	s2 =	simm.s32 @!p0 $0x1C05  }
0x12a: {  	[timem:s3], [sflag:s2] =	dma.local @!p0 [hbm:s0], s1  }
0x12b: {  	s0 =	simm.s32 @!p0 $0x5  }
0x12c: {  	_ =	swait.ge @!p0 [sflag:s0], s1  }
0x12d: {  	s1 =	ssub.s32 @!p0 $0x0, s1;
	[sflag:s0] =	ssyncset.done @!p0 $0x0  }
0x12e: {  	[sflag:s0] =	ssyncadd.s32 @!p0 s1  }
0x12f: {  	[bflag:$0x3] =	sbarrier.arrive $0xFFFF  }
0x130: {  	_ =	shalt  }

// kernel: kernel.7.cloned.1.call-start
scs
__scs_entry_jumppad:
0x0: {  	(pc) =	sbr.rel $0x88, $3  }
0x1: {  	(tag) =	ssettag $0x0;
	lr =	simm.s32 $0x1  }
0x2: {  	[smem:$0x3F9F] =	sst lr;
	_ =	strace $0xD0000000  }
0x3: {  	_ = 	snop  }
0x4: {  	_ = 	snop  }
0x5: {  	_ = 	snop  }
0x6: {  	_ = 	snop  }
0x7: {  	_ = 	snop  }
__scs_overlays_trampoline_lowered:
0x8: {  	[smem:$0x3FAE] =	sst s0  }
0x9: {  	[smem:$0x3FAF] =	sst s1  }
0xa: {  	[smem:$0x3FB0] =	sst s2  }
0xb: {  	[smem:$0x3FB1] =	sst s3  }
0xc: {  	[smem:$0x3FB2] =	sst s4  }
0xd: {  	[smem:$0x3FB3] =	sst s5  }
0xe: {  	[smem:$0x3FB4] =	sst s6  }
0xf: {  	[smem:$0x3FB5] =	sst s7  }
0x10: {  	[smem:$0x3FB6] =	sst s8  }
0x11: {  	[smem:$0x3FB7] =	sst s9;
	s0 =	simm.s32 @!p0 $0x0  }
0x12: {  	s1 =	sld [smem:$0x3F9D];
	s0 =	simm.s32 @p0 $0x1  }
0x13: {  	[smem:$0x3FB8] =	sst s0;
	s0 =	simm.s32 @!p1 $0x0  }
0x14: {  	s2 =	sld [smem:$0x3F9C];
	s0 =	simm.s32 @p1 $0x1  }
0x15: {  	[smem:$0x3FB9] =	sst s0;
	s0 =	simm.s32 @!p2 $0x0  }
0x16: {  	s3 =	sld [smem:$0x3FDB];
	s0 =	simm.s32 @p2 $0x1  }
0x17: {  	s4 =	simm.s32 $0x1BF5;
	[smem:$0x3FBB] =	sst s0  }
0x18: {  	s0 =	sld [smem:$0x3F9E];
	_ =	swait.ge [sflag:s4], $0x0  }
0x19: {  	s7 =	sld [smem:$0x3F9F]  }
0x1a: {  	s8 =	sadd.s32 $0xFFFFE003, lr  }
0x1b: {  	s9 =	sadd.s32 $0xFFFFFEF7, lr;
	s5 =	simm.s32 $0xFFFFFFFF;
	p2 =	slt.u32 s8, $0xFFFFF086  }
0x1c: {  	p1 =	slt.u32 s9, $0xF7A;
	s5 =	simm.s32 @!p2 $0x0  }
0x1d: {  	s5 =	simm.s32 @p1 $0x1;
	p0 =	seq.s32 s7, s2  }
0x1e: {  	s7 =	smul.u32 @!p0 $0xF7A, s2;
	p2 =	seq.s32 @!p0 s5, $0x0  }
0x1f: {  	s9 =	smul.u32 $0xF7A, s1;
	s8 =	simm.s32 @!p0 $0x1BF5;
	p2 =	por !p2, p0  }
0x20: {  	[sflag:s8] =	ssyncset.s32 @!p0 $0xFFFFF086;
	s6 =	sadd.s32 @!p0 s3, s7;
	s7 =	simm.s32 @!p0 $0x108  }
0x21: {  	s3 =	sadd.s32 s3, s9;
	s6 =	sadd.s32 @!p0 $0x88, s6;
	s7 =	simm.s32 @p2 $0x1082  }
0x22: {  	[simem:s7], [sflag:s8] =	dma.local @!p0 [hbm:s6], $0xF7A  }
0x23: {  	s9 =	sor.u32 $0xD0000000, s2;
	s6 =	simm.s32 $0x108;
	_ =	swait.ge @!p0 [sflag:s8], $0x0  }
0x24: {  	s3 =	sadd.s32 $0x88, s3;
	s6 =	simm.s32 @!p1 $0x1082;
	[sflag:s4] =	ssyncset.s32 $0xFFFFF086  }
0x25: {  	[simem:s6], [sflag:s4] =	dma.local [hbm:s3], $0xF7A  }
0x26: {  	[smem:$0x3F9F] =	sst s1;
	(tag) =	ssettag s2;
	_ =	strace s9  }
0x27: {  	s1 =	sld [smem:$0x3FAF]  }
0x28: {  	s2 =	sld [smem:$0x3FB0]  }
0x29: {  	s4 =	sld [smem:$0x3FB2]  }
0x2a: {  	p0 =	seq.s32 s5, $0x0;
	s5 =	sld [smem:$0x3FB3]  }
0x2b: {  	s6 =	sld [smem:$0x3FB4]  }
0x2c: {  	s7 =	sld [smem:$0x3FB5]  }
0x2d: {  	s3 =	simm.s32 $0x108;
	s8 =	sld [smem:$0x3FB6]  }
0x2e: {  	s3 =	simm.s32 @!p0 $0x1082;
	s9 =	sld [smem:$0x3FB7]  }
0x2f: {  	lr =	sadd.s32 s0, s3;
	s0 =	sld [smem:$0x3FAE]  }
0x30: {  	s3 =	sld [smem:$0x3FB1]  }
0x31: {  	[smem:$0x3FBA] =	sst s10  }
0x32: {  	s10 =	sld [smem:$0x3FB8];
	_ =	sdelay $0x3  }
0x33: {  	p0 =	seq.s32 s10, $0x1;
	s10 =	sld [smem:$0x3FBA];
	_ =	sdelay $0x3  }
0x34: {  	[smem:$0x3FBA] =	sst s10  }
0x35: {  	s10 =	sld [smem:$0x3FB9];
	_ =	sdelay $0x3  }
0x36: {  	p1 =	seq.s32 s10, $0x1;
	s10 =	sld [smem:$0x3FBA];
	_ =	sdelay $0x3  }
0x37: {  	[smem:$0x3FBA] =	sst s10  }
0x38: {  	s10 =	sld [smem:$0x3FBB]  }
0x39: {  	_ = 	snop;
	(pc) =	sbr.ind lr, $3  }
0x3a: {  	_ = 	snop  }
0x3b: {  	_ = 	snop  }
0x3c: {  	p2 =	seq.s32 s10, $0x1;
	s10 =	sld [smem:$0x3FBA]  }
0x3d: {  	_ =	shalt  }
0x3e: {  	_ =	shalt  }
0x3f: {  	_ =	shalt  }
0x40: {  	_ =	shalt  }
0x41: {  	_ =	shalt  }
0x42: {  	_ =	shalt  }
0x43: {  	_ =	shalt  }
0x44: {  	_ =	shalt  }
0x45: {  	_ =	shalt  }
0x46: {  	_ =	shalt  }
0x47: {  	_ =	shalt  }
0x48: {  	_ =	shalt  }
0x49: {  	_ =	shalt  }
0x4a: {  	_ =	shalt  }
0x4b: {  	_ =	shalt  }
0x4c: {  	_ =	shalt  }
0x4d: {  	_ =	shalt  }
0x4e: {  	_ =	shalt  }
0x4f: {  	_ =	shalt  }
0x50: {  	_ =	shalt  }
0x51: {  	_ =	shalt  }
0x52: {  	_ =	shalt  }
0x53: {  	_ =	shalt  }
0x54: {  	_ =	shalt  }
0x55: {  	_ =	shalt  }
0x56: {  	_ =	shalt  }
0x57: {  	_ =	shalt  }
0x58: {  	_ =	shalt  }
0x59: {  	_ =	shalt  }
0x5a: {  	_ =	shalt  }
0x5b: {  	_ =	shalt  }
0x5c: {  	_ =	shalt  }
0x5d: {  	_ =	shalt  }
0x5e: {  	_ =	shalt  }
0x5f: {  	_ =	shalt  }
0x60: {  	_ =	shalt  }
0x61: {  	_ =	shalt  }
0x62: {  	_ =	shalt  }
0x63: {  	_ =	shalt  }
0x64: {  	_ =	shalt  }
0x65: {  	_ =	shalt  }
0x66: {  	_ =	shalt  }
0x67: {  	_ =	shalt  }
0x68: {  	_ =	shalt  }
0x69: {  	_ =	shalt  }
0x6a: {  	_ =	shalt  }
0x6b: {  	_ =	shalt  }
0x6c: {  	_ =	shalt  }
0x6d: {  	_ =	shalt  }
0x6e: {  	_ =	shalt  }
0x6f: {  	_ =	shalt  }
0x70: {  	_ =	shalt  }
0x71: {  	_ =	shalt  }
0x72: {  	_ =	shalt  }
0x73: {  	_ =	shalt  }
0x74: {  	_ =	shalt  }
0x75: {  	_ =	shalt  }
0x76: {  	_ =	shalt  }
0x77: {  	_ =	shalt  }
0x78: {  	_ =	shalt  }
0x79: {  	_ =	shalt  }
0x7a: {  	_ =	shalt  }
0x7b: {  	_ =	shalt  }
0x7c: {  	_ =	shalt  }
0x7d: {  	_ =	shalt  }
0x7e: {  	_ =	shalt  }
0x7f: {  	_ =	shalt  }
0x80: {  	_ =	shalt  }
0x81: {  	_ =	shalt  }
0x82: {  	_ =	shalt  }
0x83: {  	_ =	shalt  }
0x84: {  	_ =	shalt  }
0x85: {  	_ =	shalt  }
0x86: {  	_ =	shalt  }
0x87: {  	_ =	shalt  }
.Lfunc_end0:
.L_simem_size_0:
called_computation.1_lowered:
.L_overlay_start_0:
0x88: {  	s2 =	sld [smem:$0x3FD9]  }
0x89: {  	s3 =	sld [smem:$0x3FFE];
	_ =	sdelay $0x1  }
0x8a: {  	s1 =	srdreg.scid  }
0x8b: {  	s0 =	sand.u32 $0x1, s1  }
0x8c: {  	s17 =	sshll.u32 s0, $0xA;
	s2 =	sadd.s32 s3, s2  }
0x8d: {  	s2 =	sadd.s32 s2, s17  }
0x8e: {  	[smem:$0x3FC6] =	sst s2  }
0x8f: {  	_ = 	snop  }
0x90: {  	s2 =	sld [smem:$0x3FC9]  }
0x91: {  	s18 =	sld [smem:$0x3FD0];
	(tm) =	ssettm $0x1  }
0x92: {  	s4 =	sld [smem:$0x3FFB];
	_ =	sdelay $0x3  }
0x93: {  	_ =	strace s4  }
0x94: {  	s4 =	sld [smem:$0x3FFC];
	_ =	sdelay $0x3  }
0x95: {  	_ =	strace s4  }
0x96: {  	s4 =	sld [smem:$0x3FFD];
	_ =	sdelay $0x3  }
0x97: {  	_ =	strace s4  }
0x98: {  	_ =	strace $0x8FFFFFFF  }
0x99: {  	s19 =	sld [smem:$0x3FDB];
	_ =	sdelay $0x1  }
0x9a: {  	s5 =	simm.s32 $_scs_section_size  }
0x9b: {  	s6 =	simm.s32 $_size__tile_overlayer_lowered;
	s7 =	simm.s32 $_tile_overlayer_lowered  }
0x9c: {  	s22 =	simm.s32 $0x1BFF;
	s21 =	sshll.u32 s7, $0x1;
	s4 =	sadd.s32 s5, s19  }
0x9d: {  	s8 =	simm.s32 $0x0;
	s20 =	sshll.u32 s6, $0x1;
	s6 =	sadd.s32 s21, s4  }
0x9e: {  	[timem:s8], [sflag:s22] =	dma.local [hbm:s6], s20  }
0x9f: {  	_ =	swait.ge [sflag:s22], s20  }
0xa0: {  	s5 =	ssub.s32 $0x0, s20;
	[sflag:s22] =	ssyncset.done $0x0  }
0xa1: {  	[sflag:s22] =	ssyncadd.s32 s5;
	_ =	sdelay $0x1  }
0xa2: {  	s23 =	simm.s32 $0x1B8B  }
0xa3: {  	_ =	swait.ge [sflag:s23], $0x1  }
0xa4: {  	[sflag:s23] =	ssyncset.done $0x0  }
0xa5: {  	s25 =	simm.s32 $0x1B8E;
	s24 =	sld [smem:$0x3FFE];
	[sflag:s23] =	ssyncadd.s32 $0xFFFFFFFF  }
0xa6: {  	s26 =	simm.s32 $execute0_lowered;
	[smem:$0x3FD2] =	sst s25  }
0xa7: {  	s6 =	sshll.u32 s26, $0x1;
	_ =	strace $0x80000049;
	[dreg:$0x1] =	wrdreg $0xFFFFFFFF  }
0xa8: {  	s28 =	simm.s32 $_size_execute0_lowered;
	s4 =	sadd.s32 s4, s6;
	[dreg:$0x0] =	wrdreg $0x0  }
0xa9: {  	s6 =	sshll.u32 s28, $0x1;
	[dreg:$0x2] =	wrdreg s4  }
0xaa: {  	[dreg:$0x3] =	wrdreg s6  }
0xab: {  	[dreg:$0x4] =	wrdreg $0xC0  }
0xac: {  	_ =	task [dreg:s8], $0x5FFFF  }
0xad: {  	[dreg:$0x1] =	wrdreg $0xFFFFFFFF  }
0xae: {  	[dreg:$0x0] =	wrdreg $0x60  }
0xaf: {  	[dreg:$0x2] =	wrdreg s24  }
0xb0: {  	[dreg:$0x3] =	wrdreg s2  }
0xb1: {  	[dreg:$0x4] =	wrdreg s18  }
0xb2: {  	[dreg:$0x5] =	wrdreg $0x9  }
0xb3: {  	_ =	task.clear_ibuf [dreg:s8], $0x6FFFF;
	_ =	strace $0x90000049  }
0xb4: {  	s29 =	simm.s32 $0x9;
	_ =	strace $0x8000004B  }
0xb5: {  	_ =	swait.ge [sflag:s29], $0x1  }
0xb6: {  	[sflag:s29] =	ssyncadd.s32 $0xFFFFFFFF  }
0xb7: {  	_ =	strace $0x9000004B  }
0xb8: {  	_ =	sfence  }
0xb9: {  	s30 =	sld [smem:$0x0];
	_ =	sdelay $0x2  }
0xba: {  	s31 =	sshll.u32 s1, $0xD;
	s1 =	sshrl.u32 s1, $0x2  }
0xbb: {  	s3 =	sand.u32 $0x4000, s31;
	s1 =	sadd.s32 s1, s30  }
0xbc: {  	s0 =	sor.u32 s3, s0;
	s1 =	sshll.u32 s1, $0x11  }
0xbd: {  	s0 =	sor.u32 s1, s0  }
0xbe: {  	s0 =	sadd.s32 $0x8F2B, s0  }
0xbf: {  	[sflag:s0] =	ssyncadd.remote.s32 $0x1  }
0xc0: {  	_ =	sfence.sel $0xFFFF  }
0xc1: {  	[dreg:$0x0] =	wrdreg $0xFFFFFFFF;
	(pc) =	sbr.abs _section_cstart, $3  }
0xc2: {  	[dreg:$0x1] =	wrdreg $0xFFFFFFFF  }
0xc3: {  	_ =	task.clear_ibuf [dreg:s8], $0x2FFFF;
	_ =	strace $0x9FFFFFFF  }
0xc4: {  	(tm) =	ssettm $0x7FFFFFFF  }
0xc5: {  	_ =	shalt  }
tec
execute0_lowered:
.L_overlay_start_1:
0x0: {  	(tag) =	ssettag $0x1  }
0x1: {  	s0 =	rddreg [dreg:$0x0]  }
0x2: {  	s1 =	rddreg [dreg:$0x1];
	s3 =	srdreg.scid  }
0x3: {  	s5 =	stileid.u32;
	s2 =	rddreg [dreg:$0x2];
	s11 =	simm.s32 $0x800  }
0x4: {  	s13 =	simm.s32 $0x2;
	s15 =	simm.s32 $0x3;
	s19 =	simm.s32 $0xA800  }
0x5: {  	s20 =	simm.s32 $0xB000;
	s21 =	simm.s32 $0xB800;
	s22 =	simm.s32 $0xC000  }
0x6: {  	s23 =	simm.s32 $0xC800;
	s24 =	simm.s32 $0xD000;
	s28 =	simm.s32 $0xE800  }
0x7: {  	s29 =	simm.s32 $0xF000;
	s30 =	simm.s32 $0xF800;
	s31 =	simm.s32 $0x10000  }
0x8: {  	s9 =	simm.s32 $0x0;
	s4 =	sand.u32 $0x1, s3;
	s5 =	sshll.u32 s5, $0x1  }
0x9: {  	s3 =	simm.s32 $0x0;
	s5 =	sor.u32 s4, s5;
	s7 =	ssub.s32 $0x2, s4  }
0xa: {  	v0 =	vlaneseq.u32;
	[smem:$0x7FF] =	sst s3;
	s6 =	smul.u32 $0x3200, s5;
	s25 =	sshrl.u32 s7, $0x1  }
0xb: {  	v0 =	vmul.u32 $0x8, v0;
	s4 =	sadd.s32 $0x800, s0;
	_ =	strace $0x8000004A;
	s0 =	ssub.s32 s7, s25  }
0xc: {  	s25 =	simm.s32 $0xD800;
	s8 =	sadd.s32 s1, s6;
	s6 =	smul.u32 $0x32, s5  }
0xd: {  	v1 =	vor.u32 $0x1, v0;
	s0 =	smax.u32 s0, $0x1;
	[dreg:$0x4] =	wrdreg s8;
	s26 =	sadd.s32 $0x100, s8  }
0xe: {  	v2 =	vor.u32 $0x2, v0;
	v3 =	vor.u32 $0x3, v0;
	v4 =	vor.u32 $0x4, v0;
	s8 =	sadd.s32 $0x200, s1;
	[dreg:$0x6] =	wrdreg s0;
	s1 =	simm.s32 $0x10800  }
0xf: {  	v5 =	vor.u32 $0x5, v0;
	v6 =	vor.u32 $0x6, v0;
	v7 =	vor.u32 $0x7, v0;
	s0 =	simm.s32 $0x5;
	[dreg:$0x5] =	wrdreg s26;
	s26 =	simm.s32 $0xE000  }
.LBB2_1:
0x10: {  	[dreg:$0x7] =	wrdreg s9  }
0x11: {  	s5 =	rddreg [dreg:$0x4];
	s16 =	simm.s32 $0x1  }
0x12: {  	[tilespmem:s3], [sflag:$0x1] =	stream.linear.gather [hbm4b:s5+s3], $0x800, $0x38;
	[tilespmem:$0x11000] =	vst v63  }
0x13: {  	_ =	swait.ge [sflag:s16], $0x800  }
0x14: {  	[sflag:s16] =	ssyncset.done $0x0  }
0x15: {  	s17 =	simm.s32 $0x1000;
	[sflag:s16] =	ssyncadd.s32 $0xFFFFF800  }
0x16: {  	[tilespmem:s17], [sflag:$0x3] =	stream.indirect.gather [hbm4b:s4+s11], $0x8, s3, s11, $0xb8;
	[tilespmem:$0x11000] =	vst v63  }
0x17: {  	s9 =	simm.s32 $0x0;
	s18 =	rddreg [dreg:$0x5]  }
0x18: {  	[tilespmem:s11], [sflag:$0x2] =	stream.linear.gather [hbm4b:s18+s3], $0x800, $0x38;
	[tilespmem:$0x11000] =	vst v63  }
.LBB2_2:
0x19: {  	_ =	swait.ge [sflag:s13], $0x800  }
0x1a: {  	[sflag:s13] =	ssyncset.done $0x0  }
0x1b: {  	s5 =	simm.s32 $0x5000;
	p0 =	seq.s32 s9, $0x0;
	[sflag:s13] =	ssyncadd.s32 $0xFFFFF800  }
0x1c: {  	[tilespmem:s5], [sflag:$0x4] =	stream.indirect.gather [hbm4b:s4+s11], $0x8, s11, s11, $0xb8;
	[tilespmem:$0x11000] =	vst v63  }
0x1d: {  	s5 =	simm.s32 @!p0 $0x6  }
0x1e: {  	_ =	swait.ge @!p0 [sflag:s5], $0x800  }
0x1f: {  	[sflag:s5] =	ssyncset.done @!p0 $0x0  }
0x20: {  	[sflag:s5] =	ssyncadd.s32 @!p0 $0xFFFFF800  }
0x21: {  	_ =	swait.ge @!p0 [sflag:s5], $0x800  }
0x22: {  	[sflag:s5] =	ssyncset.done @!p0 $0x0  }
0x23: {  	[sflag:s5] =	ssyncadd.s32 @!p0 $0xFFFFF800  }
0x24: {  	_ =	swait.ge @!p0 [sflag:s5], $0x800  }
0x25: {  	[sflag:s5] =	ssyncset.done @!p0 $0x0  }
0x26: {  	[sflag:s5] =	ssyncadd.s32 @!p0 $0xFFFFF800  }
0x27: {  	_ =	swait.ge @!p0 [sflag:s5], $0x800  }
0x28: {  	[sflag:s5] =	ssyncset.done @!p0 $0x0  }
0x29: {  	[sflag:s5] =	ssyncadd.s32 @!p0 $0xFFFFF800  }
0x2a: {  	_ =	swait.ge @!p0 [sflag:s5], $0x800  }
0x2b: {  	[sflag:s5] =	ssyncset.done @!p0 $0x0  }
0x2c: {  	[sflag:s5] =	ssyncadd.s32 @!p0 $0xFFFFF800  }
0x2d: {  	_ =	swait.ge @!p0 [sflag:s5], $0x800  }
0x2e: {  	[sflag:s5] =	ssyncset.done @!p0 $0x0  }
0x2f: {  	[sflag:s5] =	ssyncadd.s32 @!p0 $0xFFFFF800  }
0x30: {  	_ =	swait.ge @!p0 [sflag:s5], $0x800  }
0x31: {  	[sflag:s5] =	ssyncset.done @!p0 $0x0  }
0x32: {  	[sflag:s5] =	ssyncadd.s32 @!p0 $0xFFFFF800  }
0x33: {  	_ =	swait.ge @!p0 [sflag:s5], $0x800  }
0x34: {  	[sflag:s5] =	ssyncset.done @!p0 $0x0  }
0x35: {  	s10 =	sshll.u32 s9, $0x1;
	[sflag:s5] =	ssyncadd.s32 @!p0 $0xFFFFF800;
	p0 =	seq.s32 s9, $0x18  }
0x36: {  	_ =	swait.ge [sflag:s15], $0x4000;
	s5 =	sadd.s32 @!p0 s6, s10;
	p1 =	seq.s32 @!p0 s9, $0x0  }
0x37: {  	s7 =	simm.s32 @!p0 $0x0;
	[sflag:s15] =	ssyncset.done $0x0;
	s5 =	sshll.u32 @!p0 s5, $0x8  }
0x38: {  	p1 =	por p0, !p1;
	[sflag:s15] =	ssyncadd.s32 $0xFFFFC000;
	s5 =	sadd.s32 @!p0 s5, s8  }
0x39: {  	[tilespmem:s7], [sflag:$0x1] =	stream.linear.gather @!p0 [hbm4b:s5+s7], $0x800, $0x38;
	[tilespmem:$0x11000] =	vst v63  }
0x3a: {  	_ =	swait.ge @p1 [sflag:s0], $0x800  }
0x3b: {  	[sflag:s0] =	ssyncset.done @p1 $0x0  }
0x3c: {  	[sflag:s0] =	ssyncadd.s32 @p1 $0xFFFFF800  }
0x3d: {  	_ =	swait.ge @p1 [sflag:s0], $0x800  }
0x3e: {  	[sflag:s0] =	ssyncset.done @p1 $0x0  }
0x3f: {  	[sflag:s0] =	ssyncadd.s32 @p1 $0xFFFFF800  }
0x40: {  	_ =	swait.ge @p1 [sflag:s0], $0x800  }
0x41: {  	[sflag:s0] =	ssyncset.done @p1 $0x0  }
0x42: {  	[sflag:s0] =	ssyncadd.s32 @p1 $0xFFFFF800  }
0x43: {  	_ =	swait.ge @p1 [sflag:s0], $0x800  }
0x44: {  	[sflag:s0] =	ssyncset.done @p1 $0x0  }
0x45: {  	[sflag:s0] =	ssyncadd.s32 @p1 $0xFFFFF800  }
0x46: {  	_ =	swait.ge @p1 [sflag:s0], $0x800  }
0x47: {  	[sflag:s0] =	ssyncset.done @p1 $0x0  }
0x48: {  	[sflag:s0] =	ssyncadd.s32 @p1 $0xFFFFF800  }
0x49: {  	_ =	swait.ge @p1 [sflag:s0], $0x800  }
0x4a: {  	[sflag:s0] =	ssyncset.done @p1 $0x0  }
0x4b: {  	[sflag:s0] =	ssyncadd.s32 @p1 $0xFFFFF800  }
0x4c: {  	_ =	swait.ge @p1 [sflag:s0], $0x800  }
0x4d: {  	[sflag:s0] =	ssyncset.done @p1 $0x0  }
0x4e: {  	[sflag:s0] =	ssyncadd.s32 @p1 $0xFFFFF800  }
0x4f: {  	_ =	swait.ge @p1 [sflag:s0], $0x800  }
0x50: {  	s12 =	simm.s32 $0x0;
	s14 =	simm.s32 $0x0;
	[sflag:s0] =	ssyncset.done @p1 $0x0  }
0x51: {  	s5 =	sshllo.u32 s9, $0x1;
	s7 =	simm.s32 $0x0;
	[sflag:s0] =	ssyncadd.s32 @p1 $0xFFFFF800  }
.LBB2_3:
0x52: {  	s16 =	sshra.s32 s14, $0x2  }
0x53: {  	v8 =	vld.idx.msk [tilespmem:v0+s16+$0x1000], $0xffff  }
0x54: {  	v9 =	vld.idx.msk [tilespmem:v1+s16+$0x1000], $0xffff  }
0x55: {  	v10 =	vld.idx.msk [tilespmem:v2+s16+$0x1000], $0xffff  }
0x56: {  	v11 =	vld.idx.msk [tilespmem:v3+s16+$0x1000], $0xffff  }
0x57: {  	v12 =	vld.idx.msk [tilespmem:v4+s16+$0x1000], $0xffff  }
0x58: {  	s17 =	sand.u32 $0x3800, s12;
	s18 =	sand.u32 $0x400, s7;
	v13 =	vld.idx.msk [tilespmem:v5+s16+$0x1000], $0xffff  }
0x59: {  	v14 =	vld.idx.msk [tilespmem:v6+s16+$0x1000], $0xffff;
	s17 =	sor.u32 s18, s17  }
0x5a: {  	v15 =	vld.idx.msk [tilespmem:v7+s16+$0x1000], $0xffff;
	[tilespmem:s17+$0x9000] =	vst v8  }
0x5b: {  	[tilespmem:s17+$0x9080] =	vst v9  }
0x5c: {  	[tilespmem:s17+$0x9100] =	vst v10  }
0x5d: {  	[tilespmem:s17+$0x9180] =	vst v11  }
0x5e: {  	[tilespmem:s17+$0x9200] =	vst v12  }
0x5f: {  	[tilespmem:s17+$0x9280] =	vst v13  }
0x60: {  	[tilespmem:s17+$0x9300] =	vst v14  }
0x61: {  	[tilespmem:s17+$0x9380] =	vst v15  }
0x62: {  	v8 =	vld.idx.msk [tilespmem:v0+s16+$0x1080], $0xffff  }
0x63: {  	v9 =	vld.idx.msk [tilespmem:v1+s16+$0x1080], $0xffff  }
0x64: {  	v10 =	vld.idx.msk [tilespmem:v2+s16+$0x1080], $0xffff  }
0x65: {  	v11 =	vld.idx.msk [tilespmem:v3+s16+$0x1080], $0xffff  }
0x66: {  	v12 =	vld.idx.msk [tilespmem:v4+s16+$0x1080], $0xffff  }
0x67: {  	v13 =	vld.idx.msk [tilespmem:v5+s16+$0x1080], $0xffff  }
0x68: {  	v14 =	vld.idx.msk [tilespmem:v6+s16+$0x1080], $0xffff  }
0x69: {  	v15 =	vld.idx.msk [tilespmem:v7+s16+$0x1080], $0xffff;
	[tilespmem:s17+$0x9010] =	vst v8  }
0x6a: {  	[tilespmem:s17+$0x9090] =	vst v9  }
0x6b: {  	[tilespmem:s17+$0x9110] =	vst v10  }
0x6c: {  	[tilespmem:s17+$0x9190] =	vst v11  }
0x6d: {  	[tilespmem:s17+$0x9210] =	vst v12  }
0x6e: {  	[tilespmem:s17+$0x9290] =	vst v13  }
0x6f: {  	[tilespmem:s17+$0x9310] =	vst v14  }
0x70: {  	[tilespmem:s17+$0x9390] =	vst v15  }
0x71: {  	v8 =	vld.idx.msk [tilespmem:v0+s16+$0x1100], $0xffff  }
0x72: {  	v9 =	vld.idx.msk [tilespmem:v1+s16+$0x1100], $0xffff  }
0x73: {  	v10 =	vld.idx.msk [tilespmem:v2+s16+$0x1100], $0xffff  }
0x74: {  	v11 =	vld.idx.msk [tilespmem:v3+s16+$0x1100], $0xffff  }
0x75: {  	v12 =	vld.idx.msk [tilespmem:v4+s16+$0x1100], $0xffff  }
0x76: {  	v13 =	vld.idx.msk [tilespmem:v5+s16+$0x1100], $0xffff  }
0x77: {  	v14 =	vld.idx.msk [tilespmem:v6+s16+$0x1100], $0xffff  }
0x78: {  	v15 =	vld.idx.msk [tilespmem:v7+s16+$0x1100], $0xffff;
	[tilespmem:s17+$0x9020] =	vst v8  }
0x79: {  	[tilespmem:s17+$0x90A0] =	vst v9  }
0x7a: {  	[tilespmem:s17+$0x9120] =	vst v10  }
0x7b: {  	[tilespmem:s17+$0x91A0] =	vst v11  }
0x7c: {  	[tilespmem:s17+$0x9220] =	vst v12  }
0x7d: {  	[tilespmem:s17+$0x92A0] =	vst v13  }
0x7e: {  	[tilespmem:s17+$0x9320] =	vst v14  }
0x7f: {  	[tilespmem:s17+$0x93A0] =	vst v15  }
0x80: {  	v8 =	vld.idx.msk [tilespmem:v0+s16+$0x1180], $0xffff  }
0x81: {  	v9 =	vld.idx.msk [tilespmem:v1+s16+$0x1180], $0xffff  }
0x82: {  	v10 =	vld.idx.msk [tilespmem:v2+s16+$0x1180], $0xffff  }
0x83: {  	v11 =	vld.idx.msk [tilespmem:v3+s16+$0x1180], $0xffff  }
0x84: {  	v12 =	vld.idx.msk [tilespmem:v4+s16+$0x1180], $0xffff  }
0x85: {  	v13 =	vld.idx.msk [tilespmem:v5+s16+$0x1180], $0xffff  }
0x86: {  	v14 =	vld.idx.msk [tilespmem:v6+s16+$0x1180], $0xffff  }
0x87: {  	v15 =	vld.idx.msk [tilespmem:v7+s16+$0x1180], $0xffff;
	[tilespmem:s17+$0x9030] =	vst v8  }
0x88: {  	[tilespmem:s17+$0x90B0] =	vst v9  }
0x89: {  	[tilespmem:s17+$0x9130] =	vst v10  }
0x8a: {  	[tilespmem:s17+$0x91B0] =	vst v11  }
0x8b: {  	[tilespmem:s17+$0x9230] =	vst v12  }
0x8c: {  	[tilespmem:s17+$0x92B0] =	vst v13  }
0x8d: {  	[tilespmem:s17+$0x9330] =	vst v14  }
0x8e: {  	[tilespmem:s17+$0x93B0] =	vst v15  }
0x8f: {  	v8 =	vld.idx.msk [tilespmem:v0+s16+$0x1200], $0xffff  }
0x90: {  	v9 =	vld.idx.msk [tilespmem:v1+s16+$0x1200], $0xffff  }
0x91: {  	v10 =	vld.idx.msk [tilespmem:v2+s16+$0x1200], $0xffff  }
0x92: {  	v11 =	vld.idx.msk [tilespmem:v3+s16+$0x1200], $0xffff  }
0x93: {  	v12 =	vld.idx.msk [tilespmem:v4+s16+$0x1200], $0xffff  }
0x94: {  	v13 =	vld.idx.msk [tilespmem:v5+s16+$0x1200], $0xffff  }
0x95: {  	v14 =	vld.idx.msk [tilespmem:v6+s16+$0x1200], $0xffff  }
0x96: {  	v15 =	vld.idx.msk [tilespmem:v7+s16+$0x1200], $0xffff;
	[tilespmem:s17+$0x9040] =	vst v8  }
0x97: {  	[tilespmem:s17+$0x90C0] =	vst v9  }
0x98: {  	[tilespmem:s17+$0x9140] =	vst v10  }
0x99: {  	[tilespmem:s17+$0x91C0] =	vst v11  }
0x9a: {  	[tilespmem:s17+$0x9240] =	vst v12  }
0x9b: {  	[tilespmem:s17+$0x92C0] =	vst v13  }
0x9c: {  	[tilespmem:s17+$0x9340] =	vst v14  }
0x9d: {  	[tilespmem:s17+$0x93C0] =	vst v15  }
0x9e: {  	v8 =	vld.idx.msk [tilespmem:v0+s16+$0x1280], $0xffff  }
0x9f: {  	v9 =	vld.idx.msk [tilespmem:v1+s16+$0x1280], $0xffff  }
0xa0: {  	v10 =	vld.idx.msk [tilespmem:v2+s16+$0x1280], $0xffff  }
0xa1: {  	v11 =	vld.idx.msk [tilespmem:v3+s16+$0x1280], $0xffff  }
0xa2: {  	v12 =	vld.idx.msk [tilespmem:v4+s16+$0x1280], $0xffff  }
0xa3: {  	v13 =	vld.idx.msk [tilespmem:v5+s16+$0x1280], $0xffff  }
0xa4: {  	v14 =	vld.idx.msk [tilespmem:v6+s16+$0x1280], $0xffff  }
0xa5: {  	v15 =	vld.idx.msk [tilespmem:v7+s16+$0x1280], $0xffff;
	[tilespmem:s17+$0x9050] =	vst v8  }
0xa6: {  	[tilespmem:s17+$0x90D0] =	vst v9  }
0xa7: {  	[tilespmem:s17+$0x9150] =	vst v10  }
0xa8: {  	[tilespmem:s17+$0x91D0] =	vst v11  }
0xa9: {  	[tilespmem:s17+$0x9250] =	vst v12  }
0xaa: {  	[tilespmem:s17+$0x92D0] =	vst v13  }
0xab: {  	[tilespmem:s17+$0x9350] =	vst v14  }
0xac: {  	[tilespmem:s17+$0x93D0] =	vst v15  }
0xad: {  	v8 =	vld.idx.msk [tilespmem:v0+s16+$0x1300], $0xffff  }
0xae: {  	v9 =	vld.idx.msk [tilespmem:v1+s16+$0x1300], $0xffff  }
0xaf: {  	v10 =	vld.idx.msk [tilespmem:v2+s16+$0x1300], $0xffff  }
0xb0: {  	v11 =	vld.idx.msk [tilespmem:v3+s16+$0x1300], $0xffff  }
0xb1: {  	v12 =	vld.idx.msk [tilespmem:v4+s16+$0x1300], $0xffff  }
0xb2: {  	v13 =	vld.idx.msk [tilespmem:v5+s16+$0x1300], $0xffff  }
0xb3: {  	v14 =	vld.idx.msk [tilespmem:v6+s16+$0x1300], $0xffff  }
0xb4: {  	v15 =	vld.idx.msk [tilespmem:v7+s16+$0x1300], $0xffff;
	[tilespmem:s17+$0x9060] =	vst v8  }
0xb5: {  	[tilespmem:s17+$0x90E0] =	vst v9  }
0xb6: {  	[tilespmem:s17+$0x9160] =	vst v10  }
0xb7: {  	[tilespmem:s17+$0x91E0] =	vst v11  }
0xb8: {  	[tilespmem:s17+$0x9260] =	vst v12  }
0xb9: {  	[tilespmem:s17+$0x92E0] =	vst v13  }
0xba: {  	[tilespmem:s17+$0x9360] =	vst v14  }
0xbb: {  	[tilespmem:s17+$0x93E0] =	vst v15  }
0xbc: {  	v8 =	vld.idx.msk [tilespmem:v0+s16+$0x1380], $0xffff  }
0xbd: {  	v9 =	vld.idx.msk [tilespmem:v1+s16+$0x1380], $0xffff  }
0xbe: {  	v10 =	vld.idx.msk [tilespmem:v2+s16+$0x1380], $0xffff  }
0xbf: {  	v11 =	vld.idx.msk [tilespmem:v3+s16+$0x1380], $0xffff  }
0xc0: {  	v12 =	vld.idx.msk [tilespmem:v4+s16+$0x1380], $0xffff  }
0xc1: {  	v13 =	vld.idx.msk [tilespmem:v5+s16+$0x1380], $0xffff  }
0xc2: {  	v14 =	vld.idx.msk [tilespmem:v6+s16+$0x1380], $0xffff  }
0xc3: {  	v15 =	vld.idx.msk [tilespmem:v7+s16+$0x1380], $0xffff;
	[tilespmem:s17+$0x9070] =	vst v8  }
0xc4: {  	[tilespmem:s17+$0x90F0] =	vst v9  }
0xc5: {  	p1 =	sne.s32 s14, $0xF000;
	[tilespmem:s17+$0x9170] =	vst v10  }
.Ltmp0:
0xc6: {  	[tilespmem:s17+$0x91F0] =	vst v11;
	(pc) =	sbr.rel @p1 .LBB2_3-.Ltmp0, $4  }
0xc7: {  	[tilespmem:s17+$0x9270] =	vst v12  }
0xc8: {  	[tilespmem:s17+$0x92F0] =	vst v13  }
0xc9: {  	[tilespmem:s17+$0x9370] =	vst v14  }
0xca: {  	s12 =	sadd.s32 $0x800, s12;
	s7 =	sadd.s32 $0x80, s7;
	s14 =	sadd.s32 $0x1000, s14;
	[tilespmem:s17+$0x93F0] =	vst v15  }
0xcb: {  	s7 =	sadd.s32 s6, s10  }
0xcc: {  	s10 =	sshrl.u32 s7, $0x6  }
0xcd: {  	s7 =	sshll.u32 s7, $0x1;
	s12 =	sshll.u32 s10, $0x7  }
0xce: {  	s17 =	sshll.u32 s10, $0x14;
	s10 =	sshll.u32 s10, $0xA;
	s7 =	ssub.s32 s7, s12  }
0xcf: {  	s14 =	sshll.u32 s7, $0xA;
	s7 =	sadd.s32 s10, s7  }
0xd0: {  	s12 =	sadd.s32 s17, s14;
	s7 =	sshll.u32 s7, $0x7  }
0xd1: {  	s12 =	sshrl.u32 s12, $0x3;
	s14 =	sadd.s32 $0x4000, s7  }
0xd2: {  	s18 =	simm.s32 $0x9000;
	s12 =	sadd.s32 s2, s12;
	s10 =	sand.u32 $0x1FFFFF00, s14  }
0xd3: {  	[hbm4b:s12+s3] =	stream.linear.scatter [tilespmem:s18], [sflag:$0x5], $0x800, $0x38;
	[tilespmem:$0x11000] =	vst v63  }
0xd4: {  	s16 =	simm.s32 $0x9800;
	s17 =	sadd.s32 $0x8000, s7;
	s10 =	sadd.s32 s2, s10  }
0xd5: {  	[hbm4b:s10+s3] =	stream.linear.scatter [tilespmem:s16], [sflag:$0x5], $0x800, $0x38;
	[tilespmem:$0x11000] =	vst v63  }
0xd6: {  	s10 =	sand.u32 $0x1FFFFF00, s17  }
0xd7: {  	s14 =	sadd.s32 $0xC000, s7;
	s18 =	simm.s32 $0xA000;
	s10 =	sadd.s32 s2, s10  }
0xd8: {  	[hbm4b:s10+s3] =	stream.linear.scatter [tilespmem:s18], [sflag:$0x5], $0x800, $0x38;
	[tilespmem:$0x11000] =	vst v63  }
0xd9: {  	s10 =	sand.u32 $0x1FFFFF00, s14  }
0xda: {  	s16 =	sadd.s32 $0x10000, s7;
	s10 =	sadd.s32 s2, s10  }
0xdb: {  	[hbm4b:s10+s3] =	stream.linear.scatter [tilespmem:s19], [sflag:$0x5], $0x800, $0x38;
	[tilespmem:$0x11000] =	vst v63  }
0xdc: {  	s10 =	sand.u32 $0x1FFFFF00, s16  }
0xdd: {  	s17 =	sadd.s32 $0x14000, s7;
	s10 =	sadd.s32 s2, s10  }
0xde: {  	[hbm4b:s10+s3] =	stream.linear.scatter [tilespmem:s20], [sflag:$0x5], $0x800, $0x38;
	[tilespmem:$0x11000] =	vst v63  }
0xdf: {  	s10 =	sand.u32 $0x1FFFFF00, s17  }
0xe0: {  	s18 =	sadd.s32 $0x18000, s7;
	s10 =	sadd.s32 s2, s10  }
0xe1: {  	[hbm4b:s10+s3] =	stream.linear.scatter [tilespmem:s21], [sflag:$0x5], $0x800, $0x38;
	[tilespmem:$0x11000] =	vst v63  }
0xe2: {  	s7 =	sadd.s32 $0x1C000, s7;
	s10 =	sand.u32 $0x1FFFFF00, s18  }
0xe3: {  	s7 =	sand.u32 $0x1FFFFF00, s7;
	s10 =	sadd.s32 s2, s10  }
0xe4: {  	[hbm4b:s10+s3] =	stream.linear.scatter [tilespmem:s22], [sflag:$0x5], $0x800, $0x38;
	[tilespmem:$0x11000] =	vst v63  }
0xe5: {  	s7 =	sadd.s32 s2, s7  }
0xe6: {  	[hbm4b:s7+s3] =	stream.linear.scatter [tilespmem:s23], [sflag:$0x5], $0x800, $0x38;
	[tilespmem:$0x11000] =	vst v63  }
0xe7: {  	s7 =	simm.s32 @p0 $0x4  }
0xe8: {  	_ =	swait.ge @p0 [sflag:s7], $0x4000  }
0xe9: {  	[sflag:s7] =	ssyncset.done @p0 $0x0  }
0xea: {  	[sflag:s7] =	ssyncadd.s32 @p0 $0xFFFFC000;
	s7 =	simm.s32 @!p0 $0x1  }
0xeb: {  	_ =	swait.ge @!p0 [sflag:s7], $0x800  }
0xec: {  	s12 =	simm.s32 @!p0 $0x1000;
	[sflag:s7] =	ssyncset.done @!p0 $0x0  }
0xed: {  	s10 =	simm.s32 @!p0 $0x0;
	[sflag:s7] =	ssyncadd.s32 @!p0 $0xFFFFF800;
	s7 =	simm.s32 @!p0 $0x800  }
0xee: {  	[tilespmem:s12], [sflag:$0x3] =	stream.indirect.gather @!p0 [hbm4b:s4+s7], $0x8, s10, s7, $0xb8;
	[tilespmem:$0x11000] =	vst v63  }
0xef: {  	s12 =	simm.s32 @!p0 $0x4  }
0xf0: {  	s14 =	sadd.s32 @!p0 s6, s5;
	_ =	swait.ge @!p0 [sflag:s12], $0x4000  }
0xf1: {  	s14 =	sshll.u32 @!p0 s14, $0x8;
	[sflag:s12] =	ssyncset.done @!p0 $0x0  }
0xf2: {  	[sflag:s12] =	ssyncadd.s32 @!p0 $0xFFFFC000;
	s12 =	sadd.s32 @!p0 s14, s8  }
0xf3: {  	[tilespmem:s7], [sflag:$0x2] =	stream.linear.gather @!p0 [hbm4b:s12+s10], $0x800, $0x38;
	[tilespmem:$0x11000] =	vst v63  }
0xf4: {  	s7 =	simm.s32 $0x0;
	s10 =	simm.s32 $0x0;
	s12 =	simm.s32 $0x0  }
.LBB2_5:
0xf5: {  	s14 =	sshra.s32 s12, $0x2  }
0xf6: {  	v8 =	vld.idx.msk [tilespmem:v0+s14+$0x5000], $0xffff  }
0xf7: {  	v9 =	vld.idx.msk [tilespmem:v1+s14+$0x5000], $0xffff  }
0xf8: {  	v10 =	vld.idx.msk [tilespmem:v2+s14+$0x5000], $0xffff  }
0xf9: {  	v11 =	vld.idx.msk [tilespmem:v3+s14+$0x5000], $0xffff  }
0xfa: {  	v12 =	vld.idx.msk [tilespmem:v4+s14+$0x5000], $0xffff  }
0xfb: {  	s16 =	sand.u32 $0x3800, s10;
	s17 =	sand.u32 $0x400, s7;
	v13 =	vld.idx.msk [tilespmem:v5+s14+$0x5000], $0xffff  }
0xfc: {  	v14 =	vld.idx.msk [tilespmem:v6+s14+$0x5000], $0xffff;
	s16 =	sor.u32 s17, s16  }
0xfd: {  	v15 =	vld.idx.msk [tilespmem:v7+s14+$0x5000], $0xffff;
	[tilespmem:s16+$0xD000] =	vst v8  }
0xfe: {  	[tilespmem:s16+$0xD080] =	vst v9  }
0xff: {  	[tilespmem:s16+$0xD100] =	vst v10  }
0x100: {  	[tilespmem:s16+$0xD180] =	vst v11  }
0x101: {  	[tilespmem:s16+$0xD200] =	vst v12  }
0x102: {  	[tilespmem:s16+$0xD280] =	vst v13  }
0x103: {  	[tilespmem:s16+$0xD300] =	vst v14  }
0x104: {  	[tilespmem:s16+$0xD380] =	vst v15  }
0x105: {  	v8 =	vld.idx.msk [tilespmem:v0+s14+$0x5080], $0xffff  }
0x106: {  	v9 =	vld.idx.msk [tilespmem:v1+s14+$0x5080], $0xffff  }
0x107: {  	v10 =	vld.idx.msk [tilespmem:v2+s14+$0x5080], $0xffff  }
0x108: {  	v11 =	vld.idx.msk [tilespmem:v3+s14+$0x5080], $0xffff  }
0x109: {  	v12 =	vld.idx.msk [tilespmem:v4+s14+$0x5080], $0xffff  }
0x10a: {  	v13 =	vld.idx.msk [tilespmem:v5+s14+$0x5080], $0xffff  }
0x10b: {  	v14 =	vld.idx.msk [tilespmem:v6+s14+$0x5080], $0xffff  }
0x10c: {  	v15 =	vld.idx.msk [tilespmem:v7+s14+$0x5080], $0xffff;
	[tilespmem:s16+$0xD010] =	vst v8  }
0x10d: {  	[tilespmem:s16+$0xD090] =	vst v9  }
0x10e: {  	[tilespmem:s16+$0xD110] =	vst v10  }
0x10f: {  	[tilespmem:s16+$0xD190] =	vst v11  }
0x110: {  	[tilespmem:s16+$0xD210] =	vst v12  }
0x111: {  	[tilespmem:s16+$0xD290] =	vst v13  }
0x112: {  	[tilespmem:s16+$0xD310] =	vst v14  }
0x113: {  	[tilespmem:s16+$0xD390] =	vst v15  }
0x114: {  	v8 =	vld.idx.msk [tilespmem:v0+s14+$0x5100], $0xffff  }
0x115: {  	v9 =	vld.idx.msk [tilespmem:v1+s14+$0x5100], $0xffff  }
0x116: {  	v10 =	vld.idx.msk [tilespmem:v2+s14+$0x5100], $0xffff  }
0x117: {  	v11 =	vld.idx.msk [tilespmem:v3+s14+$0x5100], $0xffff  }
0x118: {  	v12 =	vld.idx.msk [tilespmem:v4+s14+$0x5100], $0xffff  }
0x119: {  	v13 =	vld.idx.msk [tilespmem:v5+s14+$0x5100], $0xffff  }
0x11a: {  	v14 =	vld.idx.msk [tilespmem:v6+s14+$0x5100], $0xffff  }
0x11b: {  	v15 =	vld.idx.msk [tilespmem:v7+s14+$0x5100], $0xffff;
	[tilespmem:s16+$0xD020] =	vst v8  }
0x11c: {  	[tilespmem:s16+$0xD0A0] =	vst v9  }
0x11d: {  	[tilespmem:s16+$0xD120] =	vst v10  }
0x11e: {  	[tilespmem:s16+$0xD1A0] =	vst v11  }
0x11f: {  	[tilespmem:s16+$0xD220] =	vst v12  }
0x120: {  	[tilespmem:s16+$0xD2A0] =	vst v13  }
0x121: {  	[tilespmem:s16+$0xD320] =	vst v14  }
0x122: {  	[tilespmem:s16+$0xD3A0] =	vst v15  }
0x123: {  	v8 =	vld.idx.msk [tilespmem:v0+s14+$0x5180], $0xffff  }
0x124: {  	v9 =	vld.idx.msk [tilespmem:v1+s14+$0x5180], $0xffff  }
0x125: {  	v10 =	vld.idx.msk [tilespmem:v2+s14+$0x5180], $0xffff  }
0x126: {  	v11 =	vld.idx.msk [tilespmem:v3+s14+$0x5180], $0xffff  }
0x127: {  	v12 =	vld.idx.msk [tilespmem:v4+s14+$0x5180], $0xffff  }
0x128: {  	v13 =	vld.idx.msk [tilespmem:v5+s14+$0x5180], $0xffff  }
0x129: {  	v14 =	vld.idx.msk [tilespmem:v6+s14+$0x5180], $0xffff  }
0x12a: {  	v15 =	vld.idx.msk [tilespmem:v7+s14+$0x5180], $0xffff;
	[tilespmem:s16+$0xD030] =	vst v8  }
0x12b: {  	[tilespmem:s16+$0xD0B0] =	vst v9  }
0x12c: {  	[tilespmem:s16+$0xD130] =	vst v10  }
0x12d: {  	[tilespmem:s16+$0xD1B0] =	vst v11  }
0x12e: {  	[tilespmem:s16+$0xD230] =	vst v12  }
0x12f: {  	[tilespmem:s16+$0xD2B0] =	vst v13  }
0x130: {  	[tilespmem:s16+$0xD330] =	vst v14  }
0x131: {  	[tilespmem:s16+$0xD3B0] =	vst v15  }
0x132: {  	v8 =	vld.idx.msk [tilespmem:v0+s14+$0x5200], $0xffff  }
0x133: {  	v9 =	vld.idx.msk [tilespmem:v1+s14+$0x5200], $0xffff  }
0x134: {  	v10 =	vld.idx.msk [tilespmem:v2+s14+$0x5200], $0xffff  }
0x135: {  	v11 =	vld.idx.msk [tilespmem:v3+s14+$0x5200], $0xffff  }
0x136: {  	v12 =	vld.idx.msk [tilespmem:v4+s14+$0x5200], $0xffff  }
0x137: {  	v13 =	vld.idx.msk [tilespmem:v5+s14+$0x5200], $0xffff  }
0x138: {  	v14 =	vld.idx.msk [tilespmem:v6+s14+$0x5200], $0xffff  }
0x139: {  	v15 =	vld.idx.msk [tilespmem:v7+s14+$0x5200], $0xffff;
	[tilespmem:s16+$0xD040] =	vst v8  }
0x13a: {  	[tilespmem:s16+$0xD0C0] =	vst v9  }
0x13b: {  	[tilespmem:s16+$0xD140] =	vst v10  }
0x13c: {  	[tilespmem:s16+$0xD1C0] =	vst v11  }
0x13d: {  	[tilespmem:s16+$0xD240] =	vst v12  }
0x13e: {  	[tilespmem:s16+$0xD2C0] =	vst v13  }
0x13f: {  	[tilespmem:s16+$0xD340] =	vst v14  }
0x140: {  	[tilespmem:s16+$0xD3C0] =	vst v15  }
0x141: {  	v8 =	vld.idx.msk [tilespmem:v0+s14+$0x5280], $0xffff  }
0x142: {  	v9 =	vld.idx.msk [tilespmem:v1+s14+$0x5280], $0xffff  }
0x143: {  	v10 =	vld.idx.msk [tilespmem:v2+s14+$0x5280], $0xffff  }
0x144: {  	v11 =	vld.idx.msk [tilespmem:v3+s14+$0x5280], $0xffff  }
0x145: {  	v12 =	vld.idx.msk [tilespmem:v4+s14+$0x5280], $0xffff  }
0x146: {  	v13 =	vld.idx.msk [tilespmem:v5+s14+$0x5280], $0xffff  }
0x147: {  	v14 =	vld.idx.msk [tilespmem:v6+s14+$0x5280], $0xffff  }
0x148: {  	v15 =	vld.idx.msk [tilespmem:v7+s14+$0x5280], $0xffff;
	[tilespmem:s16+$0xD050] =	vst v8  }
0x149: {  	[tilespmem:s16+$0xD0D0] =	vst v9  }
0x14a: {  	[tilespmem:s16+$0xD150] =	vst v10  }
0x14b: {  	[tilespmem:s16+$0xD1D0] =	vst v11  }
0x14c: {  	[tilespmem:s16+$0xD250] =	vst v12  }
0x14d: {  	[tilespmem:s16+$0xD2D0] =	vst v13  }
0x14e: {  	[tilespmem:s16+$0xD350] =	vst v14  }
0x14f: {  	[tilespmem:s16+$0xD3D0] =	vst v15  }
0x150: {  	v8 =	vld.idx.msk [tilespmem:v0+s14+$0x5300], $0xffff  }
0x151: {  	v9 =	vld.idx.msk [tilespmem:v1+s14+$0x5300], $0xffff  }
0x152: {  	v10 =	vld.idx.msk [tilespmem:v2+s14+$0x5300], $0xffff  }
0x153: {  	v11 =	vld.idx.msk [tilespmem:v3+s14+$0x5300], $0xffff  }
0x154: {  	v12 =	vld.idx.msk [tilespmem:v4+s14+$0x5300], $0xffff  }
0x155: {  	v13 =	vld.idx.msk [tilespmem:v5+s14+$0x5300], $0xffff  }
0x156: {  	v14 =	vld.idx.msk [tilespmem:v6+s14+$0x5300], $0xffff  }
0x157: {  	v15 =	vld.idx.msk [tilespmem:v7+s14+$0x5300], $0xffff;
	[tilespmem:s16+$0xD060] =	vst v8  }
0x158: {  	[tilespmem:s16+$0xD0E0] =	vst v9  }
0x159: {  	[tilespmem:s16+$0xD160] =	vst v10  }
0x15a: {  	[tilespmem:s16+$0xD1E0] =	vst v11  }
0x15b: {  	[tilespmem:s16+$0xD260] =	vst v12  }
0x15c: {  	[tilespmem:s16+$0xD2E0] =	vst v13  }
0x15d: {  	[tilespmem:s16+$0xD360] =	vst v14  }
0x15e: {  	[tilespmem:s16+$0xD3E0] =	vst v15  }
0x15f: {  	v8 =	vld.idx.msk [tilespmem:v0+s14+$0x5380], $0xffff  }
0x160: {  	v9 =	vld.idx.msk [tilespmem:v1+s14+$0x5380], $0xffff  }
0x161: {  	v10 =	vld.idx.msk [tilespmem:v2+s14+$0x5380], $0xffff  }
0x162: {  	v11 =	vld.idx.msk [tilespmem:v3+s14+$0x5380], $0xffff  }
0x163: {  	v12 =	vld.idx.msk [tilespmem:v4+s14+$0x5380], $0xffff  }
0x164: {  	v13 =	vld.idx.msk [tilespmem:v5+s14+$0x5380], $0xffff  }
0x165: {  	v14 =	vld.idx.msk [tilespmem:v6+s14+$0x5380], $0xffff  }
0x166: {  	v15 =	vld.idx.msk [tilespmem:v7+s14+$0x5380], $0xffff;
	[tilespmem:s16+$0xD070] =	vst v8  }
0x167: {  	[tilespmem:s16+$0xD0F0] =	vst v9  }
0x168: {  	p0 =	sne.s32 s12, $0xF000;
	[tilespmem:s16+$0xD170] =	vst v10  }
.Ltmp1:
0x169: {  	[tilespmem:s16+$0xD1F0] =	vst v11;
	(pc) =	sbr.rel @p0 .LBB2_5-.Ltmp1, $4  }
0x16a: {  	[tilespmem:s16+$0xD270] =	vst v12  }
0x16b: {  	[tilespmem:s16+$0xD2F0] =	vst v13  }
0x16c: {  	[tilespmem:s16+$0xD370] =	vst v14  }
0x16d: {  	s10 =	sadd.s32 $0x800, s10;
	s7 =	sadd.s32 $0x80, s7;
	s12 =	sadd.s32 $0x1000, s12;
	[tilespmem:s16+$0xD3F0] =	vst v15  }
0x16e: {  	s5 =	sadd.s32 s6, s5  }
0x16f: {  	s7 =	sshrl.u32 s5, $0x6  }
0x170: {  	s5 =	sshll.u32 s5, $0x1;
	s10 =	sshll.u32 s7, $0x7  }
0x171: {  	s5 =	ssub.s32 s5, s10  }
0x172: {  	s18 =	sshll.u32 s7, $0x14;
	s12 =	sshll.u32 s5, $0xA  }
0x173: {  	s7 =	sshll.u32 s7, $0xA;
	s10 =	sadd.s32 s18, s12  }
0x174: {  	s5 =	sadd.s32 s7, s5;
	s10 =	sshrl.u32 s10, $0x3  }
0x175: {  	s5 =	sshll.u32 s5, $0x7;
	s10 =	sadd.s32 s2, s10  }
0x176: {  	[hbm4b:s10+s3] =	stream.linear.scatter [tilespmem:s24], [sflag:$0x6], $0x800, $0x38;
	[tilespmem:$0x11000] =	vst v63  }
0x177: {  	s10 =	sadd.s32 $0x4000, s5  }
0x178: {  	s7 =	sand.u32 $0x1FFFFF00, s10  }
0x179: {  	s12 =	sadd.s32 $0x8000, s5;
	s7 =	sadd.s32 s2, s7  }
0x17a: {  	[hbm4b:s7+s3] =	stream.linear.scatter [tilespmem:s25], [sflag:$0x6], $0x800, $0x38;
	[tilespmem:$0x11000] =	vst v63  }
0x17b: {  	s7 =	sand.u32 $0x1FFFFF00, s12  }
0x17c: {  	s14 =	sadd.s32 $0xC000, s5;
	s7 =	sadd.s32 s2, s7  }
0x17d: {  	[hbm4b:s7+s3] =	stream.linear.scatter [tilespmem:s26], [sflag:$0x6], $0x800, $0x38;
	[tilespmem:$0x11000] =	vst v63  }
0x17e: {  	s7 =	sand.u32 $0x1FFFFF00, s14  }
0x17f: {  	s16 =	sadd.s32 $0x10000, s5;
	s7 =	sadd.s32 s2, s7  }
0x180: {  	[hbm4b:s7+s3] =	stream.linear.scatter [tilespmem:s28], [sflag:$0x6], $0x800, $0x38;
	[tilespmem:$0x11000] =	vst v63  }
0x181: {  	s7 =	sand.u32 $0x1FFFFF00, s16  }
0x182: {  	s17 =	sadd.s32 $0x14000, s5;
	s7 =	sadd.s32 s2, s7  }
0x183: {  	[hbm4b:s7+s3] =	stream.linear.scatter [tilespmem:s29], [sflag:$0x6], $0x800, $0x38;
	[tilespmem:$0x11000] =	vst v63  }
0x184: {  	s9 =	sadd.s32 $0x1, s9;
	s7 =	sand.u32 $0x1FFFFF00, s17  }
0x185: {  	p0 =	sne.s32 s9, $0x19;
	s18 =	sadd.s32 $0x18000, s5;
	s7 =	sadd.s32 s2, s7  }
0x186: {  	[hbm4b:s7+s3] =	stream.linear.scatter [tilespmem:s30], [sflag:$0x6], $0x800, $0x38;
	[tilespmem:$0x11000] =	vst v63  }
.Ltmp2:
0x187: {  	s5 =	sadd.s32 $0x1C000, s5;
	s7 =	sand.u32 $0x1FFFFF00, s18;
	(pc) =	sbr.rel @p0 .LBB2_2-.Ltmp2, $4  }
0x188: {  	s5 =	sand.u32 $0x1FFFFF00, s5;
	s7 =	sadd.s32 s2, s7  }
0x189: {  	[hbm4b:s7+s3] =	stream.linear.scatter [tilespmem:s31], [sflag:$0x6], $0x800, $0x38;
	[tilespmem:$0x11000] =	vst v63  }
0x18a: {  	s5 =	sadd.s32 s2, s5  }
0x18b: {  	[hbm4b:s5+s3] =	stream.linear.scatter [tilespmem:s1], [sflag:$0x6], $0x800, $0x38;
	[tilespmem:$0x11000] =	vst v63  }
0x18c: {  	_ =	swait.ge [sflag:s0], $0x800  }
0x18d: {  	[sflag:s0] =	ssyncset.done $0x0  }
0x18e: {  	[sflag:s0] =	ssyncadd.s32 $0xFFFFF800  }
0x18f: {  	_ =	swait.ge [sflag:s0], $0x800  }
0x190: {  	[sflag:s0] =	ssyncset.done $0x0  }
0x191: {  	[sflag:s0] =	ssyncadd.s32 $0xFFFFF800  }
0x192: {  	_ =	swait.ge [sflag:s0], $0x800  }
0x193: {  	[sflag:s0] =	ssyncset.done $0x0  }
0x194: {  	[sflag:s0] =	ssyncadd.s32 $0xFFFFF800  }
0x195: {  	_ =	swait.ge [sflag:s0], $0x800  }
0x196: {  	[sflag:s0] =	ssyncset.done $0x0  }
0x197: {  	[sflag:s0] =	ssyncadd.s32 $0xFFFFF800  }
0x198: {  	_ =	swait.ge [sflag:s0], $0x800  }
0x199: {  	[sflag:s0] =	ssyncset.done $0x0  }
0x19a: {  	[sflag:s0] =	ssyncadd.s32 $0xFFFFF800  }
0x19b: {  	_ =	swait.ge [sflag:s0], $0x800  }
0x19c: {  	[sflag:s0] =	ssyncset.done $0x0  }
0x19d: {  	[sflag:s0] =	ssyncadd.s32 $0xFFFFF800  }
0x19e: {  	_ =	swait.ge [sflag:s0], $0x800  }
0x19f: {  	[sflag:s0] =	ssyncset.done $0x0  }
0x1a0: {  	[sflag:s0] =	ssyncadd.s32 $0xFFFFF800  }
0x1a1: {  	_ =	swait.ge [sflag:s0], $0x800  }
0x1a2: {  	[sflag:s0] =	ssyncset.done $0x0  }
0x1a3: {  	s7 =	simm.s32 $0x6;
	[sflag:s0] =	ssyncadd.s32 $0xFFFFF800  }
0x1a4: {  	_ =	swait.ge [sflag:s7], $0x800  }
0x1a5: {  	[sflag:s7] =	ssyncset.done $0x0  }
0x1a6: {  	[sflag:s7] =	ssyncadd.s32 $0xFFFFF800  }
0x1a7: {  	_ =	swait.ge [sflag:s7], $0x800  }
0x1a8: {  	[sflag:s7] =	ssyncset.done $0x0  }
0x1a9: {  	[sflag:s7] =	ssyncadd.s32 $0xFFFFF800  }
0x1aa: {  	_ =	swait.ge [sflag:s7], $0x800  }
0x1ab: {  	[sflag:s7] =	ssyncset.done $0x0  }
0x1ac: {  	[sflag:s7] =	ssyncadd.s32 $0xFFFFF800  }
0x1ad: {  	_ =	swait.ge [sflag:s7], $0x800  }
0x1ae: {  	[sflag:s7] =	ssyncset.done $0x0  }
0x1af: {  	[sflag:s7] =	ssyncadd.s32 $0xFFFFF800  }
0x1b0: {  	_ =	swait.ge [sflag:s7], $0x800  }
0x1b1: {  	[sflag:s7] =	ssyncset.done $0x0  }
0x1b2: {  	[sflag:s7] =	ssyncadd.s32 $0xFFFFF800  }
0x1b3: {  	_ =	swait.ge [sflag:s7], $0x800  }
0x1b4: {  	[sflag:s7] =	ssyncset.done $0x0  }
0x1b5: {  	[sflag:s7] =	ssyncadd.s32 $0xFFFFF800  }
0x1b6: {  	_ =	swait.ge [sflag:s7], $0x800  }
0x1b7: {  	[sflag:s7] =	ssyncset.done $0x0  }
0x1b8: {  	[sflag:s7] =	ssyncadd.s32 $0xFFFFF800  }
0x1b9: {  	_ =	swait.ge [sflag:s7], $0x800  }
0x1ba: {  	s9 =	rddreg [dreg:$0x7]  }
0x1bb: {  	s5 =	rddreg [dreg:$0x6];
	s9 =	sadd.s32 $0x1, s9  }
0x1bc: {  	p0 =	sne.s32 s9, s5  }
.Ltmp3:
0x1bd: {  	_ = 	snop;
	(pc) =	sbr.rel @p0 .LBB2_1-.Ltmp3, $3  }
0x1be: {  	_ =	sdelay $0x1  }
0x1bf: {  	[sflag:s7] =	ssyncset.done $0x0  }
0x1c0: {  	[sflag:s7] =	ssyncadd.s32 $0xFFFFF800  }
0x1c1: {  	_ =	sfence.sel $0x180000  }
0x1c2: {  	[bflag:$0x0] =	sbarrier.arrive $0xFFFF  }
0x1c3: {  	_ =	strace $0x9000004A  }
0x1c4: {  	s0 =	stileid.u32;
	[bflag:$0x2] =	sbarrier.arrive $0xFFFF  }
0x1c5: {  	p0 =	sne.s32 s0, $0x0;
	s0 =	rddreg [dreg:$0x3]  }
0x1c6: {  	s0 =	sadd.s32 @!p0 $0x100000, s0  }
0x1c7: {  	[sflag:s0] =	ssyncadd.tile.s32 @!p0 $0x1;
	_ =	shalt  }
.Lfunc_end2:
_tile_overlayer_lowered:
.L_overlay_start_2:
0x1c8: {  	(tag) =	ssettag $0x2  }
0x1c9: {  	s0 =	rddreg [dreg:$0x0];
	s2 =	stileid.u32  }
0x1ca: {  	s1 =	rddreg [dreg:$0x1];
	p0 =	sne.s32 s2, $0x0  }
0x1cb: {  	s3 =	rddreg [dreg:$0x2];
	[bflag:$0x3] =	sbarrier.arrive $0xFFFF;
	s2 =	simm.s32 @!p0 $0x1C07  }
0x1cc: {  	[timem:s3], [sflag:s2] =	dma.local @!p0 [hbm:s0], s1  }
0x1cd: {  	s0 =	simm.s32 @!p0 $0x7  }
0x1ce: {  	_ =	swait.ge @!p0 [sflag:s0], s1  }
0x1cf: {  	s1 =	ssub.s32 @!p0 $0x0, s1;
	[sflag:s0] =	ssyncset.done @!p0 $0x0  }
0x1d0: {  	[sflag:s0] =	ssyncadd.s32 @!p0 s1  }
0x1d1: {  	[bflag:$0x3] =	sbarrier.arrive $0xFFFF  }
0x1d2: {  	_ =	shalt  }

</sc_bundles>
